<compile_context>
chip_gen: v7x
topology: tpu7x:2x2x1
jax: 0.10.2.dev20260603
libtpu: 0.0.44.dev20260713+nightly
codegen_flags: <defaults>
</compile_context>

<pallas_src>
import functools

import jax
import jax.numpy as jnp
from jax import lax
from jax.experimental import pallas as pl
from jax.experimental.pallas import tpu as pltpu
from jax.experimental.pallas import tpu_sc as plsc

N = 10000
E = 320000
C = 128
NC = 2
NS = 16
NW = NC * NS
EPT = E // NW
CH = 80
NCHUNK = EPT // CH
NB = 3
RB = 1000

_f32 = jnp.float32
_i32 = jnp.int32


EB = E // (N // RB)


def _proj_body(x_ref, w_ref, a_ref, e_ref, h_ref, sd_ref, ep_ref):
    h = jnp.dot(x_ref[...], w_ref[...], preferred_element_type=_f32)
    h_ref[...] = h
    sd_ref[...] = jnp.dot(h, a_ref[...], preferred_element_type=_f32)
    ep_ref[...] = e_ref[0] | (e_ref[1] << 14)


def _project(x, W, A, e3):
    return pl.pallas_call(
        _proj_body,
        grid=(N // RB,),
        in_specs=[
            pl.BlockSpec((RB, C), lambda i: (i, 0)),
            pl.BlockSpec((C, C), lambda i: (0, 0)),
            pl.BlockSpec((C, 2), lambda i: (0, 0)),
            pl.BlockSpec((2, 1, 1, EB), lambda i: (0, i, 0, 0)),
        ],
        out_specs=[
            pl.BlockSpec((RB, C), lambda i: (i, 0)),
            pl.BlockSpec((RB, 2), lambda i: (i, 0)),
            pl.BlockSpec((1, 1, EB), lambda i: (i, 0, 0)),
        ],
        out_shape=[
            jax.ShapeDtypeStruct((N, C), _f32),
            jax.ShapeDtypeStruct((N, 2), _f32),
            jax.ShapeDtypeStruct((N // RB, 1, EB), _i32),
        ],
    )(x, W, A, e3)


def _edge_body(h_hbm, as_hbm, ad_hbm, ep_hbm,
               num_hbm, den_hbm,
               ep_all, srcc0, dstc0, rows0, wv0, asg0, adg0,
               srcc1, dstc1, rows1, wv1, asg1, adg1,
               srcc2, dstc2, rows2, wv2, asg2, adg2,
               zbuf, num_s, den_s,
               gs0, gs1, gs2, ss0, ss1, ss2):
    cid = lax.axis_index("c")
    sid = lax.axis_index("s")
    wid = sid * NC + cid

    srcc = (srcc0, srcc1, srcc2)
    dstc = (dstc0, dstc1, dstc2)
    rows = (rows0, rows1, rows2)
    wv = (wv0, wv1, wv2)
    asg = (asg0, asg1, asg2)
    adg = (adg0, adg1, adg2)
    gs = (gs0, gs1, gs2)
    ss = (ss0, ss1, ss2)

    z16f = jnp.zeros((16,), _f32)

    def _zrow(r, _):
        for j in range(C // 16):
            rows0[r, pl.ds(j * 16, 16)] = z16f
        return 0
    lax.fori_loop(0, CH, _zrow, 0)

    def _zbuf(k, _):
        zbuf[pl.ds(k * 16, 16)] = z16f
        return 0
    lax.fori_loop(0, 2000 // 16, _zbuf, 0)

    ncop = jnp.where(sid < 15, 8, 5)
    def _znum(k, _):
        pltpu.sync_copy(rows0, num_s.at[pl.ds(sid * 640 + k * CH, CH)])
        return 0
    lax.fori_loop(0, ncop, _znum, 0)

    @pl.when(sid < 5)
    def _zden():
        pltpu.sync_copy(zbuf, den_s.at[pl.ds(sid * 2000, 2000)])

    plsc.subcore_barrier()

    pltpu.sync_copy(ep_hbm.at[pl.ds(wid * EPT, EPT)], ep_all)

    def _load_idx(k, b):
        off = k * CH
        for i in range(CH // 16):
            p = ep_all[pl.ds(off + i * 16, 16)]
            srcc[b][pl.ds(i * 16, 16)] = p & 16383
            dstc[b][pl.ds(i * 16, 16)] = p >> 14

    def _issue_gathers(b):
        pltpu.async_copy(h_hbm.at[srcc[b]], rows[b], gs[b])
        pltpu.async_copy(as_hbm.at[srcc[b]], asg[b], gs[b])
        pltpu.async_copy(ad_hbm.at[dstc[b]], adg[b], gs[b])

    def _wait_gathers(b):
        pltpu.make_async_copy(h_hbm.at[srcc[b]], rows[b], gs[b]).wait()
        pltpu.make_async_copy(as_hbm.at[srcc[b]], asg[b], gs[b]).wait()
        pltpu.make_async_copy(ad_hbm.at[dstc[b]], adg[b], gs[b]).wait()

    def _compute_w(b):
        for i in range(CH // 16):
            a = asg[b][pl.ds(i * 16, 16)] + adg[b][pl.ds(i * 16, 16)]
            a = jnp.where(a > 0, a, 0.2 * a)
            wv[b][pl.ds(i * 16, 16)] = jnp.exp(a)

    def _scale_rows(b):
        def _scale(e4, _):
            for u in range(4):
                e = 4 * e4 + u
                wb = plsc.load_gather(wv[b], [jnp.full((16,), e, _i32)])
                for j in range(C // 16):
                    rows[b][e, pl.ds(j * 16, 16)] = (
                        rows[b][e, pl.ds(j * 16, 16)] * wb)
            return 0
        lax.fori_loop(0, CH // 4, _scale, 0)

    def _drain_scatter(b):
        pltpu.make_async_copy(rows[b], num_s.at[dstc[b]], ss[b]).wait()
        pltpu.make_async_copy(wv[b], den_s.at[dstc[b]], ss[b]).wait()

    def _step(k, b, drain_b, prefetch_k, guard_drain):
        _wait_gathers(b)
        _compute_w(b)
        _scale_rows(b)
        pltpu.async_copy(rows[b], num_s.at[dstc[b]], ss[b], add=True)
        pltpu.async_copy(wv[b], den_s.at[dstc[b]], ss[b], add=True)
        if drain_b is not None:
            if guard_drain is not None:
                @pl.when(guard_drain)
                def _():
                    _drain_scatter(drain_b)
            else:
                _drain_scatter(drain_b)
        if prefetch_k is not None:
            _load_idx(prefetch_k, (b + 2) % NB)
            _issue_gathers((b + 2) % NB)

    _load_idx(0, 0)
    _issue_gathers(0)
    _load_idx(1, 1)
    _issue_gathers(1)

    def _trip(k3, _):
        k = NB * k3
        _step(k, 0, drain_b=2, prefetch_k=k + 2, guard_drain=(k3 > 0))
        _step(k + 1, 1, drain_b=0, prefetch_k=k + 3, guard_drain=None)
        _step(k + 2, 2, drain_b=1, prefetch_k=k + 4, guard_drain=None)
        return 0
    lax.fori_loop(0, (NCHUNK - 2) // NB, _trip, 0)

    _step(NCHUNK - 2, 0, drain_b=2, prefetch_k=None, guard_drain=None)
    _step(NCHUNK - 1, 1, drain_b=0, prefetch_k=None, guard_drain=None)
    _drain_scatter(1)

    plsc.subcore_barrier()

    def _dump(k, _):
        r0 = sid * 640 + k * CH
        pltpu.sync_copy(num_s.at[pl.ds(r0, CH)], num_hbm.at[cid, pl.ds(r0, CH)])
        return 0
    lax.fori_loop(0, ncop, _dump, 0)

    @pl.when(sid < 5)
    def _dden():
        pltpu.sync_copy(den_s.at[pl.ds(sid * 2000, 2000)], zbuf)
        pltpu.sync_copy(zbuf, den_hbm.at[pl.ds(cid * N + sid * 2000, 2000)])


def _edges(h, a_s, a_d, ep):
    mesh = plsc.VectorSubcoreMesh(
        core_axis_name="c", subcore_axis_name="s",
        num_cores=NC, num_subcores=NS)
    buf_set = [
        pltpu.VMEM((CH,), _i32),
        pltpu.VMEM((CH,), _i32),
        pltpu.VMEM((CH, C), _f32),
        pltpu.VMEM((CH,), _f32),
        pltpu.VMEM((CH,), _f32),
        pltpu.VMEM((CH,), _f32),
    ]
    f = pl.kernel(
        _edge_body,
        out_type=[
            jax.ShapeDtypeStruct((NC, N, C), _f32),
            jax.ShapeDtypeStruct((NC * N,), _f32),
        ],
        mesh=mesh,
        compiler_params=pltpu.CompilerParams(needs_layout_passes=False),
        scratch_types=(
            [pltpu.VMEM((EPT,), _i32)]
            + buf_set * NB
            + [
                pltpu.VMEM((2000,), _f32),
                pltpu.VMEM_SHARED((N, C), _f32),
                pltpu.VMEM_SHARED((N,), _f32),
            ]
            + [pltpu.SemaphoreType.DMA] * (2 * NB)
        ),
    )
    return f(h, a_s, a_d, ep)


def _fin_body(num_ref, den_ref, bias_ref, out_ref):
    den = den_ref[0, 0, 0] + den_ref[1, 0, 0]
    out_ref[...] = ((num_ref[0] + num_ref[1]) / (den[:, None] + 1e-16)
                    + bias_ref[...])


def _finalize(num_p, den_p, bias2d):
    return pl.pallas_call(
        _fin_body,
        grid=(N // RB,),
        in_specs=[
            pl.BlockSpec((NC, RB, C), lambda i: (0, i, 0)),
            pl.BlockSpec((NC, 1, 1, RB), lambda i: (0, i, 0, 0)),
            pl.BlockSpec((1, C), lambda i: (0, 0)),
        ],
        out_specs=pl.BlockSpec((RB, C), lambda i: (i, 0)),
        out_shape=jax.ShapeDtypeStruct((N, C), _f32),
    )(num_p, den_p, bias2d)


def kernel(x, edge_index, W, att_src, att_dst, bias):
    e3 = edge_index.astype(_i32).reshape(2, N // RB, 1, EB)
    A = jnp.stack([att_src[0], att_dst[0]], axis=-1)
    h, sd, ep = _project(x, W, A, e3)
    sd_flat = sd.T.reshape(2 * N)
    num_p, den_p = _edges(h, sd_flat[:N], sd_flat[N:], ep.reshape(E))
    out = _finalize(num_p, den_p.reshape(NC, N // RB, 1, RB), bias.reshape(1, C))
    return out

# --- scband reference (transcript-rebuilt; emitter-appended) ---
"""Pipeline reference for scband-graph-attention-module-51711406244125 (READ-ONLY COPY).

The authoritative reference and input builder live on the scoring server;
editing this copy changes nothing except your own understanding.
"""

import jax, jax.numpy as jnp
import numpy as np

N_NODES = 10000
N_EDGES = 320000
IN_CH = 128
OUT_CH = 128
HEADS = 1


def setup_inputs(seed: int = 0) -> dict:
    key = jax.random.key(seed)
    k_x, k_e, k_w, k_as, k_ad = jax.random.split(key, 5)
    x = jax.random.normal(k_x, (N_NODES, IN_CH), dtype=jnp.float32)
    edge_index = jax.random.randint(k_e, (2, N_EDGES), 0, N_NODES, dtype=jnp.int64)
    # GATConv parameters (PyG layout): lin weight [in, heads*out], att_src/att_dst [heads, out], bias [heads*out]
    glorot = float(np.sqrt(6.0 / (IN_CH + HEADS * OUT_CH)))
    W = jax.random.uniform(k_w, (IN_CH, HEADS * OUT_CH), minval=-glorot, maxval=glorot, dtype=jnp.float32)
    g2 = float(np.sqrt(6.0 / (1 + HEADS * OUT_CH)))
    att_src = jax.random.uniform(k_as, (HEADS, OUT_CH), minval=-g2, maxval=g2, dtype=jnp.float32)
    att_dst = jax.random.uniform(k_ad, (HEADS, OUT_CH), minval=-g2, maxval=g2, dtype=jnp.float32)
    bias = jnp.zeros((HEADS * OUT_CH,), dtype=jnp.float32)
    return {"x": x, "edge_index": edge_index, "W": W, "att_src": att_src, "att_dst": att_dst, "bias": bias}


def reference(x, edge_index, W, att_src, att_dst, bias):
    # Faithful GATConv(in=128, out=128, heads=1, concat=True, dropout=0.0) forward
    N = x.shape[0]
    H, C = att_src.shape
    h = (x @ W).reshape(N, H, C)                       # linear projection
    src = edge_index[0]
    dst = edge_index[1]
    alpha_src = jnp.sum(h * att_src[None, :, :], axis=-1)   # [N, H]
    alpha_dst = jnp.sum(h * att_dst[None, :, :], axis=-1)   # [N, H]
    alpha = alpha_src[src] + alpha_dst[dst]                 # [E, H] gather
    alpha = jax.nn.leaky_relu(alpha, negative_slope=0.2)
    # segment softmax over incoming edges of each dst node
    alpha_max = jax.ops.segment_max(alpha, dst, num_segments=N)  # [N, H]
    alpha_max = jax.lax.stop_gradient(alpha_max)
    alpha_exp = jnp.exp(alpha - alpha_max[dst])
    denom = jax.ops.segment_sum(alpha_exp, dst, num_segments=N)  # [N, H]
    alpha_n = alpha_exp / (denom[dst] + 1e-16)
    # message passing: weighted aggregation of source features (scatter-add)
    msg = h[src] * alpha_n[:, :, None]                    # [E, H, C]
    out = jax.ops.segment_sum(msg, dst, num_segments=N)   # [N, H, C]
    out = out.reshape(N, H * C) + bias                    # concat=True
    return out

if __name__ == "__main__":
    import jax
    _d = setup_inputs()
    print(jax.jit(kernel)(*tuple(_d.values())))

</pallas_src>

<mosaic_0001>
#map = affine_map<(d0, d1) -> (0, 0)>
#map1 = affine_map<(d0, d1) -> (0)>
#map2 = affine_map<(d0, d1) -> (0, 0, 0)>
module attributes {stable_mosaic.version = 14 : i64} {
  func.func @_edge_body(%arg0: i32, %arg1: i32, %arg2: memref<10000x128xf32, #tpu.memory_space<hbm>>, %arg3: memref<10000xf32, #tpu.memory_space<hbm>>, %arg4: memref<10000xf32, #tpu.memory_space<hbm>>, %arg5: memref<320000xi32, #tpu.memory_space<hbm>>, %arg6: memref<2x10000x128xf32, #tpu.memory_space<hbm>>, %arg7: memref<20000xf32, #tpu.memory_space<hbm>>, %arg8: memref<10000xi32, #tpu.memory_space<vmem>>, %arg9: memref<80xi32, #tpu.memory_space<vmem>>, %arg10: memref<80xi32, #tpu.memory_space<vmem>>, %arg11: memref<80x128xf32, #tpu.memory_space<vmem>>, %arg12: memref<80xf32, #tpu.memory_space<vmem>>, %arg13: memref<80xf32, #tpu.memory_space<vmem>>, %arg14: memref<80xf32, #tpu.memory_space<vmem>>, %arg15: memref<80xi32, #tpu.memory_space<vmem>>, %arg16: memref<80xi32, #tpu.memory_space<vmem>>, %arg17: memref<80x128xf32, #tpu.memory_space<vmem>>, %arg18: memref<80xf32, #tpu.memory_space<vmem>>, %arg19: memref<80xf32, #tpu.memory_space<vmem>>, %arg20: memref<80xf32, #tpu.memory_space<vmem>>, %arg21: memref<80xi32, #tpu.memory_space<vmem>>, %arg22: memref<80xi32, #tpu.memory_space<vmem>>, %arg23: memref<80x128xf32, #tpu.memory_space<vmem>>, %arg24: memref<80xf32, #tpu.memory_space<vmem>>, %arg25: memref<80xf32, #tpu.memory_space<vmem>>, %arg26: memref<80xf32, #tpu.memory_space<vmem>>, %arg27: memref<2000xf32, #tpu.memory_space<vmem>>, %arg28: memref<10000x128xf32, #tpu.memory_space<vmem_shared>>, %arg29: memref<10000xf32, #tpu.memory_space<vmem_shared>>, %arg30: memref<!tpu.dma_semaphore, #tpu.memory_space<semaphore_mem>>, %arg31: memref<!tpu.dma_semaphore, #tpu.memory_space<semaphore_mem>>, %arg32: memref<!tpu.dma_semaphore, #tpu.memory_space<semaphore_mem>>, %arg33: memref<!tpu.dma_semaphore, #tpu.memory_space<semaphore_mem>>, %arg34: memref<!tpu.dma_semaphore, #tpu.memory_space<semaphore_mem>>, %arg35: memref<!tpu.dma_semaphore, #tpu.memory_space<semaphore_mem>>) attributes {dimension_semantics = [#tpu.dimension_semantics<core_parallel>, #tpu.dimension_semantics<subcore_parallel>], iteration_bounds = array<i64: 2, 16>, scalar_prefetch = 0 : i64, scratch_operands = 28 : i64, tpu.core_type = #tpu.core_type<sc_vector_subcore>, window_params = [{transform_indices = #map}, {transform_indices = #map1}, {transform_indices = #map1}, {transform_indices = #map1}, {transform_indices = #map2}, {transform_indices = #map1}]} {
    %mul3A = arith.constant 2 : i32
    %mul3A_0 = arith.muli %arg1, %mul3A : i32
    %add3A = arith.addi %mul3A_0, %arg0 : i32
    %broadcast_in_dim3A = arith.constant 0.000000e+00 : f32
    %broadcast_in_dim3A_1 = vector.broadcast %broadcast_in_dim3A : f32 to vector<16xf32>
    %scan3A = arith.constant 0 : i32
    %scan3A_2 = arith.constant 0 : i32
    %scan3A_3 = arith.constant 80 : i32
    %scan3A_4 = arith.addi %scan3A_2, %scan3A_3 : i32
    %scan3A_5 = arith.constant 1 : i32
    %scan3A_6 = scf.for %scan3A_387 = %scan3A_2 to %scan3A_4 step %scan3A_5 iter_args(%scan3A_388 = %scan3A) -> (i32)  : i32 {
      %swap3A_389 = arith.index_cast %scan3A_387 : i32 to index
      %swap3A_390 = arith.constant 0 : index
      %swap3A_391 = tpu.vector_load %arg11[%swap3A_389, %swap3A_390] {strides = array<i32>} : memref<80x128xf32, #tpu.memory_space<vmem>>, vector<16xf32>,
      tpu.vector_store %arg11[%swap3A_389, %swap3A_390], %broadcast_in_dim3A_1 {strides = array<i32>} : memref<80x128xf32, #tpu.memory_space<vmem>>, vector<16xf32>,
      %swap3A_392 = arith.index_cast %scan3A_387 : i32 to index
      %swap3A_393 = arith.constant 16 : index
      %swap3A_394 = tpu.vector_load %arg11[%swap3A_392, %swap3A_393] {strides = array<i32>} : memref<80x128xf32, #tpu.memory_space<vmem>>, vector<16xf32>,
      tpu.vector_store %arg11[%swap3A_392, %swap3A_393], %broadcast_in_dim3A_1 {strides = array<i32>} : memref<80x128xf32, #tpu.memory_space<vmem>>, vector<16xf32>,
      %swap3A_395 = arith.index_cast %scan3A_387 : i32 to index
      %swap3A_396 = arith.constant 32 : index
      %swap3A_397 = tpu.vector_load %arg11[%swap3A_395, %swap3A_396] {strides = array<i32>} : memref<80x128xf32, #tpu.memory_space<vmem>>, vector<16xf32>,
      tpu.vector_store %arg11[%swap3A_395, %swap3A_396], %broadcast_in_dim3A_1 {strides = array<i32>} : memref<80x128xf32, #tpu.memory_space<vmem>>, vector<16xf32>,
      %swap3A_398 = arith.index_cast %scan3A_387 : i32 to index
      %swap3A_399 = arith.constant 48 : index
      %swap3A_400 = tpu.vector_load %arg11[%swap3A_398, %swap3A_399] {strides = array<i32>} : memref<80x128xf32, #tpu.memory_space<vmem>>, vector<16xf32>,
      tpu.vector_store %arg11[%swap3A_398, %swap3A_399], %broadcast_in_dim3A_1 {strides = array<i32>} : memref<80x128xf32, #tpu.memory_space<vmem>>, vector<16xf32>,
      %swap3A_401 = arith.index_cast %scan3A_387 : i32 to index
      %swap3A_402 = arith.constant 64 : index
      %swap3A_403 = tpu.vector_load %arg11[%swap3A_401, %swap3A_402] {strides = array<i32>} : memref<80x128xf32, #tpu.memory_space<vmem>>, vector<16xf32>,
      tpu.vector_store %arg11[%swap3A_401, %swap3A_402], %broadcast_in_dim3A_1 {strides = array<i32>} : memref<80x128xf32, #tpu.memory_space<vmem>>, vector<16xf32>,
      %swap3A_404 = arith.index_cast %scan3A_387 : i32 to index
      %swap3A_405 = arith.constant 80 : index
      %swap3A_406 = tpu.vector_load %arg11[%swap3A_404, %swap3A_405] {strides = array<i32>} : memref<80x128xf32, #tpu.memory_space<vmem>>, vector<16xf32>,
      tpu.vector_store %arg11[%swap3A_404, %swap3A_405], %broadcast_in_dim3A_1 {strides = array<i32>} : memref<80x128xf32, #tpu.memory_space<vmem>>, vector<16xf32>,
      %swap3A_407 = arith.index_cast %scan3A_387 : i32 to index
      %swap3A_408 = arith.constant 96 : index
      %swap3A_409 = tpu.vector_load %arg11[%swap3A_407, %swap3A_408] {strides = array<i32>} : memref<80x128xf32, #tpu.memory_space<vmem>>, vector<16xf32>,
      tpu.vector_store %arg11[%swap3A_407, %swap3A_408], %broadcast_in_dim3A_1 {strides = array<i32>} : memref<80x128xf32, #tpu.memory_space<vmem>>, vector<16xf32>,
      %swap3A_410 = arith.index_cast %scan3A_387 : i32 to index
      %swap3A_411 = arith.constant 112 : index
      %swap3A_412 = tpu.vector_load %arg11[%swap3A_410, %swap3A_411] {strides = array<i32>} : memref<80x128xf32, #tpu.memory_space<vmem>>, vector<16xf32>,
      tpu.vector_store %arg11[%swap3A_410, %swap3A_411], %broadcast_in_dim3A_1 {strides = array<i32>} : memref<80x128xf32, #tpu.memory_space<vmem>>, vector<16xf32>,
      %scan3A_413 = arith.constant 0 : i32
      scf.yield %scan3A_413 : i32
    }
    %scan3A_7 = arith.constant 80 : i32
    %scan3A_8 = arith.constant 0 : i32
    %scan3A_9 = arith.constant 0 : i32
    %scan3A_10 = arith.constant 125 : i32
    %scan3A_11 = arith.addi %scan3A_9, %scan3A_10 : i32
    %scan3A_12 = arith.constant 1 : i32
    %scan3A_13 = scf.for %scan3A_387 = %scan3A_9 to %scan3A_11 step %scan3A_12 iter_args(%scan3A_388 = %scan3A_8) -> (i32)  : i32 {
      %mul3A_389 = arith.constant 16 : i32
      %mul3A_390 = arith.muli %scan3A_387, %mul3A_389 : i32
      %swap3A_391 = arith.index_cast %mul3A_390 : i32 to index
      %swap3A_392 = tpu.vector_load %arg27[%swap3A_391] {strides = array<i32>} : memref<2000xf32, #tpu.memory_space<vmem>>, vector<16xf32>,
      tpu.vector_store %arg27[%swap3A_391], %broadcast_in_dim3A_1 {strides = array<i32>} : memref<2000xf32, #tpu.memory_space<vmem>>, vector<16xf32>,
      %scan3A_393 = arith.constant 0 : i32
      scf.yield %scan3A_393 : i32
    }
    %scan3A_14 = arith.constant 125 : i32
    %lt3A = arith.constant 15 : i32
    %lt3A_15 = arith.cmpi slt, %arg1, %lt3A : i32
    %jit3A = arith.constant 8 : i32
    %jit3A_16 = arith.constant 5 : i32
    %select_n3A = arith.select %lt3A_15, %jit3A, %jit3A_16 : i32
    %while3A = arith.constant 0 : i32
    %while3A_17 = arith.constant 0 : i32
    %while3A_18 = arith.subi %select_n3A, %while3A : i32
    %while3A_19 = arith.addi %while3A, %while3A_18 : i32
    %while3A_20 = arith.constant 1 : i32
    %while3A_21 = arith.divsi %while3A_18, %while3A_20 : i32
    %while3A_22 = arith.muli %while3A_21, %while3A_20 : i32
    %while3A_23 = arith.addi %while3A, %while3A_22 : i32
    %while3A_24 = arith.constant 1 : i32
    %while3A_25 = scf.for %while3A_387 = %while3A to %while3A_23 step %while3A_24 iter_args(%while3A_388 = %while3A_17) -> (i32)  : i32 {
      %mul3A_389 = arith.constant 640 : i32
      %mul3A_390 = arith.muli %arg1, %mul3A_389 : i32
      %mul3A_391 = arith.constant 80 : i32
      %mul3A_392 = arith.muli %while3A_387, %mul3A_391 : i32
      %add3A_393 = arith.addi %mul3A_390, %mul3A_392 : i32
      "tpu.region"() ({
        %run_scoped3A = tpu.sem_alloc : memref<!tpu.dma_semaphore, #tpu.memory_space<semaphore_mem>>
        %dma_start3A_395 = arith.constant 0 : i32
        %dma_start3A_396 = tpu.memref_slice %arg28[%add3A_393, %dma_start3A_395] : memref<10000x128xf32, #tpu.memory_space<vmem_shared>> -> memref<80x128xf32, #tpu.memory_space<vmem_shared>>
        %dma_start3A_397 = arith.constant 0 : i32
        %dma_start3A_398 = tpu.memref_slice %arg28[%add3A_393, %dma_start3A_397] : memref<10000x128xf32, #tpu.memory_space<vmem_shared>> -> memref<80x128xf32, #tpu.memory_space<vmem_shared>>
        tpu.enqueue_dma source(%arg11 : memref<80x128xf32, #tpu.memory_space<vmem>>) target(%dma_start3A_398 : memref<80x128xf32, #tpu.memory_space<vmem_shared>>) target_semaphore(%run_scoped3A : memref<!tpu.dma_semaphore, #tpu.memory_space<semaphore_mem>>)
        %dma_wait3A_399 = arith.constant 0 : i32
        %dma_wait3A_400 = tpu.memref_slice %arg28[%add3A_393, %dma_wait3A_399] : memref<10000x128xf32, #tpu.memory_space<vmem_shared>> -> memref<80x128xf32, #tpu.memory_space<vmem_shared>>
        %dma_wait3A_401 = arith.constant 0 : i32
        %dma_wait3A_402 = tpu.memref_slice %arg28[%add3A_393, %dma_wait3A_401] : memref<10000x128xf32, #tpu.memory_space<vmem_shared>> -> memref<80x128xf32, #tpu.memory_space<vmem_shared>>
        tpu.wait_dma2 semaphore(%run_scoped3A : memref<!tpu.dma_semaphore, #tpu.memory_space<semaphore_mem>>) src(%arg11 : memref<80x128xf32, #tpu.memory_space<vmem>>) dst(%dma_wait3A_402 : memref<80x128xf32, #tpu.memory_space<vmem_shared>>)
        tpu.yield
      }) : () -> ()
      %while3A_394 = arith.constant 0 : i32
      scf.yield %while3A_394 : i32
    }
    %while3A_26 = arith.constant 1 : i32
    %while3A_27 = scf.for %while3A_387 = %while3A_23 to %while3A_19 step %while3A_26 iter_args(%while3A_388 = %while3A_25) -> (i32)  : i32 {
      %mul3A_389 = arith.constant 640 : i32
      %mul3A_390 = arith.muli %arg1, %mul3A_389 : i32
      %mul3A_391 = arith.constant 80 : i32
      %mul3A_392 = arith.muli %while3A_387, %mul3A_391 : i32
      %add3A_393 = arith.addi %mul3A_390, %mul3A_392 : i32
      "tpu.region"() ({
        %run_scoped3A = tpu.sem_alloc : memref<!tpu.dma_semaphore, #tpu.memory_space<semaphore_mem>>
        %dma_start3A_395 = arith.constant 0 : i32
        %dma_start3A_396 = tpu.memref_slice %arg28[%add3A_393, %dma_start3A_395] : memref<10000x128xf32, #tpu.memory_space<vmem_shared>> -> memref<80x128xf32, #tpu.memory_space<vmem_shared>>
        %dma_start3A_397 = arith.constant 0 : i32
        %dma_start3A_398 = tpu.memref_slice %arg28[%add3A_393, %dma_start3A_397] : memref<10000x128xf32, #tpu.memory_space<vmem_shared>> -> memref<80x128xf32, #tpu.memory_space<vmem_shared>>
        tpu.enqueue_dma source(%arg11 : memref<80x128xf32, #tpu.memory_space<vmem>>) target(%dma_start3A_398 : memref<80x128xf32, #tpu.memory_space<vmem_shared>>) target_semaphore(%run_scoped3A : memref<!tpu.dma_semaphore, #tpu.memory_space<semaphore_mem>>)
        %dma_wait3A_399 = arith.constant 0 : i32
        %dma_wait3A_400 = tpu.memref_slice %arg28[%add3A_393, %dma_wait3A_399] : memref<10000x128xf32, #tpu.memory_space<vmem_shared>> -> memref<80x128xf32, #tpu.memory_space<vmem_shared>>
        %dma_wait3A_401 = arith.constant 0 : i32
        %dma_wait3A_402 = tpu.memref_slice %arg28[%add3A_393, %dma_wait3A_401] : memref<10000x128xf32, #tpu.memory_space<vmem_shared>> -> memref<80x128xf32, #tpu.memory_space<vmem_shared>>
        tpu.wait_dma2 semaphore(%run_scoped3A : memref<!tpu.dma_semaphore, #tpu.memory_space<semaphore_mem>>) src(%arg11 : memref<80x128xf32, #tpu.memory_space<vmem>>) dst(%dma_wait3A_402 : memref<80x128xf32, #tpu.memory_space<vmem_shared>>)
        tpu.yield
      }) : () -> ()
      %while3A_394 = arith.constant 0 : i32
      scf.yield %while3A_394 : i32
    }
    %lt3A_28 = arith.constant 5 : i32
    %lt3A_29 = arith.cmpi slt, %arg1, %lt3A_28 : i32
    %convert_element_type3A = arith.extui %lt3A_29 : i1 to i32
    %cond3A = arith.constant 0 : i32
    %cond3A_30 = arith.cmpi ne, %convert_element_type3A, %cond3A : i32
    scf.if %cond3A_30 {
      %mul3A_387 = arith.constant 2000 : i32
      %mul3A_388 = arith.muli %arg1, %mul3A_387 : i32
      "tpu.region"() ({
        %run_scoped3A = tpu.sem_alloc : memref<!tpu.dma_semaphore, #tpu.memory_space<semaphore_mem>>
        %dma_start3A_389 = tpu.memref_slice %arg29[%mul3A_388] : memref<10000xf32, #tpu.memory_space<vmem_shared>> -> memref<2000xf32, #tpu.memory_space<vmem_shared>>
        %dma_start3A_390 = tpu.memref_slice %arg29[%mul3A_388] : memref<10000xf32, #tpu.memory_space<vmem_shared>> -> memref<2000xf32, #tpu.memory_space<vmem_shared>>
        tpu.enqueue_dma source(%arg27 : memref<2000xf32, #tpu.memory_space<vmem>>) target(%dma_start3A_390 : memref<2000xf32, #tpu.memory_space<vmem_shared>>) target_semaphore(%run_scoped3A : memref<!tpu.dma_semaphore, #tpu.memory_space<semaphore_mem>>)
        %dma_wait3A_391 = tpu.memref_slice %arg29[%mul3A_388] : memref<10000xf32, #tpu.memory_space<vmem_shared>> -> memref<2000xf32, #tpu.memory_space<vmem_shared>>
        %dma_wait3A_392 = tpu.memref_slice %arg29[%mul3A_388] : memref<10000xf32, #tpu.memory_space<vmem_shared>> -> memref<2000xf32, #tpu.memory_space<vmem_shared>>
        tpu.wait_dma2 semaphore(%run_scoped3A : memref<!tpu.dma_semaphore, #tpu.memory_space<semaphore_mem>>) src(%arg27 : memref<2000xf32, #tpu.memory_space<vmem>>) dst(%dma_wait3A_392 : memref<2000xf32, #tpu.memory_space<vmem_shared>>)
        tpu.yield
      }) : () -> ()
    } else {
    }
    %barrier3A = arith.constant 0 : index
    tpu.barrier barrier_id(%barrier3A)
    %mul3A_31 = arith.constant 10000 : i32
    %mul3A_32 = arith.muli %add3A, %mul3A_31 : i32
    "tpu.region"() ({
      %run_scoped3A = tpu.sem_alloc : memref<!tpu.dma_semaphore, #tpu.memory_space<semaphore_mem>>
      %dma_start3A_387 = tpu.memref_slice %arg5[%mul3A_32] : memref<320000xi32, #tpu.memory_space<hbm>> -> memref<10000xi32, #tpu.memory_space<hbm>>
      %dma_start3A_388 = tpu.memref_slice %arg5[%mul3A_32] : memref<320000xi32, #tpu.memory_space<hbm>> -> memref<10000xi32, #tpu.memory_space<hbm>>
      tpu.enqueue_dma source(%dma_start3A_388 : memref<10000xi32, #tpu.memory_space<hbm>>) target(%arg8 : memref<10000xi32, #tpu.memory_space<vmem>>) target_semaphore(%run_scoped3A : memref<!tpu.dma_semaphore, #tpu.memory_space<semaphore_mem>>)
      %dma_wait3A_389 = tpu.memref_slice %arg5[%mul3A_32] : memref<320000xi32, #tpu.memory_space<hbm>> -> memref<10000xi32, #tpu.memory_space<hbm>>
      %dma_wait3A_390 = tpu.memref_slice %arg5[%mul3A_32] : memref<320000xi32, #tpu.memory_space<hbm>> -> memref<10000xi32, #tpu.memory_space<hbm>>
      tpu.wait_dma2 semaphore(%run_scoped3A : memref<!tpu.dma_semaphore, #tpu.memory_space<semaphore_mem>>) src(%dma_wait3A_390 : memref<10000xi32, #tpu.memory_space<hbm>>) dst(%arg8 : memref<10000xi32, #tpu.memory_space<vmem>>)
      tpu.yield
    }) : () -> ()
    %get3A = arith.constant 0 : index
    %get3A_33 = tpu.vector_load %arg8[%get3A] {strides = array<i32>} : memref<10000xi32, #tpu.memory_space<vmem>>, vector<16xi32>,
    %and3A = arith.constant 16383 : i32
    %and3A_34 = vector.broadcast %and3A : i32 to vector<16xi32>
    %and3A_35 = arith.andi %get3A_33, %and3A_34 : vector<16xi32>
    %swap3A = arith.constant 0 : index
    %swap3A_36 = tpu.vector_load %arg9[%swap3A] {strides = array<i32>} : memref<80xi32, #tpu.memory_space<vmem>>, vector<16xi32>,
    tpu.vector_store %arg9[%swap3A], %and3A_35 {strides = array<i32>} : memref<80xi32, #tpu.memory_space<vmem>>, vector<16xi32>,
    %shift_right_arithmetic3A = arith.constant 14 : i32
    %shift_right_arithmetic3A_37 = vector.broadcast %shift_right_arithmetic3A : i32 to vector<16xi32>
    %shift_right_arithmetic3A_38 = arith.shrsi %get3A_33, %shift_right_arithmetic3A_37 : vector<16xi32>
    %swap3A_39 = arith.constant 0 : index
    %swap3A_40 = tpu.vector_load %arg10[%swap3A_39] {strides = array<i32>} : memref<80xi32, #tpu.memory_space<vmem>>, vector<16xi32>,
    tpu.vector_store %arg10[%swap3A_39], %shift_right_arithmetic3A_38 {strides = array<i32>} : memref<80xi32, #tpu.memory_space<vmem>>, vector<16xi32>,
    %get3A_41 = arith.constant 16 : index
    %get3A_42 = tpu.vector_load %arg8[%get3A_41] {strides = array<i32>} : memref<10000xi32, #tpu.memory_space<vmem>>, vector<16xi32>,
    %and3A_43 = arith.constant 16383 : i32
    %and3A_44 = vector.broadcast %and3A_43 : i32 to vector<16xi32>
    %and3A_45 = arith.andi %get3A_42, %and3A_44 : vector<16xi32>
    %swap3A_46 = arith.constant 16 : index
    %swap3A_47 = tpu.vector_load %arg9[%swap3A_46] {strides = array<i32>} : memref<80xi32, #tpu.memory_space<vmem>>, vector<16xi32>,
    tpu.vector_store %arg9[%swap3A_46], %and3A_45 {strides = array<i32>} : memref<80xi32, #tpu.memory_space<vmem>>, vector<16xi32>,
    %shift_right_arithmetic3A_48 = arith.constant 14 : i32
    %shift_right_arithmetic3A_49 = vector.broadcast %shift_right_arithmetic3A_48 : i32 to vector<16xi32>
    %shift_right_arithmetic3A_50 = arith.shrsi %get3A_42, %shift_right_arithmetic3A_49 : vector<16xi32>
    %swap3A_51 = arith.constant 16 : index
    %swap3A_52 = tpu.vector_load %arg10[%swap3A_51] {strides = array<i32>} : memref<80xi32, #tpu.memory_space<vmem>>, vector<16xi32>,
    tpu.vector_store %arg10[%swap3A_51], %shift_right_arithmetic3A_50 {strides = array<i32>} : memref<80xi32, #tpu.memory_space<vmem>>, vector<16xi32>,
    %get3A_53 = arith.constant 32 : index
    %get3A_54 = tpu.vector_load %arg8[%get3A_53] {strides = array<i32>} : memref<10000xi32, #tpu.memory_space<vmem>>, vector<16xi32>,
    %and3A_55 = arith.constant 16383 : i32
    %and3A_56 = vector.broadcast %and3A_55 : i32 to vector<16xi32>
    %and3A_57 = arith.andi %get3A_54, %and3A_56 : vector<16xi32>
    %swap3A_58 = arith.constant 32 : index
    %swap3A_59 = tpu.vector_load %arg9[%swap3A_58] {strides = array<i32>} : memref<80xi32, #tpu.memory_space<vmem>>, vector<16xi32>,
    tpu.vector_store %arg9[%swap3A_58], %and3A_57 {strides = array<i32>} : memref<80xi32, #tpu.memory_space<vmem>>, vector<16xi32>,
    %shift_right_arithmetic3A_60 = arith.constant 14 : i32
    %shift_right_arithmetic3A_61 = vector.broadcast %shift_right_arithmetic3A_60 : i32 to vector<16xi32>
    %shift_right_arithmetic3A_62 = arith.shrsi %get3A_54, %shift_right_arithmetic3A_61 : vector<16xi32>
    %swap3A_63 = arith.constant 32 : index
    %swap3A_64 = tpu.vector_load %arg10[%swap3A_63] {strides = array<i32>} : memref<80xi32, #tpu.memory_space<vmem>>, vector<16xi32>,
    tpu.vector_store %arg10[%swap3A_63], %shift_right_arithmetic3A_62 {strides = array<i32>} : memref<80xi32, #tpu.memory_space<vmem>>, vector<16xi32>,
    %get3A_65 = arith.constant 48 : index
    %get3A_66 = tpu.vector_load %arg8[%get3A_65] {strides = array<i32>} : memref<10000xi32, #tpu.memory_space<vmem>>, vector<16xi32>,
    %and3A_67 = arith.constant 16383 : i32
    %and3A_68 = vector.broadcast %and3A_67 : i32 to vector<16xi32>
    %and3A_69 = arith.andi %get3A_66, %and3A_68 : vector<16xi32>
    %swap3A_70 = arith.constant 48 : index
    %swap3A_71 = tpu.vector_load %arg9[%swap3A_70] {strides = array<i32>} : memref<80xi32, #tpu.memory_space<vmem>>, vector<16xi32>,
    tpu.vector_store %arg9[%swap3A_70], %and3A_69 {strides = array<i32>} : memref<80xi32, #tpu.memory_space<vmem>>, vector<16xi32>,
    %shift_right_arithmetic3A_72 = arith.constant 14 : i32
    %shift_right_arithmetic3A_73 = vector.broadcast %shift_right_arithmetic3A_72 : i32 to vector<16xi32>
    %shift_right_arithmetic3A_74 = arith.shrsi %get3A_66, %shift_right_arithmetic3A_73 : vector<16xi32>
    %swap3A_75 = arith.constant 48 : index
    %swap3A_76 = tpu.vector_load %arg10[%swap3A_75] {strides = array<i32>} : memref<80xi32, #tpu.memory_space<vmem>>, vector<16xi32>,
    tpu.vector_store %arg10[%swap3A_75], %shift_right_arithmetic3A_74 {strides = array<i32>} : memref<80xi32, #tpu.memory_space<vmem>>, vector<16xi32>,
    %get3A_77 = arith.constant 64 : index
    %get3A_78 = tpu.vector_load %arg8[%get3A_77] {strides = array<i32>} : memref<10000xi32, #tpu.memory_space<vmem>>, vector<16xi32>,
    %and3A_79 = arith.constant 16383 : i32
    %and3A_80 = vector.broadcast %and3A_79 : i32 to vector<16xi32>
    %and3A_81 = arith.andi %get3A_78, %and3A_80 : vector<16xi32>
    %swap3A_82 = arith.constant 64 : index
    %swap3A_83 = tpu.vector_load %arg9[%swap3A_82] {strides = array<i32>} : memref<80xi32, #tpu.memory_space<vmem>>, vector<16xi32>,
    tpu.vector_store %arg9[%swap3A_82], %and3A_81 {strides = array<i32>} : memref<80xi32, #tpu.memory_space<vmem>>, vector<16xi32>,
    %shift_right_arithmetic3A_84 = arith.constant 14 : i32
    %shift_right_arithmetic3A_85 = vector.broadcast %shift_right_arithmetic3A_84 : i32 to vector<16xi32>
    %shift_right_arithmetic3A_86 = arith.shrsi %get3A_78, %shift_right_arithmetic3A_85 : vector<16xi32>
    %swap3A_87 = arith.constant 64 : index
    %swap3A_88 = tpu.vector_load %arg10[%swap3A_87] {strides = array<i32>} : memref<80xi32, #tpu.memory_space<vmem>>, vector<16xi32>,
    tpu.vector_store %arg10[%swap3A_87], %shift_right_arithmetic3A_86 {strides = array<i32>} : memref<80xi32, #tpu.memory_space<vmem>>, vector<16xi32>,
    %dma_start3A = arith.constant 0 : i32
    %dma_start3A_89 = arith.constant 0 : i32
    %dma_start3A_90 = tpu.memref_slice %arg2[%dma_start3A, %dma_start3A_89] : memref<10000x128xf32, #tpu.memory_space<hbm>> -> memref<10000x128xf32, #tpu.memory_space<hbm>>
    tpu.enqueue_indirect_dma source(%dma_start3A_90 : memref<10000x128xf32, #tpu.memory_space<hbm>>) target(%arg11 : memref<80x128xf32, #tpu.memory_space<vmem>>) offsets(%arg9 : memref<80xi32, #tpu.memory_space<vmem>>) semaphore(%arg30 : memref<!tpu.dma_semaphore, #tpu.memory_space<semaphore_mem>>)
    %dma_start3A_91 = arith.constant 0 : i32
    %dma_start3A_92 = tpu.memref_slice %arg3[%dma_start3A_91] : memref<10000xf32, #tpu.memory_space<hbm>> -> memref<10000xf32, #tpu.memory_space<hbm>>
    tpu.enqueue_indirect_dma source(%dma_start3A_92 : memref<10000xf32, #tpu.memory_space<hbm>>) target(%arg13 : memref<80xf32, #tpu.memory_space<vmem>>) offsets(%arg9 : memref<80xi32, #tpu.memory_space<vmem>>) semaphore(%arg30 : memref<!tpu.dma_semaphore, #tpu.memory_space<semaphore_mem>>)
    %dma_start3A_93 = arith.constant 0 : i32
    %dma_start3A_94 = tpu.memref_slice %arg4[%dma_start3A_93] : memref<10000xf32, #tpu.memory_space<hbm>> -> memref<10000xf32, #tpu.memory_space<hbm>>
    tpu.enqueue_indirect_dma source(%dma_start3A_94 : memref<10000xf32, #tpu.memory_space<hbm>>) target(%arg14 : memref<80xf32, #tpu.memory_space<vmem>>) offsets(%arg10 : memref<80xi32, #tpu.memory_space<vmem>>) semaphore(%arg30 : memref<!tpu.dma_semaphore, #tpu.memory_space<semaphore_mem>>)
    %get3A_95 = arith.constant 80 : index
    %get3A_96 = tpu.vector_load %arg8[%get3A_95] {strides = array<i32>} : memref<10000xi32, #tpu.memory_space<vmem>>, vector<16xi32>,
    %and3A_97 = arith.constant 16383 : i32
    %and3A_98 = vector.broadcast %and3A_97 : i32 to vector<16xi32>
    %and3A_99 = arith.andi %get3A_96, %and3A_98 : vector<16xi32>
    %swap3A_100 = arith.constant 0 : index
    %swap3A_101 = tpu.vector_load %arg15[%swap3A_100] {strides = array<i32>} : memref<80xi32, #tpu.memory_space<vmem>>, vector<16xi32>,
    tpu.vector_store %arg15[%swap3A_100], %and3A_99 {strides = array<i32>} : memref<80xi32, #tpu.memory_space<vmem>>, vector<16xi32>,
    %shift_right_arithmetic3A_102 = arith.constant 14 : i32
    %shift_right_arithmetic3A_103 = vector.broadcast %shift_right_arithmetic3A_102 : i32 to vector<16xi32>
    %shift_right_arithmetic3A_104 = arith.shrsi %get3A_96, %shift_right_arithmetic3A_103 : vector<16xi32>
    %swap3A_105 = arith.constant 0 : index
    %swap3A_106 = tpu.vector_load %arg16[%swap3A_105] {strides = array<i32>} : memref<80xi32, #tpu.memory_space<vmem>>, vector<16xi32>,
    tpu.vector_store %arg16[%swap3A_105], %shift_right_arithmetic3A_104 {strides = array<i32>} : memref<80xi32, #tpu.memory_space<vmem>>, vector<16xi32>,
    %get3A_107 = arith.constant 96 : index
    %get3A_108 = tpu.vector_load %arg8[%get3A_107] {strides = array<i32>} : memref<10000xi32, #tpu.memory_space<vmem>>, vector<16xi32>,
    %and3A_109 = arith.constant 16383 : i32
    %and3A_110 = vector.broadcast %and3A_109 : i32 to vector<16xi32>
    %and3A_111 = arith.andi %get3A_108, %and3A_110 : vector<16xi32>
    %swap3A_112 = arith.constant 16 : index
    %swap3A_113 = tpu.vector_load %arg15[%swap3A_112] {strides = array<i32>} : memref<80xi32, #tpu.memory_space<vmem>>, vector<16xi32>,
    tpu.vector_store %arg15[%swap3A_112], %and3A_111 {strides = array<i32>} : memref<80xi32, #tpu.memory_space<vmem>>, vector<16xi32>,
    %shift_right_arithmetic3A_114 = arith.constant 14 : i32
    %shift_right_arithmetic3A_115 = vector.broadcast %shift_right_arithmetic3A_114 : i32 to vector<16xi32>
    %shift_right_arithmetic3A_116 = arith.shrsi %get3A_108, %shift_right_arithmetic3A_115 : vector<16xi32>
    %swap3A_117 = arith.constant 16 : index
    %swap3A_118 = tpu.vector_load %arg16[%swap3A_117] {strides = array<i32>} : memref<80xi32, #tpu.memory_space<vmem>>, vector<16xi32>,
    tpu.vector_store %arg16[%swap3A_117], %shift_right_arithmetic3A_116 {strides = array<i32>} : memref<80xi32, #tpu.memory_space<vmem>>, vector<16xi32>,
    %get3A_119 = arith.constant 112 : index
    %get3A_120 = tpu.vector_load %arg8[%get3A_119] {strides = array<i32>} : memref<10000xi32, #tpu.memory_space<vmem>>, vector<16xi32>,
    %and3A_121 = arith.constant 16383 : i32
    %and3A_122 = vector.broadcast %and3A_121 : i32 to vector<16xi32>
    %and3A_123 = arith.andi %get3A_120, %and3A_122 : vector<16xi32>
    %swap3A_124 = arith.constant 32 : index
    %swap3A_125 = tpu.vector_load %arg15[%swap3A_124] {strides = array<i32>} : memref<80xi32, #tpu.memory_space<vmem>>, vector<16xi32>,
    tpu.vector_store %arg15[%swap3A_124], %and3A_123 {strides = array<i32>} : memref<80xi32, #tpu.memory_space<vmem>>, vector<16xi32>,
    %shift_right_arithmetic3A_126 = arith.constant 14 : i32
    %shift_right_arithmetic3A_127 = vector.broadcast %shift_right_arithmetic3A_126 : i32 to vector<16xi32>
    %shift_right_arithmetic3A_128 = arith.shrsi %get3A_120, %shift_right_arithmetic3A_127 : vector<16xi32>
    %swap3A_129 = arith.constant 32 : index
    %swap3A_130 = tpu.vector_load %arg16[%swap3A_129] {strides = array<i32>} : memref<80xi32, #tpu.memory_space<vmem>>, vector<16xi32>,
    tpu.vector_store %arg16[%swap3A_129], %shift_right_arithmetic3A_128 {strides = array<i32>} : memref<80xi32, #tpu.memory_space<vmem>>, vector<16xi32>,
    %get3A_131 = arith.constant 128 : index
    %get3A_132 = tpu.vector_load %arg8[%get3A_131] {strides = array<i32>} : memref<10000xi32, #tpu.memory_space<vmem>>, vector<16xi32>,
    %and3A_133 = arith.constant 16383 : i32
    %and3A_134 = vector.broadcast %and3A_133 : i32 to vector<16xi32>
    %and3A_135 = arith.andi %get3A_132, %and3A_134 : vector<16xi32>
    %swap3A_136 = arith.constant 48 : index
    %swap3A_137 = tpu.vector_load %arg15[%swap3A_136] {strides = array<i32>} : memref<80xi32, #tpu.memory_space<vmem>>, vector<16xi32>,
    tpu.vector_store %arg15[%swap3A_136], %and3A_135 {strides = array<i32>} : memref<80xi32, #tpu.memory_space<vmem>>, vector<16xi32>,
    %shift_right_arithmetic3A_138 = arith.constant 14 : i32
    %shift_right_arithmetic3A_139 = vector.broadcast %shift_right_arithmetic3A_138 : i32 to vector<16xi32>
    %shift_right_arithmetic3A_140 = arith.shrsi %get3A_132, %shift_right_arithmetic3A_139 : vector<16xi32>
    %swap3A_141 = arith.constant 48 : index
    %swap3A_142 = tpu.vector_load %arg16[%swap3A_141] {strides = array<i32>} : memref<80xi32, #tpu.memory_space<vmem>>, vector<16xi32>,
    tpu.vector_store %arg16[%swap3A_141], %shift_right_arithmetic3A_140 {strides = array<i32>} : memref<80xi32, #tpu.memory_space<vmem>>, vector<16xi32>,
    %get3A_143 = arith.constant 144 : index
    %get3A_144 = tpu.vector_load %arg8[%get3A_143] {strides = array<i32>} : memref<10000xi32, #tpu.memory_space<vmem>>, vector<16xi32>,
    %and3A_145 = arith.constant 16383 : i32
    %and3A_146 = vector.broadcast %and3A_145 : i32 to vector<16xi32>
    %and3A_147 = arith.andi %get3A_144, %and3A_146 : vector<16xi32>
    %swap3A_148 = arith.constant 64 : index
    %swap3A_149 = tpu.vector_load %arg15[%swap3A_148] {strides = array<i32>} : memref<80xi32, #tpu.memory_space<vmem>>, vector<16xi32>,
    tpu.vector_store %arg15[%swap3A_148], %and3A_147 {strides = array<i32>} : memref<80xi32, #tpu.memory_space<vmem>>, vector<16xi32>,
    %shift_right_arithmetic3A_150 = arith.constant 14 : i32
    %shift_right_arithmetic3A_151 = vector.broadcast %shift_right_arithmetic3A_150 : i32 to vector<16xi32>
    %shift_right_arithmetic3A_152 = arith.shrsi %get3A_144, %shift_right_arithmetic3A_151 : vector<16xi32>
    %swap3A_153 = arith.constant 64 : index
    %swap3A_154 = tpu.vector_load %arg16[%swap3A_153] {strides = array<i32>} : memref<80xi32, #tpu.memory_space<vmem>>, vector<16xi32>,
    tpu.vector_store %arg16[%swap3A_153], %shift_right_arithmetic3A_152 {strides = array<i32>} : memref<80xi32, #tpu.memory_space<vmem>>, vector<16xi32>,
    %dma_start3A_155 = arith.constant 0 : i32
    %dma_start3A_156 = arith.constant 0 : i32
    %dma_start3A_157 = tpu.memref_slice %arg2[%dma_start3A_155, %dma_start3A_156] : memref<10000x128xf32, #tpu.memory_space<hbm>> -> memref<10000x128xf32, #tpu.memory_space<hbm>>
    tpu.enqueue_indirect_dma source(%dma_start3A_157 : memref<10000x128xf32, #tpu.memory_space<hbm>>) target(%arg17 : memref<80x128xf32, #tpu.memory_space<vmem>>) offsets(%arg15 : memref<80xi32, #tpu.memory_space<vmem>>) semaphore(%arg31 : memref<!tpu.dma_semaphore, #tpu.memory_space<semaphore_mem>>)
    %dma_start3A_158 = arith.constant 0 : i32
    %dma_start3A_159 = tpu.memref_slice %arg3[%dma_start3A_158] : memref<10000xf32, #tpu.memory_space<hbm>> -> memref<10000xf32, #tpu.memory_space<hbm>>
    tpu.enqueue_indirect_dma source(%dma_start3A_159 : memref<10000xf32, #tpu.memory_space<hbm>>) target(%arg19 : memref<80xf32, #tpu.memory_space<vmem>>) offsets(%arg15 : memref<80xi32, #tpu.memory_space<vmem>>) semaphore(%arg31 : memref<!tpu.dma_semaphore, #tpu.memory_space<semaphore_mem>>)
    %dma_start3A_160 = arith.constant 0 : i32
    %dma_start3A_161 = tpu.memref_slice %arg4[%dma_start3A_160] : memref<10000xf32, #tpu.memory_space<hbm>> -> memref<10000xf32, #tpu.memory_space<hbm>>
    tpu.enqueue_indirect_dma source(%dma_start3A_161 : memref<10000xf32, #tpu.memory_space<hbm>>) target(%arg20 : memref<80xf32, #tpu.memory_space<vmem>>) offsets(%arg16 : memref<80xi32, #tpu.memory_space<vmem>>) semaphore(%arg31 : memref<!tpu.dma_semaphore, #tpu.memory_space<semaphore_mem>>)
    %scan3A_162 = arith.constant 0 : i32
    %scan3A_163 = arith.constant 0 : i32
    %scan3A_164 = arith.constant 41 : i32
    %scan3A_165 = arith.addi %scan3A_163, %scan3A_164 : i32
    %scan3A_166 = arith.constant 1 : i32
    %scan3A_167 = scf.for %scan3A_387 = %scan3A_163 to %scan3A_165 step %scan3A_166 iter_args(%scan3A_388 = %scan3A_162) -> (i32)  : i32 {
      %mul3A_389 = arith.constant 3 : i32
      %mul3A_390 = arith.muli %mul3A_389, %scan3A_387 : i32
      %add3A_391 = arith.constant 2 : i32
      %add3A_392 = arith.addi %mul3A_390, %add3A_391 : i32
      %gt3A_393 = arith.constant 0 : i32
      %gt3A_394 = arith.cmpi sgt, %scan3A_387, %gt3A_393 : i32
      %dma_wait3A_395 = arith.constant 0 : i32
      %dma_wait3A_396 = arith.constant 0 : i32
      %dma_wait3A_397 = tpu.memref_slice %arg2[%dma_wait3A_395, %dma_wait3A_396] : memref<10000x128xf32, #tpu.memory_space<hbm>> -> memref<10000x128xf32, #tpu.memory_space<hbm>>
      tpu.wait_indirect_dma semaphore(%arg30 : memref<!tpu.dma_semaphore, #tpu.memory_space<semaphore_mem>>) src(%dma_wait3A_397 : memref<10000x128xf32, #tpu.memory_space<hbm>>) dst(%arg11 : memref<80x128xf32, #tpu.memory_space<vmem>>)
      %dma_wait3A_398 = arith.constant 0 : i32
      %dma_wait3A_399 = tpu.memref_slice %arg3[%dma_wait3A_398] : memref<10000xf32, #tpu.memory_space<hbm>> -> memref<10000xf32, #tpu.memory_space<hbm>>
      tpu.wait_indirect_dma semaphore(%arg30 : memref<!tpu.dma_semaphore, #tpu.memory_space<semaphore_mem>>) src(%dma_wait3A_399 : memref<10000xf32, #tpu.memory_space<hbm>>) dst(%arg13 : memref<80xf32, #tpu.memory_space<vmem>>)
      %dma_wait3A_400 = arith.constant 0 : i32
      %dma_wait3A_401 = tpu.memref_slice %arg4[%dma_wait3A_400] : memref<10000xf32, #tpu.memory_space<hbm>> -> memref<10000xf32, #tpu.memory_space<hbm>>
      tpu.wait_indirect_dma semaphore(%arg30 : memref<!tpu.dma_semaphore, #tpu.memory_space<semaphore_mem>>) src(%dma_wait3A_401 : memref<10000xf32, #tpu.memory_space<hbm>>) dst(%arg14 : memref<80xf32, #tpu.memory_space<vmem>>)
      %get3A_402 = arith.constant 0 : index
      %get3A_403 = tpu.vector_load %arg13[%get3A_402] {strides = array<i32>} : memref<80xf32, #tpu.memory_space<vmem>>, vector<16xf32>,
      %get3A_404 = arith.constant 0 : index
      %get3A_405 = tpu.vector_load %arg14[%get3A_404] {strides = array<i32>} : memref<80xf32, #tpu.memory_space<vmem>>, vector<16xf32>,
      %add3A_406 = arith.addf %get3A_403, %get3A_405 : vector<16xf32>
      %gt3A_407 = arith.constant 0.000000e+00 : f32
      %gt3A_408 = vector.broadcast %gt3A_407 : f32 to vector<16xf32>
      %gt3A_409 = arith.cmpf ogt, %add3A_406, %gt3A_408 : vector<16xf32>
      %mul3A_410 = arith.constant 2.000000e-01 : f32
      %mul3A_411 = vector.broadcast %mul3A_410 : f32 to vector<16xf32>
      %mul3A_412 = arith.mulf %mul3A_411, %add3A_406 : vector<16xf32>
      %select_n3A_413 = arith.select %gt3A_409, %add3A_406, %mul3A_412 : vector<16xi1>, vector<16xf32>
      %exp3A_414 = math.exp %select_n3A_413 : vector<16xf32>
      %swap3A_415 = arith.constant 0 : index
      %swap3A_416 = tpu.vector_load %arg12[%swap3A_415] {strides = array<i32>} : memref<80xf32, #tpu.memory_space<vmem>>, vector<16xf32>,
      tpu.vector_store %arg12[%swap3A_415], %exp3A_414 {strides = array<i32>} : memref<80xf32, #tpu.memory_space<vmem>>, vector<16xf32>,
      %get3A_417 = arith.constant 16 : index
      %get3A_418 = tpu.vector_load %arg13[%get3A_417] {strides = array<i32>} : memref<80xf32, #tpu.memory_space<vmem>>, vector<16xf32>,
      %get3A_419 = arith.constant 16 : index
      %get3A_420 = tpu.vector_load %arg14[%get3A_419] {strides = array<i32>} : memref<80xf32, #tpu.memory_space<vmem>>, vector<16xf32>,
      %add3A_421 = arith.addf %get3A_418, %get3A_420 : vector<16xf32>
      %gt3A_422 = arith.constant 0.000000e+00 : f32
      %gt3A_423 = vector.broadcast %gt3A_422 : f32 to vector<16xf32>
      %gt3A_424 = arith.cmpf ogt, %add3A_421, %gt3A_423 : vector<16xf32>
      %mul3A_425 = arith.constant 2.000000e-01 : f32
      %mul3A_426 = vector.broadcast %mul3A_425 : f32 to vector<16xf32>
      %mul3A_427 = arith.mulf %mul3A_426, %add3A_421 : vector<16xf32>
      %select_n3A_428 = arith.select %gt3A_424, %add3A_421, %mul3A_427 : vector<16xi1>, vector<16xf32>
      %exp3A_429 = math.exp %select_n3A_428 : vector<16xf32>
      %swap3A_430 = arith.constant 16 : index
      %swap3A_431 = tpu.vector_load %arg12[%swap3A_430] {strides = array<i32>} : memref<80xf32, #tpu.memory_space<vmem>>, vector<16xf32>,
      tpu.vector_store %arg12[%swap3A_430], %exp3A_429 {strides = array<i32>} : memref<80xf32, #tpu.memory_space<vmem>>, vector<16xf32>,
      %get3A_432 = arith.constant 32 : index
      %get3A_433 = tpu.vector_load %arg13[%get3A_432] {strides = array<i32>} : memref<80xf32, #tpu.memory_space<vmem>>, vector<16xf32>,
      %get3A_434 = arith.constant 32 : index
      %get3A_435 = tpu.vector_load %arg14[%get3A_434] {strides = array<i32>} : memref<80xf32, #tpu.memory_space<vmem>>, vector<16xf32>,
      %add3A_436 = arith.addf %get3A_433, %get3A_435 : vector<16xf32>
      %gt3A_437 = arith.constant 0.000000e+00 : f32
      %gt3A_438 = vector.broadcast %gt3A_437 : f32 to vector<16xf32>
      %gt3A_439 = arith.cmpf ogt, %add3A_436, %gt3A_438 : vector<16xf32>
      %mul3A_440 = arith.constant 2.000000e-01 : f32
      %mul3A_441 = vector.broadcast %mul3A_440 : f32 to vector<16xf32>
      %mul3A_442 = arith.mulf %mul3A_441, %add3A_436 : vector<16xf32>
      %select_n3A_443 = arith.select %gt3A_439, %add3A_436, %mul3A_442 : vector<16xi1>, vector<16xf32>
      %exp3A_444 = math.exp %select_n3A_443 : vector<16xf32>
      %swap3A_445 = arith.constant 32 : index
      %swap3A_446 = tpu.vector_load %arg12[%swap3A_445] {strides = array<i32>} : memref<80xf32, #tpu.memory_space<vmem>>, vector<16xf32>,
      tpu.vector_store %arg12[%swap3A_445], %exp3A_444 {strides = array<i32>} : memref<80xf32, #tpu.memory_space<vmem>>, vector<16xf32>,
      %get3A_447 = arith.constant 48 : index
      %get3A_448 = tpu.vector_load %arg13[%get3A_447] {strides = array<i32>} : memref<80xf32, #tpu.memory_space<vmem>>, vector<16xf32>,
      %get3A_449 = arith.constant 48 : index
      %get3A_450 = tpu.vector_load %arg14[%get3A_449] {strides = array<i32>} : memref<80xf32, #tpu.memory_space<vmem>>, vector<16xf32>,
      %add3A_451 = arith.addf %get3A_448, %get3A_450 : vector<16xf32>
      %gt3A_452 = arith.constant 0.000000e+00 : f32
      %gt3A_453 = vector.broadcast %gt3A_452 : f32 to vector<16xf32>
      %gt3A_454 = arith.cmpf ogt, %add3A_451, %gt3A_453 : vector<16xf32>
      %mul3A_455 = arith.constant 2.000000e-01 : f32
      %mul3A_456 = vector.broadcast %mul3A_455 : f32 to vector<16xf32>
      %mul3A_457 = arith.mulf %mul3A_456, %add3A_451 : vector<16xf32>
      %select_n3A_458 = arith.select %gt3A_454, %add3A_451, %mul3A_457 : vector<16xi1>, vector<16xf32>
      %exp3A_459 = math.exp %select_n3A_458 : vector<16xf32>
      %swap3A_460 = arith.constant 48 : index
      %swap3A_461 = tpu.vector_load %arg12[%swap3A_460] {strides = array<i32>} : memref<80xf32, #tpu.memory_space<vmem>>, vector<16xf32>,
      tpu.vector_store %arg12[%swap3A_460], %exp3A_459 {strides = array<i32>} : memref<80xf32, #tpu.memory_space<vmem>>, vector<16xf32>,
      %get3A_462 = arith.constant 64 : index
      %get3A_463 = tpu.vector_load %arg13[%get3A_462] {strides = array<i32>} : memref<80xf32, #tpu.memory_space<vmem>>, vector<16xf32>,
      %get3A_464 = arith.constant 64 : index
      %get3A_465 = tpu.vector_load %arg14[%get3A_464] {strides = array<i32>} : memref<80xf32, #tpu.memory_space<vmem>>, vector<16xf32>,
      %add3A_466 = arith.addf %get3A_463, %get3A_465 : vector<16xf32>
      %gt3A_467 = arith.constant 0.000000e+00 : f32
      %gt3A_468 = vector.broadcast %gt3A_467 : f32 to vector<16xf32>
      %gt3A_469 = arith.cmpf ogt, %add3A_466, %gt3A_468 : vector<16xf32>
      %mul3A_470 = arith.constant 2.000000e-01 : f32
      %mul3A_471 = vector.broadcast %mul3A_470 : f32 to vector<16xf32>
      %mul3A_472 = arith.mulf %mul3A_471, %add3A_466 : vector<16xf32>
      %select_n3A_473 = arith.select %gt3A_469, %add3A_466, %mul3A_472 : vector<16xi1>, vector<16xf32>
      %exp3A_474 = math.exp %select_n3A_473 : vector<16xf32>
      %swap3A_475 = arith.constant 64 : index
      %swap3A_476 = tpu.vector_load %arg12[%swap3A_475] {strides = array<i32>} : memref<80xf32, #tpu.memory_space<vmem>>, vector<16xf32>,
      tpu.vector_store %arg12[%swap3A_475], %exp3A_474 {strides = array<i32>} : memref<80xf32, #tpu.memory_space<vmem>>, vector<16xf32>,
      %scan3A_477 = arith.constant 0 : i32
      %scan3A_478 = arith.constant 0 : i32
      %scan3A_479 = arith.constant 20 : i32
      %scan3A_480 = arith.addi %scan3A_478, %scan3A_479 : i32
      %scan3A_481 = arith.constant 1 : i32
      %scan3A_482 = scf.for %scan3A_936 = %scan3A_478 to %scan3A_480 step %scan3A_481 iter_args(%scan3A_937 = %scan3A_477) -> (i32)  : i32 {
        %mul3A_938 = arith.constant 4 : i32
        %mul3A_939 = arith.muli %mul3A_938, %scan3A_936 : i32
        %add3A_940 = arith.constant 0 : i32
        %add3A_941 = arith.addi %mul3A_939, %add3A_940 : i32
        %broadcast_in_dim3A_942 = vector.broadcast %add3A_941 : i32 to vector<16xi32>
        %gather3A = tpu.vector_load_idx %arg12[%broadcast_in_dim3A_942] : memref<80xf32, #tpu.memory_space<vmem>>[vector<16xi32>], vector<16xf32>,
        %get3A_943 = arith.index_cast %add3A_941 : i32 to index
        %get3A_944 = arith.constant 0 : index
        %get3A_945 = tpu.vector_load %arg11[%get3A_943, %get3A_944] {strides = array<i32>} : memref<80x128xf32, #tpu.memory_space<vmem>>, vector<16xf32>,
        %mul3A_946 = arith.mulf %get3A_945, %gather3A : vector<16xf32>
        %swap3A_947 = arith.index_cast %add3A_941 : i32 to index
        %swap3A_948 = arith.constant 0 : index
        %swap3A_949 = tpu.vector_load %arg11[%swap3A_947, %swap3A_948] {strides = array<i32>} : memref<80x128xf32, #tpu.memory_space<vmem>>, vector<16xf32>,
        tpu.vector_store %arg11[%swap3A_947, %swap3A_948], %mul3A_946 {strides = array<i32>} : memref<80x128xf32, #tpu.memory_space<vmem>>, vector<16xf32>,
        %get3A_950 = arith.index_cast %add3A_941 : i32 to index
        %get3A_951 = arith.constant 16 : index
        %get3A_952 = tpu.vector_load %arg11[%get3A_950, %get3A_951] {strides = array<i32>} : memref<80x128xf32, #tpu.memory_space<vmem>>, vector<16xf32>,
        %mul3A_953 = arith.mulf %get3A_952, %gather3A : vector<16xf32>
        %swap3A_954 = arith.index_cast %add3A_941 : i32 to index
        %swap3A_955 = arith.constant 16 : index
        %swap3A_956 = tpu.vector_load %arg11[%swap3A_954, %swap3A_955] {strides = array<i32>} : memref<80x128xf32, #tpu.memory_space<vmem>>, vector<16xf32>,
        tpu.vector_store %arg11[%swap3A_954, %swap3A_955], %mul3A_953 {strides = array<i32>} : memref<80x128xf32, #tpu.memory_space<vmem>>, vector<16xf32>,
        %get3A_957 = arith.index_cast %add3A_941 : i32 to index
        %get3A_958 = arith.constant 32 : index
        %get3A_959 = tpu.vector_load %arg11[%get3A_957, %get3A_958] {strides = array<i32>} : memref<80x128xf32, #tpu.memory_space<vmem>>, vector<16xf32>,
        %mul3A_960 = arith.mulf %get3A_959, %gather3A : vector<16xf32>
        %swap3A_961 = arith.index_cast %add3A_941 : i32 to index
        %swap3A_962 = arith.constant 32 : index
        %swap3A_963 = tpu.vector_load %arg11[%swap3A_961, %swap3A_962] {strides = array<i32>} : memref<80x128xf32, #tpu.memory_space<vmem>>, vector<16xf32>,
        tpu.vector_store %arg11[%swap3A_961, %swap3A_962], %mul3A_960 {strides = array<i32>} : memref<80x128xf32, #tpu.memory_space<vmem>>, vector<16xf32>,
        %get3A_964 = arith.index_cast %add3A_941 : i32 to index
        %get3A_965 = arith.constant 48 : index
        %get3A_966 = tpu.vector_load %arg11[%get3A_964, %get3A_965] {strides = array<i32>} : memref<80x128xf32, #tpu.memory_space<vmem>>, vector<16xf32>,
        %mul3A_967 = arith.mulf %get3A_966, %gather3A : vector<16xf32>
        %swap3A_968 = arith.index_cast %add3A_941 : i32 to index
        %swap3A_969 = arith.constant 48 : index
        %swap3A_970 = tpu.vector_load %arg11[%swap3A_968, %swap3A_969] {strides = array<i32>} : memref<80x128xf32, #tpu.memory_space<vmem>>, vector<16xf32>,
        tpu.vector_store %arg11[%swap3A_968, %swap3A_969], %mul3A_967 {strides = array<i32>} : memref<80x128xf32, #tpu.memory_space<vmem>>, vector<16xf32>,
        %get3A_971 = arith.index_cast %add3A_941 : i32 to index
        %get3A_972 = arith.constant 64 : index
        %get3A_973 = tpu.vector_load %arg11[%get3A_971, %get3A_972] {strides = array<i32>} : memref<80x128xf32, #tpu.memory_space<vmem>>, vector<16xf32>,
        %mul3A_974 = arith.mulf %get3A_973, %gather3A : vector<16xf32>
        %swap3A_975 = arith.index_cast %add3A_941 : i32 to index
        %swap3A_976 = arith.constant 64 : index
        %swap3A_977 = tpu.vector_load %arg11[%swap3A_975, %swap3A_976] {strides = array<i32>} : memref<80x128xf32, #tpu.memory_space<vmem>>, vector<16xf32>,
        tpu.vector_store %arg11[%swap3A_975, %swap3A_976], %mul3A_974 {strides = array<i32>} : memref<80x128xf32, #tpu.memory_space<vmem>>, vector<16xf32>,
        %get3A_978 = arith.index_cast %add3A_941 : i32 to index
        %get3A_979 = arith.constant 80 : index
        %get3A_980 = tpu.vector_load %arg11[%get3A_978, %get3A_979] {strides = array<i32>} : memref<80x128xf32, #tpu.memory_space<vmem>>, vector<16xf32>,
        %mul3A_981 = arith.mulf %get3A_980, %gather3A : vector<16xf32>
        %swap3A_982 = arith.index_cast %add3A_941 : i32 to index
        %swap3A_983 = arith.constant 80 : index
        %swap3A_984 = tpu.vector_load %arg11[%swap3A_982, %swap3A_983] {strides = array<i32>} : memref<80x128xf32, #tpu.memory_space<vmem>>, vector<16xf32>,
        tpu.vector_store %arg11[%swap3A_982, %swap3A_983], %mul3A_981 {strides = array<i32>} : memref<80x128xf32, #tpu.memory_space<vmem>>, vector<16xf32>,
        %get3A_985 = arith.index_cast %add3A_941 : i32 to index
        %get3A_986 = arith.constant 96 : index
        %get3A_987 = tpu.vector_load %arg11[%get3A_985, %get3A_986] {strides = array<i32>} : memref<80x128xf32, #tpu.memory_space<vmem>>, vector<16xf32>,
        %mul3A_988 = arith.mulf %get3A_987, %gather3A : vector<16xf32>
        %swap3A_989 = arith.index_cast %add3A_941 : i32 to index
        %swap3A_990 = arith.constant 96 : index
        %swap3A_991 = tpu.vector_load %arg11[%swap3A_989, %swap3A_990] {strides = array<i32>} : memref<80x128xf32, #tpu.memory_space<vmem>>, vector<16xf32>,
        tpu.vector_store %arg11[%swap3A_989, %swap3A_990], %mul3A_988 {strides = array<i32>} : memref<80x128xf32, #tpu.memory_space<vmem>>, vector<16xf32>,
        %get3A_992 = arith.index_cast %add3A_941 : i32 to index
        %get3A_993 = arith.constant 112 : index
        %get3A_994 = tpu.vector_load %arg11[%get3A_992, %get3A_993] {strides = array<i32>} : memref<80x128xf32, #tpu.memory_space<vmem>>, vector<16xf32>,
        %mul3A_995 = arith.mulf %get3A_994, %gather3A : vector<16xf32>
        %swap3A_996 = arith.index_cast %add3A_941 : i32 to index
        %swap3A_997 = arith.constant 112 : index
        %swap3A_998 = tpu.vector_load %arg11[%swap3A_996, %swap3A_997] {strides = array<i32>} : memref<80x128xf32, #tpu.memory_space<vmem>>, vector<16xf32>,
        tpu.vector_store %arg11[%swap3A_996, %swap3A_997], %mul3A_995 {strides = array<i32>} : memref<80x128xf32, #tpu.memory_space<vmem>>, vector<16xf32>,
        %mul3A_999 = arith.constant 4 : i32
        %mul3A_1000 = arith.muli %mul3A_999, %scan3A_936 : i32
        %add3A_1001 = arith.constant 1 : i32
        %add3A_1002 = arith.addi %mul3A_1000, %add3A_1001 : i32
        %broadcast_in_dim3A_1003 = vector.broadcast %add3A_1002 : i32 to vector<16xi32>
        %gather3A_1004 = tpu.vector_load_idx %arg12[%broadcast_in_dim3A_1003] : memref<80xf32, #tpu.memory_space<vmem>>[vector<16xi32>], vector<16xf32>,
        %get3A_1005 = arith.index_cast %add3A_1002 : i32 to index
        %get3A_1006 = arith.constant 0 : index
        %get3A_1007 = tpu.vector_load %arg11[%get3A_1005, %get3A_1006] {strides = array<i32>} : memref<80x128xf32, #tpu.memory_space<vmem>>, vector<16xf32>,
        %mul3A_1008 = arith.mulf %get3A_1007, %gather3A_1004 : vector<16xf32>
        %swap3A_1009 = arith.index_cast %add3A_1002 : i32 to index
        %swap3A_1010 = arith.constant 0 : index
        %swap3A_1011 = tpu.vector_load %arg11[%swap3A_1009, %swap3A_1010] {strides = array<i32>} : memref<80x128xf32, #tpu.memory_space<vmem>>, vector<16xf32>,
        tpu.vector_store %arg11[%swap3A_1009, %swap3A_1010], %mul3A_1008 {strides = array<i32>} : memref<80x128xf32, #tpu.memory_space<vmem>>, vector<16xf32>,
        %get3A_1012 = arith.index_cast %add3A_1002 : i32 to index
        %get3A_1013 = arith.constant 16 : index
        %get3A_1014 = tpu.vector_load %arg11[%get3A_1012, %get3A_1013] {strides = array<i32>} : memref<80x128xf32, #tpu.memory_space<vmem>>, vector<16xf32>,
        %mul3A_1015 = arith.mulf %get3A_1014, %gather3A_1004 : vector<16xf32>
        %swap3A_1016 = arith.index_cast %add3A_1002 : i32 to index
        %swap3A_1017 = arith.constant 16 : index
        %swap3A_1018 = tpu.vector_load %arg11[%swap3A_1016, %swap3A_1017] {strides = array<i32>} : memref<80x128xf32, #tpu.memory_space<vmem>>, vector<16xf32>,
        tpu.vector_store %arg11[%swap3A_1016, %swap3A_1017], %mul3A_1015 {strides = array<i32>} : memref<80x128xf32, #tpu.memory_space<vmem>>, vector<16xf32>,
        %get3A_1019 = arith.index_cast %add3A_1002 : i32 to index
        %get3A_1020 = arith.constant 32 : index
        %get3A_1021 = tpu.vector_load %arg11[%get3A_1019, %get3A_1020] {strides = array<i32>} : memref<80x128xf32, #tpu.memory_space<vmem>>, vector<16xf32>,
        %mul3A_1022 = arith.mulf %get3A_1021, %gather3A_1004 : vector<16xf32>
        %swap3A_1023 = arith.index_cast %add3A_1002 : i32 to index
        %swap3A_1024 = arith.constant 32 : index
        %swap3A_1025 = tpu.vector_load %arg11[%swap3A_1023, %swap3A_1024] {strides = array<i32>} : memref<80x128xf32, #tpu.memory_space<vmem>>, vector<16xf32>,
        tpu.vector_store %arg11[%swap3A_1023, %swap3A_1024], %mul3A_1022 {strides = array<i32>} : memref<80x128xf32, #tpu.memory_space<vmem>>, vector<16xf32>,
        %get3A_1026 = arith.index_cast %add3A_1002 : i32 to index
        %get3A_1027 = arith.constant 48 : index
        %get3A_1028 = tpu.vector_load %arg11[%get3A_1026, %get3A_1027] {strides = array<i32>} : memref<80x128xf32, #tpu.memory_space<vmem>>, vector<16xf32>,
        %mul3A_1029 = arith.mulf %get3A_1028, %gather3A_1004 : vector<16xf32>
        %swap3A_1030 = arith.index_cast %add3A_1002 : i32 to index
        %swap3A_1031 = arith.constant 48 : index
        %swap3A_1032 = tpu.vector_load %arg11[%swap3A_1030, %swap3A_1031] {strides = array<i32>} : memref<80x128xf32, #tpu.memory_space<vmem>>, vector<16xf32>,
        tpu.vector_store %arg11[%swap3A_1030, %swap3A_1031], %mul3A_1029 {strides = array<i32>} : memref<80x128xf32, #tpu.memory_space<vmem>>, vector<16xf32>,
        %get3A_1033 = arith.index_cast %add3A_1002 : i32 to index
        %get3A_1034 = arith.constant 64 : index
        %get3A_1035 = tpu.vector_load %arg11[%get3A_1033, %get3A_1034] {strides = array<i32>} : memref<80x128xf32, #tpu.memory_space<vmem>>, vector<16xf32>,
        %mul3A_1036 = arith.mulf %get3A_1035, %gather3A_1004 : vector<16xf32>
        %swap3A_1037 = arith.index_cast %add3A_1002 : i32 to index
        %swap3A_1038 = arith.constant 64 : index
        %swap3A_1039 = tpu.vector_load %arg11[%swap3A_1037, %swap3A_1038] {strides = array<i32>} : memref<80x128xf32, #tpu.memory_space<vmem>>, vector<16xf32>,
        tpu.vector_store %arg11[%swap3A_1037, %swap3A_1038], %mul3A_1036 {strides = array<i32>} : memref<80x128xf32, #tpu.memory_space<vmem>>, vector<16xf32>,
        %get3A_1040 = arith.index_cast %add3A_1002 : i32 to index
        %get3A_1041 = arith.constant 80 : index
        %get3A_1042 = tpu.vector_load %arg11[%get3A_1040, %get3A_1041] {strides = array<i32>} : memref<80x128xf32, #tpu.memory_space<vmem>>, vector<16xf32>,
        %mul3A_1043 = arith.mulf %get3A_1042, %gather3A_1004 : vector<16xf32>
        %swap3A_1044 = arith.index_cast %add3A_1002 : i32 to index
        %swap3A_1045 = arith.constant 80 : index
        %swap3A_1046 = tpu.vector_load %arg11[%swap3A_1044, %swap3A_1045] {strides = array<i32>} : memref<80x128xf32, #tpu.memory_space<vmem>>, vector<16xf32>,
        tpu.vector_store %arg11[%swap3A_1044, %swap3A_1045], %mul3A_1043 {strides = array<i32>} : memref<80x128xf32, #tpu.memory_space<vmem>>, vector<16xf32>,
        %get3A_1047 = arith.index_cast %add3A_1002 : i32 to index
        %get3A_1048 = arith.constant 96 : index
        %get3A_1049 = tpu.vector_load %arg11[%get3A_1047, %get3A_1048] {strides = array<i32>} : memref<80x128xf32, #tpu.memory_space<vmem>>, vector<16xf32>,
        %mul3A_1050 = arith.mulf %get3A_1049, %gather3A_1004 : vector<16xf32>
        %swap3A_1051 = arith.index_cast %add3A_1002 : i32 to index
        %swap3A_1052 = arith.constant 96 : index
        %swap3A_1053 = tpu.vector_load %arg11[%swap3A_1051, %swap3A_1052] {strides = array<i32>} : memref<80x128xf32, #tpu.memory_space<vmem>>, vector<16xf32>,
        tpu.vector_store %arg11[%swap3A_1051, %swap3A_1052], %mul3A_1050 {strides = array<i32>} : memref<80x128xf32, #tpu.memory_space<vmem>>, vector<16xf32>,
        %get3A_1054 = arith.index_cast %add3A_1002 : i32 to index
        %get3A_1055 = arith.constant 112 : index
        %get3A_1056 = tpu.vector_load %arg11[%get3A_1054, %get3A_1055] {strides = array<i32>} : memref<80x128xf32, #tpu.memory_space<vmem>>, vector<16xf32>,
        %mul3A_1057 = arith.mulf %get3A_1056, %gather3A_1004 : vector<16xf32>
        %swap3A_1058 = arith.index_cast %add3A_1002 : i32 to index
        %swap3A_1059 = arith.constant 112 : index
        %swap3A_1060 = tpu.vector_load %arg11[%swap3A_1058, %swap3A_1059] {strides = array<i32>} : memref<80x128xf32, #tpu.memory_space<vmem>>, vector<16xf32>,
        tpu.vector_store %arg11[%swap3A_1058, %swap3A_1059], %mul3A_1057 {strides = array<i32>} : memref<80x128xf32, #tpu.memory_space<vmem>>, vector<16xf32>,
        %mul3A_1061 = arith.constant 4 : i32
        %mul3A_1062 = arith.muli %mul3A_1061, %scan3A_936 : i32
        %add3A_1063 = arith.constant 2 : i32
        %add3A_1064 = arith.addi %mul3A_1062, %add3A_1063 : i32
        %broadcast_in_dim3A_1065 = vector.broadcast %add3A_1064 : i32 to vector<16xi32>
        %gather3A_1066 = tpu.vector_load_idx %arg12[%broadcast_in_dim3A_1065] : memref<80xf32, #tpu.memory_space<vmem>>[vector<16xi32>], vector<16xf32>,
        %get3A_1067 = arith.index_cast %add3A_1064 : i32 to index
        %get3A_1068 = arith.constant 0 : index
        %get3A_1069 = tpu.vector_load %arg11[%get3A_1067, %get3A_1068] {strides = array<i32>} : memref<80x128xf32, #tpu.memory_space<vmem>>, vector<16xf32>,
        %mul3A_1070 = arith.mulf %get3A_1069, %gather3A_1066 : vector<16xf32>
        %swap3A_1071 = arith.index_cast %add3A_1064 : i32 to index
        %swap3A_1072 = arith.constant 0 : index
        %swap3A_1073 = tpu.vector_load %arg11[%swap3A_1071, %swap3A_1072] {strides = array<i32>} : memref<80x128xf32, #tpu.memory_space<vmem>>, vector<16xf32>,
        tpu.vector_store %arg11[%swap3A_1071, %swap3A_1072], %mul3A_1070 {strides = array<i32>} : memref<80x128xf32, #tpu.memory_space<vmem>>, vector<16xf32>,
        %get3A_1074 = arith.index_cast %add3A_1064 : i32 to index
        %get3A_1075 = arith.constant 16 : index
        %get3A_1076 = tpu.vector_load %arg11[%get3A_1074, %get3A_1075] {strides = array<i32>} : memref<80x128xf32, #tpu.memory_space<vmem>>, vector<16xf32>,
        %mul3A_1077 = arith.mulf %get3A_1076, %gather3A_1066 : vector<16xf32>
        %swap3A_1078 = arith.index_cast %add3A_1064 : i32 to index
        %swap3A_1079 = arith.constant 16 : index
        %swap3A_1080 = tpu.vector_load %arg11[%swap3A_1078, %swap3A_1079] {strides = array<i32>} : memref<80x128xf32, #tpu.memory_space<vmem>>, vector<16xf32>,
        tpu.vector_store %arg11[%swap3A_1078, %swap3A_1079], %mul3A_1077 {strides = array<i32>} : memref<80x128xf32, #tpu.memory_space<vmem>>, vector<16xf32>,
        %get3A_1081 = arith.index_cast %add3A_1064 : i32 to index
        %get3A_1082 = arith.constant 32 : index
        %get3A_1083 = tpu.vector_load %arg11[%get3A_1081, %get3A_1082] {strides = array<i32>} : memref<80x128xf32, #tpu.memory_space<vmem>>, vector<16xf32>,
        %mul3A_1084 = arith.mulf %get3A_1083, %gather3A_1066 : vector<16xf32>
        %swap3A_1085 = arith.index_cast %add3A_1064 : i32 to index
        %swap3A_1086 = arith.constant 32 : index
        %swap3A_1087 = tpu.vector_load %arg11[%swap3A_1085, %swap3A_1086] {strides = array<i32>} : memref<80x128xf32, #tpu.memory_space<vmem>>, vector<16xf32>,
        tpu.vector_store %arg11[%swap3A_1085, %swap3A_1086], %mul3A_1084 {strides = array<i32>} : memref<80x128xf32, #tpu.memory_space<vmem>>, vector<16xf32>,
        %get3A_1088 = arith.index_cast %add3A_1064 : i32 to index
        %get3A_1089 = arith.constant 48 : index
        %get3A_1090 = tpu.vector_load %arg11[%get3A_1088, %get3A_1089] {strides = array<i32>} : memref<80x128xf32, #tpu.memory_space<vmem>>, vector<16xf32>,
        %mul3A_1091 = arith.mulf %get3A_1090, %gather3A_1066 : vector<16xf32>
        %swap3A_1092 = arith.index_cast %add3A_1064 : i32 to index
        %swap3A_1093 = arith.constant 48 : index
        %swap3A_1094 = tpu.vector_load %arg11[%swap3A_1092, %swap3A_1093] {strides = array<i32>} : memref<80x128xf32, #tpu.memory_space<vmem>>, vector<16xf32>,
        tpu.vector_store %arg11[%swap3A_1092, %swap3A_1093], %mul3A_1091 {strides = array<i32>} : memref<80x128xf32, #tpu.memory_space<vmem>>, vector<16xf32>,
        %get3A_1095 = arith.index_cast %add3A_1064 : i32 to index
        %get3A_1096 = arith.constant 64 : index
        %get3A_1097 = tpu.vector_load %arg11[%get3A_1095, %get3A_1096] {strides = array<i32>} : memref<80x128xf32, #tpu.memory_space<vmem>>, vector<16xf32>,
        %mul3A_1098 = arith.mulf %get3A_1097, %gather3A_1066 : vector<16xf32>
        %swap3A_1099 = arith.index_cast %add3A_1064 : i32 to index
        %swap3A_1100 = arith.constant 64 : index
        %swap3A_1101 = tpu.vector_load %arg11[%swap3A_1099, %swap3A_1100] {strides = array<i32>} : memref<80x128xf32, #tpu.memory_space<vmem>>, vector<16xf32>,
        tpu.vector_store %arg11[%swap3A_1099, %swap3A_1100], %mul3A_1098 {strides = array<i32>} : memref<80x128xf32, #tpu.memory_space<vmem>>, vector<16xf32>,
        %get3A_1102 = arith.index_cast %add3A_1064 : i32 to index
        %get3A_1103 = arith.constant 80 : index
        %get3A_1104 = tpu.vector_load %arg11[%get3A_1102, %get3A_1103] {strides = array<i32>} : memref<80x128xf32, #tpu.memory_space<vmem>>, vector<16xf32>,
        %mul3A_1105 = arith.mulf %get3A_1104, %gather3A_1066 : vector<16xf32>
        %swap3A_1106 = arith.index_cast %add3A_1064 : i32 to index
        %swap3A_1107 = arith.constant 80 : index
        %swap3A_1108 = tpu.vector_load %arg11[%swap3A_1106, %swap3A_1107] {strides = array<i32>} : memref<80x128xf32, #tpu.memory_space<vmem>>, vector<16xf32>,
        tpu.vector_store %arg11[%swap3A_1106, %swap3A_1107], %mul3A_1105 {strides = array<i32>} : memref<80x128xf32, #tpu.memory_space<vmem>>, vector<16xf32>,
        %get3A_1109 = arith.index_cast %add3A_1064 : i32 to index
        %get3A_1110 = arith.constant 96 : index
        %get3A_1111 = tpu.vector_load %arg11[%get3A_1109, %get3A_1110] {strides = array<i32>} : memref<80x128xf32, #tpu.memory_space<vmem>>, vector<16xf32>,
        %mul3A_1112 = arith.mulf %get3A_1111, %gather3A_1066 : vector<16xf32>
        %swap3A_1113 = arith.index_cast %add3A_1064 : i32 to index
        %swap3A_1114 = arith.constant 96 : index
        %swap3A_1115 = tpu.vector_load %arg11[%swap3A_1113, %swap3A_1114] {strides = array<i32>} : memref<80x128xf32, #tpu.memory_space<vmem>>, vector<16xf32>,
        tpu.vector_store %arg11[%swap3A_1113, %swap3A_1114], %mul3A_1112 {strides = array<i32>} : memref<80x128xf32, #tpu.memory_space<vmem>>, vector<16xf32>,
        %get3A_1116 = arith.index_cast %add3A_1064 : i32 to index
        %get3A_1117 = arith.constant 112 : index
        %get3A_1118 = tpu.vector_load %arg11[%get3A_1116, %get3A_1117] {strides = array<i32>} : memref<80x128xf32, #tpu.memory_space<vmem>>, vector<16xf32>,
        %mul3A_1119 = arith.mulf %get3A_1118, %gather3A_1066 : vector<16xf32>
        %swap3A_1120 = arith.index_cast %add3A_1064 : i32 to index
        %swap3A_1121 = arith.constant 112 : index
        %swap3A_1122 = tpu.vector_load %arg11[%swap3A_1120, %swap3A_1121] {strides = array<i32>} : memref<80x128xf32, #tpu.memory_space<vmem>>, vector<16xf32>,
        tpu.vector_store %arg11[%swap3A_1120, %swap3A_1121], %mul3A_1119 {strides = array<i32>} : memref<80x128xf32, #tpu.memory_space<vmem>>, vector<16xf32>,
        %mul3A_1123 = arith.constant 4 : i32
        %mul3A_1124 = arith.muli %mul3A_1123, %scan3A_936 : i32
        %add3A_1125 = arith.constant 3 : i32
        %add3A_1126 = arith.addi %mul3A_1124, %add3A_1125 : i32
        %broadcast_in_dim3A_1127 = vector.broadcast %add3A_1126 : i32 to vector<16xi32>
        %gather3A_1128 = tpu.vector_load_idx %arg12[%broadcast_in_dim3A_1127] : memref<80xf32, #tpu.memory_space<vmem>>[vector<16xi32>], vector<16xf32>,
        %get3A_1129 = arith.index_cast %add3A_1126 : i32 to index
        %get3A_1130 = arith.constant 0 : index
        %get3A_1131 = tpu.vector_load %arg11[%get3A_1129, %get3A_1130] {strides = array<i32>} : memref<80x128xf32, #tpu.memory_space<vmem>>, vector<16xf32>,
        %mul3A_1132 = arith.mulf %get3A_1131, %gather3A_1128 : vector<16xf32>
        %swap3A_1133 = arith.index_cast %add3A_1126 : i32 to index
        %swap3A_1134 = arith.constant 0 : index
        %swap3A_1135 = tpu.vector_load %arg11[%swap3A_1133, %swap3A_1134] {strides = array<i32>} : memref<80x128xf32, #tpu.memory_space<vmem>>, vector<16xf32>,
        tpu.vector_store %arg11[%swap3A_1133, %swap3A_1134], %mul3A_1132 {strides = array<i32>} : memref<80x128xf32, #tpu.memory_space<vmem>>, vector<16xf32>,
        %get3A_1136 = arith.index_cast %add3A_1126 : i32 to index
        %get3A_1137 = arith.constant 16 : index
        %get3A_1138 = tpu.vector_load %arg11[%get3A_1136, %get3A_1137] {strides = array<i32>} : memref<80x128xf32, #tpu.memory_space<vmem>>, vector<16xf32>,
        %mul3A_1139 = arith.mulf %get3A_1138, %gather3A_1128 : vector<16xf32>
        %swap3A_1140 = arith.index_cast %add3A_1126 : i32 to index
        %swap3A_1141 = arith.constant 16 : index
        %swap3A_1142 = tpu.vector_load %arg11[%swap3A_1140, %swap3A_1141] {strides = array<i32>} : memref<80x128xf32, #tpu.memory_space<vmem>>, vector<16xf32>,
        tpu.vector_store %arg11[%swap3A_1140, %swap3A_1141], %mul3A_1139 {strides = array<i32>} : memref<80x128xf32, #tpu.memory_space<vmem>>, vector<16xf32>,
        %get3A_1143 = arith.index_cast %add3A_1126 : i32 to index
        %get3A_1144 = arith.constant 32 : index
        %get3A_1145 = tpu.vector_load %arg11[%get3A_1143, %get3A_1144] {strides = array<i32>} : memref<80x128xf32, #tpu.memory_space<vmem>>, vector<16xf32>,
        %mul3A_1146 = arith.mulf %get3A_1145, %gather3A_1128 : vector<16xf32>
        %swap3A_1147 = arith.index_cast %add3A_1126 : i32 to index
        %swap3A_1148 = arith.constant 32 : index
        %swap3A_1149 = tpu.vector_load %arg11[%swap3A_1147, %swap3A_1148] {strides = array<i32>} : memref<80x128xf32, #tpu.memory_space<vmem>>, vector<16xf32>,
        tpu.vector_store %arg11[%swap3A_1147, %swap3A_1148], %mul3A_1146 {strides = array<i32>} : memref<80x128xf32, #tpu.memory_space<vmem>>, vector<16xf32>,
        %get3A_1150 = arith.index_cast %add3A_1126 : i32 to index
        %get3A_1151 = arith.constant 48 : index
        %get3A_1152 = tpu.vector_load %arg11[%get3A_1150, %get3A_1151] {strides = array<i32>} : memref<80x128xf32, #tpu.memory_space<vmem>>, vector<16xf32>,
        %mul3A_1153 = arith.mulf %get3A_1152, %gather3A_1128 : vector<16xf32>
        %swap3A_1154 = arith.index_cast %add3A_1126 : i32 to index
        %swap3A_1155 = arith.constant 48 : index
        %swap3A_1156 = tpu.vector_load %arg11[%swap3A_1154, %swap3A_1155] {strides = array<i32>} : memref<80x128xf32, #tpu.memory_space<vmem>>, vector<16xf32>,
        tpu.vector_store %arg11[%swap3A_1154, %swap3A_1155], %mul3A_1153 {strides = array<i32>} : memref<80x128xf32, #tpu.memory_space<vmem>>, vector<16xf32>,
        %get3A_1157 = arith.index_cast %add3A_1126 : i32 to index
        %get3A_1158 = arith.constant 64 : index
        %get3A_1159 = tpu.vector_load %arg11[%get3A_1157, %get3A_1158] {strides = array<i32>} : memref<80x128xf32, #tpu.memory_space<vmem>>, vector<16xf32>,
        %mul3A_1160 = arith.mulf %get3A_1159, %gather3A_1128 : vector<16xf32>
        %swap3A_1161 = arith.index_cast %add3A_1126 : i32 to index
        %swap3A_1162 = arith.constant 64 : index
        %swap3A_1163 = tpu.vector_load %arg11[%swap3A_1161, %swap3A_1162] {strides = array<i32>} : memref<80x128xf32, #tpu.memory_space<vmem>>, vector<16xf32>,
        tpu.vector_store %arg11[%swap3A_1161, %swap3A_1162], %mul3A_1160 {strides = array<i32>} : memref<80x128xf32, #tpu.memory_space<vmem>>, vector<16xf32>,
        %get3A_1164 = arith.index_cast %add3A_1126 : i32 to index
        %get3A_1165 = arith.constant 80 : index
        %get3A_1166 = tpu.vector_load %arg11[%get3A_1164, %get3A_1165] {strides = array<i32>} : memref<80x128xf32, #tpu.memory_space<vmem>>, vector<16xf32>,
        %mul3A_1167 = arith.mulf %get3A_1166, %gather3A_1128 : vector<16xf32>
        %swap3A_1168 = arith.index_cast %add3A_1126 : i32 to index
        %swap3A_1169 = arith.constant 80 : index
        %swap3A_1170 = tpu.vector_load %arg11[%swap3A_1168, %swap3A_1169] {strides = array<i32>} : memref<80x128xf32, #tpu.memory_space<vmem>>, vector<16xf32>,
        tpu.vector_store %arg11[%swap3A_1168, %swap3A_1169], %mul3A_1167 {strides = array<i32>} : memref<80x128xf32, #tpu.memory_space<vmem>>, vector<16xf32>,
        %get3A_1171 = arith.index_cast %add3A_1126 : i32 to index
        %get3A_1172 = arith.constant 96 : index
        %get3A_1173 = tpu.vector_load %arg11[%get3A_1171, %get3A_1172] {strides = array<i32>} : memref<80x128xf32, #tpu.memory_space<vmem>>, vector<16xf32>,
        %mul3A_1174 = arith.mulf %get3A_1173, %gather3A_1128 : vector<16xf32>
        %swap3A_1175 = arith.index_cast %add3A_1126 : i32 to index
        %swap3A_1176 = arith.constant 96 : index
        %swap3A_1177 = tpu.vector_load %arg11[%swap3A_1175, %swap3A_1176] {strides = array<i32>} : memref<80x128xf32, #tpu.memory_space<vmem>>, vector<16xf32>,
        tpu.vector_store %arg11[%swap3A_1175, %swap3A_1176], %mul3A_1174 {strides = array<i32>} : memref<80x128xf32, #tpu.memory_space<vmem>>, vector<16xf32>,
        %get3A_1178 = arith.index_cast %add3A_1126 : i32 to index
        %get3A_1179 = arith.constant 112 : index
        %get3A_1180 = tpu.vector_load %arg11[%get3A_1178, %get3A_1179] {strides = array<i32>} : memref<80x128xf32, #tpu.memory_space<vmem>>, vector<16xf32>,
        %mul3A_1181 = arith.mulf %get3A_1180, %gather3A_1128 : vector<16xf32>
        %swap3A_1182 = arith.index_cast %add3A_1126 : i32 to index
        %swap3A_1183 = arith.constant 112 : index
        %swap3A_1184 = tpu.vector_load %arg11[%swap3A_1182, %swap3A_1183] {strides = array<i32>} : memref<80x128xf32, #tpu.memory_space<vmem>>, vector<16xf32>,
        tpu.vector_store %arg11[%swap3A_1182, %swap3A_1183], %mul3A_1181 {strides = array<i32>} : memref<80x128xf32, #tpu.memory_space<vmem>>, vector<16xf32>,
        %scan3A_1185 = arith.constant 0 : i32
        scf.yield %scan3A_1185 : i32
      }
      %scan3A_483 = arith.constant 20 : i32
      %dma_start3A_484 = arith.constant 0 : i32
      %dma_start3A_485 = arith.constant 0 : i32
      %dma_start3A_486 = tpu.memref_slice %arg28[%dma_start3A_484, %dma_start3A_485] : memref<10000x128xf32, #tpu.memory_space<vmem_shared>> -> memref<10000x128xf32, #tpu.memory_space<vmem_shared>>
      tpu.enqueue_indirect_dma source(%arg11 : memref<80x128xf32, #tpu.memory_space<vmem>>) target(%dma_start3A_486 : memref<10000x128xf32, #tpu.memory_space<vmem_shared>>) offsets(%arg10 : memref<80xi32, #tpu.memory_space<vmem>>) semaphore(%arg33 : memref<!tpu.dma_semaphore, #tpu.memory_space<semaphore_mem>>) {add = true}
      %dma_start3A_487 = arith.constant 0 : i32
      %dma_start3A_488 = tpu.memref_slice %arg29[%dma_start3A_487] : memref<10000xf32, #tpu.memory_space<vmem_shared>> -> memref<10000xf32, #tpu.memory_space<vmem_shared>>
      tpu.enqueue_indirect_dma source(%arg12 : memref<80xf32, #tpu.memory_space<vmem>>) target(%dma_start3A_488 : memref<10000xf32, #tpu.memory_space<vmem_shared>>) offsets(%arg10 : memref<80xi32, #tpu.memory_space<vmem>>) semaphore(%arg33 : memref<!tpu.dma_semaphore, #tpu.memory_space<semaphore_mem>>) {add = true}
      %convert_element_type3A_489 = arith.extui %gt3A_394 : i1 to i32
      %cond3A_490 = arith.constant 0 : i32
      %cond3A_491 = arith.cmpi ne, %convert_element_type3A_489, %cond3A_490 : i32
      scf.if %cond3A_491 {
        %dma_wait3A_936 = arith.constant 0 : i32
        %dma_wait3A_937 = arith.constant 0 : i32
        %dma_wait3A_938 = tpu.memref_slice %arg28[%dma_wait3A_936, %dma_wait3A_937] : memref<10000x128xf32, #tpu.memory_space<vmem_shared>> -> memref<10000x128xf32, #tpu.memory_space<vmem_shared>>
        tpu.wait_indirect_dma semaphore(%arg35 : memref<!tpu.dma_semaphore, #tpu.memory_space<semaphore_mem>>) src(%arg23 : memref<80x128xf32, #tpu.memory_space<vmem>>) dst(%dma_wait3A_938 : memref<10000x128xf32, #tpu.memory_space<vmem_shared>>)
        %dma_wait3A_939 = arith.constant 0 : i32
        %dma_wait3A_940 = tpu.memref_slice %arg29[%dma_wait3A_939] : memref<10000xf32, #tpu.memory_space<vmem_shared>> -> memref<10000xf32, #tpu.memory_space<vmem_shared>>
        tpu.wait_indirect_dma semaphore(%arg35 : memref<!tpu.dma_semaphore, #tpu.memory_space<semaphore_mem>>) src(%arg24 : memref<80xf32, #tpu.memory_space<vmem>>) dst(%dma_wait3A_940 : memref<10000xf32, #tpu.memory_space<vmem_shared>>)
      } else {
      }
      %mul3A_492 = arith.constant 80 : i32
      %mul3A_493 = arith.muli %add3A_392, %mul3A_492 : i32
      %add3A_494 = arith.constant 0 : i32
      %add3A_495 = arith.addi %mul3A_493, %add3A_494 : i32
      %get3A_496 = arith.index_cast %add3A_495 : i32 to index
      %get3A_497 = tpu.vector_load %arg8[%get3A_496] {strides = array<i32>} : memref<10000xi32, #tpu.memory_space<vmem>>, vector<16xi32>,
      %and3A_498 = arith.constant 16383 : i32
      %and3A_499 = vector.broadcast %and3A_498 : i32 to vector<16xi32>
      %and3A_500 = arith.andi %get3A_497, %and3A_499 : vector<16xi32>
      %swap3A_501 = arith.constant 0 : index
      %swap3A_502 = tpu.vector_load %arg21[%swap3A_501] {strides = array<i32>} : memref<80xi32, #tpu.memory_space<vmem>>, vector<16xi32>,
      tpu.vector_store %arg21[%swap3A_501], %and3A_500 {strides = array<i32>} : memref<80xi32, #tpu.memory_space<vmem>>, vector<16xi32>,
      %shift_right_arithmetic3A_503 = arith.constant 14 : i32
      %shift_right_arithmetic3A_504 = vector.broadcast %shift_right_arithmetic3A_503 : i32 to vector<16xi32>
      %shift_right_arithmetic3A_505 = arith.shrsi %get3A_497, %shift_right_arithmetic3A_504 : vector<16xi32>
      %swap3A_506 = arith.constant 0 : index
      %swap3A_507 = tpu.vector_load %arg22[%swap3A_506] {strides = array<i32>} : memref<80xi32, #tpu.memory_space<vmem>>, vector<16xi32>,
      tpu.vector_store %arg22[%swap3A_506], %shift_right_arithmetic3A_505 {strides = array<i32>} : memref<80xi32, #tpu.memory_space<vmem>>, vector<16xi32>,
      %add3A_508 = arith.constant 16 : i32
      %add3A_509 = arith.addi %mul3A_493, %add3A_508 : i32
      %get3A_510 = arith.index_cast %add3A_509 : i32 to index
      %get3A_511 = tpu.vector_load %arg8[%get3A_510] {strides = array<i32>} : memref<10000xi32, #tpu.memory_space<vmem>>, vector<16xi32>,
      %and3A_512 = arith.constant 16383 : i32
      %and3A_513 = vector.broadcast %and3A_512 : i32 to vector<16xi32>
      %and3A_514 = arith.andi %get3A_511, %and3A_513 : vector<16xi32>
      %swap3A_515 = arith.constant 16 : index
      %swap3A_516 = tpu.vector_load %arg21[%swap3A_515] {strides = array<i32>} : memref<80xi32, #tpu.memory_space<vmem>>, vector<16xi32>,
      tpu.vector_store %arg21[%swap3A_515], %and3A_514 {strides = array<i32>} : memref<80xi32, #tpu.memory_space<vmem>>, vector<16xi32>,
      %shift_right_arithmetic3A_517 = arith.constant 14 : i32
      %shift_right_arithmetic3A_518 = vector.broadcast %shift_right_arithmetic3A_517 : i32 to vector<16xi32>
      %shift_right_arithmetic3A_519 = arith.shrsi %get3A_511, %shift_right_arithmetic3A_518 : vector<16xi32>
      %swap3A_520 = arith.constant 16 : index
      %swap3A_521 = tpu.vector_load %arg22[%swap3A_520] {strides = array<i32>} : memref<80xi32, #tpu.memory_space<vmem>>, vector<16xi32>,
      tpu.vector_store %arg22[%swap3A_520], %shift_right_arithmetic3A_519 {strides = array<i32>} : memref<80xi32, #tpu.memory_space<vmem>>, vector<16xi32>,
      %add3A_522 = arith.constant 32 : i32
      %add3A_523 = arith.addi %mul3A_493, %add3A_522 : i32
      %get3A_524 = arith.index_cast %add3A_523 : i32 to index
      %get3A_525 = tpu.vector_load %arg8[%get3A_524] {strides = array<i32>} : memref<10000xi32, #tpu.memory_space<vmem>>, vector<16xi32>,
      %and3A_526 = arith.constant 16383 : i32
      %and3A_527 = vector.broadcast %and3A_526 : i32 to vector<16xi32>
      %and3A_528 = arith.andi %get3A_525, %and3A_527 : vector<16xi32>
      %swap3A_529 = arith.constant 32 : index
      %swap3A_530 = tpu.vector_load %arg21[%swap3A_529] {strides = array<i32>} : memref<80xi32, #tpu.memory_space<vmem>>, vector<16xi32>,
      tpu.vector_store %arg21[%swap3A_529], %and3A_528 {strides = array<i32>} : memref<80xi32, #tpu.memory_space<vmem>>, vector<16xi32>,
      %shift_right_arithmetic3A_531 = arith.constant 14 : i32
      %shift_right_arithmetic3A_532 = vector.broadcast %shift_right_arithmetic3A_531 : i32 to vector<16xi32>
      %shift_right_arithmetic3A_533 = arith.shrsi %get3A_525, %shift_right_arithmetic3A_532 : vector<16xi32>
      %swap3A_534 = arith.constant 32 : index
      %swap3A_535 = tpu.vector_load %arg22[%swap3A_534] {strides = array<i32>} : memref<80xi32, #tpu.memory_space<vmem>>, vector<16xi32>,
      tpu.vector_store %arg22[%swap3A_534], %shift_right_arithmetic3A_533 {strides = array<i32>} : memref<80xi32, #tpu.memory_space<vmem>>, vector<16xi32>,
      %add3A_536 = arith.constant 48 : i32
      %add3A_537 = arith.addi %mul3A_493, %add3A_536 : i32
      %get3A_538 = arith.index_cast %add3A_537 : i32 to index
      %get3A_539 = tpu.vector_load %arg8[%get3A_538] {strides = array<i32>} : memref<10000xi32, #tpu.memory_space<vmem>>, vector<16xi32>,
      %and3A_540 = arith.constant 16383 : i32
      %and3A_541 = vector.broadcast %and3A_540 : i32 to vector<16xi32>
      %and3A_542 = arith.andi %get3A_539, %and3A_541 : vector<16xi32>
      %swap3A_543 = arith.constant 48 : index
      %swap3A_544 = tpu.vector_load %arg21[%swap3A_543] {strides = array<i32>} : memref<80xi32, #tpu.memory_space<vmem>>, vector<16xi32>,
      tpu.vector_store %arg21[%swap3A_543], %and3A_542 {strides = array<i32>} : memref<80xi32, #tpu.memory_space<vmem>>, vector<16xi32>,
      %shift_right_arithmetic3A_545 = arith.constant 14 : i32
      %shift_right_arithmetic3A_546 = vector.broadcast %shift_right_arithmetic3A_545 : i32 to vector<16xi32>
      %shift_right_arithmetic3A_547 = arith.shrsi %get3A_539, %shift_right_arithmetic3A_546 : vector<16xi32>
      %swap3A_548 = arith.constant 48 : index
      %swap3A_549 = tpu.vector_load %arg22[%swap3A_548] {strides = array<i32>} : memref<80xi32, #tpu.memory_space<vmem>>, vector<16xi32>,
      tpu.vector_store %arg22[%swap3A_548], %shift_right_arithmetic3A_547 {strides = array<i32>} : memref<80xi32, #tpu.memory_space<vmem>>, vector<16xi32>,
      %add3A_550 = arith.constant 64 : i32
      %add3A_551 = arith.addi %mul3A_493, %add3A_550 : i32
      %get3A_552 = arith.index_cast %add3A_551 : i32 to index
      %get3A_553 = tpu.vector_load %arg8[%get3A_552] {strides = array<i32>} : memref<10000xi32, #tpu.memory_space<vmem>>, vector<16xi32>,
      %and3A_554 = arith.constant 16383 : i32
      %and3A_555 = vector.broadcast %and3A_554 : i32 to vector<16xi32>
      %and3A_556 = arith.andi %get3A_553, %and3A_555 : vector<16xi32>
      %swap3A_557 = arith.constant 64 : index
      %swap3A_558 = tpu.vector_load %arg21[%swap3A_557] {strides = array<i32>} : memref<80xi32, #tpu.memory_space<vmem>>, vector<16xi32>,
      tpu.vector_store %arg21[%swap3A_557], %and3A_556 {strides = array<i32>} : memref<80xi32, #tpu.memory_space<vmem>>, vector<16xi32>,
      %shift_right_arithmetic3A_559 = arith.constant 14 : i32
      %shift_right_arithmetic3A_560 = vector.broadcast %shift_right_arithmetic3A_559 : i32 to vector<16xi32>
      %shift_right_arithmetic3A_561 = arith.shrsi %get3A_553, %shift_right_arithmetic3A_560 : vector<16xi32>
      %swap3A_562 = arith.constant 64 : index
      %swap3A_563 = tpu.vector_load %arg22[%swap3A_562] {strides = array<i32>} : memref<80xi32, #tpu.memory_space<vmem>>, vector<16xi32>,
      tpu.vector_store %arg22[%swap3A_562], %shift_right_arithmetic3A_561 {strides = array<i32>} : memref<80xi32, #tpu.memory_space<vmem>>, vector<16xi32>,
      %dma_start3A_564 = arith.constant 0 : i32
      %dma_start3A_565 = arith.constant 0 : i32
      %dma_start3A_566 = tpu.memref_slice %arg2[%dma_start3A_564, %dma_start3A_565] : memref<10000x128xf32, #tpu.memory_space<hbm>> -> memref<10000x128xf32, #tpu.memory_space<hbm>>
      tpu.enqueue_indirect_dma source(%dma_start3A_566 : memref<10000x128xf32, #tpu.memory_space<hbm>>) target(%arg23 : memref<80x128xf32, #tpu.memory_space<vmem>>) offsets(%arg21 : memref<80xi32, #tpu.memory_space<vmem>>) semaphore(%arg32 : memref<!tpu.dma_semaphore, #tpu.memory_space<semaphore_mem>>)
      %dma_start3A_567 = arith.constant 0 : i32
      %dma_start3A_568 = tpu.memref_slice %arg3[%dma_start3A_567] : memref<10000xf32, #tpu.memory_space<hbm>> -> memref<10000xf32, #tpu.memory_space<hbm>>
      tpu.enqueue_indirect_dma source(%dma_start3A_568 : memref<10000xf32, #tpu.memory_space<hbm>>) target(%arg25 : memref<80xf32, #tpu.memory_space<vmem>>) offsets(%arg21 : memref<80xi32, #tpu.memory_space<vmem>>) semaphore(%arg32 : memref<!tpu.dma_semaphore, #tpu.memory_space<semaphore_mem>>)
      %dma_start3A_569 = arith.constant 0 : i32
      %dma_start3A_570 = tpu.memref_slice %arg4[%dma_start3A_569] : memref<10000xf32, #tpu.memory_space<hbm>> -> memref<10000xf32, #tpu.memory_space<hbm>>
      tpu.enqueue_indirect_dma source(%dma_start3A_570 : memref<10000xf32, #tpu.memory_space<hbm>>) target(%arg26 : memref<80xf32, #tpu.memory_space<vmem>>) offsets(%arg22 : memref<80xi32, #tpu.memory_space<vmem>>) semaphore(%arg32 : memref<!tpu.dma_semaphore, #tpu.memory_space<semaphore_mem>>)
      %add3A_571 = arith.constant 1 : i32
      %add3A_572 = arith.addi %mul3A_390, %add3A_571 : i32
      %add3A_573 = arith.constant 3 : i32
      %add3A_574 = arith.addi %mul3A_390, %add3A_573 : i32
      %dma_wait3A_575 = arith.constant 0 : i32
      %dma_wait3A_576 = arith.constant 0 : i32
      %dma_wait3A_577 = tpu.memref_slice %arg2[%dma_wait3A_575, %dma_wait3A_576] : memref<10000x128xf32, #tpu.memory_space<hbm>> -> memref<10000x128xf32, #tpu.memory_space<hbm>>
      tpu.wait_indirect_dma semaphore(%arg31 : memref<!tpu.dma_semaphore, #tpu.memory_space<semaphore_mem>>) src(%dma_wait3A_577 : memref<10000x128xf32, #tpu.memory_space<hbm>>) dst(%arg17 : memref<80x128xf32, #tpu.memory_space<vmem>>)
      %dma_wait3A_578 = arith.constant 0 : i32
      %dma_wait3A_579 = tpu.memref_slice %arg3[%dma_wait3A_578] : memref<10000xf32, #tpu.memory_space<hbm>> -> memref<10000xf32, #tpu.memory_space<hbm>>
      tpu.wait_indirect_dma semaphore(%arg31 : memref<!tpu.dma_semaphore, #tpu.memory_space<semaphore_mem>>) src(%dma_wait3A_579 : memref<10000xf32, #tpu.memory_space<hbm>>) dst(%arg19 : memref<80xf32, #tpu.memory_space<vmem>>)
      %dma_wait3A_580 = arith.constant 0 : i32
      %dma_wait3A_581 = tpu.memref_slice %arg4[%dma_wait3A_580] : memref<10000xf32, #tpu.memory_space<hbm>> -> memref<10000xf32, #tpu.memory_space<hbm>>
      tpu.wait_indirect_dma semaphore(%arg31 : memref<!tpu.dma_semaphore, #tpu.memory_space<semaphore_mem>>) src(%dma_wait3A_581 : memref<10000xf32, #tpu.memory_space<hbm>>) dst(%arg20 : memref<80xf32, #tpu.memory_space<vmem>>)
      %get3A_582 = arith.constant 0 : index
      %get3A_583 = tpu.vector_load %arg19[%get3A_582] {strides = array<i32>} : memref<80xf32, #tpu.memory_space<vmem>>, vector<16xf32>,
      %get3A_584 = arith.constant 0 : index
      %get3A_585 = tpu.vector_load %arg20[%get3A_584] {strides = array<i32>} : memref<80xf32, #tpu.memory_space<vmem>>, vector<16xf32>,
      %add3A_586 = arith.addf %get3A_583, %get3A_585 : vector<16xf32>
      %gt3A_587 = arith.constant 0.000000e+00 : f32
      %gt3A_588 = vector.broadcast %gt3A_587 : f32 to vector<16xf32>
      %gt3A_589 = arith.cmpf ogt, %add3A_586, %gt3A_588 : vector<16xf32>
      %mul3A_590 = arith.constant 2.000000e-01 : f32
      %mul3A_591 = vector.broadcast %mul3A_590 : f32 to vector<16xf32>
      %mul3A_592 = arith.mulf %mul3A_591, %add3A_586 : vector<16xf32>
      %select_n3A_593 = arith.select %gt3A_589, %add3A_586, %mul3A_592 : vector<16xi1>, vector<16xf32>
      %exp3A_594 = math.exp %select_n3A_593 : vector<16xf32>
      %swap3A_595 = arith.constant 0 : index
      %swap3A_596 = tpu.vector_load %arg18[%swap3A_595] {strides = array<i32>} : memref<80xf32, #tpu.memory_space<vmem>>, vector<16xf32>,
      tpu.vector_store %arg18[%swap3A_595], %exp3A_594 {strides = array<i32>} : memref<80xf32, #tpu.memory_space<vmem>>, vector<16xf32>,
      %get3A_597 = arith.constant 16 : index
      %get3A_598 = tpu.vector_load %arg19[%get3A_597] {strides = array<i32>} : memref<80xf32, #tpu.memory_space<vmem>>, vector<16xf32>,
      %get3A_599 = arith.constant 16 : index
      %get3A_600 = tpu.vector_load %arg20[%get3A_599] {strides = array<i32>} : memref<80xf32, #tpu.memory_space<vmem>>, vector<16xf32>,
      %add3A_601 = arith.addf %get3A_598, %get3A_600 : vector<16xf32>
      %gt3A_602 = arith.constant 0.000000e+00 : f32
      %gt3A_603 = vector.broadcast %gt3A_602 : f32 to vector<16xf32>
      %gt3A_604 = arith.cmpf ogt, %add3A_601, %gt3A_603 : vector<16xf32>
      %mul3A_605 = arith.constant 2.000000e-01 : f32
      %mul3A_606 = vector.broadcast %mul3A_605 : f32 to vector<16xf32>
      %mul3A_607 = arith.mulf %mul3A_606, %add3A_601 : vector<16xf32>
      %select_n3A_608 = arith.select %gt3A_604, %add3A_601, %mul3A_607 : vector<16xi1>, vector<16xf32>
      %exp3A_609 = math.exp %select_n3A_608 : vector<16xf32>
      %swap3A_610 = arith.constant 16 : index
      %swap3A_611 = tpu.vector_load %arg18[%swap3A_610] {strides = array<i32>} : memref<80xf32, #tpu.memory_space<vmem>>, vector<16xf32>,
      tpu.vector_store %arg18[%swap3A_610], %exp3A_609 {strides = array<i32>} : memref<80xf32, #tpu.memory_space<vmem>>, vector<16xf32>,
      %get3A_612 = arith.constant 32 : index
      %get3A_613 = tpu.vector_load %arg19[%get3A_612] {strides = array<i32>} : memref<80xf32, #tpu.memory_space<vmem>>, vector<16xf32>,
      %get3A_614 = arith.constant 32 : index
      %get3A_615 = tpu.vector_load %arg20[%get3A_614] {strides = array<i32>} : memref<80xf32, #tpu.memory_space<vmem>>, vector<16xf32>,
      %add3A_616 = arith.addf %get3A_613, %get3A_615 : vector<16xf32>
      %gt3A_617 = arith.constant 0.000000e+00 : f32
      %gt3A_618 = vector.broadcast %gt3A_617 : f32 to vector<16xf32>
      %gt3A_619 = arith.cmpf ogt, %add3A_616, %gt3A_618 : vector<16xf32>
      %mul3A_620 = arith.constant 2.000000e-01 : f32
      %mul3A_621 = vector.broadcast %mul3A_620 : f32 to vector<16xf32>
      %mul3A_622 = arith.mulf %mul3A_621, %add3A_616 : vector<16xf32>
      %select_n3A_623 = arith.select %gt3A_619, %add3A_616, %mul3A_622 : vector<16xi1>, vector<16xf32>
      %exp3A_624 = math.exp %select_n3A_623 : vector<16xf32>
      %swap3A_625 = arith.constant 32 : index
      %swap3A_626 = tpu.vector_load %arg18[%swap3A_625] {strides = array<i32>} : memref<80xf32, #tpu.memory_space<vmem>>, vector<16xf32>,
      tpu.vector_store %arg18[%swap3A_625], %exp3A_624 {strides = array<i32>} : memref<80xf32, #tpu.memory_space<vmem>>, vector<16xf32>,
      %get3A_627 = arith.constant 48 : index
      %get3A_628 = tpu.vector_load %arg19[%get3A_627] {strides = array<i32>} : memref<80xf32, #tpu.memory_space<vmem>>, vector<16xf32>,
      %get3A_629 = arith.constant 48 : index
      %get3A_630 = tpu.vector_load %arg20[%get3A_629] {strides = array<i32>} : memref<80xf32, #tpu.memory_space<vmem>>, vector<16xf32>,
      %add3A_631 = arith.addf %get3A_628, %get3A_630 : vector<16xf32>
      %gt3A_632 = arith.constant 0.000000e+00 : f32
      %gt3A_633 = vector.broadcast %gt3A_632 : f32 to vector<16xf32>
      %gt3A_634 = arith.cmpf ogt, %add3A_631, %gt3A_633 : vector<16xf32>
      %mul3A_635 = arith.constant 2.000000e-01 : f32
      %mul3A_636 = vector.broadcast %mul3A_635 : f32 to vector<16xf32>
      %mul3A_637 = arith.mulf %mul3A_636, %add3A_631 : vector<16xf32>
      %select_n3A_638 = arith.select %gt3A_634, %add3A_631, %mul3A_637 : vector<16xi1>, vector<16xf32>
      %exp3A_639 = math.exp %select_n3A_638 : vector<16xf32>
      %swap3A_640 = arith.constant 48 : index
      %swap3A_641 = tpu.vector_load %arg18[%swap3A_640] {strides = array<i32>} : memref<80xf32, #tpu.memory_space<vmem>>, vector<16xf32>,
      tpu.vector_store %arg18[%swap3A_640], %exp3A_639 {strides = array<i32>} : memref<80xf32, #tpu.memory_space<vmem>>, vector<16xf32>,
      %get3A_642 = arith.constant 64 : index
      %get3A_643 = tpu.vector_load %arg19[%get3A_642] {strides = array<i32>} : memref<80xf32, #tpu.memory_space<vmem>>, vector<16xf32>,
      %get3A_644 = arith.constant 64 : index
      %get3A_645 = tpu.vector_load %arg20[%get3A_644] {strides = array<i32>} : memref<80xf32, #tpu.memory_space<vmem>>, vector<16xf32>,
      %add3A_646 = arith.addf %get3A_643, %get3A_645 : vector<16xf32>
      %gt3A_647 = arith.constant 0.000000e+00 : f32
      %gt3A_648 = vector.broadcast %gt3A_647 : f32 to vector<16xf32>
      %gt3A_649 = arith.cmpf ogt, %add3A_646, %gt3A_648 : vector<16xf32>
      %mul3A_650 = arith.constant 2.000000e-01 : f32
      %mul3A_651 = vector.broadcast %mul3A_650 : f32 to vector<16xf32>
      %mul3A_652 = arith.mulf %mul3A_651, %add3A_646 : vector<16xf32>
      %select_n3A_653 = arith.select %gt3A_649, %add3A_646, %mul3A_652 : vector<16xi1>, vector<16xf32>
      %exp3A_654 = math.exp %select_n3A_653 : vector<16xf32>
      %swap3A_655 = arith.constant 64 : index
      %swap3A_656 = tpu.vector_load %arg18[%swap3A_655] {strides = array<i32>} : memref<80xf32, #tpu.memory_space<vmem>>, vector<16xf32>,
      tpu.vector_store %arg18[%swap3A_655], %exp3A_654 {strides = array<i32>} : memref<80xf32, #tpu.memory_space<vmem>>, vector<16xf32>,
      %scan3A_657 = arith.constant 0 : i32
      %scan3A_658 = arith.constant 0 : i32
      %scan3A_659 = arith.constant 20 : i32
      %scan3A_660 = arith.addi %scan3A_658, %scan3A_659 : i32
      %scan3A_661 = arith.constant 1 : i32
      %scan3A_662 = scf.for %scan3A_936 = %scan3A_658 to %scan3A_660 step %scan3A_661 iter_args(%scan3A_937 = %scan3A_657) -> (i32)  : i32 {
        %mul3A_938 = arith.constant 4 : i32
        %mul3A_939 = arith.muli %mul3A_938, %scan3A_936 : i32
        %add3A_940 = arith.constant 0 : i32
        %add3A_941 = arith.addi %mul3A_939, %add3A_940 : i32
        %broadcast_in_dim3A_942 = vector.broadcast %add3A_941 : i32 to vector<16xi32>
        %gather3A = tpu.vector_load_idx %arg18[%broadcast_in_dim3A_942] : memref<80xf32, #tpu.memory_space<vmem>>[vector<16xi32>], vector<16xf32>,
        %get3A_943 = arith.index_cast %add3A_941 : i32 to index
        %get3A_944 = arith.constant 0 : index
        %get3A_945 = tpu.vector_load %arg17[%get3A_943, %get3A_944] {strides = array<i32>} : memref<80x128xf32, #tpu.memory_space<vmem>>, vector<16xf32>,
        %mul3A_946 = arith.mulf %get3A_945, %gather3A : vector<16xf32>
        %swap3A_947 = arith.index_cast %add3A_941 : i32 to index
        %swap3A_948 = arith.constant 0 : index
        %swap3A_949 = tpu.vector_load %arg17[%swap3A_947, %swap3A_948] {strides = array<i32>} : memref<80x128xf32, #tpu.memory_space<vmem>>, vector<16xf32>,
        tpu.vector_store %arg17[%swap3A_947, %swap3A_948], %mul3A_946 {strides = array<i32>} : memref<80x128xf32, #tpu.memory_space<vmem>>, vector<16xf32>,
        %get3A_950 = arith.index_cast %add3A_941 : i32 to index
        %get3A_951 = arith.constant 16 : index
        %get3A_952 = tpu.vector_load %arg17[%get3A_950, %get3A_951] {strides = array<i32>} : memref<80x128xf32, #tpu.memory_space<vmem>>, vector<16xf32>,
        %mul3A_953 = arith.mulf %get3A_952, %gather3A : vector<16xf32>
        %swap3A_954 = arith.index_cast %add3A_941 : i32 to index
        %swap3A_955 = arith.constant 16 : index
        %swap3A_956 = tpu.vector_load %arg17[%swap3A_954, %swap3A_955] {strides = array<i32>} : memref<80x128xf32, #tpu.memory_space<vmem>>, vector<16xf32>,
        tpu.vector_store %arg17[%swap3A_954, %swap3A_955], %mul3A_953 {strides = array<i32>} : memref<80x128xf32, #tpu.memory_space<vmem>>, vector<16xf32>,
        %get3A_957 = arith.index_cast %add3A_941 : i32 to index
        %get3A_958 = arith.constant 32 : index
        %get3A_959 = tpu.vector_load %arg17[%get3A_957, %get3A_958] {strides = array<i32>} : memref<80x128xf32, #tpu.memory_space<vmem>>, vector<16xf32>,
        %mul3A_960 = arith.mulf %get3A_959, %gather3A : vector<16xf32>
        %swap3A_961 = arith.index_cast %add3A_941 : i32 to index
        %swap3A_962 = arith.constant 32 : index
        %swap3A_963 = tpu.vector_load %arg17[%swap3A_961, %swap3A_962] {strides = array<i32>} : memref<80x128xf32, #tpu.memory_space<vmem>>, vector<16xf32>,
        tpu.vector_store %arg17[%swap3A_961, %swap3A_962], %mul3A_960 {strides = array<i32>} : memref<80x128xf32, #tpu.memory_space<vmem>>, vector<16xf32>,
        %get3A_964 = arith.index_cast %add3A_941 : i32 to index
        %get3A_965 = arith.constant 48 : index
        %get3A_966 = tpu.vector_load %arg17[%get3A_964, %get3A_965] {strides = array<i32>} : memref<80x128xf32, #tpu.memory_space<vmem>>, vector<16xf32>,
        %mul3A_967 = arith.mulf %get3A_966, %gather3A : vector<16xf32>
        %swap3A_968 = arith.index_cast %add3A_941 : i32 to index
        %swap3A_969 = arith.constant 48 : index
        %swap3A_970 = tpu.vector_load %arg17[%swap3A_968, %swap3A_969] {strides = array<i32>} : memref<80x128xf32, #tpu.memory_space<vmem>>, vector<16xf32>,
        tpu.vector_store %arg17[%swap3A_968, %swap3A_969], %mul3A_967 {strides = array<i32>} : memref<80x128xf32, #tpu.memory_space<vmem>>, vector<16xf32>,
        %get3A_971 = arith.index_cast %add3A_941 : i32 to index
        %get3A_972 = arith.constant 64 : index
        %get3A_973 = tpu.vector_load %arg17[%get3A_971, %get3A_972] {strides = array<i32>} : memref<80x128xf32, #tpu.memory_space<vmem>>, vector<16xf32>,
        %mul3A_974 = arith.mulf %get3A_973, %gather3A : vector<16xf32>
        %swap3A_975 = arith.index_cast %add3A_941 : i32 to index
        %swap3A_976 = arith.constant 64 : index
        %swap3A_977 = tpu.vector_load %arg17[%swap3A_975, %swap3A_976] {strides = array<i32>} : memref<80x128xf32, #tpu.memory_space<vmem>>, vector<16xf32>,
        tpu.vector_store %arg17[%swap3A_975, %swap3A_976], %mul3A_974 {strides = array<i32>} : memref<80x128xf32, #tpu.memory_space<vmem>>, vector<16xf32>,
        %get3A_978 = arith.index_cast %add3A_941 : i32 to index
        %get3A_979 = arith.constant 80 : index
        %get3A_980 = tpu.vector_load %arg17[%get3A_978, %get3A_979] {strides = array<i32>} : memref<80x128xf32, #tpu.memory_space<vmem>>, vector<16xf32>,
        %mul3A_981 = arith.mulf %get3A_980, %gather3A : vector<16xf32>
        %swap3A_982 = arith.index_cast %add3A_941 : i32 to index
        %swap3A_983 = arith.constant 80 : index
        %swap3A_984 = tpu.vector_load %arg17[%swap3A_982, %swap3A_983] {strides = array<i32>} : memref<80x128xf32, #tpu.memory_space<vmem>>, vector<16xf32>,
        tpu.vector_store %arg17[%swap3A_982, %swap3A_983], %mul3A_981 {strides = array<i32>} : memref<80x128xf32, #tpu.memory_space<vmem>>, vector<16xf32>,
        %get3A_985 = arith.index_cast %add3A_941 : i32 to index
        %get3A_986 = arith.constant 96 : index
        %get3A_987 = tpu.vector_load %arg17[%get3A_985, %get3A_986] {strides = array<i32>} : memref<80x128xf32, #tpu.memory_space<vmem>>, vector<16xf32>,
        %mul3A_988 = arith.mulf %get3A_987, %gather3A : vector<16xf32>
        %swap3A_989 = arith.index_cast %add3A_941 : i32 to index
        %swap3A_990 = arith.constant 96 : index
        %swap3A_991 = tpu.vector_load %arg17[%swap3A_989, %swap3A_990] {strides = array<i32>} : memref<80x128xf32, #tpu.memory_space<vmem>>, vector<16xf32>,
        tpu.vector_store %arg17[%swap3A_989, %swap3A_990], %mul3A_988 {strides = array<i32>} : memref<80x128xf32, #tpu.memory_space<vmem>>, vector<16xf32>,
        %get3A_992 = arith.index_cast %add3A_941 : i32 to index
        %get3A_993 = arith.constant 112 : index
        %get3A_994 = tpu.vector_load %arg17[%get3A_992, %get3A_993] {strides = array<i32>} : memref<80x128xf32, #tpu.memory_space<vmem>>, vector<16xf32>,
        %mul3A_995 = arith.mulf %get3A_994, %gather3A : vector<16xf32>
        %swap3A_996 = arith.index_cast %add3A_941 : i32 to index
        %swap3A_997 = arith.constant 112 : index
        %swap3A_998 = tpu.vector_load %arg17[%swap3A_996, %swap3A_997] {strides = array<i32>} : memref<80x128xf32, #tpu.memory_space<vmem>>, vector<16xf32>,
        tpu.vector_store %arg17[%swap3A_996, %swap3A_997], %mul3A_995 {strides = array<i32>} : memref<80x128xf32, #tpu.memory_space<vmem>>, vector<16xf32>,
        %mul3A_999 = arith.constant 4 : i32
        %mul3A_1000 = arith.muli %mul3A_999, %scan3A_936 : i32
        %add3A_1001 = arith.constant 1 : i32
        %add3A_1002 = arith.addi %mul3A_1000, %add3A_1001 : i32
        %broadcast_in_dim3A_1003 = vector.broadcast %add3A_1002 : i32 to vector<16xi32>
        %gather3A_1004 = tpu.vector_load_idx %arg18[%broadcast_in_dim3A_1003] : memref<80xf32, #tpu.memory_space<vmem>>[vector<16xi32>], vector<16xf32>,
        %get3A_1005 = arith.index_cast %add3A_1002 : i32 to index
        %get3A_1006 = arith.constant 0 : index
        %get3A_1007 = tpu.vector_load %arg17[%get3A_1005, %get3A_1006] {strides = array<i32>} : memref<80x128xf32, #tpu.memory_space<vmem>>, vector<16xf32>,
        %mul3A_1008 = arith.mulf %get3A_1007, %gather3A_1004 : vector<16xf32>
        %swap3A_1009 = arith.index_cast %add3A_1002 : i32 to index
        %swap3A_1010 = arith.constant 0 : index
        %swap3A_1011 = tpu.vector_load %arg17[%swap3A_1009, %swap3A_1010] {strides = array<i32>} : memref<80x128xf32, #tpu.memory_space<vmem>>, vector<16xf32>,
        tpu.vector_store %arg17[%swap3A_1009, %swap3A_1010], %mul3A_1008 {strides = array<i32>} : memref<80x128xf32, #tpu.memory_space<vmem>>, vector<16xf32>,
        %get3A_1012 = arith.index_cast %add3A_1002 : i32 to index
        %get3A_1013 = arith.constant 16 : index
        %get3A_1014 = tpu.vector_load %arg17[%get3A_1012, %get3A_1013] {strides = array<i32>} : memref<80x128xf32, #tpu.memory_space<vmem>>, vector<16xf32>,
        %mul3A_1015 = arith.mulf %get3A_1014, %gather3A_1004 : vector<16xf32>
        %swap3A_1016 = arith.index_cast %add3A_1002 : i32 to index
        %swap3A_1017 = arith.constant 16 : index
        %swap3A_1018 = tpu.vector_load %arg17[%swap3A_1016, %swap3A_1017] {strides = array<i32>} : memref<80x128xf32, #tpu.memory_space<vmem>>, vector<16xf32>,
        tpu.vector_store %arg17[%swap3A_1016, %swap3A_1017], %mul3A_1015 {strides = array<i32>} : memref<80x128xf32, #tpu.memory_space<vmem>>, vector<16xf32>,
        %get3A_1019 = arith.index_cast %add3A_1002 : i32 to index
        %get3A_1020 = arith.constant 32 : index
        %get3A_1021 = tpu.vector_load %arg17[%get3A_1019, %get3A_1020] {strides = array<i32>} : memref<80x128xf32, #tpu.memory_space<vmem>>, vector<16xf32>,
        %mul3A_1022 = arith.mulf %get3A_1021, %gather3A_1004 : vector<16xf32>
        %swap3A_1023 = arith.index_cast %add3A_1002 : i32 to index
        %swap3A_1024 = arith.constant 32 : index
        %swap3A_1025 = tpu.vector_load %arg17[%swap3A_1023, %swap3A_1024] {strides = array<i32>} : memref<80x128xf32, #tpu.memory_space<vmem>>, vector<16xf32>,
        tpu.vector_store %arg17[%swap3A_1023, %swap3A_1024], %mul3A_1022 {strides = array<i32>} : memref<80x128xf32, #tpu.memory_space<vmem>>, vector<16xf32>,
        %get3A_1026 = arith.index_cast %add3A_1002 : i32 to index
        %get3A_1027 = arith.constant 48 : index
        %get3A_1028 = tpu.vector_load %arg17[%get3A_1026, %get3A_1027] {strides = array<i32>} : memref<80x128xf32, #tpu.memory_space<vmem>>, vector<16xf32>,
        %mul3A_1029 = arith.mulf %get3A_1028, %gather3A_1004 : vector<16xf32>
        %swap3A_1030 = arith.index_cast %add3A_1002 : i32 to index
        %swap3A_1031 = arith.constant 48 : index
        %swap3A_1032 = tpu.vector_load %arg17[%swap3A_1030, %swap3A_1031] {strides = array<i32>} : memref<80x128xf32, #tpu.memory_space<vmem>>, vector<16xf32>,
        tpu.vector_store %arg17[%swap3A_1030, %swap3A_1031], %mul3A_1029 {strides = array<i32>} : memref<80x128xf32, #tpu.memory_space<vmem>>, vector<16xf32>,
        %get3A_1033 = arith.index_cast %add3A_1002 : i32 to index
        %get3A_1034 = arith.constant 64 : index
        %get3A_1035 = tpu.vector_load %arg17[%get3A_1033, %get3A_1034] {strides = array<i32>} : memref<80x128xf32, #tpu.memory_space<vmem>>, vector<16xf32>,
        %mul3A_1036 = arith.mulf %get3A_1035, %gather3A_1004 : vector<16xf32>
        %swap3A_1037 = arith.index_cast %add3A_1002 : i32 to index
        %swap3A_1038 = arith.constant 64 : index
        %swap3A_1039 = tpu.vector_load %arg17[%swap3A_1037, %swap3A_1038] {strides = array<i32>} : memref<80x128xf32, #tpu.memory_space<vmem>>, vector<16xf32>,
        tpu.vector_store %arg17[%swap3A_1037, %swap3A_1038], %mul3A_1036 {strides = array<i32>} : memref<80x128xf32, #tpu.memory_space<vmem>>, vector<16xf32>,
        %get3A_1040 = arith.index_cast %add3A_1002 : i32 to index
        %get3A_1041 = arith.constant 80 : index
        %get3A_1042 = tpu.vector_load %arg17[%get3A_1040, %get3A_1041] {strides = array<i32>} : memref<80x128xf32, #tpu.memory_space<vmem>>, vector<16xf32>,
        %mul3A_1043 = arith.mulf %get3A_1042, %gather3A_1004 : vector<16xf32>
        %swap3A_1044 = arith.index_cast %add3A_1002 : i32 to index
        %swap3A_1045 = arith.constant 80 : index
        %swap3A_1046 = tpu.vector_load %arg17[%swap3A_1044, %swap3A_1045] {strides = array<i32>} : memref<80x128xf32, #tpu.memory_space<vmem>>, vector<16xf32>,
        tpu.vector_store %arg17[%swap3A_1044, %swap3A_1045], %mul3A_1043 {strides = array<i32>} : memref<80x128xf32, #tpu.memory_space<vmem>>, vector<16xf32>,
        %get3A_1047 = arith.index_cast %add3A_1002 : i32 to index
        %get3A_1048 = arith.constant 96 : index
        %get3A_1049 = tpu.vector_load %arg17[%get3A_1047, %get3A_1048] {strides = array<i32>} : memref<80x128xf32, #tpu.memory_space<vmem>>, vector<16xf32>,
        %mul3A_1050 = arith.mulf %get3A_1049, %gather3A_1004 : vector<16xf32>
        %swap3A_1051 = arith.index_cast %add3A_1002 : i32 to index
        %swap3A_1052 = arith.constant 96 : index
        %swap3A_1053 = tpu.vector_load %arg17[%swap3A_1051, %swap3A_1052] {strides = array<i32>} : memref<80x128xf32, #tpu.memory_space<vmem>>, vector<16xf32>,
        tpu.vector_store %arg17[%swap3A_1051, %swap3A_1052], %mul3A_1050 {strides = array<i32>} : memref<80x128xf32, #tpu.memory_space<vmem>>, vector<16xf32>,
        %get3A_1054 = arith.index_cast %add3A_1002 : i32 to index
        %get3A_1055 = arith.constant 112 : index
        %get3A_1056 = tpu.vector_load %arg17[%get3A_1054, %get3A_1055] {strides = array<i32>} : memref<80x128xf32, #tpu.memory_space<vmem>>, vector<16xf32>,
        %mul3A_1057 = arith.mulf %get3A_1056, %gather3A_1004 : vector<16xf32>
        %swap3A_1058 = arith.index_cast %add3A_1002 : i32 to index
        %swap3A_1059 = arith.constant 112 : index
        %swap3A_1060 = tpu.vector_load %arg17[%swap3A_1058, %swap3A_1059] {strides = array<i32>} : memref<80x128xf32, #tpu.memory_space<vmem>>, vector<16xf32>,
        tpu.vector_store %arg17[%swap3A_1058, %swap3A_1059], %mul3A_1057 {strides = array<i32>} : memref<80x128xf32, #tpu.memory_space<vmem>>, vector<16xf32>,
        %mul3A_1061 = arith.constant 4 : i32
        %mul3A_1062 = arith.muli %mul3A_1061, %scan3A_936 : i32
        %add3A_1063 = arith.constant 2 : i32
        %add3A_1064 = arith.addi %mul3A_1062, %add3A_1063 : i32
        %broadcast_in_dim3A_1065 = vector.broadcast %add3A_1064 : i32 to vector<16xi32>
        %gather3A_1066 = tpu.vector_load_idx %arg18[%broadcast_in_dim3A_1065] : memref<80xf32, #tpu.memory_space<vmem>>[vector<16xi32>], vector<16xf32>,
        %get3A_1067 = arith.index_cast %add3A_1064 : i32 to index
        %get3A_1068 = arith.constant 0 : index
        %get3A_1069 = tpu.vector_load %arg17[%get3A_1067, %get3A_1068] {strides = array<i32>} : memref<80x128xf32, #tpu.memory_space<vmem>>, vector<16xf32>,
        %mul3A_1070 = arith.mulf %get3A_1069, %gather3A_1066 : vector<16xf32>
        %swap3A_1071 = arith.index_cast %add3A_1064 : i32 to index
        %swap3A_1072 = arith.constant 0 : index
        %swap3A_1073 = tpu.vector_load %arg17[%swap3A_1071, %swap3A_1072] {strides = array<i32>} : memref<80x128xf32, #tpu.memory_space<vmem>>, vector<16xf32>,
        tpu.vector_store %arg17[%swap3A_1071, %swap3A_1072], %mul3A_1070 {strides = array<i32>} : memref<80x128xf32, #tpu.memory_space<vmem>>, vector<16xf32>,
        %get3A_1074 = arith.index_cast %add3A_1064 : i32 to index
        %get3A_1075 = arith.constant 16 : index
        %get3A_1076 = tpu.vector_load %arg17[%get3A_1074, %get3A_1075] {strides = array<i32>} : memref<80x128xf32, #tpu.memory_space<vmem>>, vector<16xf32>,
        %mul3A_1077 = arith.mulf %get3A_1076, %gather3A_1066 : vector<16xf32>
        %swap3A_1078 = arith.index_cast %add3A_1064 : i32 to index
        %swap3A_1079 = arith.constant 16 : index
        %swap3A_1080 = tpu.vector_load %arg17[%swap3A_1078, %swap3A_1079] {strides = array<i32>} : memref<80x128xf32, #tpu.memory_space<vmem>>, vector<16xf32>,
        tpu.vector_store %arg17[%swap3A_1078, %swap3A_1079], %mul3A_1077 {strides = array<i32>} : memref<80x128xf32, #tpu.memory_space<vmem>>, vector<16xf32>,
        %get3A_1081 = arith.index_cast %add3A_1064 : i32 to index
        %get3A_1082 = arith.constant 32 : index
        %get3A_1083 = tpu.vector_load %arg17[%get3A_1081, %get3A_1082] {strides = array<i32>} : memref<80x128xf32, #tpu.memory_space<vmem>>, vector<16xf32>,
        %mul3A_1084 = arith.mulf %get3A_1083, %gather3A_1066 : vector<16xf32>
        %swap3A_1085 = arith.index_cast %add3A_1064 : i32 to index
        %swap3A_1086 = arith.constant 32 : index
        %swap3A_1087 = tpu.vector_load %arg17[%swap3A_1085, %swap3A_1086] {strides = array<i32>} : memref<80x128xf32, #tpu.memory_space<vmem>>, vector<16xf32>,
        tpu.vector_store %arg17[%swap3A_1085, %swap3A_1086], %mul3A_1084 {strides = array<i32>} : memref<80x128xf32, #tpu.memory_space<vmem>>, vector<16xf32>,
        %get3A_1088 = arith.index_cast %add3A_1064 : i32 to index
        %get3A_1089 = arith.constant 48 : index
        %get3A_1090 = tpu.vector_load %arg17[%get3A_1088, %get3A_1089] {strides = array<i32>} : memref<80x128xf32, #tpu.memory_space<vmem>>, vector<16xf32>,
        %mul3A_1091 = arith.mulf %get3A_1090, %gather3A_1066 : vector<16xf32>
        %swap3A_1092 = arith.index_cast %add3A_1064 : i32 to index
        %swap3A_1093 = arith.constant 48 : index
        %swap3A_1094 = tpu.vector_load %arg17[%swap3A_1092, %swap3A_1093] {strides = array<i32>} : memref<80x128xf32, #tpu.memory_space<vmem>>, vector<16xf32>,
        tpu.vector_store %arg17[%swap3A_1092, %swap3A_1093], %mul3A_1091 {strides = array<i32>} : memref<80x128xf32, #tpu.memory_space<vmem>>, vector<16xf32>,
        %get3A_1095 = arith.index_cast %add3A_1064 : i32 to index
        %get3A_1096 = arith.constant 64 : index
        %get3A_1097 = tpu.vector_load %arg17[%get3A_1095, %get3A_1096] {strides = array<i32>} : memref<80x128xf32, #tpu.memory_space<vmem>>, vector<16xf32>,
        %mul3A_1098 = arith.mulf %get3A_1097, %gather3A_1066 : vector<16xf32>
        %swap3A_1099 = arith.index_cast %add3A_1064 : i32 to index
        %swap3A_1100 = arith.constant 64 : index
        %swap3A_1101 = tpu.vector_load %arg17[%swap3A_1099, %swap3A_1100] {strides = array<i32>} : memref<80x128xf32, #tpu.memory_space<vmem>>, vector<16xf32>,
        tpu.vector_store %arg17[%swap3A_1099, %swap3A_1100], %mul3A_1098 {strides = array<i32>} : memref<80x128xf32, #tpu.memory_space<vmem>>, vector<16xf32>,
        %get3A_1102 = arith.index_cast %add3A_1064 : i32 to index
        %get3A_1103 = arith.constant 80 : index
        %get3A_1104 = tpu.vector_load %arg17[%get3A_1102, %get3A_1103] {strides = array<i32>} : memref<80x128xf32, #tpu.memory_space<vmem>>, vector<16xf32>,
        %mul3A_1105 = arith.mulf %get3A_1104, %gather3A_1066 : vector<16xf32>
        %swap3A_1106 = arith.index_cast %add3A_1064 : i32 to index
        %swap3A_1107 = arith.constant 80 : index
        %swap3A_1108 = tpu.vector_load %arg17[%swap3A_1106, %swap3A_1107] {strides = array<i32>} : memref<80x128xf32, #tpu.memory_space<vmem>>, vector<16xf32>,
        tpu.vector_store %arg17[%swap3A_1106, %swap3A_1107], %mul3A_1105 {strides = array<i32>} : memref<80x128xf32, #tpu.memory_space<vmem>>, vector<16xf32>,
        %get3A_1109 = arith.index_cast %add3A_1064 : i32 to index
        %get3A_1110 = arith.constant 96 : index
        %get3A_1111 = tpu.vector_load %arg17[%get3A_1109, %get3A_1110] {strides = array<i32>} : memref<80x128xf32, #tpu.memory_space<vmem>>, vector<16xf32>,
        %mul3A_1112 = arith.mulf %get3A_1111, %gather3A_1066 : vector<16xf32>
        %swap3A_1113 = arith.index_cast %add3A_1064 : i32 to index
        %swap3A_1114 = arith.constant 96 : index
        %swap3A_1115 = tpu.vector_load %arg17[%swap3A_1113, %swap3A_1114] {strides = array<i32>} : memref<80x128xf32, #tpu.memory_space<vmem>>, vector<16xf32>,
        tpu.vector_store %arg17[%swap3A_1113, %swap3A_1114], %mul3A_1112 {strides = array<i32>} : memref<80x128xf32, #tpu.memory_space<vmem>>, vector<16xf32>,
        %get3A_1116 = arith.index_cast %add3A_1064 : i32 to index
        %get3A_1117 = arith.constant 112 : index
        %get3A_1118 = tpu.vector_load %arg17[%get3A_1116, %get3A_1117] {strides = array<i32>} : memref<80x128xf32, #tpu.memory_space<vmem>>, vector<16xf32>,
        %mul3A_1119 = arith.mulf %get3A_1118, %gather3A_1066 : vector<16xf32>
        %swap3A_1120 = arith.index_cast %add3A_1064 : i32 to index
        %swap3A_1121 = arith.constant 112 : index
        %swap3A_1122 = tpu.vector_load %arg17[%swap3A_1120, %swap3A_1121] {strides = array<i32>} : memref<80x128xf32, #tpu.memory_space<vmem>>, vector<16xf32>,
        tpu.vector_store %arg17[%swap3A_1120, %swap3A_1121], %mul3A_1119 {strides = array<i32>} : memref<80x128xf32, #tpu.memory_space<vmem>>, vector<16xf32>,
        %mul3A_1123 = arith.constant 4 : i32
        %mul3A_1124 = arith.muli %mul3A_1123, %scan3A_936 : i32
        %add3A_1125 = arith.constant 3 : i32
        %add3A_1126 = arith.addi %mul3A_1124, %add3A_1125 : i32
        %broadcast_in_dim3A_1127 = vector.broadcast %add3A_1126 : i32 to vector<16xi32>
        %gather3A_1128 = tpu.vector_load_idx %arg18[%broadcast_in_dim3A_1127] : memref<80xf32, #tpu.memory_space<vmem>>[vector<16xi32>], vector<16xf32>,
        %get3A_1129 = arith.index_cast %add3A_1126 : i32 to index
        %get3A_1130 = arith.constant 0 : index
        %get3A_1131 = tpu.vector_load %arg17[%get3A_1129, %get3A_1130] {strides = array<i32>} : memref<80x128xf32, #tpu.memory_space<vmem>>, vector<16xf32>,
        %mul3A_1132 = arith.mulf %get3A_1131, %gather3A_1128 : vector<16xf32>
        %swap3A_1133 = arith.index_cast %add3A_1126 : i32 to index
        %swap3A_1134 = arith.constant 0 : index
        %swap3A_1135 = tpu.vector_load %arg17[%swap3A_1133, %swap3A_1134] {strides = array<i32>} : memref<80x128xf32, #tpu.memory_space<vmem>>, vector<16xf32>,
        tpu.vector_store %arg17[%swap3A_1133, %swap3A_1134], %mul3A_1132 {strides = array<i32>} : memref<80x128xf32, #tpu.memory_space<vmem>>, vector<16xf32>,
        %get3A_1136 = arith.index_cast %add3A_1126 : i32 to index
        %get3A_1137 = arith.constant 16 : index
        %get3A_1138 = tpu.vector_load %arg17[%get3A_1136, %get3A_1137] {strides = array<i32>} : memref<80x128xf32, #tpu.memory_space<vmem>>, vector<16xf32>,
        %mul3A_1139 = arith.mulf %get3A_1138, %gather3A_1128 : vector<16xf32>
        %swap3A_1140 = arith.index_cast %add3A_1126 : i32 to index
        %swap3A_1141 = arith.constant 16 : index
        %swap3A_1142 = tpu.vector_load %arg17[%swap3A_1140, %swap3A_1141] {strides = array<i32>} : memref<80x128xf32, #tpu.memory_space<vmem>>, vector<16xf32>,
        tpu.vector_store %arg17[%swap3A_1140, %swap3A_1141], %mul3A_1139 {strides = array<i32>} : memref<80x128xf32, #tpu.memory_space<vmem>>, vector<16xf32>,
        %get3A_1143 = arith.index_cast %add3A_1126 : i32 to index
        %get3A_1144 = arith.constant 32 : index
        %get3A_1145 = tpu.vector_load %arg17[%get3A_1143, %get3A_1144] {strides = array<i32>} : memref<80x128xf32, #tpu.memory_space<vmem>>, vector<16xf32>,
        %mul3A_1146 = arith.mulf %get3A_1145, %gather3A_1128 : vector<16xf32>
        %swap3A_1147 = arith.index_cast %add3A_1126 : i32 to index
        %swap3A_1148 = arith.constant 32 : index
        %swap3A_1149 = tpu.vector_load %arg17[%swap3A_1147, %swap3A_1148] {strides = array<i32>} : memref<80x128xf32, #tpu.memory_space<vmem>>, vector<16xf32>,
        tpu.vector_store %arg17[%swap3A_1147, %swap3A_1148], %mul3A_1146 {strides = array<i32>} : memref<80x128xf32, #tpu.memory_space<vmem>>, vector<16xf32>,
        %get3A_1150 = arith.index_cast %add3A_1126 : i32 to index
        %get3A_1151 = arith.constant 48 : index
        %get3A_1152 = tpu.vector_load %arg17[%get3A_1150, %get3A_1151] {strides = array<i32>} : memref<80x128xf32, #tpu.memory_space<vmem>>, vector<16xf32>,
        %mul3A_1153 = arith.mulf %get3A_1152, %gather3A_1128 : vector<16xf32>
        %swap3A_1154 = arith.index_cast %add3A_1126 : i32 to index
        %swap3A_1155 = arith.constant 48 : index
        %swap3A_1156 = tpu.vector_load %arg17[%swap3A_1154, %swap3A_1155] {strides = array<i32>} : memref<80x128xf32, #tpu.memory_space<vmem>>, vector<16xf32>,
        tpu.vector_store %arg17[%swap3A_1154, %swap3A_1155], %mul3A_1153 {strides = array<i32>} : memref<80x128xf32, #tpu.memory_space<vmem>>, vector<16xf32>,
        %get3A_1157 = arith.index_cast %add3A_1126 : i32 to index
        %get3A_1158 = arith.constant 64 : index
        %get3A_1159 = tpu.vector_load %arg17[%get3A_1157, %get3A_1158] {strides = array<i32>} : memref<80x128xf32, #tpu.memory_space<vmem>>, vector<16xf32>,
        %mul3A_1160 = arith.mulf %get3A_1159, %gather3A_1128 : vector<16xf32>
        %swap3A_1161 = arith.index_cast %add3A_1126 : i32 to index
        %swap3A_1162 = arith.constant 64 : index
        %swap3A_1163 = tpu.vector_load %arg17[%swap3A_1161, %swap3A_1162] {strides = array<i32>} : memref<80x128xf32, #tpu.memory_space<vmem>>, vector<16xf32>,
        tpu.vector_store %arg17[%swap3A_1161, %swap3A_1162], %mul3A_1160 {strides = array<i32>} : memref<80x128xf32, #tpu.memory_space<vmem>>, vector<16xf32>,
        %get3A_1164 = arith.index_cast %add3A_1126 : i32 to index
        %get3A_1165 = arith.constant 80 : index
        %get3A_1166 = tpu.vector_load %arg17[%get3A_1164, %get3A_1165] {strides = array<i32>} : memref<80x128xf32, #tpu.memory_space<vmem>>, vector<16xf32>,
        %mul3A_1167 = arith.mulf %get3A_1166, %gather3A_1128 : vector<16xf32>
        %swap3A_1168 = arith.index_cast %add3A_1126 : i32 to index
        %swap3A_1169 = arith.constant 80 : index
        %swap3A_1170 = tpu.vector_load %arg17[%swap3A_1168, %swap3A_1169] {strides = array<i32>} : memref<80x128xf32, #tpu.memory_space<vmem>>, vector<16xf32>,
        tpu.vector_store %arg17[%swap3A_1168, %swap3A_1169], %mul3A_1167 {strides = array<i32>} : memref<80x128xf32, #tpu.memory_space<vmem>>, vector<16xf32>,
        %get3A_1171 = arith.index_cast %add3A_1126 : i32 to index
        %get3A_1172 = arith.constant 96 : index
        %get3A_1173 = tpu.vector_load %arg17[%get3A_1171, %get3A_1172] {strides = array<i32>} : memref<80x128xf32, #tpu.memory_space<vmem>>, vector<16xf32>,
        %mul3A_1174 = arith.mulf %get3A_1173, %gather3A_1128 : vector<16xf32>
        %swap3A_1175 = arith.index_cast %add3A_1126 : i32 to index
        %swap3A_1176 = arith.constant 96 : index
        %swap3A_1177 = tpu.vector_load %arg17[%swap3A_1175, %swap3A_1176] {strides = array<i32>} : memref<80x128xf32, #tpu.memory_space<vmem>>, vector<16xf32>,
        tpu.vector_store %arg17[%swap3A_1175, %swap3A_1176], %mul3A_1174 {strides = array<i32>} : memref<80x128xf32, #tpu.memory_space<vmem>>, vector<16xf32>,
        %get3A_1178 = arith.index_cast %add3A_1126 : i32 to index
        %get3A_1179 = arith.constant 112 : index
        %get3A_1180 = tpu.vector_load %arg17[%get3A_1178, %get3A_1179] {strides = array<i32>} : memref<80x128xf32, #tpu.memory_space<vmem>>, vector<16xf32>,
        %mul3A_1181 = arith.mulf %get3A_1180, %gather3A_1128 : vector<16xf32>
        %swap3A_1182 = arith.index_cast %add3A_1126 : i32 to index
        %swap3A_1183 = arith.constant 112 : index
        %swap3A_1184 = tpu.vector_load %arg17[%swap3A_1182, %swap3A_1183] {strides = array<i32>} : memref<80x128xf32, #tpu.memory_space<vmem>>, vector<16xf32>,
        tpu.vector_store %arg17[%swap3A_1182, %swap3A_1183], %mul3A_1181 {strides = array<i32>} : memref<80x128xf32, #tpu.memory_space<vmem>>, vector<16xf32>,
        %scan3A_1185 = arith.constant 0 : i32
        scf.yield %scan3A_1185 : i32
      }
      %scan3A_663 = arith.constant 20 : i32
      %dma_start3A_664 = arith.constant 0 : i32
      %dma_start3A_665 = arith.constant 0 : i32
      %dma_start3A_666 = tpu.memref_slice %arg28[%dma_start3A_664, %dma_start3A_665] : memref<10000x128xf32, #tpu.memory_space<vmem_shared>> -> memref<10000x128xf32, #tpu.memory_space<vmem_shared>>
      tpu.enqueue_indirect_dma source(%arg17 : memref<80x128xf32, #tpu.memory_space<vmem>>) target(%dma_start3A_666 : memref<10000x128xf32, #tpu.memory_space<vmem_shared>>) offsets(%arg16 : memref<80xi32, #tpu.memory_space<vmem>>) semaphore(%arg34 : memref<!tpu.dma_semaphore, #tpu.memory_space<semaphore_mem>>) {add = true}
      %dma_start3A_667 = arith.constant 0 : i32
      %dma_start3A_668 = tpu.memref_slice %arg29[%dma_start3A_667] : memref<10000xf32, #tpu.memory_space<vmem_shared>> -> memref<10000xf32, #tpu.memory_space<vmem_shared>>
      tpu.enqueue_indirect_dma source(%arg18 : memref<80xf32, #tpu.memory_space<vmem>>) target(%dma_start3A_668 : memref<10000xf32, #tpu.memory_space<vmem_shared>>) offsets(%arg16 : memref<80xi32, #tpu.memory_space<vmem>>) semaphore(%arg34 : memref<!tpu.dma_semaphore, #tpu.memory_space<semaphore_mem>>) {add = true}
      %dma_wait3A_669 = arith.constant 0 : i32
      %dma_wait3A_670 = arith.constant 0 : i32
      %dma_wait3A_671 = tpu.memref_slice %arg28[%dma_wait3A_669, %dma_wait3A_670] : memref<10000x128xf32, #tpu.memory_space<vmem_shared>> -> memref<10000x128xf32, #tpu.memory_space<vmem_shared>>
      tpu.wait_indirect_dma semaphore(%arg33 : memref<!tpu.dma_semaphore, #tpu.memory_space<semaphore_mem>>) src(%arg11 : memref<80x128xf32, #tpu.memory_space<vmem>>) dst(%dma_wait3A_671 : memref<10000x128xf32, #tpu.memory_space<vmem_shared>>)
      %dma_wait3A_672 = arith.constant 0 : i32
      %dma_wait3A_673 = tpu.memref_slice %arg29[%dma_wait3A_672] : memref<10000xf32, #tpu.memory_space<vmem_shared>> -> memref<10000xf32, #tpu.memory_space<vmem_shared>>
      tpu.wait_indirect_dma semaphore(%arg33 : memref<!tpu.dma_semaphore, #tpu.memory_space<semaphore_mem>>) src(%arg12 : memref<80xf32, #tpu.memory_space<vmem>>) dst(%dma_wait3A_673 : memref<10000xf32, #tpu.memory_space<vmem_shared>>)
      %mul3A_674 = arith.constant 80 : i32
      %mul3A_675 = arith.muli %add3A_574, %mul3A_674 : i32
      %add3A_676 = arith.constant 0 : i32
      %add3A_677 = arith.addi %mul3A_675, %add3A_676 : i32
      %get3A_678 = arith.index_cast %add3A_677 : i32 to index
      %get3A_679 = tpu.vector_load %arg8[%get3A_678] {strides = array<i32>} : memref<10000xi32, #tpu.memory_space<vmem>>, vector<16xi32>,
      %and3A_680 = arith.constant 16383 : i32
      %and3A_681 = vector.broadcast %and3A_680 : i32 to vector<16xi32>
      %and3A_682 = arith.andi %get3A_679, %and3A_681 : vector<16xi32>
      %swap3A_683 = arith.constant 0 : index
      %swap3A_684 = tpu.vector_load %arg9[%swap3A_683] {strides = array<i32>} : memref<80xi32, #tpu.memory_space<vmem>>, vector<16xi32>,
      tpu.vector_store %arg9[%swap3A_683], %and3A_682 {strides = array<i32>} : memref<80xi32, #tpu.memory_space<vmem>>, vector<16xi32>,
      %shift_right_arithmetic3A_685 = arith.constant 14 : i32
      %shift_right_arithmetic3A_686 = vector.broadcast %shift_right_arithmetic3A_685 : i32 to vector<16xi32>
      %shift_right_arithmetic3A_687 = arith.shrsi %get3A_679, %shift_right_arithmetic3A_686 : vector<16xi32>
      %swap3A_688 = arith.constant 0 : index
      %swap3A_689 = tpu.vector_load %arg10[%swap3A_688] {strides = array<i32>} : memref<80xi32, #tpu.memory_space<vmem>>, vector<16xi32>,
      tpu.vector_store %arg10[%swap3A_688], %shift_right_arithmetic3A_687 {strides = array<i32>} : memref<80xi32, #tpu.memory_space<vmem>>, vector<16xi32>,
      %add3A_690 = arith.constant 16 : i32
      %add3A_691 = arith.addi %mul3A_675, %add3A_690 : i32
      %get3A_692 = arith.index_cast %add3A_691 : i32 to index
      %get3A_693 = tpu.vector_load %arg8[%get3A_692] {strides = array<i32>} : memref<10000xi32, #tpu.memory_space<vmem>>, vector<16xi32>,
      %and3A_694 = arith.constant 16383 : i32
      %and3A_695 = vector.broadcast %and3A_694 : i32 to vector<16xi32>
      %and3A_696 = arith.andi %get3A_693, %and3A_695 : vector<16xi32>
      %swap3A_697 = arith.constant 16 : index
      %swap3A_698 = tpu.vector_load %arg9[%swap3A_697] {strides = array<i32>} : memref<80xi32, #tpu.memory_space<vmem>>, vector<16xi32>,
      tpu.vector_store %arg9[%swap3A_697], %and3A_696 {strides = array<i32>} : memref<80xi32, #tpu.memory_space<vmem>>, vector<16xi32>,
      %shift_right_arithmetic3A_699 = arith.constant 14 : i32
      %shift_right_arithmetic3A_700 = vector.broadcast %shift_right_arithmetic3A_699 : i32 to vector<16xi32>
      %shift_right_arithmetic3A_701 = arith.shrsi %get3A_693, %shift_right_arithmetic3A_700 : vector<16xi32>
      %swap3A_702 = arith.constant 16 : index
      %swap3A_703 = tpu.vector_load %arg10[%swap3A_702] {strides = array<i32>} : memref<80xi32, #tpu.memory_space<vmem>>, vector<16xi32>,
      tpu.vector_store %arg10[%swap3A_702], %shift_right_arithmetic3A_701 {strides = array<i32>} : memref<80xi32, #tpu.memory_space<vmem>>, vector<16xi32>,
      %add3A_704 = arith.constant 32 : i32
      %add3A_705 = arith.addi %mul3A_675, %add3A_704 : i32
      %get3A_706 = arith.index_cast %add3A_705 : i32 to index
      %get3A_707 = tpu.vector_load %arg8[%get3A_706] {strides = array<i32>} : memref<10000xi32, #tpu.memory_space<vmem>>, vector<16xi32>,
      %and3A_708 = arith.constant 16383 : i32
      %and3A_709 = vector.broadcast %and3A_708 : i32 to vector<16xi32>
      %and3A_710 = arith.andi %get3A_707, %and3A_709 : vector<16xi32>
      %swap3A_711 = arith.constant 32 : index
      %swap3A_712 = tpu.vector_load %arg9[%swap3A_711] {strides = array<i32>} : memref<80xi32, #tpu.memory_space<vmem>>, vector<16xi32>,
      tpu.vector_store %arg9[%swap3A_711], %and3A_710 {strides = array<i32>} : memref<80xi32, #tpu.memory_space<vmem>>, vector<16xi32>,
      %shift_right_arithmetic3A_713 = arith.constant 14 : i32
      %shift_right_arithmetic3A_714 = vector.broadcast %shift_right_arithmetic3A_713 : i32 to vector<16xi32>
      %shift_right_arithmetic3A_715 = arith.shrsi %get3A_707, %shift_right_arithmetic3A_714 : vector<16xi32>
      %swap3A_716 = arith.constant 32 : index
      %swap3A_717 = tpu.vector_load %arg10[%swap3A_716] {strides = array<i32>} : memref<80xi32, #tpu.memory_space<vmem>>, vector<16xi32>,
      tpu.vector_store %arg10[%swap3A_716], %shift_right_arithmetic3A_715 {strides = array<i32>} : memref<80xi32, #tpu.memory_space<vmem>>, vector<16xi32>,
      %add3A_718 = arith.constant 48 : i32
      %add3A_719 = arith.addi %mul3A_675, %add3A_718 : i32
      %get3A_720 = arith.index_cast %add3A_719 : i32 to index
      %get3A_721 = tpu.vector_load %arg8[%get3A_720] {strides = array<i32>} : memref<10000xi32, #tpu.memory_space<vmem>>, vector<16xi32>,
      %and3A_722 = arith.constant 16383 : i32
      %and3A_723 = vector.broadcast %and3A_722 : i32 to vector<16xi32>
      %and3A_724 = arith.andi %get3A_721, %and3A_723 : vector<16xi32>
      %swap3A_725 = arith.constant 48 : index
      %swap3A_726 = tpu.vector_load %arg9[%swap3A_725] {strides = array<i32>} : memref<80xi32, #tpu.memory_space<vmem>>, vector<16xi32>,
      tpu.vector_store %arg9[%swap3A_725], %and3A_724 {strides = array<i32>} : memref<80xi32, #tpu.memory_space<vmem>>, vector<16xi32>,
      %shift_right_arithmetic3A_727 = arith.constant 14 : i32
      %shift_right_arithmetic3A_728 = vector.broadcast %shift_right_arithmetic3A_727 : i32 to vector<16xi32>
      %shift_right_arithmetic3A_729 = arith.shrsi %get3A_721, %shift_right_arithmetic3A_728 : vector<16xi32>
      %swap3A_730 = arith.constant 48 : index
      %swap3A_731 = tpu.vector_load %arg10[%swap3A_730] {strides = array<i32>} : memref<80xi32, #tpu.memory_space<vmem>>, vector<16xi32>,
      tpu.vector_store %arg10[%swap3A_730], %shift_right_arithmetic3A_729 {strides = array<i32>} : memref<80xi32, #tpu.memory_space<vmem>>, vector<16xi32>,
      %add3A_732 = arith.constant 64 : i32
      %add3A_733 = arith.addi %mul3A_675, %add3A_732 : i32
      %get3A_734 = arith.index_cast %add3A_733 : i32 to index
      %get3A_735 = tpu.vector_load %arg8[%get3A_734] {strides = array<i32>} : memref<10000xi32, #tpu.memory_space<vmem>>, vector<16xi32>,
      %and3A_736 = arith.constant 16383 : i32
      %and3A_737 = vector.broadcast %and3A_736 : i32 to vector<16xi32>
      %and3A_738 = arith.andi %get3A_735, %and3A_737 : vector<16xi32>
      %swap3A_739 = arith.constant 64 : index
      %swap3A_740 = tpu.vector_load %arg9[%swap3A_739] {strides = array<i32>} : memref<80xi32, #tpu.memory_space<vmem>>, vector<16xi32>,
      tpu.vector_store %arg9[%swap3A_739], %and3A_738 {strides = array<i32>} : memref<80xi32, #tpu.memory_space<vmem>>, vector<16xi32>,
      %shift_right_arithmetic3A_741 = arith.constant 14 : i32
      %shift_right_arithmetic3A_742 = vector.broadcast %shift_right_arithmetic3A_741 : i32 to vector<16xi32>
      %shift_right_arithmetic3A_743 = arith.shrsi %get3A_735, %shift_right_arithmetic3A_742 : vector<16xi32>
      %swap3A_744 = arith.constant 64 : index
      %swap3A_745 = tpu.vector_load %arg10[%swap3A_744] {strides = array<i32>} : memref<80xi32, #tpu.memory_space<vmem>>, vector<16xi32>,
      tpu.vector_store %arg10[%swap3A_744], %shift_right_arithmetic3A_743 {strides = array<i32>} : memref<80xi32, #tpu.memory_space<vmem>>, vector<16xi32>,
      %dma_start3A_746 = arith.constant 0 : i32
      %dma_start3A_747 = arith.constant 0 : i32
      %dma_start3A_748 = tpu.memref_slice %arg2[%dma_start3A_746, %dma_start3A_747] : memref<10000x128xf32, #tpu.memory_space<hbm>> -> memref<10000x128xf32, #tpu.memory_space<hbm>>
      tpu.enqueue_indirect_dma source(%dma_start3A_748 : memref<10000x128xf32, #tpu.memory_space<hbm>>) target(%arg11 : memref<80x128xf32, #tpu.memory_space<vmem>>) offsets(%arg9 : memref<80xi32, #tpu.memory_space<vmem>>) semaphore(%arg30 : memref<!tpu.dma_semaphore, #tpu.memory_space<semaphore_mem>>)
      %dma_start3A_749 = arith.constant 0 : i32
      %dma_start3A_750 = tpu.memref_slice %arg3[%dma_start3A_749] : memref<10000xf32, #tpu.memory_space<hbm>> -> memref<10000xf32, #tpu.memory_space<hbm>>
      tpu.enqueue_indirect_dma source(%dma_start3A_750 : memref<10000xf32, #tpu.memory_space<hbm>>) target(%arg13 : memref<80xf32, #tpu.memory_space<vmem>>) offsets(%arg9 : memref<80xi32, #tpu.memory_space<vmem>>) semaphore(%arg30 : memref<!tpu.dma_semaphore, #tpu.memory_space<semaphore_mem>>)
      %dma_start3A_751 = arith.constant 0 : i32
      %dma_start3A_752 = tpu.memref_slice %arg4[%dma_start3A_751] : memref<10000xf32, #tpu.memory_space<hbm>> -> memref<10000xf32, #tpu.memory_space<hbm>>
      tpu.enqueue_indirect_dma source(%dma_start3A_752 : memref<10000xf32, #tpu.memory_space<hbm>>) target(%arg14 : memref<80xf32, #tpu.memory_space<vmem>>) offsets(%arg10 : memref<80xi32, #tpu.memory_space<vmem>>) semaphore(%arg30 : memref<!tpu.dma_semaphore, #tpu.memory_space<semaphore_mem>>)
      %add3A_753 = arith.constant 2 : i32
      %add3A_754 = arith.addi %mul3A_390, %add3A_753 : i32
      %add3A_755 = arith.constant 4 : i32
      %add3A_756 = arith.addi %mul3A_390, %add3A_755 : i32
      %dma_wait3A_757 = arith.constant 0 : i32
      %dma_wait3A_758 = arith.constant 0 : i32
      %dma_wait3A_759 = tpu.memref_slice %arg2[%dma_wait3A_757, %dma_wait3A_758] : memref<10000x128xf32, #tpu.memory_space<hbm>> -> memref<10000x128xf32, #tpu.memory_space<hbm>>
      tpu.wait_indirect_dma semaphore(%arg32 : memref<!tpu.dma_semaphore, #tpu.memory_space<semaphore_mem>>) src(%dma_wait3A_759 : memref<10000x128xf32, #tpu.memory_space<hbm>>) dst(%arg23 : memref<80x128xf32, #tpu.memory_space<vmem>>)
      %dma_wait3A_760 = arith.constant 0 : i32
      %dma_wait3A_761 = tpu.memref_slice %arg3[%dma_wait3A_760] : memref<10000xf32, #tpu.memory_space<hbm>> -> memref<10000xf32, #tpu.memory_space<hbm>>
      tpu.wait_indirect_dma semaphore(%arg32 : memref<!tpu.dma_semaphore, #tpu.memory_space<semaphore_mem>>) src(%dma_wait3A_761 : memref<10000xf32, #tpu.memory_space<hbm>>) dst(%arg25 : memref<80xf32, #tpu.memory_space<vmem>>)
      %dma_wait3A_762 = arith.constant 0 : i32
      %dma_wait3A_763 = tpu.memref_slice %arg4[%dma_wait3A_762] : memref<10000xf32, #tpu.memory_space<hbm>> -> memref<10000xf32, #tpu.memory_space<hbm>>
      tpu.wait_indirect_dma semaphore(%arg32 : memref<!tpu.dma_semaphore, #tpu.memory_space<semaphore_mem>>) src(%dma_wait3A_763 : memref<10000xf32, #tpu.memory_space<hbm>>) dst(%arg26 : memref<80xf32, #tpu.memory_space<vmem>>)
      %get3A_764 = arith.constant 0 : index
      %get3A_765 = tpu.vector_load %arg25[%get3A_764] {strides = array<i32>} : memref<80xf32, #tpu.memory_space<vmem>>, vector<16xf32>,
      %get3A_766 = arith.constant 0 : index
      %get3A_767 = tpu.vector_load %arg26[%get3A_766] {strides = array<i32>} : memref<80xf32, #tpu.memory_space<vmem>>, vector<16xf32>,
      %add3A_768 = arith.addf %get3A_765, %get3A_767 : vector<16xf32>
      %gt3A_769 = arith.constant 0.000000e+00 : f32
      %gt3A_770 = vector.broadcast %gt3A_769 : f32 to vector<16xf32>
      %gt3A_771 = arith.cmpf ogt, %add3A_768, %gt3A_770 : vector<16xf32>
      %mul3A_772 = arith.constant 2.000000e-01 : f32
      %mul3A_773 = vector.broadcast %mul3A_772 : f32 to vector<16xf32>
      %mul3A_774 = arith.mulf %mul3A_773, %add3A_768 : vector<16xf32>
      %select_n3A_775 = arith.select %gt3A_771, %add3A_768, %mul3A_774 : vector<16xi1>, vector<16xf32>
      %exp3A_776 = math.exp %select_n3A_775 : vector<16xf32>
      %swap3A_777 = arith.constant 0 : index
      %swap3A_778 = tpu.vector_load %arg24[%swap3A_777] {strides = array<i32>} : memref<80xf32, #tpu.memory_space<vmem>>, vector<16xf32>,
      tpu.vector_store %arg24[%swap3A_777], %exp3A_776 {strides = array<i32>} : memref<80xf32, #tpu.memory_space<vmem>>, vector<16xf32>,
      %get3A_779 = arith.constant 16 : index
      %get3A_780 = tpu.vector_load %arg25[%get3A_779] {strides = array<i32>} : memref<80xf32, #tpu.memory_space<vmem>>, vector<16xf32>,
      %get3A_781 = arith.constant 16 : index
      %get3A_782 = tpu.vector_load %arg26[%get3A_781] {strides = array<i32>} : memref<80xf32, #tpu.memory_space<vmem>>, vector<16xf32>,
      %add3A_783 = arith.addf %get3A_780, %get3A_782 : vector<16xf32>
      %gt3A_784 = arith.constant 0.000000e+00 : f32
      %gt3A_785 = vector.broadcast %gt3A_784 : f32 to vector<16xf32>
      %gt3A_786 = arith.cmpf ogt, %add3A_783, %gt3A_785 : vector<16xf32>
      %mul3A_787 = arith.constant 2.000000e-01 : f32
      %mul3A_788 = vector.broadcast %mul3A_787 : f32 to vector<16xf32>
      %mul3A_789 = arith.mulf %mul3A_788, %add3A_783 : vector<16xf32>
      %select_n3A_790 = arith.select %gt3A_786, %add3A_783, %mul3A_789 : vector<16xi1>, vector<16xf32>
      %exp3A_791 = math.exp %select_n3A_790 : vector<16xf32>
      %swap3A_792 = arith.constant 16 : index
      %swap3A_793 = tpu.vector_load %arg24[%swap3A_792] {strides = array<i32>} : memref<80xf32, #tpu.memory_space<vmem>>, vector<16xf32>,
      tpu.vector_store %arg24[%swap3A_792], %exp3A_791 {strides = array<i32>} : memref<80xf32, #tpu.memory_space<vmem>>, vector<16xf32>,
      %get3A_794 = arith.constant 32 : index
      %get3A_795 = tpu.vector_load %arg25[%get3A_794] {strides = array<i32>} : memref<80xf32, #tpu.memory_space<vmem>>, vector<16xf32>,
      %get3A_796 = arith.constant 32 : index
      %get3A_797 = tpu.vector_load %arg26[%get3A_796] {strides = array<i32>} : memref<80xf32, #tpu.memory_space<vmem>>, vector<16xf32>,
      %add3A_798 = arith.addf %get3A_795, %get3A_797 : vector<16xf32>
      %gt3A_799 = arith.constant 0.000000e+00 : f32
      %gt3A_800 = vector.broadcast %gt3A_799 : f32 to vector<16xf32>
      %gt3A_801 = arith.cmpf ogt, %add3A_798, %gt3A_800 : vector<16xf32>
      %mul3A_802 = arith.constant 2.000000e-01 : f32
      %mul3A_803 = vector.broadcast %mul3A_802 : f32 to vector<16xf32>
      %mul3A_804 = arith.mulf %mul3A_803, %add3A_798 : vector<16xf32>
      %select_n3A_805 = arith.select %gt3A_801, %add3A_798, %mul3A_804 : vector<16xi1>, vector<16xf32>
      %exp3A_806 = math.exp %select_n3A_805 : vector<16xf32>
      %swap3A_807 = arith.constant 32 : index
      %swap3A_808 = tpu.vector_load %arg24[%swap3A_807] {strides = array<i32>} : memref<80xf32, #tpu.memory_space<vmem>>, vector<16xf32>,
      tpu.vector_store %arg24[%swap3A_807], %exp3A_806 {strides = array<i32>} : memref<80xf32, #tpu.memory_space<vmem>>, vector<16xf32>,
      %get3A_809 = arith.constant 48 : index
      %get3A_810 = tpu.vector_load %arg25[%get3A_809] {strides = array<i32>} : memref<80xf32, #tpu.memory_space<vmem>>, vector<16xf32>,
      %get3A_811 = arith.constant 48 : index
      %get3A_812 = tpu.vector_load %arg26[%get3A_811] {strides = array<i32>} : memref<80xf32, #tpu.memory_space<vmem>>, vector<16xf32>,
      %add3A_813 = arith.addf %get3A_810, %get3A_812 : vector<16xf32>
      %gt3A_814 = arith.constant 0.000000e+00 : f32
      %gt3A_815 = vector.broadcast %gt3A_814 : f32 to vector<16xf32>
      %gt3A_816 = arith.cmpf ogt, %add3A_813, %gt3A_815 : vector<16xf32>
      %mul3A_817 = arith.constant 2.000000e-01 : f32
      %mul3A_818 = vector.broadcast %mul3A_817 : f32 to vector<16xf32>
      %mul3A_819 = arith.mulf %mul3A_818, %add3A_813 : vector<16xf32>
      %select_n3A_820 = arith.select %gt3A_816, %add3A_813, %mul3A_819 : vector<16xi1>, vector<16xf32>
      %exp3A_821 = math.exp %select_n3A_820 : vector<16xf32>
      %swap3A_822 = arith.constant 48 : index
      %swap3A_823 = tpu.vector_load %arg24[%swap3A_822] {strides = array<i32>} : memref<80xf32, #tpu.memory_space<vmem>>, vector<16xf32>,
      tpu.vector_store %arg24[%swap3A_822], %exp3A_821 {strides = array<i32>} : memref<80xf32, #tpu.memory_space<vmem>>, vector<16xf32>,
      %get3A_824 = arith.constant 64 : index
      %get3A_825 = tpu.vector_load %arg25[%get3A_824] {strides = array<i32>} : memref<80xf32, #tpu.memory_space<vmem>>, vector<16xf32>,
      %get3A_826 = arith.constant 64 : index
      %get3A_827 = tpu.vector_load %arg26[%get3A_826] {strides = array<i32>} : memref<80xf32, #tpu.memory_space<vmem>>, vector<16xf32>,
      %add3A_828 = arith.addf %get3A_825, %get3A_827 : vector<16xf32>
      %gt3A_829 = arith.constant 0.000000e+00 : f32
      %gt3A_830 = vector.broadcast %gt3A_829 : f32 to vector<16xf32>
      %gt3A_831 = arith.cmpf ogt, %add3A_828, %gt3A_830 : vector<16xf32>
      %mul3A_832 = arith.constant 2.000000e-01 : f32
      %mul3A_833 = vector.broadcast %mul3A_832 : f32 to vector<16xf32>
      %mul3A_834 = arith.mulf %mul3A_833, %add3A_828 : vector<16xf32>
      %select_n3A_835 = arith.select %gt3A_831, %add3A_828, %mul3A_834 : vector<16xi1>, vector<16xf32>
      %exp3A_836 = math.exp %select_n3A_835 : vector<16xf32>
      %swap3A_837 = arith.constant 64 : index
      %swap3A_838 = tpu.vector_load %arg24[%swap3A_837] {strides = array<i32>} : memref<80xf32, #tpu.memory_space<vmem>>, vector<16xf32>,
      tpu.vector_store %arg24[%swap3A_837], %exp3A_836 {strides = array<i32>} : memref<80xf32, #tpu.memory_space<vmem>>, vector<16xf32>,
      %scan3A_839 = arith.constant 0 : i32
      %scan3A_840 = arith.constant 0 : i32
      %scan3A_841 = arith.constant 20 : i32
      %scan3A_842 = arith.addi %scan3A_840, %scan3A_841 : i32
      %scan3A_843 = arith.constant 1 : i32
      %scan3A_844 = scf.for %scan3A_936 = %scan3A_840 to %scan3A_842 step %scan3A_843 iter_args(%scan3A_937 = %scan3A_839) -> (i32)  : i32 {
        %mul3A_938 = arith.constant 4 : i32
        %mul3A_939 = arith.muli %mul3A_938, %scan3A_936 : i32
        %add3A_940 = arith.constant 0 : i32
        %add3A_941 = arith.addi %mul3A_939, %add3A_940 : i32
        %broadcast_in_dim3A_942 = vector.broadcast %add3A_941 : i32 to vector<16xi32>
        %gather3A = tpu.vector_load_idx %arg24[%broadcast_in_dim3A_942] : memref<80xf32, #tpu.memory_space<vmem>>[vector<16xi32>], vector<16xf32>,
        %get3A_943 = arith.index_cast %add3A_941 : i32 to index
        %get3A_944 = arith.constant 0 : index
        %get3A_945 = tpu.vector_load %arg23[%get3A_943, %get3A_944] {strides = array<i32>} : memref<80x128xf32, #tpu.memory_space<vmem>>, vector<16xf32>,
        %mul3A_946 = arith.mulf %get3A_945, %gather3A : vector<16xf32>
        %swap3A_947 = arith.index_cast %add3A_941 : i32 to index
        %swap3A_948 = arith.constant 0 : index
        %swap3A_949 = tpu.vector_load %arg23[%swap3A_947, %swap3A_948] {strides = array<i32>} : memref<80x128xf32, #tpu.memory_space<vmem>>, vector<16xf32>,
        tpu.vector_store %arg23[%swap3A_947, %swap3A_948], %mul3A_946 {strides = array<i32>} : memref<80x128xf32, #tpu.memory_space<vmem>>, vector<16xf32>,
        %get3A_950 = arith.index_cast %add3A_941 : i32 to index
        %get3A_951 = arith.constant 16 : index
        %get3A_952 = tpu.vector_load %arg23[%get3A_950, %get3A_951] {strides = array<i32>} : memref<80x128xf32, #tpu.memory_space<vmem>>, vector<16xf32>,
        %mul3A_953 = arith.mulf %get3A_952, %gather3A : vector<16xf32>
        %swap3A_954 = arith.index_cast %add3A_941 : i32 to index
        %swap3A_955 = arith.constant 16 : index
        %swap3A_956 = tpu.vector_load %arg23[%swap3A_954, %swap3A_955] {strides = array<i32>} : memref<80x128xf32, #tpu.memory_space<vmem>>, vector<16xf32>,
        tpu.vector_store %arg23[%swap3A_954, %swap3A_955], %mul3A_953 {strides = array<i32>} : memref<80x128xf32, #tpu.memory_space<vmem>>, vector<16xf32>,
        %get3A_957 = arith.index_cast %add3A_941 : i32 to index
        %get3A_958 = arith.constant 32 : index
        %get3A_959 = tpu.vector_load %arg23[%get3A_957, %get3A_958] {strides = array<i32>} : memref<80x128xf32, #tpu.memory_space<vmem>>, vector<16xf32>,
        %mul3A_960 = arith.mulf %get3A_959, %gather3A : vector<16xf32>
        %swap3A_961 = arith.index_cast %add3A_941 : i32 to index
        %swap3A_962 = arith.constant 32 : index
        %swap3A_963 = tpu.vector_load %arg23[%swap3A_961, %swap3A_962] {strides = array<i32>} : memref<80x128xf32, #tpu.memory_space<vmem>>, vector<16xf32>,
        tpu.vector_store %arg23[%swap3A_961, %swap3A_962], %mul3A_960 {strides = array<i32>} : memref<80x128xf32, #tpu.memory_space<vmem>>, vector<16xf32>,
        %get3A_964 = arith.index_cast %add3A_941 : i32 to index
        %get3A_965 = arith.constant 48 : index
        %get3A_966 = tpu.vector_load %arg23[%get3A_964, %get3A_965] {strides = array<i32>} : memref<80x128xf32, #tpu.memory_space<vmem>>, vector<16xf32>,
        %mul3A_967 = arith.mulf %get3A_966, %gather3A : vector<16xf32>
        %swap3A_968 = arith.index_cast %add3A_941 : i32 to index
        %swap3A_969 = arith.constant 48 : index
        %swap3A_970 = tpu.vector_load %arg23[%swap3A_968, %swap3A_969] {strides = array<i32>} : memref<80x128xf32, #tpu.memory_space<vmem>>, vector<16xf32>,
        tpu.vector_store %arg23[%swap3A_968, %swap3A_969], %mul3A_967 {strides = array<i32>} : memref<80x128xf32, #tpu.memory_space<vmem>>, vector<16xf32>,
        %get3A_971 = arith.index_cast %add3A_941 : i32 to index
        %get3A_972 = arith.constant 64 : index
        %get3A_973 = tpu.vector_load %arg23[%get3A_971, %get3A_972] {strides = array<i32>} : memref<80x128xf32, #tpu.memory_space<vmem>>, vector<16xf32>,
        %mul3A_974 = arith.mulf %get3A_973, %gather3A : vector<16xf32>
        %swap3A_975 = arith.index_cast %add3A_941 : i32 to index
        %swap3A_976 = arith.constant 64 : index
        %swap3A_977 = tpu.vector_load %arg23[%swap3A_975, %swap3A_976] {strides = array<i32>} : memref<80x128xf32, #tpu.memory_space<vmem>>, vector<16xf32>,
        tpu.vector_store %arg23[%swap3A_975, %swap3A_976], %mul3A_974 {strides = array<i32>} : memref<80x128xf32, #tpu.memory_space<vmem>>, vector<16xf32>,
        %get3A_978 = arith.index_cast %add3A_941 : i32 to index
        %get3A_979 = arith.constant 80 : index
        %get3A_980 = tpu.vector_load %arg23[%get3A_978, %get3A_979] {strides = array<i32>} : memref<80x128xf32, #tpu.memory_space<vmem>>, vector<16xf32>,
        %mul3A_981 = arith.mulf %get3A_980, %gather3A : vector<16xf32>
        %swap3A_982 = arith.index_cast %add3A_941 : i32 to index
        %swap3A_983 = arith.constant 80 : index
        %swap3A_984 = tpu.vector_load %arg23[%swap3A_982, %swap3A_983] {strides = array<i32>} : memref<80x128xf32, #tpu.memory_space<vmem>>, vector<16xf32>,
        tpu.vector_store %arg23[%swap3A_982, %swap3A_983], %mul3A_981 {strides = array<i32>} : memref<80x128xf32, #tpu.memory_space<vmem>>, vector<16xf32>,
        %get3A_985 = arith.index_cast %add3A_941 : i32 to index
        %get3A_986 = arith.constant 96 : index
        %get3A_987 = tpu.vector_load %arg23[%get3A_985, %get3A_986] {strides = array<i32>} : memref<80x128xf32, #tpu.memory_space<vmem>>, vector<16xf32>,
        %mul3A_988 = arith.mulf %get3A_987, %gather3A : vector<16xf32>
        %swap3A_989 = arith.index_cast %add3A_941 : i32 to index
        %swap3A_990 = arith.constant 96 : index
        %swap3A_991 = tpu.vector_load %arg23[%swap3A_989, %swap3A_990] {strides = array<i32>} : memref<80x128xf32, #tpu.memory_space<vmem>>, vector<16xf32>,
        tpu.vector_store %arg23[%swap3A_989, %swap3A_990], %mul3A_988 {strides = array<i32>} : memref<80x128xf32, #tpu.memory_space<vmem>>, vector<16xf32>,
        %get3A_992 = arith.index_cast %add3A_941 : i32 to index
        %get3A_993 = arith.constant 112 : index
        %get3A_994 = tpu.vector_load %arg23[%get3A_992, %get3A_993] {strides = array<i32>} : memref<80x128xf32, #tpu.memory_space<vmem>>, vector<16xf32>,
        %mul3A_995 = arith.mulf %get3A_994, %gather3A : vector<16xf32>
        %swap3A_996 = arith.index_cast %add3A_941 : i32 to index
        %swap3A_997 = arith.constant 112 : index
        %swap3A_998 = tpu.vector_load %arg23[%swap3A_996, %swap3A_997] {strides = array<i32>} : memref<80x128xf32, #tpu.memory_space<vmem>>, vector<16xf32>,
        tpu.vector_store %arg23[%swap3A_996, %swap3A_997], %mul3A_995 {strides = array<i32>} : memref<80x128xf32, #tpu.memory_space<vmem>>, vector<16xf32>,
        %mul3A_999 = arith.constant 4 : i32
        %mul3A_1000 = arith.muli %mul3A_999, %scan3A_936 : i32
        %add3A_1001 = arith.constant 1 : i32
        %add3A_1002 = arith.addi %mul3A_1000, %add3A_1001 : i32
        %broadcast_in_dim3A_1003 = vector.broadcast %add3A_1002 : i32 to vector<16xi32>
        %gather3A_1004 = tpu.vector_load_idx %arg24[%broadcast_in_dim3A_1003] : memref<80xf32, #tpu.memory_space<vmem>>[vector<16xi32>], vector<16xf32>,
        %get3A_1005 = arith.index_cast %add3A_1002 : i32 to index
        %get3A_1006 = arith.constant 0 : index
        %get3A_1007 = tpu.vector_load %arg23[%get3A_1005, %get3A_1006] {strides = array<i32>} : memref<80x128xf32, #tpu.memory_space<vmem>>, vector<16xf32>,
        %mul3A_1008 = arith.mulf %get3A_1007, %gather3A_1004 : vector<16xf32>
        %swap3A_1009 = arith.index_cast %add3A_1002 : i32 to index
        %swap3A_1010 = arith.constant 0 : index
        %swap3A_1011 = tpu.vector_load %arg23[%swap3A_1009, %swap3A_1010] {strides = array<i32>} : memref<80x128xf32, #tpu.memory_space<vmem>>, vector<16xf32>,
        tpu.vector_store %arg23[%swap3A_1009, %swap3A_1010], %mul3A_1008 {strides = array<i32>} : memref<80x128xf32, #tpu.memory_space<vmem>>, vector<16xf32>,
        %get3A_1012 = arith.index_cast %add3A_1002 : i32 to index
        %get3A_1013 = arith.constant 16 : index
        %get3A_1014 = tpu.vector_load %arg23[%get3A_1012, %get3A_1013] {strides = array<i32>} : memref<80x128xf32, #tpu.memory_space<vmem>>, vector<16xf32>,
        %mul3A_1015 = arith.mulf %get3A_1014, %gather3A_1004 : vector<16xf32>
        %swap3A_1016 = arith.index_cast %add3A_1002 : i32 to index
        %swap3A_1017 = arith.constant 16 : index
        %swap3A_1018 = tpu.vector_load %arg23[%swap3A_1016, %swap3A_1017] {strides = array<i32>} : memref<80x128xf32, #tpu.memory_space<vmem>>, vector<16xf32>,
        tpu.vector_store %arg23[%swap3A_1016, %swap3A_1017], %mul3A_1015 {strides = array<i32>} : memref<80x128xf32, #tpu.memory_space<vmem>>, vector<16xf32>,
        %get3A_1019 = arith.index_cast %add3A_1002 : i32 to index
        %get3A_1020 = arith.constant 32 : index
        %get3A_1021 = tpu.vector_load %arg23[%get3A_1019, %get3A_1020] {strides = array<i32>} : memref<80x128xf32, #tpu.memory_space<vmem>>, vector<16xf32>,
        %mul3A_1022 = arith.mulf %get3A_1021, %gather3A_1004 : vector<16xf32>
        %swap3A_1023 = arith.index_cast %add3A_1002 : i32 to index
        %swap3A_1024 = arith.constant 32 : index
        %swap3A_1025 = tpu.vector_load %arg23[%swap3A_1023, %swap3A_1024] {strides = array<i32>} : memref<80x128xf32, #tpu.memory_space<vmem>>, vector<16xf32>,
        tpu.vector_store %arg23[%swap3A_1023, %swap3A_1024], %mul3A_1022 {strides = array<i32>} : memref<80x128xf32, #tpu.memory_space<vmem>>, vector<16xf32>,
        %get3A_1026 = arith.index_cast %add3A_1002 : i32 to index
        %get3A_1027 = arith.constant 48 : index
        %get3A_1028 = tpu.vector_load %arg23[%get3A_1026, %get3A_1027] {strides = array<i32>} : memref<80x128xf32, #tpu.memory_space<vmem>>, vector<16xf32>,
        %mul3A_1029 = arith.mulf %get3A_1028, %gather3A_1004 : vector<16xf32>
        %swap3A_1030 = arith.index_cast %add3A_1002 : i32 to index
        %swap3A_1031 = arith.constant 48 : index
        %swap3A_1032 = tpu.vector_load %arg23[%swap3A_1030, %swap3A_1031] {strides = array<i32>} : memref<80x128xf32, #tpu.memory_space<vmem>>, vector<16xf32>,
        tpu.vector_store %arg23[%swap3A_1030, %swap3A_1031], %mul3A_1029 {strides = array<i32>} : memref<80x128xf32, #tpu.memory_space<vmem>>, vector<16xf32>,
        %get3A_1033 = arith.index_cast %add3A_1002 : i32 to index
        %get3A_1034 = arith.constant 64 : index
        %get3A_1035 = tpu.vector_load %arg23[%get3A_1033, %get3A_1034] {strides = array<i32>} : memref<80x128xf32, #tpu.memory_space<vmem>>, vector<16xf32>,
        %mul3A_1036 = arith.mulf %get3A_1035, %gather3A_1004 : vector<16xf32>
        %swap3A_1037 = arith.index_cast %add3A_1002 : i32 to index
        %swap3A_1038 = arith.constant 64 : index
        %swap3A_1039 = tpu.vector_load %arg23[%swap3A_1037, %swap3A_1038] {strides = array<i32>} : memref<80x128xf32, #tpu.memory_space<vmem>>, vector<16xf32>,
        tpu.vector_store %arg23[%swap3A_1037, %swap3A_1038], %mul3A_1036 {strides = array<i32>} : memref<80x128xf32, #tpu.memory_space<vmem>>, vector<16xf32>,
        %get3A_1040 = arith.index_cast %add3A_1002 : i32 to index
        %get3A_1041 = arith.constant 80 : index
        %get3A_1042 = tpu.vector_load %arg23[%get3A_1040, %get3A_1041] {strides = array<i32>} : memref<80x128xf32, #tpu.memory_space<vmem>>, vector<16xf32>,
        %mul3A_1043 = arith.mulf %get3A_1042, %gather3A_1004 : vector<16xf32>
        %swap3A_1044 = arith.index_cast %add3A_1002 : i32 to index
        %swap3A_1045 = arith.constant 80 : index
        %swap3A_1046 = tpu.vector_load %arg23[%swap3A_1044, %swap3A_1045] {strides = array<i32>} : memref<80x128xf32, #tpu.memory_space<vmem>>, vector<16xf32>,
        tpu.vector_store %arg23[%swap3A_1044, %swap3A_1045], %mul3A_1043 {strides = array<i32>} : memref<80x128xf32, #tpu.memory_space<vmem>>, vector<16xf32>,
        %get3A_1047 = arith.index_cast %add3A_1002 : i32 to index
        %get3A_1048 = arith.constant 96 : index
        %get3A_1049 = tpu.vector_load %arg23[%get3A_1047, %get3A_1048] {strides = array<i32>} : memref<80x128xf32, #tpu.memory_space<vmem>>, vector<16xf32>,
        %mul3A_1050 = arith.mulf %get3A_1049, %gather3A_1004 : vector<16xf32>
        %swap3A_1051 = arith.index_cast %add3A_1002 : i32 to index
        %swap3A_1052 = arith.constant 96 : index
        %swap3A_1053 = tpu.vector_load %arg23[%swap3A_1051, %swap3A_1052] {strides = array<i32>} : memref<80x128xf32, #tpu.memory_space<vmem>>, vector<16xf32>,
        tpu.vector_store %arg23[%swap3A_1051, %swap3A_1052], %mul3A_1050 {strides = array<i32>} : memref<80x128xf32, #tpu.memory_space<vmem>>, vector<16xf32>,
        %get3A_1054 = arith.index_cast %add3A_1002 : i32 to index
        %get3A_1055 = arith.constant 112 : index
        %get3A_1056 = tpu.vector_load %arg23[%get3A_1054, %get3A_1055] {strides = array<i32>} : memref<80x128xf32, #tpu.memory_space<vmem>>, vector<16xf32>,
        %mul3A_1057 = arith.mulf %get3A_1056, %gather3A_1004 : vector<16xf32>
        %swap3A_1058 = arith.index_cast %add3A_1002 : i32 to index
        %swap3A_1059 = arith.constant 112 : index
        %swap3A_1060 = tpu.vector_load %arg23[%swap3A_1058, %swap3A_1059] {strides = array<i32>} : memref<80x128xf32, #tpu.memory_space<vmem>>, vector<16xf32>,
        tpu.vector_store %arg23[%swap3A_1058, %swap3A_1059], %mul3A_1057 {strides = array<i32>} : memref<80x128xf32, #tpu.memory_space<vmem>>, vector<16xf32>,
        %mul3A_1061 = arith.constant 4 : i32
        %mul3A_1062 = arith.muli %mul3A_1061, %scan3A_936 : i32
        %add3A_1063 = arith.constant 2 : i32
        %add3A_1064 = arith.addi %mul3A_1062, %add3A_1063 : i32
        %broadcast_in_dim3A_1065 = vector.broadcast %add3A_1064 : i32 to vector<16xi32>
        %gather3A_1066 = tpu.vector_load_idx %arg24[%broadcast_in_dim3A_1065] : memref<80xf32, #tpu.memory_space<vmem>>[vector<16xi32>], vector<16xf32>,
        %get3A_1067 = arith.index_cast %add3A_1064 : i32 to index
        %get3A_1068 = arith.constant 0 : index
        %get3A_1069 = tpu.vector_load %arg23[%get3A_1067, %get3A_1068] {strides = array<i32>} : memref<80x128xf32, #tpu.memory_space<vmem>>, vector<16xf32>,
        %mul3A_1070 = arith.mulf %get3A_1069, %gather3A_1066 : vector<16xf32>
        %swap3A_1071 = arith.index_cast %add3A_1064 : i32 to index
        %swap3A_1072 = arith.constant 0 : index
        %swap3A_1073 = tpu.vector_load %arg23[%swap3A_1071, %swap3A_1072] {strides = array<i32>} : memref<80x128xf32, #tpu.memory_space<vmem>>, vector<16xf32>,
        tpu.vector_store %arg23[%swap3A_1071, %swap3A_1072], %mul3A_1070 {strides = array<i32>} : memref<80x128xf32, #tpu.memory_space<vmem>>, vector<16xf32>,
        %get3A_1074 = arith.index_cast %add3A_1064 : i32 to index
        %get3A_1075 = arith.constant 16 : index
        %get3A_1076 = tpu.vector_load %arg23[%get3A_1074, %get3A_1075] {strides = array<i32>} : memref<80x128xf32, #tpu.memory_space<vmem>>, vector<16xf32>,
        %mul3A_1077 = arith.mulf %get3A_1076, %gather3A_1066 : vector<16xf32>
        %swap3A_1078 = arith.index_cast %add3A_1064 : i32 to index
        %swap3A_1079 = arith.constant 16 : index
        %swap3A_1080 = tpu.vector_load %arg23[%swap3A_1078, %swap3A_1079] {strides = array<i32>} : memref<80x128xf32, #tpu.memory_space<vmem>>, vector<16xf32>,
        tpu.vector_store %arg23[%swap3A_1078, %swap3A_1079], %mul3A_1077 {strides = array<i32>} : memref<80x128xf32, #tpu.memory_space<vmem>>, vector<16xf32>,
        %get3A_1081 = arith.index_cast %add3A_1064 : i32 to index
        %get3A_1082 = arith.constant 32 : index
        %get3A_1083 = tpu.vector_load %arg23[%get3A_1081, %get3A_1082] {strides = array<i32>} : memref<80x128xf32, #tpu.memory_space<vmem>>, vector<16xf32>,
        %mul3A_1084 = arith.mulf %get3A_1083, %gather3A_1066 : vector<16xf32>
        %swap3A_1085 = arith.index_cast %add3A_1064 : i32 to index
        %swap3A_1086 = arith.constant 32 : index
        %swap3A_1087 = tpu.vector_load %arg23[%swap3A_1085, %swap3A_1086] {strides = array<i32>} : memref<80x128xf32, #tpu.memory_space<vmem>>, vector<16xf32>,
        tpu.vector_store %arg23[%swap3A_1085, %swap3A_1086], %mul3A_1084 {strides = array<i32>} : memref<80x128xf32, #tpu.memory_space<vmem>>, vector<16xf32>,
        %get3A_1088 = arith.index_cast %add3A_1064 : i32 to index
        %get3A_1089 = arith.constant 48 : index
        %get3A_1090 = tpu.vector_load %arg23[%get3A_1088, %get3A_1089] {strides = array<i32>} : memref<80x128xf32, #tpu.memory_space<vmem>>, vector<16xf32>,
        %mul3A_1091 = arith.mulf %get3A_1090, %gather3A_1066 : vector<16xf32>
        %swap3A_1092 = arith.index_cast %add3A_1064 : i32 to index
        %swap3A_1093 = arith.constant 48 : index
        %swap3A_1094 = tpu.vector_load %arg23[%swap3A_1092, %swap3A_1093] {strides = array<i32>} : memref<80x128xf32, #tpu.memory_space<vmem>>, vector<16xf32>,
        tpu.vector_store %arg23[%swap3A_1092, %swap3A_1093], %mul3A_1091 {strides = array<i32>} : memref<80x128xf32, #tpu.memory_space<vmem>>, vector<16xf32>,
        %get3A_1095 = arith.index_cast %add3A_1064 : i32 to index
        %get3A_1096 = arith.constant 64 : index
        %get3A_1097 = tpu.vector_load %arg23[%get3A_1095, %get3A_1096] {strides = array<i32>} : memref<80x128xf32, #tpu.memory_space<vmem>>, vector<16xf32>,
        %mul3A_1098 = arith.mulf %get3A_1097, %gather3A_1066 : vector<16xf32>
        %swap3A_1099 = arith.index_cast %add3A_1064 : i32 to index
        %swap3A_1100 = arith.constant 64 : index
        %swap3A_1101 = tpu.vector_load %arg23[%swap3A_1099, %swap3A_1100] {strides = array<i32>} : memref<80x128xf32, #tpu.memory_space<vmem>>, vector<16xf32>,
        tpu.vector_store %arg23[%swap3A_1099, %swap3A_1100], %mul3A_1098 {strides = array<i32>} : memref<80x128xf32, #tpu.memory_space<vmem>>, vector<16xf32>,
        %get3A_1102 = arith.index_cast %add3A_1064 : i32 to index
        %get3A_1103 = arith.constant 80 : index
        %get3A_1104 = tpu.vector_load %arg23[%get3A_1102, %get3A_1103] {strides = array<i32>} : memref<80x128xf32, #tpu.memory_space<vmem>>, vector<16xf32>,
        %mul3A_1105 = arith.mulf %get3A_1104, %gather3A_1066 : vector<16xf32>
        %swap3A_1106 = arith.index_cast %add3A_1064 : i32 to index
        %swap3A_1107 = arith.constant 80 : index
        %swap3A_1108 = tpu.vector_load %arg23[%swap3A_1106, %swap3A_1107] {strides = array<i32>} : memref<80x128xf32, #tpu.memory_space<vmem>>, vector<16xf32>,
        tpu.vector_store %arg23[%swap3A_1106, %swap3A_1107], %mul3A_1105 {strides = array<i32>} : memref<80x128xf32, #tpu.memory_space<vmem>>, vector<16xf32>,
        %get3A_1109 = arith.index_cast %add3A_1064 : i32 to index
        %get3A_1110 = arith.constant 96 : index
        %get3A_1111 = tpu.vector_load %arg23[%get3A_1109, %get3A_1110] {strides = array<i32>} : memref<80x128xf32, #tpu.memory_space<vmem>>, vector<16xf32>,
        %mul3A_1112 = arith.mulf %get3A_1111, %gather3A_1066 : vector<16xf32>
        %swap3A_1113 = arith.index_cast %add3A_1064 : i32 to index
        %swap3A_1114 = arith.constant 96 : index
        %swap3A_1115 = tpu.vector_load %arg23[%swap3A_1113, %swap3A_1114] {strides = array<i32>} : memref<80x128xf32, #tpu.memory_space<vmem>>, vector<16xf32>,
        tpu.vector_store %arg23[%swap3A_1113, %swap3A_1114], %mul3A_1112 {strides = array<i32>} : memref<80x128xf32, #tpu.memory_space<vmem>>, vector<16xf32>,
        %get3A_1116 = arith.index_cast %add3A_1064 : i32 to index
        %get3A_1117 = arith.constant 112 : index
        %get3A_1118 = tpu.vector_load %arg23[%get3A_1116, %get3A_1117] {strides = array<i32>} : memref<80x128xf32, #tpu.memory_space<vmem>>, vector<16xf32>,
        %mul3A_1119 = arith.mulf %get3A_1118, %gather3A_1066 : vector<16xf32>
        %swap3A_1120 = arith.index_cast %add3A_1064 : i32 to index
        %swap3A_1121 = arith.constant 112 : index
        %swap3A_1122 = tpu.vector_load %arg23[%swap3A_1120, %swap3A_1121] {strides = array<i32>} : memref<80x128xf32, #tpu.memory_space<vmem>>, vector<16xf32>,
        tpu.vector_store %arg23[%swap3A_1120, %swap3A_1121], %mul3A_1119 {strides = array<i32>} : memref<80x128xf32, #tpu.memory_space<vmem>>, vector<16xf32>,
        %mul3A_1123 = arith.constant 4 : i32
        %mul3A_1124 = arith.muli %mul3A_1123, %scan3A_936 : i32
        %add3A_1125 = arith.constant 3 : i32
        %add3A_1126 = arith.addi %mul3A_1124, %add3A_1125 : i32
        %broadcast_in_dim3A_1127 = vector.broadcast %add3A_1126 : i32 to vector<16xi32>
        %gather3A_1128 = tpu.vector_load_idx %arg24[%broadcast_in_dim3A_1127] : memref<80xf32, #tpu.memory_space<vmem>>[vector<16xi32>], vector<16xf32>,
        %get3A_1129 = arith.index_cast %add3A_1126 : i32 to index
        %get3A_1130 = arith.constant 0 : index
        %get3A_1131 = tpu.vector_load %arg23[%get3A_1129, %get3A_1130] {strides = array<i32>} : memref<80x128xf32, #tpu.memory_space<vmem>>, vector<16xf32>,
        %mul3A_1132 = arith.mulf %get3A_1131, %gather3A_1128 : vector<16xf32>
        %swap3A_1133 = arith.index_cast %add3A_1126 : i32 to index
        %swap3A_1134 = arith.constant 0 : index
        %swap3A_1135 = tpu.vector_load %arg23[%swap3A_1133, %swap3A_1134] {strides = array<i32>} : memref<80x128xf32, #tpu.memory_space<vmem>>, vector<16xf32>,
        tpu.vector_store %arg23[%swap3A_1133, %swap3A_1134], %mul3A_1132 {strides = array<i32>} : memref<80x128xf32, #tpu.memory_space<vmem>>, vector<16xf32>,
        %get3A_1136 = arith.index_cast %add3A_1126 : i32 to index
        %get3A_1137 = arith.constant 16 : index
        %get3A_1138 = tpu.vector_load %arg23[%get3A_1136, %get3A_1137] {strides = array<i32>} : memref<80x128xf32, #tpu.memory_space<vmem>>, vector<16xf32>,
        %mul3A_1139 = arith.mulf %get3A_1138, %gather3A_1128 : vector<16xf32>
        %swap3A_1140 = arith.index_cast %add3A_1126 : i32 to index
        %swap3A_1141 = arith.constant 16 : index
        %swap3A_1142 = tpu.vector_load %arg23[%swap3A_1140, %swap3A_1141] {strides = array<i32>} : memref<80x128xf32, #tpu.memory_space<vmem>>, vector<16xf32>,
        tpu.vector_store %arg23[%swap3A_1140, %swap3A_1141], %mul3A_1139 {strides = array<i32>} : memref<80x128xf32, #tpu.memory_space<vmem>>, vector<16xf32>,
        %get3A_1143 = arith.index_cast %add3A_1126 : i32 to index
        %get3A_1144 = arith.constant 32 : index
        %get3A_1145 = tpu.vector_load %arg23[%get3A_1143, %get3A_1144] {strides = array<i32>} : memref<80x128xf32, #tpu.memory_space<vmem>>, vector<16xf32>,
        %mul3A_1146 = arith.mulf %get3A_1145, %gather3A_1128 : vector<16xf32>
        %swap3A_1147 = arith.index_cast %add3A_1126 : i32 to index
        %swap3A_1148 = arith.constant 32 : index
        %swap3A_1149 = tpu.vector_load %arg23[%swap3A_1147, %swap3A_1148] {strides = array<i32>} : memref<80x128xf32, #tpu.memory_space<vmem>>, vector<16xf32>,
        tpu.vector_store %arg23[%swap3A_1147, %swap3A_1148], %mul3A_1146 {strides = array<i32>} : memref<80x128xf32, #tpu.memory_space<vmem>>, vector<16xf32>,
        %get3A_1150 = arith.index_cast %add3A_1126 : i32 to index
        %get3A_1151 = arith.constant 48 : index
        %get3A_1152 = tpu.vector_load %arg23[%get3A_1150, %get3A_1151] {strides = array<i32>} : memref<80x128xf32, #tpu.memory_space<vmem>>, vector<16xf32>,
        %mul3A_1153 = arith.mulf %get3A_1152, %gather3A_1128 : vector<16xf32>
        %swap3A_1154 = arith.index_cast %add3A_1126 : i32 to index
        %swap3A_1155 = arith.constant 48 : index
        %swap3A_1156 = tpu.vector_load %arg23[%swap3A_1154, %swap3A_1155] {strides = array<i32>} : memref<80x128xf32, #tpu.memory_space<vmem>>, vector<16xf32>,
        tpu.vector_store %arg23[%swap3A_1154, %swap3A_1155], %mul3A_1153 {strides = array<i32>} : memref<80x128xf32, #tpu.memory_space<vmem>>, vector<16xf32>,
        %get3A_1157 = arith.index_cast %add3A_1126 : i32 to index
        %get3A_1158 = arith.constant 64 : index
        %get3A_1159 = tpu.vector_load %arg23[%get3A_1157, %get3A_1158] {strides = array<i32>} : memref<80x128xf32, #tpu.memory_space<vmem>>, vector<16xf32>,
        %mul3A_1160 = arith.mulf %get3A_1159, %gather3A_1128 : vector<16xf32>
        %swap3A_1161 = arith.index_cast %add3A_1126 : i32 to index
        %swap3A_1162 = arith.constant 64 : index
        %swap3A_1163 = tpu.vector_load %arg23[%swap3A_1161, %swap3A_1162] {strides = array<i32>} : memref<80x128xf32, #tpu.memory_space<vmem>>, vector<16xf32>,
        tpu.vector_store %arg23[%swap3A_1161, %swap3A_1162], %mul3A_1160 {strides = array<i32>} : memref<80x128xf32, #tpu.memory_space<vmem>>, vector<16xf32>,
        %get3A_1164 = arith.index_cast %add3A_1126 : i32 to index
        %get3A_1165 = arith.constant 80 : index
        %get3A_1166 = tpu.vector_load %arg23[%get3A_1164, %get3A_1165] {strides = array<i32>} : memref<80x128xf32, #tpu.memory_space<vmem>>, vector<16xf32>,
        %mul3A_1167 = arith.mulf %get3A_1166, %gather3A_1128 : vector<16xf32>
        %swap3A_1168 = arith.index_cast %add3A_1126 : i32 to index
        %swap3A_1169 = arith.constant 80 : index
        %swap3A_1170 = tpu.vector_load %arg23[%swap3A_1168, %swap3A_1169] {strides = array<i32>} : memref<80x128xf32, #tpu.memory_space<vmem>>, vector<16xf32>,
        tpu.vector_store %arg23[%swap3A_1168, %swap3A_1169], %mul3A_1167 {strides = array<i32>} : memref<80x128xf32, #tpu.memory_space<vmem>>, vector<16xf32>,
        %get3A_1171 = arith.index_cast %add3A_1126 : i32 to index
        %get3A_1172 = arith.constant 96 : index
        %get3A_1173 = tpu.vector_load %arg23[%get3A_1171, %get3A_1172] {strides = array<i32>} : memref<80x128xf32, #tpu.memory_space<vmem>>, vector<16xf32>,
        %mul3A_1174 = arith.mulf %get3A_1173, %gather3A_1128 : vector<16xf32>
        %swap3A_1175 = arith.index_cast %add3A_1126 : i32 to index
        %swap3A_1176 = arith.constant 96 : index
        %swap3A_1177 = tpu.vector_load %arg23[%swap3A_1175, %swap3A_1176] {strides = array<i32>} : memref<80x128xf32, #tpu.memory_space<vmem>>, vector<16xf32>,
        tpu.vector_store %arg23[%swap3A_1175, %swap3A_1176], %mul3A_1174 {strides = array<i32>} : memref<80x128xf32, #tpu.memory_space<vmem>>, vector<16xf32>,
        %get3A_1178 = arith.index_cast %add3A_1126 : i32 to index
        %get3A_1179 = arith.constant 112 : index
        %get3A_1180 = tpu.vector_load %arg23[%get3A_1178, %get3A_1179] {strides = array<i32>} : memref<80x128xf32, #tpu.memory_space<vmem>>, vector<16xf32>,
        %mul3A_1181 = arith.mulf %get3A_1180, %gather3A_1128 : vector<16xf32>
        %swap3A_1182 = arith.index_cast %add3A_1126 : i32 to index
        %swap3A_1183 = arith.constant 112 : index
        %swap3A_1184 = tpu.vector_load %arg23[%swap3A_1182, %swap3A_1183] {strides = array<i32>} : memref<80x128xf32, #tpu.memory_space<vmem>>, vector<16xf32>,
        tpu.vector_store %arg23[%swap3A_1182, %swap3A_1183], %mul3A_1181 {strides = array<i32>} : memref<80x128xf32, #tpu.memory_space<vmem>>, vector<16xf32>,
        %scan3A_1185 = arith.constant 0 : i32
        scf.yield %scan3A_1185 : i32
      }
      %scan3A_845 = arith.constant 20 : i32
      %dma_start3A_846 = arith.constant 0 : i32
      %dma_start3A_847 = arith.constant 0 : i32
      %dma_start3A_848 = tpu.memref_slice %arg28[%dma_start3A_846, %dma_start3A_847] : memref<10000x128xf32, #tpu.memory_space<vmem_shared>> -> memref<10000x128xf32, #tpu.memory_space<vmem_shared>>
      tpu.enqueue_indirect_dma source(%arg23 : memref<80x128xf32, #tpu.memory_space<vmem>>) target(%dma_start3A_848 : memref<10000x128xf32, #tpu.memory_space<vmem_shared>>) offsets(%arg22 : memref<80xi32, #tpu.memory_space<vmem>>) semaphore(%arg35 : memref<!tpu.dma_semaphore, #tpu.memory_space<semaphore_mem>>) {add = true}
      %dma_start3A_849 = arith.constant 0 : i32
      %dma_start3A_850 = tpu.memref_slice %arg29[%dma_start3A_849] : memref<10000xf32, #tpu.memory_space<vmem_shared>> -> memref<10000xf32, #tpu.memory_space<vmem_shared>>
      tpu.enqueue_indirect_dma source(%arg24 : memref<80xf32, #tpu.memory_space<vmem>>) target(%dma_start3A_850 : memref<10000xf32, #tpu.memory_space<vmem_shared>>) offsets(%arg22 : memref<80xi32, #tpu.memory_space<vmem>>) semaphore(%arg35 : memref<!tpu.dma_semaphore, #tpu.memory_space<semaphore_mem>>) {add = true}
      %dma_wait3A_851 = arith.constant 0 : i32
      %dma_wait3A_852 = arith.constant 0 : i32
      %dma_wait3A_853 = tpu.memref_slice %arg28[%dma_wait3A_851, %dma_wait3A_852] : memref<10000x128xf32, #tpu.memory_space<vmem_shared>> -> memref<10000x128xf32, #tpu.memory_space<vmem_shared>>
      tpu.wait_indirect_dma semaphore(%arg34 : memref<!tpu.dma_semaphore, #tpu.memory_space<semaphore_mem>>) src(%arg17 : memref<80x128xf32, #tpu.memory_space<vmem>>) dst(%dma_wait3A_853 : memref<10000x128xf32, #tpu.memory_space<vmem_shared>>)
      %dma_wait3A_854 = arith.constant 0 : i32
      %dma_wait3A_855 = tpu.memref_slice %arg29[%dma_wait3A_854] : memref<10000xf32, #tpu.memory_space<vmem_shared>> -> memref<10000xf32, #tpu.memory_space<vmem_shared>>
      tpu.wait_indirect_dma semaphore(%arg34 : memref<!tpu.dma_semaphore, #tpu.memory_space<semaphore_mem>>) src(%arg18 : memref<80xf32, #tpu.memory_space<vmem>>) dst(%dma_wait3A_855 : memref<10000xf32, #tpu.memory_space<vmem_shared>>)
      %mul3A_856 = arith.constant 80 : i32
      %mul3A_857 = arith.muli %add3A_756, %mul3A_856 : i32
      %add3A_858 = arith.constant 0 : i32
      %add3A_859 = arith.addi %mul3A_857, %add3A_858 : i32
      %get3A_860 = arith.index_cast %add3A_859 : i32 to index
      %get3A_861 = tpu.vector_load %arg8[%get3A_860] {strides = array<i32>} : memref<10000xi32, #tpu.memory_space<vmem>>, vector<16xi32>,
      %and3A_862 = arith.constant 16383 : i32
      %and3A_863 = vector.broadcast %and3A_862 : i32 to vector<16xi32>
      %and3A_864 = arith.andi %get3A_861, %and3A_863 : vector<16xi32>
      %swap3A_865 = arith.constant 0 : index
      %swap3A_866 = tpu.vector_load %arg15[%swap3A_865] {strides = array<i32>} : memref<80xi32, #tpu.memory_space<vmem>>, vector<16xi32>,
      tpu.vector_store %arg15[%swap3A_865], %and3A_864 {strides = array<i32>} : memref<80xi32, #tpu.memory_space<vmem>>, vector<16xi32>,
      %shift_right_arithmetic3A_867 = arith.constant 14 : i32
      %shift_right_arithmetic3A_868 = vector.broadcast %shift_right_arithmetic3A_867 : i32 to vector<16xi32>
      %shift_right_arithmetic3A_869 = arith.shrsi %get3A_861, %shift_right_arithmetic3A_868 : vector<16xi32>
      %swap3A_870 = arith.constant 0 : index
      %swap3A_871 = tpu.vector_load %arg16[%swap3A_870] {strides = array<i32>} : memref<80xi32, #tpu.memory_space<vmem>>, vector<16xi32>,
      tpu.vector_store %arg16[%swap3A_870], %shift_right_arithmetic3A_869 {strides = array<i32>} : memref<80xi32, #tpu.memory_space<vmem>>, vector<16xi32>,
      %add3A_872 = arith.constant 16 : i32
      %add3A_873 = arith.addi %mul3A_857, %add3A_872 : i32
      %get3A_874 = arith.index_cast %add3A_873 : i32 to index
      %get3A_875 = tpu.vector_load %arg8[%get3A_874] {strides = array<i32>} : memref<10000xi32, #tpu.memory_space<vmem>>, vector<16xi32>,
      %and3A_876 = arith.constant 16383 : i32
      %and3A_877 = vector.broadcast %and3A_876 : i32 to vector<16xi32>
      %and3A_878 = arith.andi %get3A_875, %and3A_877 : vector<16xi32>
      %swap3A_879 = arith.constant 16 : index
      %swap3A_880 = tpu.vector_load %arg15[%swap3A_879] {strides = array<i32>} : memref<80xi32, #tpu.memory_space<vmem>>, vector<16xi32>,
      tpu.vector_store %arg15[%swap3A_879], %and3A_878 {strides = array<i32>} : memref<80xi32, #tpu.memory_space<vmem>>, vector<16xi32>,
      %shift_right_arithmetic3A_881 = arith.constant 14 : i32
      %shift_right_arithmetic3A_882 = vector.broadcast %shift_right_arithmetic3A_881 : i32 to vector<16xi32>
      %shift_right_arithmetic3A_883 = arith.shrsi %get3A_875, %shift_right_arithmetic3A_882 : vector<16xi32>
      %swap3A_884 = arith.constant 16 : index
      %swap3A_885 = tpu.vector_load %arg16[%swap3A_884] {strides = array<i32>} : memref<80xi32, #tpu.memory_space<vmem>>, vector<16xi32>,
      tpu.vector_store %arg16[%swap3A_884], %shift_right_arithmetic3A_883 {strides = array<i32>} : memref<80xi32, #tpu.memory_space<vmem>>, vector<16xi32>,
      %add3A_886 = arith.constant 32 : i32
      %add3A_887 = arith.addi %mul3A_857, %add3A_886 : i32
      %get3A_888 = arith.index_cast %add3A_887 : i32 to index
      %get3A_889 = tpu.vector_load %arg8[%get3A_888] {strides = array<i32>} : memref<10000xi32, #tpu.memory_space<vmem>>, vector<16xi32>,
      %and3A_890 = arith.constant 16383 : i32
      %and3A_891 = vector.broadcast %and3A_890 : i32 to vector<16xi32>
      %and3A_892 = arith.andi %get3A_889, %and3A_891 : vector<16xi32>
      %swap3A_893 = arith.constant 32 : index
      %swap3A_894 = tpu.vector_load %arg15[%swap3A_893] {strides = array<i32>} : memref<80xi32, #tpu.memory_space<vmem>>, vector<16xi32>,
      tpu.vector_store %arg15[%swap3A_893], %and3A_892 {strides = array<i32>} : memref<80xi32, #tpu.memory_space<vmem>>, vector<16xi32>,
      %shift_right_arithmetic3A_895 = arith.constant 14 : i32
      %shift_right_arithmetic3A_896 = vector.broadcast %shift_right_arithmetic3A_895 : i32 to vector<16xi32>
      %shift_right_arithmetic3A_897 = arith.shrsi %get3A_889, %shift_right_arithmetic3A_896 : vector<16xi32>
      %swap3A_898 = arith.constant 32 : index
      %swap3A_899 = tpu.vector_load %arg16[%swap3A_898] {strides = array<i32>} : memref<80xi32, #tpu.memory_space<vmem>>, vector<16xi32>,
      tpu.vector_store %arg16[%swap3A_898], %shift_right_arithmetic3A_897 {strides = array<i32>} : memref<80xi32, #tpu.memory_space<vmem>>, vector<16xi32>,
      %add3A_900 = arith.constant 48 : i32
      %add3A_901 = arith.addi %mul3A_857, %add3A_900 : i32
      %get3A_902 = arith.index_cast %add3A_901 : i32 to index
      %get3A_903 = tpu.vector_load %arg8[%get3A_902] {strides = array<i32>} : memref<10000xi32, #tpu.memory_space<vmem>>, vector<16xi32>,
      %and3A_904 = arith.constant 16383 : i32
      %and3A_905 = vector.broadcast %and3A_904 : i32 to vector<16xi32>
      %and3A_906 = arith.andi %get3A_903, %and3A_905 : vector<16xi32>
      %swap3A_907 = arith.constant 48 : index
      %swap3A_908 = tpu.vector_load %arg15[%swap3A_907] {strides = array<i32>} : memref<80xi32, #tpu.memory_space<vmem>>, vector<16xi32>,
      tpu.vector_store %arg15[%swap3A_907], %and3A_906 {strides = array<i32>} : memref<80xi32, #tpu.memory_space<vmem>>, vector<16xi32>,
      %shift_right_arithmetic3A_909 = arith.constant 14 : i32
      %shift_right_arithmetic3A_910 = vector.broadcast %shift_right_arithmetic3A_909 : i32 to vector<16xi32>
      %shift_right_arithmetic3A_911 = arith.shrsi %get3A_903, %shift_right_arithmetic3A_910 : vector<16xi32>
      %swap3A_912 = arith.constant 48 : index
      %swap3A_913 = tpu.vector_load %arg16[%swap3A_912] {strides = array<i32>} : memref<80xi32, #tpu.memory_space<vmem>>, vector<16xi32>,
      tpu.vector_store %arg16[%swap3A_912], %shift_right_arithmetic3A_911 {strides = array<i32>} : memref<80xi32, #tpu.memory_space<vmem>>, vector<16xi32>,
      %add3A_914 = arith.constant 64 : i32
      %add3A_915 = arith.addi %mul3A_857, %add3A_914 : i32
      %get3A_916 = arith.index_cast %add3A_915 : i32 to index
      %get3A_917 = tpu.vector_load %arg8[%get3A_916] {strides = array<i32>} : memref<10000xi32, #tpu.memory_space<vmem>>, vector<16xi32>,
      %and3A_918 = arith.constant 16383 : i32
      %and3A_919 = vector.broadcast %and3A_918 : i32 to vector<16xi32>
      %and3A_920 = arith.andi %get3A_917, %and3A_919 : vector<16xi32>
      %swap3A_921 = arith.constant 64 : index
      %swap3A_922 = tpu.vector_load %arg15[%swap3A_921] {strides = array<i32>} : memref<80xi32, #tpu.memory_space<vmem>>, vector<16xi32>,
      tpu.vector_store %arg15[%swap3A_921], %and3A_920 {strides = array<i32>} : memref<80xi32, #tpu.memory_space<vmem>>, vector<16xi32>,
      %shift_right_arithmetic3A_923 = arith.constant 14 : i32
      %shift_right_arithmetic3A_924 = vector.broadcast %shift_right_arithmetic3A_923 : i32 to vector<16xi32>
      %shift_right_arithmetic3A_925 = arith.shrsi %get3A_917, %shift_right_arithmetic3A_924 : vector<16xi32>
      %swap3A_926 = arith.constant 64 : index
      %swap3A_927 = tpu.vector_load %arg16[%swap3A_926] {strides = array<i32>} : memref<80xi32, #tpu.memory_space<vmem>>, vector<16xi32>,
      tpu.vector_store %arg16[%swap3A_926], %shift_right_arithmetic3A_925 {strides = array<i32>} : memref<80xi32, #tpu.memory_space<vmem>>, vector<16xi32>,
      %dma_start3A_928 = arith.constant 0 : i32
      %dma_start3A_929 = arith.constant 0 : i32
      %dma_start3A_930 = tpu.memref_slice %arg2[%dma_start3A_928, %dma_start3A_929] : memref<10000x128xf32, #tpu.memory_space<hbm>> -> memref<10000x128xf32, #tpu.memory_space<hbm>>
      tpu.enqueue_indirect_dma source(%dma_start3A_930 : memref<10000x128xf32, #tpu.memory_space<hbm>>) target(%arg17 : memref<80x128xf32, #tpu.memory_space<vmem>>) offsets(%arg15 : memref<80xi32, #tpu.memory_space<vmem>>) semaphore(%arg31 : memref<!tpu.dma_semaphore, #tpu.memory_space<semaphore_mem>>)
      %dma_start3A_931 = arith.constant 0 : i32
      %dma_start3A_932 = tpu.memref_slice %arg3[%dma_start3A_931] : memref<10000xf32, #tpu.memory_space<hbm>> -> memref<10000xf32, #tpu.memory_space<hbm>>
      tpu.enqueue_indirect_dma source(%dma_start3A_932 : memref<10000xf32, #tpu.memory_space<hbm>>) target(%arg19 : memref<80xf32, #tpu.memory_space<vmem>>) offsets(%arg15 : memref<80xi32, #tpu.memory_space<vmem>>) semaphore(%arg31 : memref<!tpu.dma_semaphore, #tpu.memory_space<semaphore_mem>>)
      %dma_start3A_933 = arith.constant 0 : i32
      %dma_start3A_934 = tpu.memref_slice %arg4[%dma_start3A_933] : memref<10000xf32, #tpu.memory_space<hbm>> -> memref<10000xf32, #tpu.memory_space<hbm>>
      tpu.enqueue_indirect_dma source(%dma_start3A_934 : memref<10000xf32, #tpu.memory_space<hbm>>) target(%arg20 : memref<80xf32, #tpu.memory_space<vmem>>) offsets(%arg16 : memref<80xi32, #tpu.memory_space<vmem>>) semaphore(%arg31 : memref<!tpu.dma_semaphore, #tpu.memory_space<semaphore_mem>>)
      %scan3A_935 = arith.constant 0 : i32
      scf.yield %scan3A_935 : i32
    }
    %scan3A_168 = arith.constant 41 : i32
    %dma_wait3A = arith.constant 0 : i32
    %dma_wait3A_169 = arith.constant 0 : i32
    %dma_wait3A_170 = tpu.memref_slice %arg2[%dma_wait3A, %dma_wait3A_169] : memref<10000x128xf32, #tpu.memory_space<hbm>> -> memref<10000x128xf32, #tpu.memory_space<hbm>>
    tpu.wait_indirect_dma semaphore(%arg30 : memref<!tpu.dma_semaphore, #tpu.memory_space<semaphore_mem>>) src(%dma_wait3A_170 : memref<10000x128xf32, #tpu.memory_space<hbm>>) dst(%arg11 : memref<80x128xf32, #tpu.memory_space<vmem>>)
    %dma_wait3A_171 = arith.constant 0 : i32
    %dma_wait3A_172 = tpu.memref_slice %arg3[%dma_wait3A_171] : memref<10000xf32, #tpu.memory_space<hbm>> -> memref<10000xf32, #tpu.memory_space<hbm>>
    tpu.wait_indirect_dma semaphore(%arg30 : memref<!tpu.dma_semaphore, #tpu.memory_space<semaphore_mem>>) src(%dma_wait3A_172 : memref<10000xf32, #tpu.memory_space<hbm>>) dst(%arg13 : memref<80xf32, #tpu.memory_space<vmem>>)
    %dma_wait3A_173 = arith.constant 0 : i32
    %dma_wait3A_174 = tpu.memref_slice %arg4[%dma_wait3A_173] : memref<10000xf32, #tpu.memory_space<hbm>> -> memref<10000xf32, #tpu.memory_space<hbm>>
    tpu.wait_indirect_dma semaphore(%arg30 : memref<!tpu.dma_semaphore, #tpu.memory_space<semaphore_mem>>) src(%dma_wait3A_174 : memref<10000xf32, #tpu.memory_space<hbm>>) dst(%arg14 : memref<80xf32, #tpu.memory_space<vmem>>)
    %get3A_175 = arith.constant 0 : index
    %get3A_176 = tpu.vector_load %arg13[%get3A_175] {strides = array<i32>} : memref<80xf32, #tpu.memory_space<vmem>>, vector<16xf32>,
    %get3A_177 = arith.constant 0 : index
    %get3A_178 = tpu.vector_load %arg14[%get3A_177] {strides = array<i32>} : memref<80xf32, #tpu.memory_space<vmem>>, vector<16xf32>,
    %add3A_179 = arith.addf %get3A_176, %get3A_178 : vector<16xf32>
    %gt3A = arith.constant 0.000000e+00 : f32
    %gt3A_180 = vector.broadcast %gt3A : f32 to vector<16xf32>
    %gt3A_181 = arith.cmpf ogt, %add3A_179, %gt3A_180 : vector<16xf32>
    %mul3A_182 = arith.constant 2.000000e-01 : f32
    %mul3A_183 = vector.broadcast %mul3A_182 : f32 to vector<16xf32>
    %mul3A_184 = arith.mulf %mul3A_183, %add3A_179 : vector<16xf32>
    %select_n3A_185 = arith.select %gt3A_181, %add3A_179, %mul3A_184 : vector<16xi1>, vector<16xf32>
    %exp3A = math.exp %select_n3A_185 : vector<16xf32>
    %swap3A_186 = arith.constant 0 : index
    %swap3A_187 = tpu.vector_load %arg12[%swap3A_186] {strides = array<i32>} : memref<80xf32, #tpu.memory_space<vmem>>, vector<16xf32>,
    tpu.vector_store %arg12[%swap3A_186], %exp3A {strides = array<i32>} : memref<80xf32, #tpu.memory_space<vmem>>, vector<16xf32>,
    %get3A_188 = arith.constant 16 : index
    %get3A_189 = tpu.vector_load %arg13[%get3A_188] {strides = array<i32>} : memref<80xf32, #tpu.memory_space<vmem>>, vector<16xf32>,
    %get3A_190 = arith.constant 16 : index
    %get3A_191 = tpu.vector_load %arg14[%get3A_190] {strides = array<i32>} : memref<80xf32, #tpu.memory_space<vmem>>, vector<16xf32>,
    %add3A_192 = arith.addf %get3A_189, %get3A_191 : vector<16xf32>
    %gt3A_193 = arith.constant 0.000000e+00 : f32
    %gt3A_194 = vector.broadcast %gt3A_193 : f32 to vector<16xf32>
    %gt3A_195 = arith.cmpf ogt, %add3A_192, %gt3A_194 : vector<16xf32>
    %mul3A_196 = arith.constant 2.000000e-01 : f32
    %mul3A_197 = vector.broadcast %mul3A_196 : f32 to vector<16xf32>
    %mul3A_198 = arith.mulf %mul3A_197, %add3A_192 : vector<16xf32>
    %select_n3A_199 = arith.select %gt3A_195, %add3A_192, %mul3A_198 : vector<16xi1>, vector<16xf32>
    %exp3A_200 = math.exp %select_n3A_199 : vector<16xf32>
    %swap3A_201 = arith.constant 16 : index
    %swap3A_202 = tpu.vector_load %arg12[%swap3A_201] {strides = array<i32>} : memref<80xf32, #tpu.memory_space<vmem>>, vector<16xf32>,
    tpu.vector_store %arg12[%swap3A_201], %exp3A_200 {strides = array<i32>} : memref<80xf32, #tpu.memory_space<vmem>>, vector<16xf32>,
    %get3A_203 = arith.constant 32 : index
    %get3A_204 = tpu.vector_load %arg13[%get3A_203] {strides = array<i32>} : memref<80xf32, #tpu.memory_space<vmem>>, vector<16xf32>,
    %get3A_205 = arith.constant 32 : index
    %get3A_206 = tpu.vector_load %arg14[%get3A_205] {strides = array<i32>} : memref<80xf32, #tpu.memory_space<vmem>>, vector<16xf32>,
    %add3A_207 = arith.addf %get3A_204, %get3A_206 : vector<16xf32>
    %gt3A_208 = arith.constant 0.000000e+00 : f32
    %gt3A_209 = vector.broadcast %gt3A_208 : f32 to vector<16xf32>
    %gt3A_210 = arith.cmpf ogt, %add3A_207, %gt3A_209 : vector<16xf32>
    %mul3A_211 = arith.constant 2.000000e-01 : f32
    %mul3A_212 = vector.broadcast %mul3A_211 : f32 to vector<16xf32>
    %mul3A_213 = arith.mulf %mul3A_212, %add3A_207 : vector<16xf32>
    %select_n3A_214 = arith.select %gt3A_210, %add3A_207, %mul3A_213 : vector<16xi1>, vector<16xf32>
    %exp3A_215 = math.exp %select_n3A_214 : vector<16xf32>
    %swap3A_216 = arith.constant 32 : index
    %swap3A_217 = tpu.vector_load %arg12[%swap3A_216] {strides = array<i32>} : memref<80xf32, #tpu.memory_space<vmem>>, vector<16xf32>,
    tpu.vector_store %arg12[%swap3A_216], %exp3A_215 {strides = array<i32>} : memref<80xf32, #tpu.memory_space<vmem>>, vector<16xf32>,
    %get3A_218 = arith.constant 48 : index
    %get3A_219 = tpu.vector_load %arg13[%get3A_218] {strides = array<i32>} : memref<80xf32, #tpu.memory_space<vmem>>, vector<16xf32>,
    %get3A_220 = arith.constant 48 : index
    %get3A_221 = tpu.vector_load %arg14[%get3A_220] {strides = array<i32>} : memref<80xf32, #tpu.memory_space<vmem>>, vector<16xf32>,
    %add3A_222 = arith.addf %get3A_219, %get3A_221 : vector<16xf32>
    %gt3A_223 = arith.constant 0.000000e+00 : f32
    %gt3A_224 = vector.broadcast %gt3A_223 : f32 to vector<16xf32>
    %gt3A_225 = arith.cmpf ogt, %add3A_222, %gt3A_224 : vector<16xf32>
    %mul3A_226 = arith.constant 2.000000e-01 : f32
    %mul3A_227 = vector.broadcast %mul3A_226 : f32 to vector<16xf32>
    %mul3A_228 = arith.mulf %mul3A_227, %add3A_222 : vector<16xf32>
    %select_n3A_229 = arith.select %gt3A_225, %add3A_222, %mul3A_228 : vector<16xi1>, vector<16xf32>
    %exp3A_230 = math.exp %select_n3A_229 : vector<16xf32>
    %swap3A_231 = arith.constant 48 : index
    %swap3A_232 = tpu.vector_load %arg12[%swap3A_231] {strides = array<i32>} : memref<80xf32, #tpu.memory_space<vmem>>, vector<16xf32>,
    tpu.vector_store %arg12[%swap3A_231], %exp3A_230 {strides = array<i32>} : memref<80xf32, #tpu.memory_space<vmem>>, vector<16xf32>,
    %get3A_233 = arith.constant 64 : index
    %get3A_234 = tpu.vector_load %arg13[%get3A_233] {strides = array<i32>} : memref<80xf32, #tpu.memory_space<vmem>>, vector<16xf32>,
    %get3A_235 = arith.constant 64 : index
    %get3A_236 = tpu.vector_load %arg14[%get3A_235] {strides = array<i32>} : memref<80xf32, #tpu.memory_space<vmem>>, vector<16xf32>,
    %add3A_237 = arith.addf %get3A_234, %get3A_236 : vector<16xf32>
    %gt3A_238 = arith.constant 0.000000e+00 : f32
    %gt3A_239 = vector.broadcast %gt3A_238 : f32 to vector<16xf32>
    %gt3A_240 = arith.cmpf ogt, %add3A_237, %gt3A_239 : vector<16xf32>
    %mul3A_241 = arith.constant 2.000000e-01 : f32
    %mul3A_242 = vector.broadcast %mul3A_241 : f32 to vector<16xf32>
    %mul3A_243 = arith.mulf %mul3A_242, %add3A_237 : vector<16xf32>
    %select_n3A_244 = arith.select %gt3A_240, %add3A_237, %mul3A_243 : vector<16xi1>, vector<16xf32>
    %exp3A_245 = math.exp %select_n3A_244 : vector<16xf32>
    %swap3A_246 = arith.constant 64 : index
    %swap3A_247 = tpu.vector_load %arg12[%swap3A_246] {strides = array<i32>} : memref<80xf32, #tpu.memory_space<vmem>>, vector<16xf32>,
    tpu.vector_store %arg12[%swap3A_246], %exp3A_245 {strides = array<i32>} : memref<80xf32, #tpu.memory_space<vmem>>, vector<16xf32>,
    %scan3A_248 = arith.constant 0 : i32
    %scan3A_249 = arith.constant 0 : i32
    %scan3A_250 = arith.constant 20 : i32
    %scan3A_251 = arith.addi %scan3A_249, %scan3A_250 : i32
    %scan3A_252 = arith.constant 1 : i32
    %scan3A_253 = scf.for %scan3A_387 = %scan3A_249 to %scan3A_251 step %scan3A_252 iter_args(%scan3A_388 = %scan3A_248) -> (i32)  : i32 {
      %mul3A_389 = arith.constant 4 : i32
      %mul3A_390 = arith.muli %mul3A_389, %scan3A_387 : i32
      %add3A_391 = arith.constant 0 : i32
      %add3A_392 = arith.addi %mul3A_390, %add3A_391 : i32
      %broadcast_in_dim3A_393 = vector.broadcast %add3A_392 : i32 to vector<16xi32>
      %gather3A = tpu.vector_load_idx %arg12[%broadcast_in_dim3A_393] : memref<80xf32, #tpu.memory_space<vmem>>[vector<16xi32>], vector<16xf32>,
      %get3A_394 = arith.index_cast %add3A_392 : i32 to index
      %get3A_395 = arith.constant 0 : index
      %get3A_396 = tpu.vector_load %arg11[%get3A_394, %get3A_395] {strides = array<i32>} : memref<80x128xf32, #tpu.memory_space<vmem>>, vector<16xf32>,
      %mul3A_397 = arith.mulf %get3A_396, %gather3A : vector<16xf32>
      %swap3A_398 = arith.index_cast %add3A_392 : i32 to index
      %swap3A_399 = arith.constant 0 : index
      %swap3A_400 = tpu.vector_load %arg11[%swap3A_398, %swap3A_399] {strides = array<i32>} : memref<80x128xf32, #tpu.memory_space<vmem>>, vector<16xf32>,
      tpu.vector_store %arg11[%swap3A_398, %swap3A_399], %mul3A_397 {strides = array<i32>} : memref<80x128xf32, #tpu.memory_space<vmem>>, vector<16xf32>,
      %get3A_401 = arith.index_cast %add3A_392 : i32 to index
      %get3A_402 = arith.constant 16 : index
      %get3A_403 = tpu.vector_load %arg11[%get3A_401, %get3A_402] {strides = array<i32>} : memref<80x128xf32, #tpu.memory_space<vmem>>, vector<16xf32>,
      %mul3A_404 = arith.mulf %get3A_403, %gather3A : vector<16xf32>
      %swap3A_405 = arith.index_cast %add3A_392 : i32 to index
      %swap3A_406 = arith.constant 16 : index
      %swap3A_407 = tpu.vector_load %arg11[%swap3A_405, %swap3A_406] {strides = array<i32>} : memref<80x128xf32, #tpu.memory_space<vmem>>, vector<16xf32>,
      tpu.vector_store %arg11[%swap3A_405, %swap3A_406], %mul3A_404 {strides = array<i32>} : memref<80x128xf32, #tpu.memory_space<vmem>>, vector<16xf32>,
      %get3A_408 = arith.index_cast %add3A_392 : i32 to index
      %get3A_409 = arith.constant 32 : index
      %get3A_410 = tpu.vector_load %arg11[%get3A_408, %get3A_409] {strides = array<i32>} : memref<80x128xf32, #tpu.memory_space<vmem>>, vector<16xf32>,
      %mul3A_411 = arith.mulf %get3A_410, %gather3A : vector<16xf32>
      %swap3A_412 = arith.index_cast %add3A_392 : i32 to index
      %swap3A_413 = arith.constant 32 : index
      %swap3A_414 = tpu.vector_load %arg11[%swap3A_412, %swap3A_413] {strides = array<i32>} : memref<80x128xf32, #tpu.memory_space<vmem>>, vector<16xf32>,
      tpu.vector_store %arg11[%swap3A_412, %swap3A_413], %mul3A_411 {strides = array<i32>} : memref<80x128xf32, #tpu.memory_space<vmem>>, vector<16xf32>,
      %get3A_415 = arith.index_cast %add3A_392 : i32 to index
      %get3A_416 = arith.constant 48 : index
      %get3A_417 = tpu.vector_load %arg11[%get3A_415, %get3A_416] {strides = array<i32>} : memref<80x128xf32, #tpu.memory_space<vmem>>, vector<16xf32>,
      %mul3A_418 = arith.mulf %get3A_417, %gather3A : vector<16xf32>
      %swap3A_419 = arith.index_cast %add3A_392 : i32 to index
      %swap3A_420 = arith.constant 48 : index
      %swap3A_421 = tpu.vector_load %arg11[%swap3A_419, %swap3A_420] {strides = array<i32>} : memref<80x128xf32, #tpu.memory_space<vmem>>, vector<16xf32>,
      tpu.vector_store %arg11[%swap3A_419, %swap3A_420], %mul3A_418 {strides = array<i32>} : memref<80x128xf32, #tpu.memory_space<vmem>>, vector<16xf32>,
      %get3A_422 = arith.index_cast %add3A_392 : i32 to index
      %get3A_423 = arith.constant 64 : index
      %get3A_424 = tpu.vector_load %arg11[%get3A_422, %get3A_423] {strides = array<i32>} : memref<80x128xf32, #tpu.memory_space<vmem>>, vector<16xf32>,
      %mul3A_425 = arith.mulf %get3A_424, %gather3A : vector<16xf32>
      %swap3A_426 = arith.index_cast %add3A_392 : i32 to index
      %swap3A_427 = arith.constant 64 : index
      %swap3A_428 = tpu.vector_load %arg11[%swap3A_426, %swap3A_427] {strides = array<i32>} : memref<80x128xf32, #tpu.memory_space<vmem>>, vector<16xf32>,
      tpu.vector_store %arg11[%swap3A_426, %swap3A_427], %mul3A_425 {strides = array<i32>} : memref<80x128xf32, #tpu.memory_space<vmem>>, vector<16xf32>,
      %get3A_429 = arith.index_cast %add3A_392 : i32 to index
      %get3A_430 = arith.constant 80 : index
      %get3A_431 = tpu.vector_load %arg11[%get3A_429, %get3A_430] {strides = array<i32>} : memref<80x128xf32, #tpu.memory_space<vmem>>, vector<16xf32>,
      %mul3A_432 = arith.mulf %get3A_431, %gather3A : vector<16xf32>
      %swap3A_433 = arith.index_cast %add3A_392 : i32 to index
      %swap3A_434 = arith.constant 80 : index
      %swap3A_435 = tpu.vector_load %arg11[%swap3A_433, %swap3A_434] {strides = array<i32>} : memref<80x128xf32, #tpu.memory_space<vmem>>, vector<16xf32>,
      tpu.vector_store %arg11[%swap3A_433, %swap3A_434], %mul3A_432 {strides = array<i32>} : memref<80x128xf32, #tpu.memory_space<vmem>>, vector<16xf32>,
      %get3A_436 = arith.index_cast %add3A_392 : i32 to index
      %get3A_437 = arith.constant 96 : index
      %get3A_438 = tpu.vector_load %arg11[%get3A_436, %get3A_437] {strides = array<i32>} : memref<80x128xf32, #tpu.memory_space<vmem>>, vector<16xf32>,
      %mul3A_439 = arith.mulf %get3A_438, %gather3A : vector<16xf32>
      %swap3A_440 = arith.index_cast %add3A_392 : i32 to index
      %swap3A_441 = arith.constant 96 : index
      %swap3A_442 = tpu.vector_load %arg11[%swap3A_440, %swap3A_441] {strides = array<i32>} : memref<80x128xf32, #tpu.memory_space<vmem>>, vector<16xf32>,
      tpu.vector_store %arg11[%swap3A_440, %swap3A_441], %mul3A_439 {strides = array<i32>} : memref<80x128xf32, #tpu.memory_space<vmem>>, vector<16xf32>,
      %get3A_443 = arith.index_cast %add3A_392 : i32 to index
      %get3A_444 = arith.constant 112 : index
      %get3A_445 = tpu.vector_load %arg11[%get3A_443, %get3A_444] {strides = array<i32>} : memref<80x128xf32, #tpu.memory_space<vmem>>, vector<16xf32>,
      %mul3A_446 = arith.mulf %get3A_445, %gather3A : vector<16xf32>
      %swap3A_447 = arith.index_cast %add3A_392 : i32 to index
      %swap3A_448 = arith.constant 112 : index
      %swap3A_449 = tpu.vector_load %arg11[%swap3A_447, %swap3A_448] {strides = array<i32>} : memref<80x128xf32, #tpu.memory_space<vmem>>, vector<16xf32>,
      tpu.vector_store %arg11[%swap3A_447, %swap3A_448], %mul3A_446 {strides = array<i32>} : memref<80x128xf32, #tpu.memory_space<vmem>>, vector<16xf32>,
      %mul3A_450 = arith.constant 4 : i32
      %mul3A_451 = arith.muli %mul3A_450, %scan3A_387 : i32
      %add3A_452 = arith.constant 1 : i32
      %add3A_453 = arith.addi %mul3A_451, %add3A_452 : i32
      %broadcast_in_dim3A_454 = vector.broadcast %add3A_453 : i32 to vector<16xi32>
      %gather3A_455 = tpu.vector_load_idx %arg12[%broadcast_in_dim3A_454] : memref<80xf32, #tpu.memory_space<vmem>>[vector<16xi32>], vector<16xf32>,
      %get3A_456 = arith.index_cast %add3A_453 : i32 to index
      %get3A_457 = arith.constant 0 : index
      %get3A_458 = tpu.vector_load %arg11[%get3A_456, %get3A_457] {strides = array<i32>} : memref<80x128xf32, #tpu.memory_space<vmem>>, vector<16xf32>,
      %mul3A_459 = arith.mulf %get3A_458, %gather3A_455 : vector<16xf32>
      %swap3A_460 = arith.index_cast %add3A_453 : i32 to index
      %swap3A_461 = arith.constant 0 : index
      %swap3A_462 = tpu.vector_load %arg11[%swap3A_460, %swap3A_461] {strides = array<i32>} : memref<80x128xf32, #tpu.memory_space<vmem>>, vector<16xf32>,
      tpu.vector_store %arg11[%swap3A_460, %swap3A_461], %mul3A_459 {strides = array<i32>} : memref<80x128xf32, #tpu.memory_space<vmem>>, vector<16xf32>,
      %get3A_463 = arith.index_cast %add3A_453 : i32 to index
      %get3A_464 = arith.constant 16 : index
      %get3A_465 = tpu.vector_load %arg11[%get3A_463, %get3A_464] {strides = array<i32>} : memref<80x128xf32, #tpu.memory_space<vmem>>, vector<16xf32>,
      %mul3A_466 = arith.mulf %get3A_465, %gather3A_455 : vector<16xf32>
      %swap3A_467 = arith.index_cast %add3A_453 : i32 to index
      %swap3A_468 = arith.constant 16 : index
      %swap3A_469 = tpu.vector_load %arg11[%swap3A_467, %swap3A_468] {strides = array<i32>} : memref<80x128xf32, #tpu.memory_space<vmem>>, vector<16xf32>,
      tpu.vector_store %arg11[%swap3A_467, %swap3A_468], %mul3A_466 {strides = array<i32>} : memref<80x128xf32, #tpu.memory_space<vmem>>, vector<16xf32>,
      %get3A_470 = arith.index_cast %add3A_453 : i32 to index
      %get3A_471 = arith.constant 32 : index
      %get3A_472 = tpu.vector_load %arg11[%get3A_470, %get3A_471] {strides = array<i32>} : memref<80x128xf32, #tpu.memory_space<vmem>>, vector<16xf32>,
      %mul3A_473 = arith.mulf %get3A_472, %gather3A_455 : vector<16xf32>
      %swap3A_474 = arith.index_cast %add3A_453 : i32 to index
      %swap3A_475 = arith.constant 32 : index
      %swap3A_476 = tpu.vector_load %arg11[%swap3A_474, %swap3A_475] {strides = array<i32>} : memref<80x128xf32, #tpu.memory_space<vmem>>, vector<16xf32>,
      tpu.vector_store %arg11[%swap3A_474, %swap3A_475], %mul3A_473 {strides = array<i32>} : memref<80x128xf32, #tpu.memory_space<vmem>>, vector<16xf32>,
      %get3A_477 = arith.index_cast %add3A_453 : i32 to index
      %get3A_478 = arith.constant 48 : index
      %get3A_479 = tpu.vector_load %arg11[%get3A_477, %get3A_478] {strides = array<i32>} : memref<80x128xf32, #tpu.memory_space<vmem>>, vector<16xf32>,
      %mul3A_480 = arith.mulf %get3A_479, %gather3A_455 : vector<16xf32>
      %swap3A_481 = arith.index_cast %add3A_453 : i32 to index
      %swap3A_482 = arith.constant 48 : index
      %swap3A_483 = tpu.vector_load %arg11[%swap3A_481, %swap3A_482] {strides = array<i32>} : memref<80x128xf32, #tpu.memory_space<vmem>>, vector<16xf32>,
      tpu.vector_store %arg11[%swap3A_481, %swap3A_482], %mul3A_480 {strides = array<i32>} : memref<80x128xf32, #tpu.memory_space<vmem>>, vector<16xf32>,
      %get3A_484 = arith.index_cast %add3A_453 : i32 to index
      %get3A_485 = arith.constant 64 : index
      %get3A_486 = tpu.vector_load %arg11[%get3A_484, %get3A_485] {strides = array<i32>} : memref<80x128xf32, #tpu.memory_space<vmem>>, vector<16xf32>,
      %mul3A_487 = arith.mulf %get3A_486, %gather3A_455 : vector<16xf32>
      %swap3A_488 = arith.index_cast %add3A_453 : i32 to index
      %swap3A_489 = arith.constant 64 : index
      %swap3A_490 = tpu.vector_load %arg11[%swap3A_488, %swap3A_489] {strides = array<i32>} : memref<80x128xf32, #tpu.memory_space<vmem>>, vector<16xf32>,
      tpu.vector_store %arg11[%swap3A_488, %swap3A_489], %mul3A_487 {strides = array<i32>} : memref<80x128xf32, #tpu.memory_space<vmem>>, vector<16xf32>,
      %get3A_491 = arith.index_cast %add3A_453 : i32 to index
      %get3A_492 = arith.constant 80 : index
      %get3A_493 = tpu.vector_load %arg11[%get3A_491, %get3A_492] {strides = array<i32>} : memref<80x128xf32, #tpu.memory_space<vmem>>, vector<16xf32>,
      %mul3A_494 = arith.mulf %get3A_493, %gather3A_455 : vector<16xf32>
      %swap3A_495 = arith.index_cast %add3A_453 : i32 to index
      %swap3A_496 = arith.constant 80 : index
      %swap3A_497 = tpu.vector_load %arg11[%swap3A_495, %swap3A_496] {strides = array<i32>} : memref<80x128xf32, #tpu.memory_space<vmem>>, vector<16xf32>,
      tpu.vector_store %arg11[%swap3A_495, %swap3A_496], %mul3A_494 {strides = array<i32>} : memref<80x128xf32, #tpu.memory_space<vmem>>, vector<16xf32>,
      %get3A_498 = arith.index_cast %add3A_453 : i32 to index
      %get3A_499 = arith.constant 96 : index
      %get3A_500 = tpu.vector_load %arg11[%get3A_498, %get3A_499] {strides = array<i32>} : memref<80x128xf32, #tpu.memory_space<vmem>>, vector<16xf32>,
      %mul3A_501 = arith.mulf %get3A_500, %gather3A_455 : vector<16xf32>
      %swap3A_502 = arith.index_cast %add3A_453 : i32 to index
      %swap3A_503 = arith.constant 96 : index
      %swap3A_504 = tpu.vector_load %arg11[%swap3A_502, %swap3A_503] {strides = array<i32>} : memref<80x128xf32, #tpu.memory_space<vmem>>, vector<16xf32>,
      tpu.vector_store %arg11[%swap3A_502, %swap3A_503], %mul3A_501 {strides = array<i32>} : memref<80x128xf32, #tpu.memory_space<vmem>>, vector<16xf32>,
      %get3A_505 = arith.index_cast %add3A_453 : i32 to index
      %get3A_506 = arith.constant 112 : index
      %get3A_507 = tpu.vector_load %arg11[%get3A_505, %get3A_506] {strides = array<i32>} : memref<80x128xf32, #tpu.memory_space<vmem>>, vector<16xf32>,
      %mul3A_508 = arith.mulf %get3A_507, %gather3A_455 : vector<16xf32>
      %swap3A_509 = arith.index_cast %add3A_453 : i32 to index
      %swap3A_510 = arith.constant 112 : index
      %swap3A_511 = tpu.vector_load %arg11[%swap3A_509, %swap3A_510] {strides = array<i32>} : memref<80x128xf32, #tpu.memory_space<vmem>>, vector<16xf32>,
      tpu.vector_store %arg11[%swap3A_509, %swap3A_510], %mul3A_508 {strides = array<i32>} : memref<80x128xf32, #tpu.memory_space<vmem>>, vector<16xf32>,
      %mul3A_512 = arith.constant 4 : i32
      %mul3A_513 = arith.muli %mul3A_512, %scan3A_387 : i32
      %add3A_514 = arith.constant 2 : i32
      %add3A_515 = arith.addi %mul3A_513, %add3A_514 : i32
      %broadcast_in_dim3A_516 = vector.broadcast %add3A_515 : i32 to vector<16xi32>
      %gather3A_517 = tpu.vector_load_idx %arg12[%broadcast_in_dim3A_516] : memref<80xf32, #tpu.memory_space<vmem>>[vector<16xi32>], vector<16xf32>,
      %get3A_518 = arith.index_cast %add3A_515 : i32 to index
      %get3A_519 = arith.constant 0 : index
      %get3A_520 = tpu.vector_load %arg11[%get3A_518, %get3A_519] {strides = array<i32>} : memref<80x128xf32, #tpu.memory_space<vmem>>, vector<16xf32>,
      %mul3A_521 = arith.mulf %get3A_520, %gather3A_517 : vector<16xf32>
      %swap3A_522 = arith.index_cast %add3A_515 : i32 to index
      %swap3A_523 = arith.constant 0 : index
      %swap3A_524 = tpu.vector_load %arg11[%swap3A_522, %swap3A_523] {strides = array<i32>} : memref<80x128xf32, #tpu.memory_space<vmem>>, vector<16xf32>,
      tpu.vector_store %arg11[%swap3A_522, %swap3A_523], %mul3A_521 {strides = array<i32>} : memref<80x128xf32, #tpu.memory_space<vmem>>, vector<16xf32>,
      %get3A_525 = arith.index_cast %add3A_515 : i32 to index
      %get3A_526 = arith.constant 16 : index
      %get3A_527 = tpu.vector_load %arg11[%get3A_525, %get3A_526] {strides = array<i32>} : memref<80x128xf32, #tpu.memory_space<vmem>>, vector<16xf32>,
      %mul3A_528 = arith.mulf %get3A_527, %gather3A_517 : vector<16xf32>
      %swap3A_529 = arith.index_cast %add3A_515 : i32 to index
      %swap3A_530 = arith.constant 16 : index
      %swap3A_531 = tpu.vector_load %arg11[%swap3A_529, %swap3A_530] {strides = array<i32>} : memref<80x128xf32, #tpu.memory_space<vmem>>, vector<16xf32>,
      tpu.vector_store %arg11[%swap3A_529, %swap3A_530], %mul3A_528 {strides = array<i32>} : memref<80x128xf32, #tpu.memory_space<vmem>>, vector<16xf32>,
      %get3A_532 = arith.index_cast %add3A_515 : i32 to index
      %get3A_533 = arith.constant 32 : index
      %get3A_534 = tpu.vector_load %arg11[%get3A_532, %get3A_533] {strides = array<i32>} : memref<80x128xf32, #tpu.memory_space<vmem>>, vector<16xf32>,
      %mul3A_535 = arith.mulf %get3A_534, %gather3A_517 : vector<16xf32>
      %swap3A_536 = arith.index_cast %add3A_515 : i32 to index
      %swap3A_537 = arith.constant 32 : index
      %swap3A_538 = tpu.vector_load %arg11[%swap3A_536, %swap3A_537] {strides = array<i32>} : memref<80x128xf32, #tpu.memory_space<vmem>>, vector<16xf32>,
      tpu.vector_store %arg11[%swap3A_536, %swap3A_537], %mul3A_535 {strides = array<i32>} : memref<80x128xf32, #tpu.memory_space<vmem>>, vector<16xf32>,
      %get3A_539 = arith.index_cast %add3A_515 : i32 to index
      %get3A_540 = arith.constant 48 : index
      %get3A_541 = tpu.vector_load %arg11[%get3A_539, %get3A_540] {strides = array<i32>} : memref<80x128xf32, #tpu.memory_space<vmem>>, vector<16xf32>,
      %mul3A_542 = arith.mulf %get3A_541, %gather3A_517 : vector<16xf32>
      %swap3A_543 = arith.index_cast %add3A_515 : i32 to index
      %swap3A_544 = arith.constant 48 : index
      %swap3A_545 = tpu.vector_load %arg11[%swap3A_543, %swap3A_544] {strides = array<i32>} : memref<80x128xf32, #tpu.memory_space<vmem>>, vector<16xf32>,
      tpu.vector_store %arg11[%swap3A_543, %swap3A_544], %mul3A_542 {strides = array<i32>} : memref<80x128xf32, #tpu.memory_space<vmem>>, vector<16xf32>,
      %get3A_546 = arith.index_cast %add3A_515 : i32 to index
      %get3A_547 = arith.constant 64 : index
      %get3A_548 = tpu.vector_load %arg11[%get3A_546, %get3A_547] {strides = array<i32>} : memref<80x128xf32, #tpu.memory_space<vmem>>, vector<16xf32>,
      %mul3A_549 = arith.mulf %get3A_548, %gather3A_517 : vector<16xf32>
      %swap3A_550 = arith.index_cast %add3A_515 : i32 to index
      %swap3A_551 = arith.constant 64 : index
      %swap3A_552 = tpu.vector_load %arg11[%swap3A_550, %swap3A_551] {strides = array<i32>} : memref<80x128xf32, #tpu.memory_space<vmem>>, vector<16xf32>,
      tpu.vector_store %arg11[%swap3A_550, %swap3A_551], %mul3A_549 {strides = array<i32>} : memref<80x128xf32, #tpu.memory_space<vmem>>, vector<16xf32>,
      %get3A_553 = arith.index_cast %add3A_515 : i32 to index
      %get3A_554 = arith.constant 80 : index
      %get3A_555 = tpu.vector_load %arg11[%get3A_553, %get3A_554] {strides = array<i32>} : memref<80x128xf32, #tpu.memory_space<vmem>>, vector<16xf32>,
      %mul3A_556 = arith.mulf %get3A_555, %gather3A_517 : vector<16xf32>
      %swap3A_557 = arith.index_cast %add3A_515 : i32 to index
      %swap3A_558 = arith.constant 80 : index
      %swap3A_559 = tpu.vector_load %arg11[%swap3A_557, %swap3A_558] {strides = array<i32>} : memref<80x128xf32, #tpu.memory_space<vmem>>, vector<16xf32>,
      tpu.vector_store %arg11[%swap3A_557, %swap3A_558], %mul3A_556 {strides = array<i32>} : memref<80x128xf32, #tpu.memory_space<vmem>>, vector<16xf32>,
      %get3A_560 = arith.index_cast %add3A_515 : i32 to index
      %get3A_561 = arith.constant 96 : index
      %get3A_562 = tpu.vector_load %arg11[%get3A_560, %get3A_561] {strides = array<i32>} : memref<80x128xf32, #tpu.memory_space<vmem>>, vector<16xf32>,
      %mul3A_563 = arith.mulf %get3A_562, %gather3A_517 : vector<16xf32>
      %swap3A_564 = arith.index_cast %add3A_515 : i32 to index
      %swap3A_565 = arith.constant 96 : index
      %swap3A_566 = tpu.vector_load %arg11[%swap3A_564, %swap3A_565] {strides = array<i32>} : memref<80x128xf32, #tpu.memory_space<vmem>>, vector<16xf32>,
      tpu.vector_store %arg11[%swap3A_564, %swap3A_565], %mul3A_563 {strides = array<i32>} : memref<80x128xf32, #tpu.memory_space<vmem>>, vector<16xf32>,
      %get3A_567 = arith.index_cast %add3A_515 : i32 to index
      %get3A_568 = arith.constant 112 : index
      %get3A_569 = tpu.vector_load %arg11[%get3A_567, %get3A_568] {strides = array<i32>} : memref<80x128xf32, #tpu.memory_space<vmem>>, vector<16xf32>,
      %mul3A_570 = arith.mulf %get3A_569, %gather3A_517 : vector<16xf32>
      %swap3A_571 = arith.index_cast %add3A_515 : i32 to index
      %swap3A_572 = arith.constant 112 : index
      %swap3A_573 = tpu.vector_load %arg11[%swap3A_571, %swap3A_572] {strides = array<i32>} : memref<80x128xf32, #tpu.memory_space<vmem>>, vector<16xf32>,
      tpu.vector_store %arg11[%swap3A_571, %swap3A_572], %mul3A_570 {strides = array<i32>} : memref<80x128xf32, #tpu.memory_space<vmem>>, vector<16xf32>,
      %mul3A_574 = arith.constant 4 : i32
      %mul3A_575 = arith.muli %mul3A_574, %scan3A_387 : i32
      %add3A_576 = arith.constant 3 : i32
      %add3A_577 = arith.addi %mul3A_575, %add3A_576 : i32
      %broadcast_in_dim3A_578 = vector.broadcast %add3A_577 : i32 to vector<16xi32>
      %gather3A_579 = tpu.vector_load_idx %arg12[%broadcast_in_dim3A_578] : memref<80xf32, #tpu.memory_space<vmem>>[vector<16xi32>], vector<16xf32>,
      %get3A_580 = arith.index_cast %add3A_577 : i32 to index
      %get3A_581 = arith.constant 0 : index
      %get3A_582 = tpu.vector_load %arg11[%get3A_580, %get3A_581] {strides = array<i32>} : memref<80x128xf32, #tpu.memory_space<vmem>>, vector<16xf32>,
      %mul3A_583 = arith.mulf %get3A_582, %gather3A_579 : vector<16xf32>
      %swap3A_584 = arith.index_cast %add3A_577 : i32 to index
      %swap3A_585 = arith.constant 0 : index
      %swap3A_586 = tpu.vector_load %arg11[%swap3A_584, %swap3A_585] {strides = array<i32>} : memref<80x128xf32, #tpu.memory_space<vmem>>, vector<16xf32>,
      tpu.vector_store %arg11[%swap3A_584, %swap3A_585], %mul3A_583 {strides = array<i32>} : memref<80x128xf32, #tpu.memory_space<vmem>>, vector<16xf32>,
      %get3A_587 = arith.index_cast %add3A_577 : i32 to index
      %get3A_588 = arith.constant 16 : index
      %get3A_589 = tpu.vector_load %arg11[%get3A_587, %get3A_588] {strides = array<i32>} : memref<80x128xf32, #tpu.memory_space<vmem>>, vector<16xf32>,
      %mul3A_590 = arith.mulf %get3A_589, %gather3A_579 : vector<16xf32>
      %swap3A_591 = arith.index_cast %add3A_577 : i32 to index
      %swap3A_592 = arith.constant 16 : index
      %swap3A_593 = tpu.vector_load %arg11[%swap3A_591, %swap3A_592] {strides = array<i32>} : memref<80x128xf32, #tpu.memory_space<vmem>>, vector<16xf32>,
      tpu.vector_store %arg11[%swap3A_591, %swap3A_592], %mul3A_590 {strides = array<i32>} : memref<80x128xf32, #tpu.memory_space<vmem>>, vector<16xf32>,
      %get3A_594 = arith.index_cast %add3A_577 : i32 to index
      %get3A_595 = arith.constant 32 : index
      %get3A_596 = tpu.vector_load %arg11[%get3A_594, %get3A_595] {strides = array<i32>} : memref<80x128xf32, #tpu.memory_space<vmem>>, vector<16xf32>,
      %mul3A_597 = arith.mulf %get3A_596, %gather3A_579 : vector<16xf32>
      %swap3A_598 = arith.index_cast %add3A_577 : i32 to index
      %swap3A_599 = arith.constant 32 : index
      %swap3A_600 = tpu.vector_load %arg11[%swap3A_598, %swap3A_599] {strides = array<i32>} : memref<80x128xf32, #tpu.memory_space<vmem>>, vector<16xf32>,
      tpu.vector_store %arg11[%swap3A_598, %swap3A_599], %mul3A_597 {strides = array<i32>} : memref<80x128xf32, #tpu.memory_space<vmem>>, vector<16xf32>,
      %get3A_601 = arith.index_cast %add3A_577 : i32 to index
      %get3A_602 = arith.constant 48 : index
      %get3A_603 = tpu.vector_load %arg11[%get3A_601, %get3A_602] {strides = array<i32>} : memref<80x128xf32, #tpu.memory_space<vmem>>, vector<16xf32>,
      %mul3A_604 = arith.mulf %get3A_603, %gather3A_579 : vector<16xf32>
      %swap3A_605 = arith.index_cast %add3A_577 : i32 to index
      %swap3A_606 = arith.constant 48 : index
      %swap3A_607 = tpu.vector_load %arg11[%swap3A_605, %swap3A_606] {strides = array<i32>} : memref<80x128xf32, #tpu.memory_space<vmem>>, vector<16xf32>,
      tpu.vector_store %arg11[%swap3A_605, %swap3A_606], %mul3A_604 {strides = array<i32>} : memref<80x128xf32, #tpu.memory_space<vmem>>, vector<16xf32>,
      %get3A_608 = arith.index_cast %add3A_577 : i32 to index
      %get3A_609 = arith.constant 64 : index
      %get3A_610 = tpu.vector_load %arg11[%get3A_608, %get3A_609] {strides = array<i32>} : memref<80x128xf32, #tpu.memory_space<vmem>>, vector<16xf32>,
      %mul3A_611 = arith.mulf %get3A_610, %gather3A_579 : vector<16xf32>
      %swap3A_612 = arith.index_cast %add3A_577 : i32 to index
      %swap3A_613 = arith.constant 64 : index
      %swap3A_614 = tpu.vector_load %arg11[%swap3A_612, %swap3A_613] {strides = array<i32>} : memref<80x128xf32, #tpu.memory_space<vmem>>, vector<16xf32>,
      tpu.vector_store %arg11[%swap3A_612, %swap3A_613], %mul3A_611 {strides = array<i32>} : memref<80x128xf32, #tpu.memory_space<vmem>>, vector<16xf32>,
      %get3A_615 = arith.index_cast %add3A_577 : i32 to index
      %get3A_616 = arith.constant 80 : index
      %get3A_617 = tpu.vector_load %arg11[%get3A_615, %get3A_616] {strides = array<i32>} : memref<80x128xf32, #tpu.memory_space<vmem>>, vector<16xf32>,
      %mul3A_618 = arith.mulf %get3A_617, %gather3A_579 : vector<16xf32>
      %swap3A_619 = arith.index_cast %add3A_577 : i32 to index
      %swap3A_620 = arith.constant 80 : index
      %swap3A_621 = tpu.vector_load %arg11[%swap3A_619, %swap3A_620] {strides = array<i32>} : memref<80x128xf32, #tpu.memory_space<vmem>>, vector<16xf32>,
      tpu.vector_store %arg11[%swap3A_619, %swap3A_620], %mul3A_618 {strides = array<i32>} : memref<80x128xf32, #tpu.memory_space<vmem>>, vector<16xf32>,
      %get3A_622 = arith.index_cast %add3A_577 : i32 to index
      %get3A_623 = arith.constant 96 : index
      %get3A_624 = tpu.vector_load %arg11[%get3A_622, %get3A_623] {strides = array<i32>} : memref<80x128xf32, #tpu.memory_space<vmem>>, vector<16xf32>,
      %mul3A_625 = arith.mulf %get3A_624, %gather3A_579 : vector<16xf32>
      %swap3A_626 = arith.index_cast %add3A_577 : i32 to index
      %swap3A_627 = arith.constant 96 : index
      %swap3A_628 = tpu.vector_load %arg11[%swap3A_626, %swap3A_627] {strides = array<i32>} : memref<80x128xf32, #tpu.memory_space<vmem>>, vector<16xf32>,
      tpu.vector_store %arg11[%swap3A_626, %swap3A_627], %mul3A_625 {strides = array<i32>} : memref<80x128xf32, #tpu.memory_space<vmem>>, vector<16xf32>,
      %get3A_629 = arith.index_cast %add3A_577 : i32 to index
      %get3A_630 = arith.constant 112 : index
      %get3A_631 = tpu.vector_load %arg11[%get3A_629, %get3A_630] {strides = array<i32>} : memref<80x128xf32, #tpu.memory_space<vmem>>, vector<16xf32>,
      %mul3A_632 = arith.mulf %get3A_631, %gather3A_579 : vector<16xf32>
      %swap3A_633 = arith.index_cast %add3A_577 : i32 to index
      %swap3A_634 = arith.constant 112 : index
      %swap3A_635 = tpu.vector_load %arg11[%swap3A_633, %swap3A_634] {strides = array<i32>} : memref<80x128xf32, #tpu.memory_space<vmem>>, vector<16xf32>,
      tpu.vector_store %arg11[%swap3A_633, %swap3A_634], %mul3A_632 {strides = array<i32>} : memref<80x128xf32, #tpu.memory_space<vmem>>, vector<16xf32>,
      %scan3A_636 = arith.constant 0 : i32
      scf.yield %scan3A_636 : i32
    }
    %scan3A_254 = arith.constant 20 : i32
    %dma_start3A_255 = arith.constant 0 : i32
    %dma_start3A_256 = arith.constant 0 : i32
    %dma_start3A_257 = tpu.memref_slice %arg28[%dma_start3A_255, %dma_start3A_256] : memref<10000x128xf32, #tpu.memory_space<vmem_shared>> -> memref<10000x128xf32, #tpu.memory_space<vmem_shared>>
    tpu.enqueue_indirect_dma source(%arg11 : memref<80x128xf32, #tpu.memory_space<vmem>>) target(%dma_start3A_257 : memref<10000x128xf32, #tpu.memory_space<vmem_shared>>) offsets(%arg10 : memref<80xi32, #tpu.memory_space<vmem>>) semaphore(%arg33 : memref<!tpu.dma_semaphore, #tpu.memory_space<semaphore_mem>>) {add = true}
    %dma_start3A_258 = arith.constant 0 : i32
    %dma_start3A_259 = tpu.memref_slice %arg29[%dma_start3A_258] : memref<10000xf32, #tpu.memory_space<vmem_shared>> -> memref<10000xf32, #tpu.memory_space<vmem_shared>>
    tpu.enqueue_indirect_dma source(%arg12 : memref<80xf32, #tpu.memory_space<vmem>>) target(%dma_start3A_259 : memref<10000xf32, #tpu.memory_space<vmem_shared>>) offsets(%arg10 : memref<80xi32, #tpu.memory_space<vmem>>) semaphore(%arg33 : memref<!tpu.dma_semaphore, #tpu.memory_space<semaphore_mem>>) {add = true}
    %dma_wait3A_260 = arith.constant 0 : i32
    %dma_wait3A_261 = arith.constant 0 : i32
    %dma_wait3A_262 = tpu.memref_slice %arg28[%dma_wait3A_260, %dma_wait3A_261] : memref<10000x128xf32, #tpu.memory_space<vmem_shared>> -> memref<10000x128xf32, #tpu.memory_space<vmem_shared>>
    tpu.wait_indirect_dma semaphore(%arg35 : memref<!tpu.dma_semaphore, #tpu.memory_space<semaphore_mem>>) src(%arg23 : memref<80x128xf32, #tpu.memory_space<vmem>>) dst(%dma_wait3A_262 : memref<10000x128xf32, #tpu.memory_space<vmem_shared>>)
    %dma_wait3A_263 = arith.constant 0 : i32
    %dma_wait3A_264 = tpu.memref_slice %arg29[%dma_wait3A_263] : memref<10000xf32, #tpu.memory_space<vmem_shared>> -> memref<10000xf32, #tpu.memory_space<vmem_shared>>
    tpu.wait_indirect_dma semaphore(%arg35 : memref<!tpu.dma_semaphore, #tpu.memory_space<semaphore_mem>>) src(%arg24 : memref<80xf32, #tpu.memory_space<vmem>>) dst(%dma_wait3A_264 : memref<10000xf32, #tpu.memory_space<vmem_shared>>)
    %dma_wait3A_265 = arith.constant 0 : i32
    %dma_wait3A_266 = arith.constant 0 : i32
    %dma_wait3A_267 = tpu.memref_slice %arg2[%dma_wait3A_265, %dma_wait3A_266] : memref<10000x128xf32, #tpu.memory_space<hbm>> -> memref<10000x128xf32, #tpu.memory_space<hbm>>
    tpu.wait_indirect_dma semaphore(%arg31 : memref<!tpu.dma_semaphore, #tpu.memory_space<semaphore_mem>>) src(%dma_wait3A_267 : memref<10000x128xf32, #tpu.memory_space<hbm>>) dst(%arg17 : memref<80x128xf32, #tpu.memory_space<vmem>>)
    %dma_wait3A_268 = arith.constant 0 : i32
    %dma_wait3A_269 = tpu.memref_slice %arg3[%dma_wait3A_268] : memref<10000xf32, #tpu.memory_space<hbm>> -> memref<10000xf32, #tpu.memory_space<hbm>>
    tpu.wait_indirect_dma semaphore(%arg31 : memref<!tpu.dma_semaphore, #tpu.memory_space<semaphore_mem>>) src(%dma_wait3A_269 : memref<10000xf32, #tpu.memory_space<hbm>>) dst(%arg19 : memref<80xf32, #tpu.memory_space<vmem>>)
    %dma_wait3A_270 = arith.constant 0 : i32
    %dma_wait3A_271 = tpu.memref_slice %arg4[%dma_wait3A_270] : memref<10000xf32, #tpu.memory_space<hbm>> -> memref<10000xf32, #tpu.memory_space<hbm>>
    tpu.wait_indirect_dma semaphore(%arg31 : memref<!tpu.dma_semaphore, #tpu.memory_space<semaphore_mem>>) src(%dma_wait3A_271 : memref<10000xf32, #tpu.memory_space<hbm>>) dst(%arg20 : memref<80xf32, #tpu.memory_space<vmem>>)
    %get3A_272 = arith.constant 0 : index
    %get3A_273 = tpu.vector_load %arg19[%get3A_272] {strides = array<i32>} : memref<80xf32, #tpu.memory_space<vmem>>, vector<16xf32>,
    %get3A_274 = arith.constant 0 : index
    %get3A_275 = tpu.vector_load %arg20[%get3A_274] {strides = array<i32>} : memref<80xf32, #tpu.memory_space<vmem>>, vector<16xf32>,
    %add3A_276 = arith.addf %get3A_273, %get3A_275 : vector<16xf32>
    %gt3A_277 = arith.constant 0.000000e+00 : f32
    %gt3A_278 = vector.broadcast %gt3A_277 : f32 to vector<16xf32>
    %gt3A_279 = arith.cmpf ogt, %add3A_276, %gt3A_278 : vector<16xf32>
    %mul3A_280 = arith.constant 2.000000e-01 : f32
    %mul3A_281 = vector.broadcast %mul3A_280 : f32 to vector<16xf32>
    %mul3A_282 = arith.mulf %mul3A_281, %add3A_276 : vector<16xf32>
    %select_n3A_283 = arith.select %gt3A_279, %add3A_276, %mul3A_282 : vector<16xi1>, vector<16xf32>
    %exp3A_284 = math.exp %select_n3A_283 : vector<16xf32>
    %swap3A_285 = arith.constant 0 : index
    %swap3A_286 = tpu.vector_load %arg18[%swap3A_285] {strides = array<i32>} : memref<80xf32, #tpu.memory_space<vmem>>, vector<16xf32>,
    tpu.vector_store %arg18[%swap3A_285], %exp3A_284 {strides = array<i32>} : memref<80xf32, #tpu.memory_space<vmem>>, vector<16xf32>,
    %get3A_287 = arith.constant 16 : index
    %get3A_288 = tpu.vector_load %arg19[%get3A_287] {strides = array<i32>} : memref<80xf32, #tpu.memory_space<vmem>>, vector<16xf32>,
    %get3A_289 = arith.constant 16 : index
    %get3A_290 = tpu.vector_load %arg20[%get3A_289] {strides = array<i32>} : memref<80xf32, #tpu.memory_space<vmem>>, vector<16xf32>,
    %add3A_291 = arith.addf %get3A_288, %get3A_290 : vector<16xf32>
    %gt3A_292 = arith.constant 0.000000e+00 : f32
    %gt3A_293 = vector.broadcast %gt3A_292 : f32 to vector<16xf32>
    %gt3A_294 = arith.cmpf ogt, %add3A_291, %gt3A_293 : vector<16xf32>
    %mul3A_295 = arith.constant 2.000000e-01 : f32
    %mul3A_296 = vector.broadcast %mul3A_295 : f32 to vector<16xf32>
    %mul3A_297 = arith.mulf %mul3A_296, %add3A_291 : vector<16xf32>
    %select_n3A_298 = arith.select %gt3A_294, %add3A_291, %mul3A_297 : vector<16xi1>, vector<16xf32>
    %exp3A_299 = math.exp %select_n3A_298 : vector<16xf32>
    %swap3A_300 = arith.constant 16 : index
    %swap3A_301 = tpu.vector_load %arg18[%swap3A_300] {strides = array<i32>} : memref<80xf32, #tpu.memory_space<vmem>>, vector<16xf32>,
    tpu.vector_store %arg18[%swap3A_300], %exp3A_299 {strides = array<i32>} : memref<80xf32, #tpu.memory_space<vmem>>, vector<16xf32>,
    %get3A_302 = arith.constant 32 : index
    %get3A_303 = tpu.vector_load %arg19[%get3A_302] {strides = array<i32>} : memref<80xf32, #tpu.memory_space<vmem>>, vector<16xf32>,
    %get3A_304 = arith.constant 32 : index
    %get3A_305 = tpu.vector_load %arg20[%get3A_304] {strides = array<i32>} : memref<80xf32, #tpu.memory_space<vmem>>, vector<16xf32>,
    %add3A_306 = arith.addf %get3A_303, %get3A_305 : vector<16xf32>
    %gt3A_307 = arith.constant 0.000000e+00 : f32
    %gt3A_308 = vector.broadcast %gt3A_307 : f32 to vector<16xf32>
    %gt3A_309 = arith.cmpf ogt, %add3A_306, %gt3A_308 : vector<16xf32>
    %mul3A_310 = arith.constant 2.000000e-01 : f32
    %mul3A_311 = vector.broadcast %mul3A_310 : f32 to vector<16xf32>
    %mul3A_312 = arith.mulf %mul3A_311, %add3A_306 : vector<16xf32>
    %select_n3A_313 = arith.select %gt3A_309, %add3A_306, %mul3A_312 : vector<16xi1>, vector<16xf32>
    %exp3A_314 = math.exp %select_n3A_313 : vector<16xf32>
    %swap3A_315 = arith.constant 32 : index
    %swap3A_316 = tpu.vector_load %arg18[%swap3A_315] {strides = array<i32>} : memref<80xf32, #tpu.memory_space<vmem>>, vector<16xf32>,
    tpu.vector_store %arg18[%swap3A_315], %exp3A_314 {strides = array<i32>} : memref<80xf32, #tpu.memory_space<vmem>>, vector<16xf32>,
    %get3A_317 = arith.constant 48 : index
    %get3A_318 = tpu.vector_load %arg19[%get3A_317] {strides = array<i32>} : memref<80xf32, #tpu.memory_space<vmem>>, vector<16xf32>,
    %get3A_319 = arith.constant 48 : index
    %get3A_320 = tpu.vector_load %arg20[%get3A_319] {strides = array<i32>} : memref<80xf32, #tpu.memory_space<vmem>>, vector<16xf32>,
    %add3A_321 = arith.addf %get3A_318, %get3A_320 : vector<16xf32>
    %gt3A_322 = arith.constant 0.000000e+00 : f32
    %gt3A_323 = vector.broadcast %gt3A_322 : f32 to vector<16xf32>
    %gt3A_324 = arith.cmpf ogt, %add3A_321, %gt3A_323 : vector<16xf32>
    %mul3A_325 = arith.constant 2.000000e-01 : f32
    %mul3A_326 = vector.broadcast %mul3A_325 : f32 to vector<16xf32>
    %mul3A_327 = arith.mulf %mul3A_326, %add3A_321 : vector<16xf32>
    %select_n3A_328 = arith.select %gt3A_324, %add3A_321, %mul3A_327 : vector<16xi1>, vector<16xf32>
    %exp3A_329 = math.exp %select_n3A_328 : vector<16xf32>
    %swap3A_330 = arith.constant 48 : index
    %swap3A_331 = tpu.vector_load %arg18[%swap3A_330] {strides = array<i32>} : memref<80xf32, #tpu.memory_space<vmem>>, vector<16xf32>,
    tpu.vector_store %arg18[%swap3A_330], %exp3A_329 {strides = array<i32>} : memref<80xf32, #tpu.memory_space<vmem>>, vector<16xf32>,
    %get3A_332 = arith.constant 64 : index
    %get3A_333 = tpu.vector_load %arg19[%get3A_332] {strides = array<i32>} : memref<80xf32, #tpu.memory_space<vmem>>, vector<16xf32>,
    %get3A_334 = arith.constant 64 : index
    %get3A_335 = tpu.vector_load %arg20[%get3A_334] {strides = array<i32>} : memref<80xf32, #tpu.memory_space<vmem>>, vector<16xf32>,
    %add3A_336 = arith.addf %get3A_333, %get3A_335 : vector<16xf32>
    %gt3A_337 = arith.constant 0.000000e+00 : f32
    %gt3A_338 = vector.broadcast %gt3A_337 : f32 to vector<16xf32>
    %gt3A_339 = arith.cmpf ogt, %add3A_336, %gt3A_338 : vector<16xf32>
    %mul3A_340 = arith.constant 2.000000e-01 : f32
    %mul3A_341 = vector.broadcast %mul3A_340 : f32 to vector<16xf32>
    %mul3A_342 = arith.mulf %mul3A_341, %add3A_336 : vector<16xf32>
    %select_n3A_343 = arith.select %gt3A_339, %add3A_336, %mul3A_342 : vector<16xi1>, vector<16xf32>
    %exp3A_344 = math.exp %select_n3A_343 : vector<16xf32>
    %swap3A_345 = arith.constant 64 : index
    %swap3A_346 = tpu.vector_load %arg18[%swap3A_345] {strides = array<i32>} : memref<80xf32, #tpu.memory_space<vmem>>, vector<16xf32>,
    tpu.vector_store %arg18[%swap3A_345], %exp3A_344 {strides = array<i32>} : memref<80xf32, #tpu.memory_space<vmem>>, vector<16xf32>,
    %scan3A_347 = arith.constant 0 : i32
    %scan3A_348 = arith.constant 0 : i32
    %scan3A_349 = arith.constant 20 : i32
    %scan3A_350 = arith.addi %scan3A_348, %scan3A_349 : i32
    %scan3A_351 = arith.constant 1 : i32
    %scan3A_352 = scf.for %scan3A_387 = %scan3A_348 to %scan3A_350 step %scan3A_351 iter_args(%scan3A_388 = %scan3A_347) -> (i32)  : i32 {
      %mul3A_389 = arith.constant 4 : i32
      %mul3A_390 = arith.muli %mul3A_389, %scan3A_387 : i32
      %add3A_391 = arith.constant 0 : i32
      %add3A_392 = arith.addi %mul3A_390, %add3A_391 : i32
      %broadcast_in_dim3A_393 = vector.broadcast %add3A_392 : i32 to vector<16xi32>
      %gather3A = tpu.vector_load_idx %arg18[%broadcast_in_dim3A_393] : memref<80xf32, #tpu.memory_space<vmem>>[vector<16xi32>], vector<16xf32>,
      %get3A_394 = arith.index_cast %add3A_392 : i32 to index
      %get3A_395 = arith.constant 0 : index
      %get3A_396 = tpu.vector_load %arg17[%get3A_394, %get3A_395] {strides = array<i32>} : memref<80x128xf32, #tpu.memory_space<vmem>>, vector<16xf32>,
      %mul3A_397 = arith.mulf %get3A_396, %gather3A : vector<16xf32>
      %swap3A_398 = arith.index_cast %add3A_392 : i32 to index
      %swap3A_399 = arith.constant 0 : index
      %swap3A_400 = tpu.vector_load %arg17[%swap3A_398, %swap3A_399] {strides = array<i32>} : memref<80x128xf32, #tpu.memory_space<vmem>>, vector<16xf32>,
      tpu.vector_store %arg17[%swap3A_398, %swap3A_399], %mul3A_397 {strides = array<i32>} : memref<80x128xf32, #tpu.memory_space<vmem>>, vector<16xf32>,
      %get3A_401 = arith.index_cast %add3A_392 : i32 to index
      %get3A_402 = arith.constant 16 : index
      %get3A_403 = tpu.vector_load %arg17[%get3A_401, %get3A_402] {strides = array<i32>} : memref<80x128xf32, #tpu.memory_space<vmem>>, vector<16xf32>,
      %mul3A_404 = arith.mulf %get3A_403, %gather3A : vector<16xf32>
      %swap3A_405 = arith.index_cast %add3A_392 : i32 to index
      %swap3A_406 = arith.constant 16 : index
      %swap3A_407 = tpu.vector_load %arg17[%swap3A_405, %swap3A_406] {strides = array<i32>} : memref<80x128xf32, #tpu.memory_space<vmem>>, vector<16xf32>,
      tpu.vector_store %arg17[%swap3A_405, %swap3A_406], %mul3A_404 {strides = array<i32>} : memref<80x128xf32, #tpu.memory_space<vmem>>, vector<16xf32>,
      %get3A_408 = arith.index_cast %add3A_392 : i32 to index
      %get3A_409 = arith.constant 32 : index
      %get3A_410 = tpu.vector_load %arg17[%get3A_408, %get3A_409] {strides = array<i32>} : memref<80x128xf32, #tpu.memory_space<vmem>>, vector<16xf32>,
      %mul3A_411 = arith.mulf %get3A_410, %gather3A : vector<16xf32>
      %swap3A_412 = arith.index_cast %add3A_392 : i32 to index
      %swap3A_413 = arith.constant 32 : index
      %swap3A_414 = tpu.vector_load %arg17[%swap3A_412, %swap3A_413] {strides = array<i32>} : memref<80x128xf32, #tpu.memory_space<vmem>>, vector<16xf32>,
      tpu.vector_store %arg17[%swap3A_412, %swap3A_413], %mul3A_411 {strides = array<i32>} : memref<80x128xf32, #tpu.memory_space<vmem>>, vector<16xf32>,
      %get3A_415 = arith.index_cast %add3A_392 : i32 to index
      %get3A_416 = arith.constant 48 : index
      %get3A_417 = tpu.vector_load %arg17[%get3A_415, %get3A_416] {strides = array<i32>} : memref<80x128xf32, #tpu.memory_space<vmem>>, vector<16xf32>,
      %mul3A_418 = arith.mulf %get3A_417, %gather3A : vector<16xf32>
      %swap3A_419 = arith.index_cast %add3A_392 : i32 to index
      %swap3A_420 = arith.constant 48 : index
      %swap3A_421 = tpu.vector_load %arg17[%swap3A_419, %swap3A_420] {strides = array<i32>} : memref<80x128xf32, #tpu.memory_space<vmem>>, vector<16xf32>,
      tpu.vector_store %arg17[%swap3A_419, %swap3A_420], %mul3A_418 {strides = array<i32>} : memref<80x128xf32, #tpu.memory_space<vmem>>, vector<16xf32>,
      %get3A_422 = arith.index_cast %add3A_392 : i32 to index
      %get3A_423 = arith.constant 64 : index
      %get3A_424 = tpu.vector_load %arg17[%get3A_422, %get3A_423] {strides = array<i32>} : memref<80x128xf32, #tpu.memory_space<vmem>>, vector<16xf32>,
      %mul3A_425 = arith.mulf %get3A_424, %gather3A : vector<16xf32>
      %swap3A_426 = arith.index_cast %add3A_392 : i32 to index
      %swap3A_427 = arith.constant 64 : index
      %swap3A_428 = tpu.vector_load %arg17[%swap3A_426, %swap3A_427] {strides = array<i32>} : memref<80x128xf32, #tpu.memory_space<vmem>>, vector<16xf32>,
      tpu.vector_store %arg17[%swap3A_426, %swap3A_427], %mul3A_425 {strides = array<i32>} : memref<80x128xf32, #tpu.memory_space<vmem>>, vector<16xf32>,
      %get3A_429 = arith.index_cast %add3A_392 : i32 to index
      %get3A_430 = arith.constant 80 : index
      %get3A_431 = tpu.vector_load %arg17[%get3A_429, %get3A_430] {strides = array<i32>} : memref<80x128xf32, #tpu.memory_space<vmem>>, vector<16xf32>,
      %mul3A_432 = arith.mulf %get3A_431, %gather3A : vector<16xf32>
      %swap3A_433 = arith.index_cast %add3A_392 : i32 to index
      %swap3A_434 = arith.constant 80 : index
      %swap3A_435 = tpu.vector_load %arg17[%swap3A_433, %swap3A_434] {strides = array<i32>} : memref<80x128xf32, #tpu.memory_space<vmem>>, vector<16xf32>,
      tpu.vector_store %arg17[%swap3A_433, %swap3A_434], %mul3A_432 {strides = array<i32>} : memref<80x128xf32, #tpu.memory_space<vmem>>, vector<16xf32>,
      %get3A_436 = arith.index_cast %add3A_392 : i32 to index
      %get3A_437 = arith.constant 96 : index
      %get3A_438 = tpu.vector_load %arg17[%get3A_436, %get3A_437] {strides = array<i32>} : memref<80x128xf32, #tpu.memory_space<vmem>>, vector<16xf32>,
      %mul3A_439 = arith.mulf %get3A_438, %gather3A : vector<16xf32>
      %swap3A_440 = arith.index_cast %add3A_392 : i32 to index
      %swap3A_441 = arith.constant 96 : index
      %swap3A_442 = tpu.vector_load %arg17[%swap3A_440, %swap3A_441] {strides = array<i32>} : memref<80x128xf32, #tpu.memory_space<vmem>>, vector<16xf32>,
      tpu.vector_store %arg17[%swap3A_440, %swap3A_441], %mul3A_439 {strides = array<i32>} : memref<80x128xf32, #tpu.memory_space<vmem>>, vector<16xf32>,
      %get3A_443 = arith.index_cast %add3A_392 : i32 to index
      %get3A_444 = arith.constant 112 : index
      %get3A_445 = tpu.vector_load %arg17[%get3A_443, %get3A_444] {strides = array<i32>} : memref<80x128xf32, #tpu.memory_space<vmem>>, vector<16xf32>,
      %mul3A_446 = arith.mulf %get3A_445, %gather3A : vector<16xf32>
      %swap3A_447 = arith.index_cast %add3A_392 : i32 to index
      %swap3A_448 = arith.constant 112 : index
      %swap3A_449 = tpu.vector_load %arg17[%swap3A_447, %swap3A_448] {strides = array<i32>} : memref<80x128xf32, #tpu.memory_space<vmem>>, vector<16xf32>,
      tpu.vector_store %arg17[%swap3A_447, %swap3A_448], %mul3A_446 {strides = array<i32>} : memref<80x128xf32, #tpu.memory_space<vmem>>, vector<16xf32>,
      %mul3A_450 = arith.constant 4 : i32
      %mul3A_451 = arith.muli %mul3A_450, %scan3A_387 : i32
      %add3A_452 = arith.constant 1 : i32
      %add3A_453 = arith.addi %mul3A_451, %add3A_452 : i32
      %broadcast_in_dim3A_454 = vector.broadcast %add3A_453 : i32 to vector<16xi32>
      %gather3A_455 = tpu.vector_load_idx %arg18[%broadcast_in_dim3A_454] : memref<80xf32, #tpu.memory_space<vmem>>[vector<16xi32>], vector<16xf32>,
      %get3A_456 = arith.index_cast %add3A_453 : i32 to index
      %get3A_457 = arith.constant 0 : index
      %get3A_458 = tpu.vector_load %arg17[%get3A_456, %get3A_457] {strides = array<i32>} : memref<80x128xf32, #tpu.memory_space<vmem>>, vector<16xf32>,
      %mul3A_459 = arith.mulf %get3A_458, %gather3A_455 : vector<16xf32>
      %swap3A_460 = arith.index_cast %add3A_453 : i32 to index
      %swap3A_461 = arith.constant 0 : index
      %swap3A_462 = tpu.vector_load %arg17[%swap3A_460, %swap3A_461] {strides = array<i32>} : memref<80x128xf32, #tpu.memory_space<vmem>>, vector<16xf32>,
      tpu.vector_store %arg17[%swap3A_460, %swap3A_461], %mul3A_459 {strides = array<i32>} : memref<80x128xf32, #tpu.memory_space<vmem>>, vector<16xf32>,
      %get3A_463 = arith.index_cast %add3A_453 : i32 to index
      %get3A_464 = arith.constant 16 : index
      %get3A_465 = tpu.vector_load %arg17[%get3A_463, %get3A_464] {strides = array<i32>} : memref<80x128xf32, #tpu.memory_space<vmem>>, vector<16xf32>,
      %mul3A_466 = arith.mulf %get3A_465, %gather3A_455 : vector<16xf32>
      %swap3A_467 = arith.index_cast %add3A_453 : i32 to index
      %swap3A_468 = arith.constant 16 : index
      %swap3A_469 = tpu.vector_load %arg17[%swap3A_467, %swap3A_468] {strides = array<i32>} : memref<80x128xf32, #tpu.memory_space<vmem>>, vector<16xf32>,
      tpu.vector_store %arg17[%swap3A_467, %swap3A_468], %mul3A_466 {strides = array<i32>} : memref<80x128xf32, #tpu.memory_space<vmem>>, vector<16xf32>,
      %get3A_470 = arith.index_cast %add3A_453 : i32 to index
      %get3A_471 = arith.constant 32 : index
      %get3A_472 = tpu.vector_load %arg17[%get3A_470, %get3A_471] {strides = array<i32>} : memref<80x128xf32, #tpu.memory_space<vmem>>, vector<16xf32>,
      %mul3A_473 = arith.mulf %get3A_472, %gather3A_455 : vector<16xf32>
      %swap3A_474 = arith.index_cast %add3A_453 : i32 to index
      %swap3A_475 = arith.constant 32 : index
      %swap3A_476 = tpu.vector_load %arg17[%swap3A_474, %swap3A_475] {strides = array<i32>} : memref<80x128xf32, #tpu.memory_space<vmem>>, vector<16xf32>,
      tpu.vector_store %arg17[%swap3A_474, %swap3A_475], %mul3A_473 {strides = array<i32>} : memref<80x128xf32, #tpu.memory_space<vmem>>, vector<16xf32>,
      %get3A_477 = arith.index_cast %add3A_453 : i32 to index
      %get3A_478 = arith.constant 48 : index
      %get3A_479 = tpu.vector_load %arg17[%get3A_477, %get3A_478] {strides = array<i32>} : memref<80x128xf32, #tpu.memory_space<vmem>>, vector<16xf32>,
      %mul3A_480 = arith.mulf %get3A_479, %gather3A_455 : vector<16xf32>
      %swap3A_481 = arith.index_cast %add3A_453 : i32 to index
      %swap3A_482 = arith.constant 48 : index
      %swap3A_483 = tpu.vector_load %arg17[%swap3A_481, %swap3A_482] {strides = array<i32>} : memref<80x128xf32, #tpu.memory_space<vmem>>, vector<16xf32>,
      tpu.vector_store %arg17[%swap3A_481, %swap3A_482], %mul3A_480 {strides = array<i32>} : memref<80x128xf32, #tpu.memory_space<vmem>>, vector<16xf32>,
      %get3A_484 = arith.index_cast %add3A_453 : i32 to index
      %get3A_485 = arith.constant 64 : index
      %get3A_486 = tpu.vector_load %arg17[%get3A_484, %get3A_485] {strides = array<i32>} : memref<80x128xf32, #tpu.memory_space<vmem>>, vector<16xf32>,
      %mul3A_487 = arith.mulf %get3A_486, %gather3A_455 : vector<16xf32>
      %swap3A_488 = arith.index_cast %add3A_453 : i32 to index
      %swap3A_489 = arith.constant 64 : index
      %swap3A_490 = tpu.vector_load %arg17[%swap3A_488, %swap3A_489] {strides = array<i32>} : memref<80x128xf32, #tpu.memory_space<vmem>>, vector<16xf32>,
      tpu.vector_store %arg17[%swap3A_488, %swap3A_489], %mul3A_487 {strides = array<i32>} : memref<80x128xf32, #tpu.memory_space<vmem>>, vector<16xf32>,
      %get3A_491 = arith.index_cast %add3A_453 : i32 to index
      %get3A_492 = arith.constant 80 : index
      %get3A_493 = tpu.vector_load %arg17[%get3A_491, %get3A_492] {strides = array<i32>} : memref<80x128xf32, #tpu.memory_space<vmem>>, vector<16xf32>,
      %mul3A_494 = arith.mulf %get3A_493, %gather3A_455 : vector<16xf32>
      %swap3A_495 = arith.index_cast %add3A_453 : i32 to index
      %swap3A_496 = arith.constant 80 : index
      %swap3A_497 = tpu.vector_load %arg17[%swap3A_495, %swap3A_496] {strides = array<i32>} : memref<80x128xf32, #tpu.memory_space<vmem>>, vector<16xf32>,
      tpu.vector_store %arg17[%swap3A_495, %swap3A_496], %mul3A_494 {strides = array<i32>} : memref<80x128xf32, #tpu.memory_space<vmem>>, vector<16xf32>,
      %get3A_498 = arith.index_cast %add3A_453 : i32 to index
      %get3A_499 = arith.constant 96 : index
      %get3A_500 = tpu.vector_load %arg17[%get3A_498, %get3A_499] {strides = array<i32>} : memref<80x128xf32, #tpu.memory_space<vmem>>, vector<16xf32>,
      %mul3A_501 = arith.mulf %get3A_500, %gather3A_455 : vector<16xf32>
      %swap3A_502 = arith.index_cast %add3A_453 : i32 to index
      %swap3A_503 = arith.constant 96 : index
      %swap3A_504 = tpu.vector_load %arg17[%swap3A_502, %swap3A_503] {strides = array<i32>} : memref<80x128xf32, #tpu.memory_space<vmem>>, vector<16xf32>,
      tpu.vector_store %arg17[%swap3A_502, %swap3A_503], %mul3A_501 {strides = array<i32>} : memref<80x128xf32, #tpu.memory_space<vmem>>, vector<16xf32>,
      %get3A_505 = arith.index_cast %add3A_453 : i32 to index
      %get3A_506 = arith.constant 112 : index
      %get3A_507 = tpu.vector_load %arg17[%get3A_505, %get3A_506] {strides = array<i32>} : memref<80x128xf32, #tpu.memory_space<vmem>>, vector<16xf32>,
      %mul3A_508 = arith.mulf %get3A_507, %gather3A_455 : vector<16xf32>
      %swap3A_509 = arith.index_cast %add3A_453 : i32 to index
      %swap3A_510 = arith.constant 112 : index
      %swap3A_511 = tpu.vector_load %arg17[%swap3A_509, %swap3A_510] {strides = array<i32>} : memref<80x128xf32, #tpu.memory_space<vmem>>, vector<16xf32>,
      tpu.vector_store %arg17[%swap3A_509, %swap3A_510], %mul3A_508 {strides = array<i32>} : memref<80x128xf32, #tpu.memory_space<vmem>>, vector<16xf32>,
      %mul3A_512 = arith.constant 4 : i32
      %mul3A_513 = arith.muli %mul3A_512, %scan3A_387 : i32
      %add3A_514 = arith.constant 2 : i32
      %add3A_515 = arith.addi %mul3A_513, %add3A_514 : i32
      %broadcast_in_dim3A_516 = vector.broadcast %add3A_515 : i32 to vector<16xi32>
      %gather3A_517 = tpu.vector_load_idx %arg18[%broadcast_in_dim3A_516] : memref<80xf32, #tpu.memory_space<vmem>>[vector<16xi32>], vector<16xf32>,
      %get3A_518 = arith.index_cast %add3A_515 : i32 to index
      %get3A_519 = arith.constant 0 : index
      %get3A_520 = tpu.vector_load %arg17[%get3A_518, %get3A_519] {strides = array<i32>} : memref<80x128xf32, #tpu.memory_space<vmem>>, vector<16xf32>,
      %mul3A_521 = arith.mulf %get3A_520, %gather3A_517 : vector<16xf32>
      %swap3A_522 = arith.index_cast %add3A_515 : i32 to index
      %swap3A_523 = arith.constant 0 : index
      %swap3A_524 = tpu.vector_load %arg17[%swap3A_522, %swap3A_523] {strides = array<i32>} : memref<80x128xf32, #tpu.memory_space<vmem>>, vector<16xf32>,
      tpu.vector_store %arg17[%swap3A_522, %swap3A_523], %mul3A_521 {strides = array<i32>} : memref<80x128xf32, #tpu.memory_space<vmem>>, vector<16xf32>,
      %get3A_525 = arith.index_cast %add3A_515 : i32 to index
      %get3A_526 = arith.constant 16 : index
      %get3A_527 = tpu.vector_load %arg17[%get3A_525, %get3A_526] {strides = array<i32>} : memref<80x128xf32, #tpu.memory_space<vmem>>, vector<16xf32>,
      %mul3A_528 = arith.mulf %get3A_527, %gather3A_517 : vector<16xf32>
      %swap3A_529 = arith.index_cast %add3A_515 : i32 to index
      %swap3A_530 = arith.constant 16 : index
      %swap3A_531 = tpu.vector_load %arg17[%swap3A_529, %swap3A_530] {strides = array<i32>} : memref<80x128xf32, #tpu.memory_space<vmem>>, vector<16xf32>,
      tpu.vector_store %arg17[%swap3A_529, %swap3A_530], %mul3A_528 {strides = array<i32>} : memref<80x128xf32, #tpu.memory_space<vmem>>, vector<16xf32>,
      %get3A_532 = arith.index_cast %add3A_515 : i32 to index
      %get3A_533 = arith.constant 32 : index
      %get3A_534 = tpu.vector_load %arg17[%get3A_532, %get3A_533] {strides = array<i32>} : memref<80x128xf32, #tpu.memory_space<vmem>>, vector<16xf32>,
      %mul3A_535 = arith.mulf %get3A_534, %gather3A_517 : vector<16xf32>
      %swap3A_536 = arith.index_cast %add3A_515 : i32 to index
      %swap3A_537 = arith.constant 32 : index
      %swap3A_538 = tpu.vector_load %arg17[%swap3A_536, %swap3A_537] {strides = array<i32>} : memref<80x128xf32, #tpu.memory_space<vmem>>, vector<16xf32>,
      tpu.vector_store %arg17[%swap3A_536, %swap3A_537], %mul3A_535 {strides = array<i32>} : memref<80x128xf32, #tpu.memory_space<vmem>>, vector<16xf32>,
      %get3A_539 = arith.index_cast %add3A_515 : i32 to index
      %get3A_540 = arith.constant 48 : index
      %get3A_541 = tpu.vector_load %arg17[%get3A_539, %get3A_540] {strides = array<i32>} : memref<80x128xf32, #tpu.memory_space<vmem>>, vector<16xf32>,
      %mul3A_542 = arith.mulf %get3A_541, %gather3A_517 : vector<16xf32>
      %swap3A_543 = arith.index_cast %add3A_515 : i32 to index
      %swap3A_544 = arith.constant 48 : index
      %swap3A_545 = tpu.vector_load %arg17[%swap3A_543, %swap3A_544] {strides = array<i32>} : memref<80x128xf32, #tpu.memory_space<vmem>>, vector<16xf32>,
      tpu.vector_store %arg17[%swap3A_543, %swap3A_544], %mul3A_542 {strides = array<i32>} : memref<80x128xf32, #tpu.memory_space<vmem>>, vector<16xf32>,
      %get3A_546 = arith.index_cast %add3A_515 : i32 to index
      %get3A_547 = arith.constant 64 : index
      %get3A_548 = tpu.vector_load %arg17[%get3A_546, %get3A_547] {strides = array<i32>} : memref<80x128xf32, #tpu.memory_space<vmem>>, vector<16xf32>,
      %mul3A_549 = arith.mulf %get3A_548, %gather3A_517 : vector<16xf32>
      %swap3A_550 = arith.index_cast %add3A_515 : i32 to index
      %swap3A_551 = arith.constant 64 : index
      %swap3A_552 = tpu.vector_load %arg17[%swap3A_550, %swap3A_551] {strides = array<i32>} : memref<80x128xf32, #tpu.memory_space<vmem>>, vector<16xf32>,
      tpu.vector_store %arg17[%swap3A_550, %swap3A_551], %mul3A_549 {strides = array<i32>} : memref<80x128xf32, #tpu.memory_space<vmem>>, vector<16xf32>,
      %get3A_553 = arith.index_cast %add3A_515 : i32 to index
      %get3A_554 = arith.constant 80 : index
      %get3A_555 = tpu.vector_load %arg17[%get3A_553, %get3A_554] {strides = array<i32>} : memref<80x128xf32, #tpu.memory_space<vmem>>, vector<16xf32>,
      %mul3A_556 = arith.mulf %get3A_555, %gather3A_517 : vector<16xf32>
      %swap3A_557 = arith.index_cast %add3A_515 : i32 to index
      %swap3A_558 = arith.constant 80 : index
      %swap3A_559 = tpu.vector_load %arg17[%swap3A_557, %swap3A_558] {strides = array<i32>} : memref<80x128xf32, #tpu.memory_space<vmem>>, vector<16xf32>,
      tpu.vector_store %arg17[%swap3A_557, %swap3A_558], %mul3A_556 {strides = array<i32>} : memref<80x128xf32, #tpu.memory_space<vmem>>, vector<16xf32>,
      %get3A_560 = arith.index_cast %add3A_515 : i32 to index
      %get3A_561 = arith.constant 96 : index
      %get3A_562 = tpu.vector_load %arg17[%get3A_560, %get3A_561] {strides = array<i32>} : memref<80x128xf32, #tpu.memory_space<vmem>>, vector<16xf32>,
      %mul3A_563 = arith.mulf %get3A_562, %gather3A_517 : vector<16xf32>
      %swap3A_564 = arith.index_cast %add3A_515 : i32 to index
      %swap3A_565 = arith.constant 96 : index
      %swap3A_566 = tpu.vector_load %arg17[%swap3A_564, %swap3A_565] {strides = array<i32>} : memref<80x128xf32, #tpu.memory_space<vmem>>, vector<16xf32>,
      tpu.vector_store %arg17[%swap3A_564, %swap3A_565], %mul3A_563 {strides = array<i32>} : memref<80x128xf32, #tpu.memory_space<vmem>>, vector<16xf32>,
      %get3A_567 = arith.index_cast %add3A_515 : i32 to index
      %get3A_568 = arith.constant 112 : index
      %get3A_569 = tpu.vector_load %arg17[%get3A_567, %get3A_568] {strides = array<i32>} : memref<80x128xf32, #tpu.memory_space<vmem>>, vector<16xf32>,
      %mul3A_570 = arith.mulf %get3A_569, %gather3A_517 : vector<16xf32>
      %swap3A_571 = arith.index_cast %add3A_515 : i32 to index
      %swap3A_572 = arith.constant 112 : index
      %swap3A_573 = tpu.vector_load %arg17[%swap3A_571, %swap3A_572] {strides = array<i32>} : memref<80x128xf32, #tpu.memory_space<vmem>>, vector<16xf32>,
      tpu.vector_store %arg17[%swap3A_571, %swap3A_572], %mul3A_570 {strides = array<i32>} : memref<80x128xf32, #tpu.memory_space<vmem>>, vector<16xf32>,
      %mul3A_574 = arith.constant 4 : i32
      %mul3A_575 = arith.muli %mul3A_574, %scan3A_387 : i32
      %add3A_576 = arith.constant 3 : i32
      %add3A_577 = arith.addi %mul3A_575, %add3A_576 : i32
      %broadcast_in_dim3A_578 = vector.broadcast %add3A_577 : i32 to vector<16xi32>
      %gather3A_579 = tpu.vector_load_idx %arg18[%broadcast_in_dim3A_578] : memref<80xf32, #tpu.memory_space<vmem>>[vector<16xi32>], vector<16xf32>,
      %get3A_580 = arith.index_cast %add3A_577 : i32 to index
      %get3A_581 = arith.constant 0 : index
      %get3A_582 = tpu.vector_load %arg17[%get3A_580, %get3A_581] {strides = array<i32>} : memref<80x128xf32, #tpu.memory_space<vmem>>, vector<16xf32>,
      %mul3A_583 = arith.mulf %get3A_582, %gather3A_579 : vector<16xf32>
      %swap3A_584 = arith.index_cast %add3A_577 : i32 to index
      %swap3A_585 = arith.constant 0 : index
      %swap3A_586 = tpu.vector_load %arg17[%swap3A_584, %swap3A_585] {strides = array<i32>} : memref<80x128xf32, #tpu.memory_space<vmem>>, vector<16xf32>,
      tpu.vector_store %arg17[%swap3A_584, %swap3A_585], %mul3A_583 {strides = array<i32>} : memref<80x128xf32, #tpu.memory_space<vmem>>, vector<16xf32>,
      %get3A_587 = arith.index_cast %add3A_577 : i32 to index
      %get3A_588 = arith.constant 16 : index
      %get3A_589 = tpu.vector_load %arg17[%get3A_587, %get3A_588] {strides = array<i32>} : memref<80x128xf32, #tpu.memory_space<vmem>>, vector<16xf32>,
      %mul3A_590 = arith.mulf %get3A_589, %gather3A_579 : vector<16xf32>
      %swap3A_591 = arith.index_cast %add3A_577 : i32 to index
      %swap3A_592 = arith.constant 16 : index
      %swap3A_593 = tpu.vector_load %arg17[%swap3A_591, %swap3A_592] {strides = array<i32>} : memref<80x128xf32, #tpu.memory_space<vmem>>, vector<16xf32>,
      tpu.vector_store %arg17[%swap3A_591, %swap3A_592], %mul3A_590 {strides = array<i32>} : memref<80x128xf32, #tpu.memory_space<vmem>>, vector<16xf32>,
      %get3A_594 = arith.index_cast %add3A_577 : i32 to index
      %get3A_595 = arith.constant 32 : index
      %get3A_596 = tpu.vector_load %arg17[%get3A_594, %get3A_595] {strides = array<i32>} : memref<80x128xf32, #tpu.memory_space<vmem>>, vector<16xf32>,
      %mul3A_597 = arith.mulf %get3A_596, %gather3A_579 : vector<16xf32>
      %swap3A_598 = arith.index_cast %add3A_577 : i32 to index
      %swap3A_599 = arith.constant 32 : index
      %swap3A_600 = tpu.vector_load %arg17[%swap3A_598, %swap3A_599] {strides = array<i32>} : memref<80x128xf32, #tpu.memory_space<vmem>>, vector<16xf32>,
      tpu.vector_store %arg17[%swap3A_598, %swap3A_599], %mul3A_597 {strides = array<i32>} : memref<80x128xf32, #tpu.memory_space<vmem>>, vector<16xf32>,
      %get3A_601 = arith.index_cast %add3A_577 : i32 to index
      %get3A_602 = arith.constant 48 : index
      %get3A_603 = tpu.vector_load %arg17[%get3A_601, %get3A_602] {strides = array<i32>} : memref<80x128xf32, #tpu.memory_space<vmem>>, vector<16xf32>,
      %mul3A_604 = arith.mulf %get3A_603, %gather3A_579 : vector<16xf32>
      %swap3A_605 = arith.index_cast %add3A_577 : i32 to index
      %swap3A_606 = arith.constant 48 : index
      %swap3A_607 = tpu.vector_load %arg17[%swap3A_605, %swap3A_606] {strides = array<i32>} : memref<80x128xf32, #tpu.memory_space<vmem>>, vector<16xf32>,
      tpu.vector_store %arg17[%swap3A_605, %swap3A_606], %mul3A_604 {strides = array<i32>} : memref<80x128xf32, #tpu.memory_space<vmem>>, vector<16xf32>,
      %get3A_608 = arith.index_cast %add3A_577 : i32 to index
      %get3A_609 = arith.constant 64 : index
      %get3A_610 = tpu.vector_load %arg17[%get3A_608, %get3A_609] {strides = array<i32>} : memref<80x128xf32, #tpu.memory_space<vmem>>, vector<16xf32>,
      %mul3A_611 = arith.mulf %get3A_610, %gather3A_579 : vector<16xf32>
      %swap3A_612 = arith.index_cast %add3A_577 : i32 to index
      %swap3A_613 = arith.constant 64 : index
      %swap3A_614 = tpu.vector_load %arg17[%swap3A_612, %swap3A_613] {strides = array<i32>} : memref<80x128xf32, #tpu.memory_space<vmem>>, vector<16xf32>,
      tpu.vector_store %arg17[%swap3A_612, %swap3A_613], %mul3A_611 {strides = array<i32>} : memref<80x128xf32, #tpu.memory_space<vmem>>, vector<16xf32>,
      %get3A_615 = arith.index_cast %add3A_577 : i32 to index
      %get3A_616 = arith.constant 80 : index
      %get3A_617 = tpu.vector_load %arg17[%get3A_615, %get3A_616] {strides = array<i32>} : memref<80x128xf32, #tpu.memory_space<vmem>>, vector<16xf32>,
      %mul3A_618 = arith.mulf %get3A_617, %gather3A_579 : vector<16xf32>
      %swap3A_619 = arith.index_cast %add3A_577 : i32 to index
      %swap3A_620 = arith.constant 80 : index
      %swap3A_621 = tpu.vector_load %arg17[%swap3A_619, %swap3A_620] {strides = array<i32>} : memref<80x128xf32, #tpu.memory_space<vmem>>, vector<16xf32>,
      tpu.vector_store %arg17[%swap3A_619, %swap3A_620], %mul3A_618 {strides = array<i32>} : memref<80x128xf32, #tpu.memory_space<vmem>>, vector<16xf32>,
      %get3A_622 = arith.index_cast %add3A_577 : i32 to index
      %get3A_623 = arith.constant 96 : index
      %get3A_624 = tpu.vector_load %arg17[%get3A_622, %get3A_623] {strides = array<i32>} : memref<80x128xf32, #tpu.memory_space<vmem>>, vector<16xf32>,
      %mul3A_625 = arith.mulf %get3A_624, %gather3A_579 : vector<16xf32>
      %swap3A_626 = arith.index_cast %add3A_577 : i32 to index
      %swap3A_627 = arith.constant 96 : index
      %swap3A_628 = tpu.vector_load %arg17[%swap3A_626, %swap3A_627] {strides = array<i32>} : memref<80x128xf32, #tpu.memory_space<vmem>>, vector<16xf32>,
      tpu.vector_store %arg17[%swap3A_626, %swap3A_627], %mul3A_625 {strides = array<i32>} : memref<80x128xf32, #tpu.memory_space<vmem>>, vector<16xf32>,
      %get3A_629 = arith.index_cast %add3A_577 : i32 to index
      %get3A_630 = arith.constant 112 : index
      %get3A_631 = tpu.vector_load %arg17[%get3A_629, %get3A_630] {strides = array<i32>} : memref<80x128xf32, #tpu.memory_space<vmem>>, vector<16xf32>,
      %mul3A_632 = arith.mulf %get3A_631, %gather3A_579 : vector<16xf32>
      %swap3A_633 = arith.index_cast %add3A_577 : i32 to index
      %swap3A_634 = arith.constant 112 : index
      %swap3A_635 = tpu.vector_load %arg17[%swap3A_633, %swap3A_634] {strides = array<i32>} : memref<80x128xf32, #tpu.memory_space<vmem>>, vector<16xf32>,
      tpu.vector_store %arg17[%swap3A_633, %swap3A_634], %mul3A_632 {strides = array<i32>} : memref<80x128xf32, #tpu.memory_space<vmem>>, vector<16xf32>,
      %scan3A_636 = arith.constant 0 : i32
      scf.yield %scan3A_636 : i32
    }
    %scan3A_353 = arith.constant 20 : i32
    %dma_start3A_354 = arith.constant 0 : i32
    %dma_start3A_355 = arith.constant 0 : i32
    %dma_start3A_356 = tpu.memref_slice %arg28[%dma_start3A_354, %dma_start3A_355] : memref<10000x128xf32, #tpu.memory_space<vmem_shared>> -> memref<10000x128xf32, #tpu.memory_space<vmem_shared>>
    tpu.enqueue_indirect_dma source(%arg17 : memref<80x128xf32, #tpu.memory_space<vmem>>) target(%dma_start3A_356 : memref<10000x128xf32, #tpu.memory_space<vmem_shared>>) offsets(%arg16 : memref<80xi32, #tpu.memory_space<vmem>>) semaphore(%arg34 : memref<!tpu.dma_semaphore, #tpu.memory_space<semaphore_mem>>) {add = true}
    %dma_start3A_357 = arith.constant 0 : i32
    %dma_start3A_358 = tpu.memref_slice %arg29[%dma_start3A_357] : memref<10000xf32, #tpu.memory_space<vmem_shared>> -> memref<10000xf32, #tpu.memory_space<vmem_shared>>
    tpu.enqueue_indirect_dma source(%arg18 : memref<80xf32, #tpu.memory_space<vmem>>) target(%dma_start3A_358 : memref<10000xf32, #tpu.memory_space<vmem_shared>>) offsets(%arg16 : memref<80xi32, #tpu.memory_space<vmem>>) semaphore(%arg34 : memref<!tpu.dma_semaphore, #tpu.memory_space<semaphore_mem>>) {add = true}
    %dma_wait3A_359 = arith.constant 0 : i32
    %dma_wait3A_360 = arith.constant 0 : i32
    %dma_wait3A_361 = tpu.memref_slice %arg28[%dma_wait3A_359, %dma_wait3A_360] : memref<10000x128xf32, #tpu.memory_space<vmem_shared>> -> memref<10000x128xf32, #tpu.memory_space<vmem_shared>>
    tpu.wait_indirect_dma semaphore(%arg33 : memref<!tpu.dma_semaphore, #tpu.memory_space<semaphore_mem>>) src(%arg11 : memref<80x128xf32, #tpu.memory_space<vmem>>) dst(%dma_wait3A_361 : memref<10000x128xf32, #tpu.memory_space<vmem_shared>>)
    %dma_wait3A_362 = arith.constant 0 : i32
    %dma_wait3A_363 = tpu.memref_slice %arg29[%dma_wait3A_362] : memref<10000xf32, #tpu.memory_space<vmem_shared>> -> memref<10000xf32, #tpu.memory_space<vmem_shared>>
    tpu.wait_indirect_dma semaphore(%arg33 : memref<!tpu.dma_semaphore, #tpu.memory_space<semaphore_mem>>) src(%arg12 : memref<80xf32, #tpu.memory_space<vmem>>) dst(%dma_wait3A_363 : memref<10000xf32, #tpu.memory_space<vmem_shared>>)
    %dma_wait3A_364 = arith.constant 0 : i32
    %dma_wait3A_365 = arith.constant 0 : i32
    %dma_wait3A_366 = tpu.memref_slice %arg28[%dma_wait3A_364, %dma_wait3A_365] : memref<10000x128xf32, #tpu.memory_space<vmem_shared>> -> memref<10000x128xf32, #tpu.memory_space<vmem_shared>>
    tpu.wait_indirect_dma semaphore(%arg34 : memref<!tpu.dma_semaphore, #tpu.memory_space<semaphore_mem>>) src(%arg17 : memref<80x128xf32, #tpu.memory_space<vmem>>) dst(%dma_wait3A_366 : memref<10000x128xf32, #tpu.memory_space<vmem_shared>>)
    %dma_wait3A_367 = arith.constant 0 : i32
    %dma_wait3A_368 = tpu.memref_slice %arg29[%dma_wait3A_367] : memref<10000xf32, #tpu.memory_space<vmem_shared>> -> memref<10000xf32, #tpu.memory_space<vmem_shared>>
    tpu.wait_indirect_dma semaphore(%arg34 : memref<!tpu.dma_semaphore, #tpu.memory_space<semaphore_mem>>) src(%arg18 : memref<80xf32, #tpu.memory_space<vmem>>) dst(%dma_wait3A_368 : memref<10000xf32, #tpu.memory_space<vmem_shared>>)
    %barrier3A_369 = arith.constant 0 : index
    tpu.barrier barrier_id(%barrier3A_369)
    %while3A_370 = arith.constant 0 : i32
    %while3A_371 = arith.constant 0 : i32
    %while3A_372 = arith.subi %select_n3A, %while3A_370 : i32
    %while3A_373 = arith.addi %while3A_370, %while3A_372 : i32
    %while3A_374 = arith.constant 1 : i32
    %while3A_375 = arith.divsi %while3A_372, %while3A_374 : i32
    %while3A_376 = arith.muli %while3A_375, %while3A_374 : i32
    %while3A_377 = arith.addi %while3A_370, %while3A_376 : i32
    %while3A_378 = arith.constant 1 : i32
    %while3A_379 = scf.for %while3A_387 = %while3A_370 to %while3A_377 step %while3A_378 iter_args(%while3A_388 = %while3A_371) -> (i32)  : i32 {
      %mul3A_389 = arith.constant 640 : i32
      %mul3A_390 = arith.muli %arg1, %mul3A_389 : i32
      %mul3A_391 = arith.constant 80 : i32
      %mul3A_392 = arith.muli %while3A_387, %mul3A_391 : i32
      %add3A_393 = arith.addi %mul3A_390, %mul3A_392 : i32
      "tpu.region"() ({
        %run_scoped3A = tpu.sem_alloc : memref<!tpu.dma_semaphore, #tpu.memory_space<semaphore_mem>>
        %dma_start3A_395 = arith.constant 0 : i32
        %dma_start3A_396 = tpu.memref_slice %arg6[%arg0, %add3A_393, %dma_start3A_395] : memref<2x10000x128xf32, #tpu.memory_space<hbm>> -> memref<1x80x128xf32, #tpu.memory_space<hbm>>
        %dma_start3A_397 = tpu.memref_squeeze %dma_start3A_396 : memref<1x80x128xf32, #tpu.memory_space<hbm>> -> memref<80x128xf32, #tpu.memory_space<hbm>>
        %dma_start3A_398 = arith.constant 0 : i32
        %dma_start3A_399 = tpu.memref_slice %arg28[%add3A_393, %dma_start3A_398] : memref<10000x128xf32, #tpu.memory_space<vmem_shared>> -> memref<80x128xf32, #tpu.memory_space<vmem_shared>>
        tpu.enqueue_dma source(%dma_start3A_399 : memref<80x128xf32, #tpu.memory_space<vmem_shared>>) target(%dma_start3A_397 : memref<80x128xf32, #tpu.memory_space<hbm>>) target_semaphore(%run_scoped3A : memref<!tpu.dma_semaphore, #tpu.memory_space<semaphore_mem>>)
        %dma_wait3A_400 = arith.constant 0 : i32
        %dma_wait3A_401 = tpu.memref_slice %arg6[%arg0, %add3A_393, %dma_wait3A_400] : memref<2x10000x128xf32, #tpu.memory_space<hbm>> -> memref<1x80x128xf32, #tpu.memory_space<hbm>>
        %dma_wait3A_402 = tpu.memref_squeeze %dma_wait3A_401 : memref<1x80x128xf32, #tpu.memory_space<hbm>> -> memref<80x128xf32, #tpu.memory_space<hbm>>
        %dma_wait3A_403 = arith.constant 0 : i32
        %dma_wait3A_404 = tpu.memref_slice %arg28[%add3A_393, %dma_wait3A_403] : memref<10000x128xf32, #tpu.memory_space<vmem_shared>> -> memref<80x128xf32, #tpu.memory_space<vmem_shared>>
        tpu.wait_dma2 semaphore(%run_scoped3A : memref<!tpu.dma_semaphore, #tpu.memory_space<semaphore_mem>>) src(%dma_wait3A_404 : memref<80x128xf32, #tpu.memory_space<vmem_shared>>) dst(%dma_wait3A_402 : memref<80x128xf32, #tpu.memory_space<hbm>>)
        tpu.yield
      }) : () -> ()
      %while3A_394 = arith.constant 0 : i32
      scf.yield %while3A_394 : i32
    }
    %while3A_380 = arith.constant 1 : i32
    %while3A_381 = scf.for %while3A_387 = %while3A_377 to %while3A_373 step %while3A_380 iter_args(%while3A_388 = %while3A_379) -> (i32)  : i32 {
      %mul3A_389 = arith.constant 640 : i32
      %mul3A_390 = arith.muli %arg1, %mul3A_389 : i32
      %mul3A_391 = arith.constant 80 : i32
      %mul3A_392 = arith.muli %while3A_387, %mul3A_391 : i32
      %add3A_393 = arith.addi %mul3A_390, %mul3A_392 : i32
      "tpu.region"() ({
        %run_scoped3A = tpu.sem_alloc : memref<!tpu.dma_semaphore, #tpu.memory_space<semaphore_mem>>
        %dma_start3A_395 = arith.constant 0 : i32
        %dma_start3A_396 = tpu.memref_slice %arg6[%arg0, %add3A_393, %dma_start3A_395] : memref<2x10000x128xf32, #tpu.memory_space<hbm>> -> memref<1x80x128xf32, #tpu.memory_space<hbm>>
        %dma_start3A_397 = tpu.memref_squeeze %dma_start3A_396 : memref<1x80x128xf32, #tpu.memory_space<hbm>> -> memref<80x128xf32, #tpu.memory_space<hbm>>
        %dma_start3A_398 = arith.constant 0 : i32
        %dma_start3A_399 = tpu.memref_slice %arg28[%add3A_393, %dma_start3A_398] : memref<10000x128xf32, #tpu.memory_space<vmem_shared>> -> memref<80x128xf32, #tpu.memory_space<vmem_shared>>
        tpu.enqueue_dma source(%dma_start3A_399 : memref<80x128xf32, #tpu.memory_space<vmem_shared>>) target(%dma_start3A_397 : memref<80x128xf32, #tpu.memory_space<hbm>>) target_semaphore(%run_scoped3A : memref<!tpu.dma_semaphore, #tpu.memory_space<semaphore_mem>>)
        %dma_wait3A_400 = arith.constant 0 : i32
        %dma_wait3A_401 = tpu.memref_slice %arg6[%arg0, %add3A_393, %dma_wait3A_400] : memref<2x10000x128xf32, #tpu.memory_space<hbm>> -> memref<1x80x128xf32, #tpu.memory_space<hbm>>
        %dma_wait3A_402 = tpu.memref_squeeze %dma_wait3A_401 : memref<1x80x128xf32, #tpu.memory_space<hbm>> -> memref<80x128xf32, #tpu.memory_space<hbm>>
        %dma_wait3A_403 = arith.constant 0 : i32
        %dma_wait3A_404 = tpu.memref_slice %arg28[%add3A_393, %dma_wait3A_403] : memref<10000x128xf32, #tpu.memory_space<vmem_shared>> -> memref<80x128xf32, #tpu.memory_space<vmem_shared>>
        tpu.wait_dma2 semaphore(%run_scoped3A : memref<!tpu.dma_semaphore, #tpu.memory_space<semaphore_mem>>) src(%dma_wait3A_404 : memref<80x128xf32, #tpu.memory_space<vmem_shared>>) dst(%dma_wait3A_402 : memref<80x128xf32, #tpu.memory_space<hbm>>)
        tpu.yield
      }) : () -> ()
      %while3A_394 = arith.constant 0 : i32
      scf.yield %while3A_394 : i32
    }
    %lt3A_382 = arith.constant 5 : i32
    %lt3A_383 = arith.cmpi slt, %arg1, %lt3A_382 : i32
    %convert_element_type3A_384 = arith.extui %lt3A_383 : i1 to i32
    %cond3A_385 = arith.constant 0 : i32
    %cond3A_386 = arith.cmpi ne, %convert_element_type3A_384, %cond3A_385 : i32
    scf.if %cond3A_386 {
      %mul3A_387 = arith.constant 2000 : i32
      %mul3A_388 = arith.muli %arg1, %mul3A_387 : i32
      "tpu.region"() ({
        %run_scoped3A = tpu.sem_alloc : memref<!tpu.dma_semaphore, #tpu.memory_space<semaphore_mem>>
        %dma_start3A_394 = tpu.memref_slice %arg29[%mul3A_388] : memref<10000xf32, #tpu.memory_space<vmem_shared>> -> memref<2000xf32, #tpu.memory_space<vmem_shared>>
        %dma_start3A_395 = tpu.memref_slice %arg29[%mul3A_388] : memref<10000xf32, #tpu.memory_space<vmem_shared>> -> memref<2000xf32, #tpu.memory_space<vmem_shared>>
        tpu.enqueue_dma source(%dma_start3A_395 : memref<2000xf32, #tpu.memory_space<vmem_shared>>) target(%arg27 : memref<2000xf32, #tpu.memory_space<vmem>>) target_semaphore(%run_scoped3A : memref<!tpu.dma_semaphore, #tpu.memory_space<semaphore_mem>>)
        %dma_wait3A_396 = tpu.memref_slice %arg29[%mul3A_388] : memref<10000xf32, #tpu.memory_space<vmem_shared>> -> memref<2000xf32, #tpu.memory_space<vmem_shared>>
        %dma_wait3A_397 = tpu.memref_slice %arg29[%mul3A_388] : memref<10000xf32, #tpu.memory_space<vmem_shared>> -> memref<2000xf32, #tpu.memory_space<vmem_shared>>
        tpu.wait_dma2 semaphore(%run_scoped3A : memref<!tpu.dma_semaphore, #tpu.memory_space<semaphore_mem>>) src(%dma_wait3A_397 : memref<2000xf32, #tpu.memory_space<vmem_shared>>) dst(%arg27 : memref<2000xf32, #tpu.memory_space<vmem>>)
        tpu.yield
      }) : () -> ()
      %mul3A_389 = arith.constant 10000 : i32
      %mul3A_390 = arith.muli %arg0, %mul3A_389 : i32
      %mul3A_391 = arith.constant 2000 : i32
      %mul3A_392 = arith.muli %arg1, %mul3A_391 : i32
      %add3A_393 = arith.addi %mul3A_390, %mul3A_392 : i32
      "tpu.region"() ({
        %run_scoped3A = tpu.sem_alloc : memref<!tpu.dma_semaphore, #tpu.memory_space<semaphore_mem>>
        %dma_start3A_394 = tpu.memref_slice %arg7[%add3A_393] : memref<20000xf32, #tpu.memory_space<hbm>> -> memref<2000xf32, #tpu.memory_space<hbm>>
        %dma_start3A_395 = tpu.memref_slice %arg7[%add3A_393] : memref<20000xf32, #tpu.memory_space<hbm>> -> memref<2000xf32, #tpu.memory_space<hbm>>
        tpu.enqueue_dma source(%arg27 : memref<2000xf32, #tpu.memory_space<vmem>>) target(%dma_start3A_395 : memref<2000xf32, #tpu.memory_space<hbm>>) target_semaphore(%run_scoped3A : memref<!tpu.dma_semaphore, #tpu.memory_space<semaphore_mem>>)
        %dma_wait3A_396 = tpu.memref_slice %arg7[%add3A_393] : memref<20000xf32, #tpu.memory_space<hbm>> -> memref<2000xf32, #tpu.memory_space<hbm>>
        %dma_wait3A_397 = tpu.memref_slice %arg7[%add3A_393] : memref<20000xf32, #tpu.memory_space<hbm>> -> memref<2000xf32, #tpu.memory_space<hbm>>
        tpu.wait_dma2 semaphore(%run_scoped3A : memref<!tpu.dma_semaphore, #tpu.memory_space<semaphore_mem>>) src(%arg27 : memref<2000xf32, #tpu.memory_space<vmem>>) dst(%dma_wait3A_397 : memref<2000xf32, #tpu.memory_space<hbm>>)
        tpu.yield
      }) : () -> ()
    } else {
    }
    return
  }
}

module attributes {stable_mosaic.version = 14 : i64} {
  func.func @_proj_body(%arg0: i32, %arg1: memref<1000x128xf32, #tpu.memory_space<vmem>>, %arg2: memref<128x128xf32, #tpu.memory_space<vmem>>, %arg3: memref<128x2xf32, #tpu.memory_space<vmem>>, %arg4: memref<2x1x1x32000xi32, #tpu.memory_space<vmem>>, %arg5: memref<1000x128xf32, #tpu.memory_space<vmem>>, %arg6: memref<1000x2xf32, #tpu.memory_space<vmem>>, %arg7: memref<1x1x32000xi32, #tpu.memory_space<vmem>>) attributes {dimension_semantics = [#tpu.dimension_semantics<arbitrary>], iteration_bounds = array<i64: 10>, scalar_prefetch = 0 : i64, scratch_operands = 0 : i64, tpu.core_type = #tpu.core_type<tc>, window_params = [{transform_indices = @transform_0, window_bounds = array<i64: 1000, 128>}, {pipeline_mode = #tpu.pipeline_mode<synchronous>, transform_indices = @transform_1, window_bounds = array<i64: 128, 128>}, {pipeline_mode = #tpu.pipeline_mode<synchronous>, transform_indices = @transform_2, window_bounds = array<i64: 128, 2>}, {transform_indices = @transform_3, window_bounds = array<i64: 2, 1, 1, 32000>}, {transform_indices = @transform_4, window_bounds = array<i64: 1000, 128>}, {transform_indices = @transform_5, window_bounds = array<i64: 1000, 2>}, {transform_indices = @transform_6, window_bounds = array<i64: 1, 1, 32000>}]} {
    %get3A = arith.constant 0 : index
    %get3A_0 = arith.constant 0 : index
    %get3A_1 = vector.load %arg1[%get3A, %get3A_0] : memref<1000x128xf32, #tpu.memory_space<vmem>>, vector<1000x128xf32>
    %get3A_2 = arith.constant 0 : index
    %get3A_3 = arith.constant 0 : index
    %get3A_4 = vector.load %arg2[%get3A_2, %get3A_3] : memref<128x128xf32, #tpu.memory_space<vmem>>, vector<128x128xf32>
    %dot_general3A = arith.constant dense<0.000000e+00> : vector<1000x128xf32>
    %dot_general3A_5 = tpu.matmul %get3A_1, %get3A_4, %dot_general3A {dimension_numbers = #tpu.dot_dimension_numbers<[1], [0], [0], [1], [0, 0, 1, 1], [], []>, transpose_lhs_hint = false} : vector<1000x128xf32>, vector<128x128xf32>, vector<1000x128xf32> -> vector<1000x128xf32>
    %swap3A = arith.constant 0 : index
    %swap3A_6 = arith.constant 0 : index
    %swap3A_7 = vector.load %arg5[%swap3A, %swap3A_6] : memref<1000x128xf32, #tpu.memory_space<vmem>>, vector<1000x128xf32>
    tpu.vector_store %arg5[%swap3A, %swap3A_6], %dot_general3A_5 {strides = array<i32>} : memref<1000x128xf32, #tpu.memory_space<vmem>>, vector<1000x128xf32>,
    %get3A_8 = arith.constant 0 : index
    %get3A_9 = arith.constant 0 : index
    %get3A_10 = vector.load %arg3[%get3A_8, %get3A_9] : memref<128x2xf32, #tpu.memory_space<vmem>>, vector<128x2xf32>
    %dot_general3A_11 = arith.constant dense<0.000000e+00> : vector<1000x2xf32>
    %dot_general3A_12 = tpu.matmul %dot_general3A_5, %get3A_10, %dot_general3A_11 {dimension_numbers = #tpu.dot_dimension_numbers<[1], [0], [0], [1], [0, 0, 1, 1], [], []>, transpose_lhs_hint = false} : vector<1000x128xf32>, vector<128x2xf32>, vector<1000x2xf32> -> vector<1000x2xf32>
    %swap3A_13 = arith.constant 0 : index
    %swap3A_14 = arith.constant 0 : index
    %swap3A_15 = vector.load %arg6[%swap3A_13, %swap3A_14] : memref<1000x2xf32, #tpu.memory_space<vmem>>, vector<1000x2xf32>
    tpu.vector_store %arg6[%swap3A_13, %swap3A_14], %dot_general3A_12 {strides = array<i32>} : memref<1000x2xf32, #tpu.memory_space<vmem>>, vector<1000x2xf32>,
    %get3A_16 = arith.constant 0 : index
    %get3A_17 = arith.constant 0 : index
    %get3A_18 = arith.constant 0 : index
    %get3A_19 = arith.constant 0 : index
    %get3A_20 = vector.load %arg4[%get3A_16, %get3A_17, %get3A_18, %get3A_19] : memref<2x1x1x32000xi32, #tpu.memory_space<vmem>>, vector<1x1x1x32000xi32>
    %get3A_21 = vector.shape_cast %get3A_20 : vector<1x1x1x32000xi32> to vector<1x1x32000xi32>
    %get3A_22 = arith.constant 1 : index
    %get3A_23 = arith.constant 0 : index
    %get3A_24 = arith.constant 0 : index
    %get3A_25 = arith.constant 0 : index
    %get3A_26 = vector.load %arg4[%get3A_22, %get3A_23, %get3A_24, %get3A_25] : memref<2x1x1x32000xi32, #tpu.memory_space<vmem>>, vector<1x1x1x32000xi32>
    %get3A_27 = vector.shape_cast %get3A_26 : vector<1x1x1x32000xi32> to vector<1x1x32000xi32>
    %shift_left3A = arith.constant 14 : i32
    %shift_left3A_28 = vector.broadcast %shift_left3A : i32 to vector<1x1x32000xi32>
    %shift_left3A_29 = arith.shli %get3A_27, %shift_left3A_28 : vector<1x1x32000xi32>
    %or3A = arith.ori %get3A_21, %shift_left3A_29 : vector<1x1x32000xi32>
    %swap3A_30 = arith.constant 0 : index
    %swap3A_31 = arith.constant 0 : index
    %swap3A_32 = arith.constant 0 : index
    %swap3A_33 = vector.load %arg7[%swap3A_30, %swap3A_31, %swap3A_32] : memref<1x1x32000xi32, #tpu.memory_space<vmem>>, vector<1x1x32000xi32>
    tpu.vector_store %arg7[%swap3A_30, %swap3A_31, %swap3A_32], %or3A {strides = array<i32>} : memref<1x1x32000xi32, #tpu.memory_space<vmem>>, vector<1x1x32000xi32>,
    return
  }
  func.func @transform_0(%arg0: i32) -> (i32, i32) {
    %c0_i32 = arith.constant 0 : i32
    %c0_i32_0 = arith.constant 0 : i32
    return %arg0, %c0_i32 : i32, i32
  }
  func.func @transform_1(%arg0: i32) -> (i32, i32) {
    %c0_i32 = arith.constant 0 : i32
    %c0_i32_0 = arith.constant 0 : i32
    %c0_i32_1 = arith.constant 0 : i32
    return %c0_i32, %c0_i32_0 : i32, i32
  }
  func.func @transform_2(%arg0: i32) -> (i32, i32) {
    %c0_i32 = arith.constant 0 : i32
    %c0_i32_0 = arith.constant 0 : i32
    %c0_i32_1 = arith.constant 0 : i32
    return %c0_i32, %c0_i32_0 : i32, i32
  }
  func.func @transform_3(%arg0: i32) -> (i32, i32, i32, i32) {
    %c0_i32 = arith.constant 0 : i32
    %c0_i32_0 = arith.constant 0 : i32
    %c0_i32_1 = arith.constant 0 : i32
    %c0_i32_2 = arith.constant 0 : i32
    return %c0_i32, %arg0, %c0_i32_0, %c0_i32_1 : i32, i32, i32, i32
  }
  func.func @transform_4(%arg0: i32) -> (i32, i32) {
    %c0_i32 = arith.constant 0 : i32
    %c0_i32_0 = arith.constant 0 : i32
    return %arg0, %c0_i32 : i32, i32
  }
  func.func @transform_5(%arg0: i32) -> (i32, i32) {
    %c0_i32 = arith.constant 0 : i32
    %c0_i32_0 = arith.constant 0 : i32
    return %arg0, %c0_i32 : i32, i32
  }
  func.func @transform_6(%arg0: i32) -> (i32, i32, i32) {
    %c0_i32 = arith.constant 0 : i32
    %c0_i32_0 = arith.constant 0 : i32
    %c0_i32_1 = arith.constant 0 : i32
    return %arg0, %c0_i32, %c0_i32_0 : i32, i32, i32
  }
}

module attributes {stable_mosaic.version = 14 : i64} {
  func.func @_fin_body(%arg0: i32, %arg1: memref<2x1000x128xf32, #tpu.memory_space<vmem>>, %arg2: memref<2x1x1x1000xf32, #tpu.memory_space<vmem>>, %arg3: memref<1x128xf32, #tpu.memory_space<vmem>>, %arg4: memref<1000x128xf32, #tpu.memory_space<vmem>>) attributes {dimension_semantics = [#tpu.dimension_semantics<arbitrary>], iteration_bounds = array<i64: 10>, scalar_prefetch = 0 : i64, scratch_operands = 0 : i64, tpu.core_type = #tpu.core_type<tc>, window_params = [{transform_indices = @transform_0, window_bounds = array<i64: 2, 1000, 128>}, {transform_indices = @transform_1, window_bounds = array<i64: 2, 1, 1, 1000>}, {pipeline_mode = #tpu.pipeline_mode<synchronous>, transform_indices = @transform_2, window_bounds = array<i64: 1, 128>}, {transform_indices = @transform_3, window_bounds = array<i64: 1000, 128>}]} {
    %get3A = arith.constant 0 : index
    %get3A_0 = arith.constant 0 : index
    %get3A_1 = arith.constant 0 : index
    %get3A_2 = arith.constant 0 : index
    %get3A_3 = vector.load %arg2[%get3A, %get3A_0, %get3A_1, %get3A_2] : memref<2x1x1x1000xf32, #tpu.memory_space<vmem>>, vector<1x1x1x1000xf32>
    %get3A_4 = vector.shape_cast %get3A_3 : vector<1x1x1x1000xf32> to vector<1000xf32>
    %get3A_5 = arith.constant 1 : index
    %get3A_6 = arith.constant 0 : index
    %get3A_7 = arith.constant 0 : index
    %get3A_8 = arith.constant 0 : index
    %get3A_9 = vector.load %arg2[%get3A_5, %get3A_6, %get3A_7, %get3A_8] : memref<2x1x1x1000xf32, #tpu.memory_space<vmem>>, vector<1x1x1x1000xf32>
    %get3A_10 = vector.shape_cast %get3A_9 : vector<1x1x1x1000xf32> to vector<1000xf32>
    %add3A = arith.addf %get3A_4, %get3A_10 : vector<1000xf32>
    %get3A_11 = arith.constant 0 : index
    %get3A_12 = arith.constant 0 : index
    %get3A_13 = arith.constant 0 : index
    %get3A_14 = vector.load %arg1[%get3A_11, %get3A_12, %get3A_13] : memref<2x1000x128xf32, #tpu.memory_space<vmem>>, vector<1x1000x128xf32>
    %get3A_15 = vector.shape_cast %get3A_14 : vector<1x1000x128xf32> to vector<1000x128xf32>
    %get3A_16 = arith.constant 1 : index
    %get3A_17 = arith.constant 0 : index
    %get3A_18 = arith.constant 0 : index
    %get3A_19 = vector.load %arg1[%get3A_16, %get3A_17, %get3A_18] : memref<2x1000x128xf32, #tpu.memory_space<vmem>>, vector<1x1000x128xf32>
    %get3A_20 = vector.shape_cast %get3A_19 : vector<1x1000x128xf32> to vector<1000x128xf32>
    %add3A_21 = arith.addf %get3A_15, %get3A_20 : vector<1000x128xf32>
    %broadcast_in_dim3A = vector.shape_cast %add3A : vector<1000xf32> to vector<1000x1xf32>
    %add3A_22 = arith.constant 1.000000e-16 : f32
    %add3A_23 = vector.broadcast %add3A_22 : f32 to vector<1000x1xf32>
    %add3A_24 = arith.addf %broadcast_in_dim3A, %add3A_23 : vector<1000x1xf32>
    %div3A = vector.broadcast %add3A_24 : vector<1000x1xf32> to vector<1000x128xf32>
    %div3A_25 = arith.divf %add3A_21, %div3A : vector<1000x128xf32>
    %get3A_26 = arith.constant 0 : index
    %get3A_27 = arith.constant 0 : index
    %get3A_28 = vector.load %arg3[%get3A_26, %get3A_27] : memref<1x128xf32, #tpu.memory_space<vmem>>, vector<1x128xf32>
    %add3A_29 = vector.broadcast %get3A_28 : vector<1x128xf32> to vector<1000x128xf32>
    %add3A_30 = arith.addf %div3A_25, %add3A_29 : vector<1000x128xf32>
    %swap3A = arith.constant 0 : index
    %swap3A_31 = arith.constant 0 : index
    %swap3A_32 = vector.load %arg4[%swap3A, %swap3A_31] : memref<1000x128xf32, #tpu.memory_space<vmem>>, vector<1000x128xf32>
    tpu.vector_store %arg4[%swap3A, %swap3A_31], %add3A_30 {strides = array<i32>} : memref<1000x128xf32, #tpu.memory_space<vmem>>, vector<1000x128xf32>,
    return
  }
  func.func @transform_0(%arg0: i32) -> (i32, i32, i32) {
    %c0_i32 = arith.constant 0 : i32
    %c0_i32_0 = arith.constant 0 : i32
    %c0_i32_1 = arith.constant 0 : i32
    return %c0_i32, %arg0, %c0_i32_0 : i32, i32, i32
  }
  func.func @transform_1(%arg0: i32) -> (i32, i32, i32, i32) {
    %c0_i32 = arith.constant 0 : i32
    %c0_i32_0 = arith.constant 0 : i32
    %c0_i32_1 = arith.constant 0 : i32
    %c0_i32_2 = arith.constant 0 : i32
    return %c0_i32, %arg0, %c0_i32_0, %c0_i32_1 : i32, i32, i32, i32
  }
  func.func @transform_2(%arg0: i32) -> (i32, i32) {
    %c0_i32 = arith.constant 0 : i32
    %c0_i32_0 = arith.constant 0 : i32
    %c0_i32_1 = arith.constant 0 : i32
    return %c0_i32, %c0_i32_0 : i32, i32
  }
  func.func @transform_3(%arg0: i32) -> (i32, i32) {
    %c0_i32 = arith.constant 0 : i32
    %c0_i32_0 = arith.constant 0 : i32
    return %arg0, %c0_i32 : i32, i32
  }
}

</mosaic_0001>

<sc_bundles>
// kernel: kernel.5.cloned.1.call-start
scs
__scs_entry_jumppad:
0x0: {  	(pc) =	sbr.rel $0x88, $3  }
0x1: {  	(tag) =	ssettag $0x0;
	lr =	simm.s32 $0x1  }
0x2: {  	[smem:$0x3F9B] =	sst lr;
	_ =	strace $0xD0000000  }
0x3: {  	_ = 	snop  }
0x4: {  	_ = 	snop  }
0x5: {  	_ = 	snop  }
0x6: {  	_ = 	snop  }
0x7: {  	_ = 	snop  }
__scs_overlays_trampoline_lowered:
0x8: {  	[smem:$0x3FAA] =	sst s0  }
0x9: {  	[smem:$0x3FAB] =	sst s1  }
0xa: {  	[smem:$0x3FAC] =	sst s2  }
0xb: {  	[smem:$0x3FAD] =	sst s3  }
0xc: {  	[smem:$0x3FAE] =	sst s4  }
0xd: {  	[smem:$0x3FAF] =	sst s5  }
0xe: {  	[smem:$0x3FB0] =	sst s6  }
0xf: {  	[smem:$0x3FB1] =	sst s7  }
0x10: {  	[smem:$0x3FB2] =	sst s8  }
0x11: {  	[smem:$0x3FB3] =	sst s9;
	s0 =	simm.s32 @!p0 $0x0  }
0x12: {  	s1 =	sld [smem:$0x3F99];
	s0 =	simm.s32 @p0 $0x1  }
0x13: {  	[smem:$0x3FB4] =	sst s0;
	s0 =	simm.s32 @!p1 $0x0  }
0x14: {  	s2 =	sld [smem:$0x3F98];
	s0 =	simm.s32 @p1 $0x1  }
0x15: {  	[smem:$0x3FB5] =	sst s0;
	s0 =	simm.s32 @!p2 $0x0  }
0x16: {  	s3 =	sld [smem:$0x3FDB];
	s0 =	simm.s32 @p2 $0x1  }
0x17: {  	s4 =	simm.s32 $0x1BF5;
	[smem:$0x3FB7] =	sst s0  }
0x18: {  	s0 =	sld [smem:$0x3F9A];
	_ =	swait.ge [sflag:s4], $0x0  }
0x19: {  	s7 =	sld [smem:$0x3F9B]  }
0x1a: {  	s8 =	sadd.s32 $0xFFFFE003, lr  }
0x1b: {  	s9 =	sadd.s32 $0xFFFFFEF7, lr;
	s5 =	simm.s32 $0xFFFFFFFF;
	p2 =	slt.u32 s8, $0xFFFFF086  }
0x1c: {  	p1 =	slt.u32 s9, $0xF7A;
	s5 =	simm.s32 @!p2 $0x0  }
0x1d: {  	s5 =	simm.s32 @p1 $0x1;
	p0 =	seq.s32 s7, s2  }
0x1e: {  	s7 =	smul.u32 @!p0 $0xF7A, s2;
	p2 =	seq.s32 @!p0 s5, $0x0  }
0x1f: {  	s9 =	smul.u32 $0xF7A, s1;
	s8 =	simm.s32 @!p0 $0x1BF5;
	p2 =	por !p2, p0  }
0x20: {  	[sflag:s8] =	ssyncset.s32 @!p0 $0xFFFFF086;
	s6 =	sadd.s32 @!p0 s3, s7;
	s7 =	simm.s32 @!p0 $0x108  }
0x21: {  	s3 =	sadd.s32 s3, s9;
	s6 =	sadd.s32 @!p0 $0x88, s6;
	s7 =	simm.s32 @p2 $0x1082  }
0x22: {  	[simem:s7], [sflag:s8] =	dma.local @!p0 [hbm:s6], $0xF7A  }
0x23: {  	s9 =	sor.u32 $0xD0000000, s2;
	s6 =	simm.s32 $0x108;
	_ =	swait.ge @!p0 [sflag:s8], $0x0  }
0x24: {  	s3 =	sadd.s32 $0x88, s3;
	s6 =	simm.s32 @!p1 $0x1082;
	[sflag:s4] =	ssyncset.s32 $0xFFFFF086  }
0x25: {  	[simem:s6], [sflag:s4] =	dma.local [hbm:s3], $0xF7A  }
0x26: {  	[smem:$0x3F9B] =	sst s1;
	(tag) =	ssettag s2;
	_ =	strace s9  }
0x27: {  	s1 =	sld [smem:$0x3FAB]  }
0x28: {  	s2 =	sld [smem:$0x3FAC]  }
0x29: {  	s4 =	sld [smem:$0x3FAE]  }
0x2a: {  	p0 =	seq.s32 s5, $0x0;
	s5 =	sld [smem:$0x3FAF]  }
0x2b: {  	s6 =	sld [smem:$0x3FB0]  }
0x2c: {  	s7 =	sld [smem:$0x3FB1]  }
0x2d: {  	s3 =	simm.s32 $0x108;
	s8 =	sld [smem:$0x3FB2]  }
0x2e: {  	s3 =	simm.s32 @!p0 $0x1082;
	s9 =	sld [smem:$0x3FB3]  }
0x2f: {  	lr =	sadd.s32 s0, s3;
	s0 =	sld [smem:$0x3FAA]  }
0x30: {  	s3 =	sld [smem:$0x3FAD]  }
0x31: {  	[smem:$0x3FB6] =	sst s10  }
0x32: {  	s10 =	sld [smem:$0x3FB4];
	_ =	sdelay $0x3  }
0x33: {  	p0 =	seq.s32 s10, $0x1;
	s10 =	sld [smem:$0x3FB6];
	_ =	sdelay $0x3  }
0x34: {  	[smem:$0x3FB6] =	sst s10  }
0x35: {  	s10 =	sld [smem:$0x3FB5];
	_ =	sdelay $0x3  }
0x36: {  	p1 =	seq.s32 s10, $0x1;
	s10 =	sld [smem:$0x3FB6];
	_ =	sdelay $0x3  }
0x37: {  	[smem:$0x3FB6] =	sst s10  }
0x38: {  	s10 =	sld [smem:$0x3FB7]  }
0x39: {  	_ = 	snop;
	(pc) =	sbr.ind lr, $3  }
0x3a: {  	_ = 	snop  }
0x3b: {  	_ = 	snop  }
0x3c: {  	p2 =	seq.s32 s10, $0x1;
	s10 =	sld [smem:$0x3FB6]  }
0x3d: {  	_ =	shalt  }
0x3e: {  	_ =	shalt  }
0x3f: {  	_ =	shalt  }
0x40: {  	_ =	shalt  }
0x41: {  	_ =	shalt  }
0x42: {  	_ =	shalt  }
0x43: {  	_ =	shalt  }
0x44: {  	_ =	shalt  }
0x45: {  	_ =	shalt  }
0x46: {  	_ =	shalt  }
0x47: {  	_ =	shalt  }
0x48: {  	_ =	shalt  }
0x49: {  	_ =	shalt  }
0x4a: {  	_ =	shalt  }
0x4b: {  	_ =	shalt  }
0x4c: {  	_ =	shalt  }
0x4d: {  	_ =	shalt  }
0x4e: {  	_ =	shalt  }
0x4f: {  	_ =	shalt  }
0x50: {  	_ =	shalt  }
0x51: {  	_ =	shalt  }
0x52: {  	_ =	shalt  }
0x53: {  	_ =	shalt  }
0x54: {  	_ =	shalt  }
0x55: {  	_ =	shalt  }
0x56: {  	_ =	shalt  }
0x57: {  	_ =	shalt  }
0x58: {  	_ =	shalt  }
0x59: {  	_ =	shalt  }
0x5a: {  	_ =	shalt  }
0x5b: {  	_ =	shalt  }
0x5c: {  	_ =	shalt  }
0x5d: {  	_ =	shalt  }
0x5e: {  	_ =	shalt  }
0x5f: {  	_ =	shalt  }
0x60: {  	_ =	shalt  }
0x61: {  	_ =	shalt  }
0x62: {  	_ =	shalt  }
0x63: {  	_ =	shalt  }
0x64: {  	_ =	shalt  }
0x65: {  	_ =	shalt  }
0x66: {  	_ =	shalt  }
0x67: {  	_ =	shalt  }
0x68: {  	_ =	shalt  }
0x69: {  	_ =	shalt  }
0x6a: {  	_ =	shalt  }
0x6b: {  	_ =	shalt  }
0x6c: {  	_ =	shalt  }
0x6d: {  	_ =	shalt  }
0x6e: {  	_ =	shalt  }
0x6f: {  	_ =	shalt  }
0x70: {  	_ =	shalt  }
0x71: {  	_ =	shalt  }
0x72: {  	_ =	shalt  }
0x73: {  	_ =	shalt  }
0x74: {  	_ =	shalt  }
0x75: {  	_ =	shalt  }
0x76: {  	_ =	shalt  }
0x77: {  	_ =	shalt  }
0x78: {  	_ =	shalt  }
0x79: {  	_ =	shalt  }
0x7a: {  	_ =	shalt  }
0x7b: {  	_ =	shalt  }
0x7c: {  	_ =	shalt  }
0x7d: {  	_ =	shalt  }
0x7e: {  	_ =	shalt  }
0x7f: {  	_ =	shalt  }
0x80: {  	_ =	shalt  }
0x81: {  	_ =	shalt  }
0x82: {  	_ =	shalt  }
0x83: {  	_ =	shalt  }
0x84: {  	_ =	shalt  }
0x85: {  	_ =	shalt  }
0x86: {  	_ =	shalt  }
0x87: {  	_ =	shalt  }
.Lfunc_end0:
.L_simem_size_0:
called_computation_lowered:
.L_overlay_start_0:
0x88: {  	s2 =	sld [smem:$0x3FD9]  }
0x89: {  	s3 =	sld [smem:$0x3FFE];
	_ =	sdelay $0x1  }
0x8a: {  	s1 =	srdreg.scid  }
0x8b: {  	s0 =	sand.u32 $0x1, s1  }
0x8c: {  	s17 =	sshll.u32 s0, $0xA;
	s2 =	sadd.s32 s3, s2  }
0x8d: {  	s2 =	sadd.s32 s2, s17  }
0x8e: {  	[smem:$0x3FC2] =	sst s2  }
0x8f: {  	_ = 	snop  }
0x90: {  	s2 =	sld [smem:$0x3FD0];
	(tm) =	ssettm $0x1  }
0x91: {  	s18 =	sld [smem:$0x3FFB];
	_ =	sdelay $0x3  }
0x92: {  	_ =	strace s18  }
0x93: {  	s3 =	sld [smem:$0x3FFC];
	_ =	sdelay $0x3  }
0x94: {  	_ =	strace s3  }
0x95: {  	s3 =	sld [smem:$0x3FFD];
	_ =	sdelay $0x3  }
0x96: {  	_ =	strace s3  }
0x97: {  	_ =	strace $0x8FFFFFFF  }
0x98: {  	s19 =	sld [smem:$0x3FDB];
	_ =	sdelay $0x1  }
0x99: {  	s4 =	simm.s32 $_scs_section_size  }
0x9a: {  	s5 =	simm.s32 $_size__tile_overlayer_lowered;
	s6 =	simm.s32 $_tile_overlayer_lowered  }
0x9b: {  	s22 =	simm.s32 $0x1BFF;
	s21 =	sshll.u32 s6, $0x1;
	s3 =	sadd.s32 s4, s19  }
0x9c: {  	s7 =	simm.s32 $0x0;
	s20 =	sshll.u32 s5, $0x1;
	s5 =	sadd.s32 s21, s3  }
0x9d: {  	[timem:s7], [sflag:s22] =	dma.local [hbm:s5], s20  }
0x9e: {  	_ =	swait.ge [sflag:s22], s20  }
0x9f: {  	s4 =	ssub.s32 $0x0, s20;
	[sflag:s22] =	ssyncset.done $0x0  }
0xa0: {  	[sflag:s22] =	ssyncadd.s32 s4;
	_ =	sdelay $0x1  }
0xa1: {  	s23 =	simm.s32 $0x1B8B  }
0xa2: {  	_ =	swait.ge [sflag:s23], $0x1  }
0xa3: {  	[sflag:s23] =	ssyncset.done $0x0  }
0xa4: {  	s25 =	simm.s32 $0x1B8E;
	s24 =	sld [smem:$0x3FFE];
	[sflag:s23] =	ssyncadd.s32 $0xFFFFFFFF  }
0xa5: {  	s26 =	simm.s32 $execute0_lowered;
	[smem:$0x3FD2] =	sst s25  }
0xa6: {  	s5 =	sshll.u32 s26, $0x1;
	_ =	strace $0x80000046;
	[dreg:$0x1] =	wrdreg $0xFFFFFFFF  }
0xa7: {  	s28 =	simm.s32 $_size_execute0_lowered;
	s3 =	sadd.s32 s3, s5;
	[dreg:$0x0] =	wrdreg $0x0  }
0xa8: {  	s5 =	sshll.u32 s28, $0x1;
	[dreg:$0x2] =	wrdreg s3  }
0xa9: {  	[dreg:$0x3] =	wrdreg s5  }
0xaa: {  	[dreg:$0x4] =	wrdreg $0xC0  }
0xab: {  	_ =	task [dreg:s7], $0x5FFFF  }
0xac: {  	[dreg:$0x1] =	wrdreg $0xFFFFFFFF  }
0xad: {  	[dreg:$0x0] =	wrdreg $0x60  }
0xae: {  	[dreg:$0x2] =	wrdreg s2  }
0xaf: {  	[dreg:$0x3] =	wrdreg s24  }
0xb0: {  	[dreg:$0x4] =	wrdreg $0xAF000  }
0xb1: {  	[dreg:$0x5] =	wrdreg $0x1E7800  }
0xb2: {  	[dreg:$0x6] =	wrdreg $0x9  }
0xb3: {  	_ =	task.clear_ibuf [dreg:s7], $0x7FFFF;
	_ =	strace $0x90000046  }
0xb4: {  	s29 =	simm.s32 $0x9;
	_ =	strace $0x80000048  }
0xb5: {  	_ =	swait.ge [sflag:s29], $0x1  }
0xb6: {  	[sflag:s29] =	ssyncadd.s32 $0xFFFFFFFF  }
0xb7: {  	_ =	strace $0x90000048  }
0xb8: {  	_ =	sfence  }
0xb9: {  	s30 =	sld [smem:$0x0];
	_ =	sdelay $0x2  }
0xba: {  	s31 =	sshll.u32 s1, $0xD;
	s1 =	sshrl.u32 s1, $0x2  }
0xbb: {  	s3 =	sand.u32 $0x4000, s31;
	s1 =	sadd.s32 s1, s30  }
0xbc: {  	s0 =	sor.u32 s3, s0;
	s1 =	sshll.u32 s1, $0x11  }
0xbd: {  	s0 =	sor.u32 s1, s0  }
0xbe: {  	s0 =	sadd.s32 $0x8F2B, s0  }
0xbf: {  	[sflag:s0] =	ssyncadd.remote.s32 $0x1  }
0xc0: {  	_ =	sfence.sel $0xFFFF  }
0xc1: {  	[dreg:$0x0] =	wrdreg $0xFFFFFFFF;
	(pc) =	sbr.abs _section_cstart, $3  }
0xc2: {  	[dreg:$0x1] =	wrdreg $0xFFFFFFFF  }
0xc3: {  	_ =	task.clear_ibuf [dreg:s7], $0x2FFFF;
	_ =	strace $0x9FFFFFFF  }
0xc4: {  	(tm) =	ssettm $0x7FFFFFFF  }
0xc5: {  	_ =	shalt  }
tec
execute0_lowered:
.L_overlay_start_1:
0x0: {  	(tag) =	ssettag $0x1  }
0x1: {  	s1 =	rddreg [dreg:$0x0];
	s0 =	srdreg.scid  }
0x2: {  	s13 =	stileid.u32;
	s2 =	rddreg [dreg:$0x1]  }
0x3: {  	s3 =	rddreg [dreg:$0x2];
	s14 =	simm.s32 $0x0;
	s24 =	simm.s32 $0x5  }
0x4: {  	s18 =	simm.s32 $0x2880;
	s19 =	simm.s32 $0x7;
	s29 =	simm.s32 $0x5280  }
0x5: {  	s31 =	simm.s32 $0x1;
	s30 =	simm.s32 $0x7D80;
	s15 =	simm.s32 $0x2  }
0x6: {  	s17 =	simm.s32 $0x7B00;
	s16 =	simm.s32 $0xA580;
	s10 =	smul.u32 $0x7D0, s13  }
0x7: {  	s0 =	sand.u32 $0x1, s0;
	s4 =	sshll.u32 s13, $0x1;
	s12 =	smul.u32 $0x1F40, s13  }
0x8: {  	[smem:$0x7FF] =	sst s14;
	s6 =	sadd.s32 $0xA00, s2;
	s21 =	smul.u32 $0x50000, s13  }
0x9: {  	s7 =	sadd.s32 $0x1000, s2;
	p0 =	seq.s32 s13, $0xF;
	s23 =	smul.u32 $0x14000, s13  }
0xa: {  	s5 =	sor.u32 s0, s4;
	s4 =	rddreg [dreg:$0x3];
	s8 =	smul.u32 $0x2710, s0  }
0xb: {  	_ =	strace $0x80000047;
	s11 =	ssub.s32 $0x2, s0;
	s0 =	smul.u32 $0x138800, s0  }
0xc: {  	s24 =	simm.s32 @!p0 $0x8;
	p0 =	sgt.u32 s13, $0x4;
	s13 =	simm.s32 $0x7D00  }
0xd: {  	s5 =	smul.u32 $0x4E2, s5;
	s20 =	sshrl.u32 s11, $0x1;
	s12 =	sshrl.u32 s12, $0x2  }
0xe: {  	s22 =	sadd.s32 s10, s4;
	s26 =	sshrl.u32 s21, $0x2;
	s21 =	simm.s32 $0x2780  }
0xf: {  	[dreg:$0x6] =	wrdreg s24;
	s9 =	sadd.s32 s10, s8;
	s8 =	sadd.s32 $0xBE00, s2  }
0x10: {  	s11 =	ssub.s32 s11, s20;
	s12 =	sadd.s32 s12, s4;
	[dreg:$0x9] =	wrdreg s22  }
0x11: {  	s28 =	sadd.s32 s26, s3;
	s0 =	sadd.s32 s23, s0;
	s20 =	simm.s32 $0x50  }
0x12: {  	s23 =	simm.s32 $0x2800;
	s26 =	simm.s32 $0x5300;
	[dreg:$0x7] =	wrdreg s12  }
0x13: {  	s10 =	simm.s32 $0x4;
	s5 =	sadd.s32 s5, s2;
	[dreg:$0xd] =	wrdreg s0  }
0x14: {  	s9 =	sshrl.u32 s9, $0x3;
	s25 =	smax.u32 s11, $0x1;
	[dreg:$0xc] =	wrdreg s28  }
0x15: {  	s2 =	sadd.s32 s9, s2;
	s5 =	sadd.s32 $0x1600, s5;
	[dreg:$0xb] =	wrdreg s25  }
0x16: {  	s9 =	simm.s32 $0x5;
	[dreg:$0x8] =	wrdreg s5;
	s2 =	sadd.s32 $0xB400, s2  }
0x17: {  	v0 =	vimm.f32 $0.0e+00;
	s25 =	simm.s32 $0x5200;
	[dreg:$0xa] =	wrdreg s2;
	s2 =	simm.s32 $0x5080  }
.LBB2_1:
0x18: {  	s0 =	simm.s32 $0x0;
	s5 =	simm.s32 $0x200  }
.LBB2_2:
0x19: {  	p1 =	sne.s32 s5, $0x9E00;
	[tilespmem:s0+$0x28F0] =	vst v0  }
0x1a: {  	[tilespmem:s0+$0x2880] =	vst v0  }
0x1b: {  	[tilespmem:s0+$0x2890] =	vst v0  }
.Ltmp0:
0x1c: {  	[tilespmem:s0+$0x28A0] =	vst v0;
	(pc) =	sbr.rel @p1 .LBB2_2-.Ltmp0, $4  }
0x1d: {  	[tilespmem:s0+$0x28B0] =	vst v0  }
0x1e: {  	[tilespmem:s0+$0x28C0] =	vst v0  }
0x1f: {  	[tilespmem:s0+$0x28D0] =	vst v0  }
0x20: {  	[tilespmem:s0+$0x28E0] =	vst v0;
	s0 =	sshra.s32 s5, $0x2;
	s5 =	sadd.s32 $0x200, s5  }
0x21: {  	[tilespmem:s0+$0x28F0] =	vst v0  }
0x22: {  	[tilespmem:s0+$0x2880] =	vst v0  }
0x23: {  	[tilespmem:s0+$0x2890] =	vst v0  }
0x24: {  	[tilespmem:s0+$0x28A0] =	vst v0  }
0x25: {  	[tilespmem:s0+$0x28B0] =	vst v0  }
0x26: {  	[tilespmem:s0+$0x28C0] =	vst v0  }
0x27: {  	[tilespmem:s0+$0x28D0] =	vst v0  }
0x28: {  	[tilespmem:s0+$0x28E0] =	vst v0;
	s0 =	simm.s32 $0x40;
	s5 =	simm.s32 $0x0  }
.LBB2_4:
0x29: {  	p1 =	sne.s32 s0, $0x1F00;
	[tilespmem:s5+$0xA700] =	vst v0;
	s5 =	smov.u32 s0;
	s0 =	sadd.s32 $0x40, s0  }
.Ltmp1:
0x2a: {  	(pc) =	sbr.rel @p1 .LBB2_4-.Ltmp1, $2  }
0x2b: {  	_ =	sdelay $0x2  }
0x2c: {  	s5 =	sshra.s32 s5, $0x2  }
0x2d: {  	p1 =	sne.s32 s24, $0x1  }
.Ltmp2:
0x2e: {  	_ = 	snop;
	(pc) =	sbr.rel @!p1 .LBB2_7-.Ltmp2, $4  }
0x2f: {  	[dreg:$0x5] =	wrdreg s14;
	[tilespmem:s5+$0xA700] =	vst v0  }
0x30: {  	[spmem:s28] =	stream.linear.scatter [tilespmem:s18], [sflag:$0x7], $0x2800, $0x38;
	[tilespmem:$0x1E9F8] =	vst v63  }
0x31: {  	_ =	swait.ge [sflag:s19], $0x2800  }
0x32: {  	s0 =	sadd.s32 $0xFFFFFFFF, s24;
	s5 =	smov.u32 s28;
	[sflag:s19] =	ssyncset.done $0x0  }
.LBB2_6:
0x33: {  	p2 =	sne.s32 s0, $0x1;
	[sflag:s19] =	ssyncadd.s32 $0xFFFFD800;
	s5 =	sadd.s32 $0x2800, s5  }
.Ltmp3:
0x34: {  	s0 =	sadd.s32 $0xFFFFFFFF, s0;
	(pc) =	sbr.rel @p2 .LBB2_6-.Ltmp3, $4  }
0x35: {  	_ = 	snop  }
0x36: {  	[spmem:s5] =	stream.linear.scatter [tilespmem:s18], [sflag:$0x7], $0x2800, $0x38;
	[tilespmem:$0x1E9F8] =	vst v63  }
0x37: {  	_ =	swait.ge [sflag:s19], $0x2800  }
0x38: {  	[sflag:s19] =	ssyncset.done $0x0  }
.LBB2_7:
0x39: {  	[sflag:s19] =	ssyncadd.s32 $0xFFFFD800;
	s0 =	simm.s32 @!p0 $0xA700;
	s5 =	rddreg [dreg:$0x7]  }
0x3a: {  	[spmem:s5] =	stream.linear.scatter @!p0 [tilespmem:s0], [sflag:$0x7], $0x7D0, $0x38;
	[tilespmem:$0x1E9F8] =	vst v63  }
0x3b: {  	s0 =	simm.s32 @!p0 $0x7  }
0x3c: {  	_ =	swait.ge @!p0 [sflag:s0], $0x7D0  }
0x3d: {  	[sflag:s0] =	ssyncset.done @!p0 $0x0  }
0x3e: {  	[sflag:s0] =	ssyncadd.s32 @!p0 $0xFFFFF830  }
0x3f: {  	[bflag:$0x0] =	sbarrier.arrive $0xFFFF  }
0x40: {  	s5 =	simm.s32 $0x0;
	s12 =	rddreg [dreg:$0x8]  }
0x41: {  	[tilespmem:s5], [sflag:$0x7] =	stream.linear.gather [hbm4b:s12+s5], $0x2710, $0x38;
	[tilespmem:$0x1E9F8] =	vst v63  }
0x42: {  	_ =	swait.ge [sflag:s19], $0x2710  }
0x43: {  	[sflag:s19] =	ssyncset.done $0x0  }
0x44: {  	[sflag:s19] =	ssyncadd.s32 $0xFFFFD8F0  }
0x45: {  	v1 =	vld [tilespmem:$0x0];
	_ =	sdelay $0x1  }
0x46: {  	v2 =	vld [tilespmem:$0x10];
	_ =	sdelay $0x1  }
0x47: {  	v3 =	vld [tilespmem:$0x20]  }
0x48: {  	v4 =	vand.u32 $0x3FFF, v1  }
0x49: {  	v61 =	vld [tilespmem:$0x30];
	v1 =	vshra.s32 v1, $0xE;
	[tilespmem:$0x2780] =	vst v4  }
0x4a: {  	[tilespmem:$0x2800] =	vst v1;
	v1 =	vand.u32 $0x3FFF, v2  }
0x4b: {  	[tilespmem:$0x2790] =	vst v1;
	v1 =	vshra.s32 v2, $0xE;
	v2 =	vld [tilespmem:$0x40]  }
0x4c: {  	[tilespmem:$0x2810] =	vst v1;
	v1 =	vand.u32 $0x3FFF, v3  }
0x4d: {  	[tilespmem:$0x27A0] =	vst v1;
	v1 =	vshra.s32 v3, $0xE  }
0x4e: {  	[tilespmem:$0x2820] =	vst v1;
	v1 =	vand.u32 $0x3FFF, v61  }
0x4f: {  	[tilespmem:$0x27B0] =	vst v1;
	v1 =	vshra.s32 v61, $0xE  }
0x50: {  	[tilespmem:$0x2830] =	vst v1;
	v1 =	vand.u32 $0x3FFF, v2  }
0x51: {  	[tilespmem:$0x27C0] =	vst v1;
	v1 =	vshra.s32 v2, $0xE  }
0x52: {  	[tilespmem:$0x2840] =	vst v1  }
0x53: {  	[tilespmem:s18], [sflag:$0x1] =	stream.indirect.gather [hbm4b:s1+s20], $0x80, s21, s20, $0xb8;
	[tilespmem:$0x1E9F8] =	vst v63  }
0x54: {  	s14 =	simm.s32 $0x5100  }
0x55: {  	[tilespmem:s14], [sflag:$0x1] =	stream.indirect.gather [hbm4b:s6+s20], $0x1, s21, s20, $0xb8;
	[tilespmem:$0x1E9F8] =	vst v63  }
0x56: {  	s22 =	simm.s32 $0x5180  }
0x57: {  	[tilespmem:s22], [sflag:$0x1] =	stream.indirect.gather [hbm4b:s7+s20], $0x1, s23, s20, $0xb8;
	[tilespmem:$0x1E9F8] =	vst v63  }
0x58: {  	v1 =	vld [tilespmem:$0x50];
	_ =	sdelay $0x1  }
0x59: {  	v2 =	vld [tilespmem:$0x60];
	_ =	sdelay $0x1  }
0x5a: {  	v3 =	vld [tilespmem:$0x70]  }
0x5b: {  	v62 =	vand.u32 $0x3FFF, v1  }
0x5c: {  	v63 =	vld [tilespmem:$0x80];
	v1 =	vshra.s32 v1, $0xE;
	[tilespmem:$0x5200] =	vst v62  }
0x5d: {  	[tilespmem:$0x5280] =	vst v1;
	v1 =	vand.u32 $0x3FFF, v2  }
0x5e: {  	[tilespmem:$0x5210] =	vst v1;
	v1 =	vshra.s32 v2, $0xE;
	v2 =	vld [tilespmem:$0x90]  }
0x5f: {  	[tilespmem:$0x5290] =	vst v1;
	v1 =	vand.u32 $0x3FFF, v3  }
0x60: {  	[tilespmem:$0x5220] =	vst v1;
	v1 =	vshra.s32 v3, $0xE  }
0x61: {  	[tilespmem:$0x52A0] =	vst v1;
	v1 =	vand.u32 $0x3FFF, v63  }
0x62: {  	[tilespmem:$0x5230] =	vst v1;
	v1 =	vshra.s32 v63, $0xE  }
0x63: {  	[tilespmem:$0x52B0] =	vst v1;
	v1 =	vand.u32 $0x3FFF, v2  }
0x64: {  	[tilespmem:$0x5240] =	vst v1;
	v1 =	vshra.s32 v2, $0xE  }
0x65: {  	[tilespmem:$0x52C0] =	vst v1  }
0x66: {  	[tilespmem:s26], [sflag:$0x2] =	stream.indirect.gather [hbm4b:s1+s20], $0x80, s25, s20, $0xb8;
	[tilespmem:$0x1E9F8] =	vst v63  }
0x67: {  	s24 =	simm.s32 $0x7B80  }
0x68: {  	[tilespmem:s24], [sflag:$0x2] =	stream.indirect.gather [hbm4b:s6+s20], $0x1, s25, s20, $0xb8;
	[tilespmem:$0x1E9F8] =	vst v63  }
0x69: {  	s28 =	simm.s32 $0x7C00  }
0x6a: {  	[tilespmem:s28], [sflag:$0x2] =	stream.indirect.gather [hbm4b:s7+s20], $0x1, s29, s20, $0xb8;
	[tilespmem:$0x1E9F8] =	vst v63  }
.LBB2_8:
0x6b: {  	_ =	swait.ge [sflag:s31], $0x2800  }
0x6c: {  	[sflag:s31] =	ssyncset.done $0x0  }
0x6d: {  	[sflag:s31] =	ssyncadd.s32 $0xFFFFD800  }
0x6e: {  	_ =	swait.ge [sflag:s31], $0x50  }
0x6f: {  	[sflag:s31] =	ssyncset.done $0x0  }
0x70: {  	[sflag:s31] =	ssyncadd.s32 $0xFFFFFFB0  }
0x71: {  	_ =	swait.ge [sflag:s31], $0x50  }
0x72: {  	[sflag:s31] =	ssyncset.done $0x0  }
0x73: {  	[sflag:s31] =	ssyncadd.s32 $0xFFFFFFB0  }
0x74: {  	v1 =	vld [tilespmem:$0x5100]  }
0x75: {  	v2 =	vld [tilespmem:$0x5180]  }
0x76: {  	v3 =	vld [tilespmem:$0x5110]  }
0x77: {  	v4 =	vld [tilespmem:$0x5190]  }
0x78: {  	v5 =	vld [tilespmem:$0x5120]  }
0x79: {  	v6 =	vld [tilespmem:$0x51A0]  }
0x7a: {  	v7 =	vld [tilespmem:$0x51B0];
	v1 =	vadd.f32 v2, v1  }
0x7b: {  	v9 =	vld [tilespmem:$0x5140]  }
0x7c: {  	v2 =	vld [tilespmem:$0x5130];
	v8 =	vmul.f32 $2.000000030e-01, v1  }
0x7d: {  	v10 =	vld [tilespmem:$0x51C0];
	vm0 =	vgt.f32 v1, $0.0e+00  }
0x7e: {  	v3 =	vadd.f32 v4, v3;
	v1 =	vsel vm0, v1, v8  }
0x7f: {  	v1 =	vmul.f32 $1.442695020e+00, v1  }
0x80: {  	v5 =	vadd.f32 v6, v5;
	v4 =	vmul.f32 $2.000000030e-01, v3  }
0x81: {  	vm12 =	vgt.f32 v3, $0.0e+00;
	(erf) = vpow2.f32 v1;
	v1 =	vadd.f32 v7, v2  }
0x82: {  	v2 =	vsel vm12, v3, v4;
	v3 =	vmul.f32 $2.000000030e-01, v5;
	v4 =	vadd.f32 v10, v9  }
0x83: {  	vm13 =	vgt.f32 v5, $0.0e+00;
	v2 =	vmul.f32 $1.442695020e+00, v2;
	v6 =	vmul.f32 $2.000000030e-01, v1  }
0x84: {  	v3 =	vsel vm13, v5, v3;
	vm14 =	vgt.f32 v1, $0.0e+00;
	v5 =	vmul.f32 $2.000000030e-01, v4  }
0x85: {  	vm15 =	vgt.f32 v4, $0.0e+00;
	v3 =	vmul.f32 $1.442695020e+00, v3;
	v1 =	vsel vm14, v1, v6  }
0x86: {  	(erf) = vpow2.f32 v2;
	v2 =	vsel vm15, v4, v5;
	v1 =	vmul.f32 $1.442695020e+00, v1  }
0x87: {  	(erf) = vpow2.f32 v3;
	v2 =	vmul.f32 $1.442695020e+00, v2  }
0x88: {  	(erf) = vpow2.f32 v1  }
0x89: {  	(erf) = vpow2.f32 v2;
	_ =	sdelay $0x2  }
0x8a: {  	s0 =	simm.s32 $0x0  }
0x8b: {  	v2 =	vmov s0;
	v1 =	vpop (erf)  }
0x8c: {  	[tilespmem:$0x5080] =	vst v1;
	v1 =	vand.u32 $0xFFFFFFFC, v2  }
0x8d: {  	v1 =	vbroadcast v1, $0x0;
	v3 =	vpop (erf)  }
0x8e: {  	[tilespmem:$0x5090] =	vst v3;
	v2 =	vpop (erf)  }
0x8f: {  	[tilespmem:$0x50A0] =	vst v2;
	v3 =	vpop (erf)  }
0x90: {  	[tilespmem:$0x50B0] =	vst v3;
	v2 =	vpop (erf)  }
0x91: {  	s12 =	simm.s32 $0x2980;
	[tilespmem:$0x50C0] =	vst v2  }
0x92: {  	v3 =	vld [tilespmem:s12+$0xFFFFFF70]  }
0x93: {  	v1 =	vld.idx.msk [tilespmem:v1+s2+$0x0], $0xffff  }
0x94: {  	v4 =	vld [tilespmem:s12+$0xFFFFFF00]  }
0x95: {  	v5 =	vld [tilespmem:s12+$0xFFFFFF20]  }
0x96: {  	v6 =	vld [tilespmem:s12+$0xFFFFFF30]  }
0x97: {  	v2 =	vld [tilespmem:s12+$0xFFFFFF50]  }
0x98: {  	v8 =	vld [tilespmem:s12+$0xFFFFFF10];
	v3 =	vmul.f32 v3, v1  }
0x99: {  	s24 =	simm.s32 $0x1;
	v7 =	vld [tilespmem:s12+$0xFFFFFF60];
	v4 =	vmul.f32 v4, v1  }
0x9a: {  	v62 =	vld [tilespmem:s12+$0xFFFFFF40];
	v5 =	vmul.f32 v5, v1;
	[tilespmem:s12+$0xFFFFFF70] =	vst v3;
	v3 =	vmov s24  }
0x9b: {  	v6 =	vmul.f32 v6, v1;
	[tilespmem:s12+$0xFFFFFF00] =	vst v4;
	v3 =	vand.u32 $0xFFFFFFFD, v3  }
0x9c: {  	v2 =	vmul.f32 v2, v1;
	[tilespmem:s12+$0xFFFFFF20] =	vst v5;
	v3 =	vbroadcast v3, $0x0  }
0x9d: {  	v4 =	vmul.f32 v8, v1;
	[tilespmem:s12+$0xFFFFFF30] =	vst v6  }
0x9e: {  	v5 =	vmul.f32 v7, v1;
	[tilespmem:s12+$0xFFFFFF50] =	vst v2  }
0x9f: {  	v1 =	vmul.f32 v62, v1;
	[tilespmem:s12+$0xFFFFFF10] =	vst v4  }
0xa0: {  	[tilespmem:s12+$0xFFFFFF60] =	vst v5  }
0xa1: {  	[tilespmem:s12+$0xFFFFFF40] =	vst v1;
	v1 =	vld [tilespmem:s12+$0xFFFFFF80]  }
0xa2: {  	v3 =	vld.idx.msk [tilespmem:v3+s2+$0x0], $0xffff  }
0xa3: {  	v2 =	vld [tilespmem:s12+$0xFFFFFFA0]  }
0xa4: {  	v4 =	vld [tilespmem:s12+$0xFFFFFF90]  }
0xa5: {  	v5 =	vld [tilespmem:s12+$0xFFFFFFD0]  }
0xa6: {  	v6 =	vld [tilespmem:s12+$0xFFFFFFE0]  }
0xa7: {  	v7 =	vld [tilespmem:s12+$0xFFFFFFF0];
	v1 =	vmul.f32 v1, v3  }
0xa8: {  	s28 =	simm.s32 $0x2;
	v8 =	vld [tilespmem:s12+$0xFFFFFFB0];
	v2 =	vmul.f32 v2, v3  }
0xa9: {  	v63 =	vld [tilespmem:s12+$0xFFFFFFC0];
	v4 =	vmul.f32 v4, v3;
	[tilespmem:s12+$0xFFFFFF80] =	vst v1;
	v1 =	vmov s28  }
0xaa: {  	v5 =	vmul.f32 v5, v3;
	[tilespmem:s12+$0xFFFFFFA0] =	vst v2;
	v1 =	vand.u32 $0xFFFFFFFE, v1  }
0xab: {  	v2 =	vmul.f32 v6, v3;
	[tilespmem:s12+$0xFFFFFF90] =	vst v4;
	v4 =	vbroadcast v1, $0x0  }
0xac: {  	v6 =	vmul.f32 v7, v3;
	[tilespmem:s12+$0xFFFFFFD0] =	vst v5;
	v7 =	vld [tilespmem:s12+$0x30]  }
0xad: {  	v5 =	vmul.f32 v8, v3;
	v1 =	vld [tilespmem:s12+$0x40];
	[tilespmem:s12+$0xFFFFFFE0] =	vst v2  }
0xae: {  	v3 =	vmul.f32 v63, v3;
	v2 =	vld [tilespmem:s12+$0x70];
	[tilespmem:s12+$0xFFFFFFF0] =	vst v6  }
0xaf: {  	[tilespmem:s12+$0xFFFFFFB0] =	vst v5;
	v5 =	vld [tilespmem:s12+$0x20]  }
0xb0: {  	[tilespmem:s12+$0xFFFFFFC0] =	vst v3;
	v6 =	vld [tilespmem:s12+$0x0]  }
0xb1: {  	v3 =	vld.idx.msk [tilespmem:v4+s2+$0x0], $0xffff  }
0xb2: {  	s14 =	simm.s32 $0x3;
	s22 =	simm.s32 $0x7;
	s24 =	simm.s32 $0x2980;
	v4 =	vld [tilespmem:s12+$0x10]  }
.LBB2_9:
0xb3: {  	p2 =	sne.s32 s22, $0x4F  }
0xb4: {  	v8 =	vld [tilespmem:s12+$0x50];
	s24 =	sadd.s32 $0x200, s24;
	s0 =	smov.u32 s22;
	s22 =	sadd.s32 $0x4, s22  }
0xb5: {  	v9 =	vld [tilespmem:s12+$0x60];
	_ =	sdelay $0x1  }
0xb6: {  	v6 =	vmul.f32 v6, v3;
	v4 =	vmul.f32 v4, v3  }
0xb7: {  	v5 =	vmul.f32 v5, v3;
	v7 =	vmul.f32 v7, v3  }
0xb8: {  	v1 =	vmul.f32 v1, v3;
	v2 =	vmul.f32 v2, v3;
	[tilespmem:s12+$0x0] =	vst v6  }
0xb9: {  	[tilespmem:s12+$0x20] =	vst v5;
	v5 =	vmul.f32 v8, v3;
	v3 =	vmul.f32 v9, v3  }
0xba: {  	[tilespmem:s12+$0x30] =	vst v7;
	v6 =	vld [tilespmem:s12+$0x80]  }
0xbb: {  	[tilespmem:s12+$0x60] =	vst v3;
	v3 =	vmov s14;
	v7 =	vld [tilespmem:s12+$0xD0];
	s14 =	smov.u32 s0  }
0xbc: {  	[tilespmem:s12+$0x50] =	vst v5;
	v5 =	vld [tilespmem:s12+$0xE0]  }
0xbd: {  	[tilespmem:s12+$0x40] =	vst v1;
	v8 =	vld [tilespmem:s12+$0xB0]  }
0xbe: {  	v1 =	vld [tilespmem:s24+$0x40];
	[tilespmem:s12+$0x70] =	vst v2  }
0xbf: {  	v2 =	vld [tilespmem:s24+$0x70];
	[tilespmem:s12+$0x10] =	vst v4  }
0xc0: {  	v3 =	vld.idx.msk [tilespmem:v3+s2+$0x0], $0xffff  }
0xc1: {  	v4 =	vld [tilespmem:s12+$0x90]  }
0xc2: {  	v9 =	vld [tilespmem:s12+$0xA0]  }
0xc3: {  	v10 =	vld [tilespmem:s12+$0xC0]  }
0xc4: {  	v11 =	vld [tilespmem:s12+$0xF0];
	_ =	sdelay $0x1  }
0xc5: {  	v6 =	vmul.f32 v6, v3;
	v4 =	vmul.f32 v4, v3  }
0xc6: {  	s0 =	sadd.s32 $0xFFFFFFFD, s14;
	v8 =	vmul.f32 v8, v3;
	v9 =	vmul.f32 v9, v3  }
0xc7: {  	v12 =	vmov s0;
	v7 =	vmul.f32 v7, v3;
	[tilespmem:s12+$0x80] =	vst v6;
	v6 =	vmul.f32 v10, v3  }
0xc8: {  	v10 =	vand.u32 $0xFFFFFFFC, v12;
	[tilespmem:s12+$0x90] =	vst v4;
	v4 =	vmul.f32 v5, v3;
	v3 =	vmul.f32 v11, v3  }
0xc9: {  	v5 =	vbroadcast v10, $0x0;
	[tilespmem:s12+$0xA0] =	vst v9  }
0xca: {  	[tilespmem:s12+$0xD0] =	vst v7  }
0xcb: {  	v7 =	vld [tilespmem:s24+$0xFFFFFF50];
	[tilespmem:s12+$0xB0] =	vst v8  }
0xcc: {  	v8 =	vld [tilespmem:s24+$0xFFFFFF30];
	[tilespmem:s12+$0xC0] =	vst v6  }
0xcd: {  	v6 =	vld [tilespmem:s24+$0xFFFFFF60];
	[tilespmem:s12+$0xE0] =	vst v4  }
0xce: {  	v4 =	vld [tilespmem:s24+$0xFFFFFF70];
	[tilespmem:s12+$0xF0] =	vst v3;
	s12 =	smov.u32 s24  }
0xcf: {  	v3 =	vld.idx.msk [tilespmem:v5+s2+$0x0], $0xffff  }
0xd0: {  	v5 =	vld [tilespmem:s24+$0xFFFFFF00]  }
0xd1: {  	v9 =	vld [tilespmem:s24+$0xFFFFFF20]  }
0xd2: {  	v10 =	vld [tilespmem:s24+$0xFFFFFF10]  }
0xd3: {  	v11 =	vld [tilespmem:s24+$0xFFFFFF40];
	_ =	sdelay $0x1  }
0xd4: {  	v4 =	vmul.f32 v4, v3;
	v5 =	vmul.f32 v5, v3  }
0xd5: {  	s0 =	sadd.s32 $0xFFFFFFFE, s14;
	v6 =	vmul.f32 v6, v3;
	v9 =	vmul.f32 v9, v3  }
0xd6: {  	v8 =	vmul.f32 v8, v3;
	v10 =	vmul.f32 v10, v3;
	[tilespmem:s24+$0xFFFFFF70] =	vst v4;
	v4 =	vmov s0  }
0xd7: {  	[tilespmem:s24+$0xFFFFFF00] =	vst v5;
	v5 =	vmul.f32 v11, v3;
	v3 =	vmul.f32 v7, v3;
	v4 =	vand.u32 $0xFFFFFFFD, v4  }
0xd8: {  	[tilespmem:s24+$0xFFFFFF20] =	vst v9;
	v4 =	vbroadcast v4, $0x0  }
0xd9: {  	[tilespmem:s24+$0xFFFFFF30] =	vst v8  }
0xda: {  	[tilespmem:s24+$0xFFFFFF50] =	vst v3;
	v3 =	vld [tilespmem:s24+$0xFFFFFFF0]  }
0xdb: {  	[tilespmem:s24+$0xFFFFFF10] =	vst v10;
	v7 =	vld [tilespmem:s24+$0xFFFFFFD0]  }
0xdc: {  	[tilespmem:s24+$0xFFFFFF60] =	vst v6;
	v6 =	vld [tilespmem:s24+$0xFFFFFFB0]  }
0xdd: {  	[tilespmem:s24+$0xFFFFFF40] =	vst v5;
	v5 =	vld [tilespmem:s24+$0xFFFFFF90]  }
0xde: {  	v4 =	vld.idx.msk [tilespmem:v4+s2+$0x0], $0xffff  }
0xdf: {  	v8 =	vld [tilespmem:s24+$0xFFFFFF80]  }
0xe0: {  	v9 =	vld [tilespmem:s24+$0xFFFFFFA0]  }
0xe1: {  	v10 =	vld [tilespmem:s24+$0xFFFFFFC0]  }
0xe2: {  	v11 =	vld [tilespmem:s24+$0xFFFFFFE0];
	_ =	sdelay $0x1  }
0xe3: {  	v5 =	vmul.f32 v5, v4;
	v8 =	vmul.f32 v8, v4  }
0xe4: {  	s0 =	sadd.s32 $0xFFFFFFFF, s14;
	v6 =	vmul.f32 v6, v4;
	v9 =	vmul.f32 v9, v4  }
0xe5: {  	v7 =	vmul.f32 v7, v4;
	[tilespmem:s24+$0xFFFFFF80] =	vst v8;
	v8 =	vmul.f32 v10, v4;
	v10 =	vmov s0  }
0xe6: {  	v3 =	vmul.f32 v3, v4;
	[tilespmem:s24+$0xFFFFFFA0] =	vst v9;
	v9 =	vmul.f32 v11, v4;
	v4 =	vand.u32 $0xFFFFFFFE, v10  }
0xe7: {  	[tilespmem:s24+$0xFFFFFF90] =	vst v5;
	v4 =	vbroadcast v4, $0x0  }
0xe8: {  	[tilespmem:s24+$0xFFFFFFD0] =	vst v7  }
0xe9: {  	[tilespmem:s24+$0xFFFFFFE0] =	vst v9  }
0xea: {  	[tilespmem:s24+$0xFFFFFFB0] =	vst v6  }
.Ltmp4:
0xeb: {  	[tilespmem:s24+$0xFFFFFFF0] =	vst v3;
	v5 =	vld [tilespmem:s24+$0x20];
	(pc) =	sbr.rel @p2 .LBB2_9-.Ltmp4, $4  }
0xec: {  	[tilespmem:s24+$0xFFFFFFC0] =	vst v8;
	v6 =	vld [tilespmem:s24+$0x0]  }
0xed: {  	v3 =	vld.idx.msk [tilespmem:v4+s2+$0x0], $0xffff  }
0xee: {  	v4 =	vld [tilespmem:s24+$0x10]  }
0xef: {  	v7 =	vld [tilespmem:s24+$0x30]  }
0xf0: {  	v8 =	vld [tilespmem:s12+$0x60];
	_ =	sdelay $0x1  }
0xf1: {  	v6 =	vmul.f32 v6, v3  }
0xf2: {  	v9 =	vld [tilespmem:s12+$0x50];
	v5 =	vmul.f32 v5, v3  }
0xf3: {  	v1 =	vmul.f32 v1, v3;
	[tilespmem:s12+$0x0] =	vst v6  }
0xf4: {  	[tilespmem:s12+$0x20] =	vst v5;
	v5 =	vmul.f32 v8, v3  }
0xf5: {  	v2 =	vmul.f32 v2, v3;
	[tilespmem:s12+$0x40] =	vst v1  }
0xf6: {  	v7 =	vmul.f32 v7, v3;
	[tilespmem:s12+$0x60] =	vst v5;
	v5 =	vmov s14  }
0xf7: {  	[tilespmem:s12+$0x70] =	vst v2;
	v6 =	vmul.f32 v9, v3  }
0xf8: {  	v3 =	vmul.f32 v4, v3;
	[tilespmem:s12+$0x30] =	vst v7  }
0xf9: {  	[tilespmem:s12+$0x50] =	vst v6  }
0xfa: {  	v7 =	vld [tilespmem:s12+$0x80];
	[tilespmem:s12+$0x10] =	vst v3  }
0xfb: {  	v1 =	vld.idx.msk [tilespmem:v5+s2+$0x0], $0xffff  }
0xfc: {  	v2 =	vld [tilespmem:s12+$0x90]  }
0xfd: {  	v3 =	vld [tilespmem:s12+$0xA0]  }
0xfe: {  	v4 =	vld [tilespmem:s12+$0xD0]  }
0xff: {  	v5 =	vld [tilespmem:s12+$0xB0]  }
0x100: {  	v6 =	vld [tilespmem:s12+$0xC0];
	v7 =	vmul.f32 v7, v1  }
0x101: {  	v8 =	vld [tilespmem:s12+$0xE0];
	v2 =	vmul.f32 v2, v1  }
0x102: {  	v60 =	vld [tilespmem:s12+$0xF0];
	v3 =	vmul.f32 v3, v1;
	[tilespmem:s12+$0x80] =	vst v7  }
0x103: {  	v4 =	vmul.f32 v4, v1;
	[tilespmem:s12+$0x90] =	vst v2  }
0x104: {  	v2 =	vmul.f32 v5, v1;
	[tilespmem:s12+$0xA0] =	vst v3  }
0x105: {  	v3 =	vmul.f32 v6, v1;
	[tilespmem:s12+$0xD0] =	vst v4  }
0x106: {  	v4 =	vmul.f32 v8, v1;
	[tilespmem:s12+$0xB0] =	vst v2  }
0x107: {  	v1 =	vmul.f32 v60, v1;
	[tilespmem:s12+$0xC0] =	vst v3  }
0x108: {  	[tilespmem:s12+$0xE0] =	vst v4  }
0x109: {  	p2 =	seq.s32 s5, $0x0;
	[tilespmem:s12+$0xF0] =	vst v1  }
0x10a: {  	[spmem:s3] =	stream.indirect.scatter.add.f32 [tilespmem:s18], [sflag:$0x4], $0x80, s23, s20, $0xb8;
	[tilespmem:$0x1E9F8] =	vst v63  }
0x10b: {  	s0 =	simm.s32 @!p2 $0x6  }
0x10c: {  	[spmem:s4] =	stream.indirect.scatter.add.f32 [tilespmem:s2], [sflag:$0x4], $0x1, s23, s20, $0xb8;
	[tilespmem:$0x1E9F8] =	vst v63  }
0x10d: {  	_ =	swait.ge @!p2 [sflag:s0], $0x2800  }
0x10e: {  	[sflag:s0] =	ssyncset.done @!p2 $0x0  }
0x10f: {  	[sflag:s0] =	ssyncadd.s32 @!p2 $0xFFFFD800  }
0x110: {  	_ =	swait.ge @!p2 [sflag:s0], $0x50  }
0x111: {  	s12 =	smul.u32 $0xF0, s5;
	[sflag:s0] =	ssyncset.done @!p2 $0x0  }
0x112: {  	[sflag:s0] =	ssyncadd.s32 @!p2 $0xFFFFFFB0  }
0x113: {  	v1 =	vld [tilespmem:s12+$0xA0];
	_ =	sdelay $0x4  }
0x114: {  	v2 =	vand.u32 $0x3FFF, v1  }
0x115: {  	v1 =	vshra.s32 v1, $0xE;
	[tilespmem:$0x7C80] =	vst v2  }
0x116: {  	[tilespmem:$0x7D00] =	vst v1  }
0x117: {  	v1 =	vld [tilespmem:s12+$0xB0];
	_ =	sdelay $0x4  }
0x118: {  	v2 =	vand.u32 $0x3FFF, v1  }
0x119: {  	v1 =	vshra.s32 v1, $0xE;
	[tilespmem:$0x7C90] =	vst v2  }
0x11a: {  	[tilespmem:$0x7D10] =	vst v1  }
0x11b: {  	v1 =	vld [tilespmem:s12+$0xC0];
	_ =	sdelay $0x4  }
0x11c: {  	v2 =	vand.u32 $0x3FFF, v1  }
0x11d: {  	v1 =	vshra.s32 v1, $0xE;
	[tilespmem:$0x7CA0] =	vst v2  }
0x11e: {  	[tilespmem:$0x7D20] =	vst v1  }
0x11f: {  	v1 =	vld [tilespmem:s12+$0xD0];
	_ =	sdelay $0x4  }
0x120: {  	v2 =	vand.u32 $0x3FFF, v1  }
0x121: {  	v1 =	vshra.s32 v1, $0xE;
	[tilespmem:$0x7CB0] =	vst v2  }
0x122: {  	[tilespmem:$0x7D30] =	vst v1  }
0x123: {  	v1 =	vld [tilespmem:s12+$0xE0];
	_ =	sdelay $0x4  }
0x124: {  	v2 =	vand.u32 $0x3FFF, v1  }
0x125: {  	v1 =	vshra.s32 v1, $0xE;
	[tilespmem:$0x7CC0] =	vst v2  }
0x126: {  	s24 =	simm.s32 $0x7C80;
	[tilespmem:$0x7D40] =	vst v1  }
0x127: {  	[tilespmem:s30], [sflag:$0x3] =	stream.indirect.gather [hbm4b:s1+s20], $0x80, s24, s20, $0xb8;
	[tilespmem:$0x1E9F8] =	vst v63  }
0x128: {  	s11 =	simm.s32 $0xA600  }
0x129: {  	[tilespmem:s11], [sflag:$0x3] =	stream.indirect.gather [hbm4b:s6+s20], $0x1, s24, s20, $0xb8;
	[tilespmem:$0x1E9F8] =	vst v63  }
0x12a: {  	s14 =	simm.s32 $0xA680  }
0x12b: {  	[tilespmem:s14], [sflag:$0x3] =	stream.indirect.gather [hbm4b:s7+s20], $0x1, s13, s20, $0xb8;
	[tilespmem:$0x1E9F8] =	vst v63  }
0x12c: {  	_ =	swait.ge [sflag:s15], $0x2800  }
0x12d: {  	[sflag:s15] =	ssyncset.done $0x0  }
0x12e: {  	[sflag:s15] =	ssyncadd.s32 $0xFFFFD800  }
0x12f: {  	_ =	swait.ge [sflag:s15], $0x50  }
0x130: {  	[sflag:s15] =	ssyncset.done $0x0  }
0x131: {  	[sflag:s15] =	ssyncadd.s32 $0xFFFFFFB0  }
0x132: {  	_ =	swait.ge [sflag:s15], $0x50  }
0x133: {  	[sflag:s15] =	ssyncset.done $0x0  }
0x134: {  	[sflag:s15] =	ssyncadd.s32 $0xFFFFFFB0  }
0x135: {  	v1 =	vld [tilespmem:$0x7B80]  }
0x136: {  	v2 =	vld [tilespmem:$0x7C00]  }
0x137: {  	v3 =	vld [tilespmem:$0x7B90]  }
0x138: {  	v4 =	vld [tilespmem:$0x7C10]  }
0x139: {  	v5 =	vld [tilespmem:$0x7BA0]  }
0x13a: {  	v6 =	vld [tilespmem:$0x7C20]  }
0x13b: {  	v7 =	vld [tilespmem:$0x7C30];
	v1 =	vadd.f32 v2, v1  }
0x13c: {  	v61 =	vld [tilespmem:$0x7BC0]  }
0x13d: {  	v2 =	vld [tilespmem:$0x7BB0];
	v8 =	vmul.f32 $2.000000030e-01, v1  }
0x13e: {  	v10 =	vld [tilespmem:$0x7C40];
	vm0 =	vgt.f32 v1, $0.0e+00  }
0x13f: {  	v3 =	vadd.f32 v4, v3;
	v1 =	vsel vm0, v1, v8  }
0x140: {  	v1 =	vmul.f32 $1.442695020e+00, v1  }
0x141: {  	v5 =	vadd.f32 v6, v5;
	v4 =	vmul.f32 $2.000000030e-01, v3  }
0x142: {  	vm12 =	vgt.f32 v3, $0.0e+00;
	(erf) = vpow2.f32 v1;
	v1 =	vadd.f32 v7, v2  }
0x143: {  	v2 =	vsel vm12, v3, v4;
	v3 =	vmul.f32 $2.000000030e-01, v5;
	v4 =	vadd.f32 v10, v61  }
0x144: {  	vm13 =	vgt.f32 v5, $0.0e+00;
	v2 =	vmul.f32 $1.442695020e+00, v2;
	v6 =	vmul.f32 $2.000000030e-01, v1  }
0x145: {  	v3 =	vsel vm13, v5, v3;
	vm14 =	vgt.f32 v1, $0.0e+00;
	v5 =	vmul.f32 $2.000000030e-01, v4  }
0x146: {  	vm15 =	vgt.f32 v4, $0.0e+00;
	v3 =	vmul.f32 $1.442695020e+00, v3;
	v1 =	vsel vm14, v1, v6  }
0x147: {  	(erf) = vpow2.f32 v2;
	v2 =	vsel vm15, v4, v5;
	v1 =	vmul.f32 $1.442695020e+00, v1  }
0x148: {  	(erf) = vpow2.f32 v3;
	v2 =	vmul.f32 $1.442695020e+00, v2  }
0x149: {  	(erf) = vpow2.f32 v1  }
0x14a: {  	(erf) = vpow2.f32 v2;
	_ =	sdelay $0x2  }
0x14b: {  	s22 =	simm.s32 $0x0  }
0x14c: {  	v2 =	vmov s22;
	v1 =	vpop (erf)  }
0x14d: {  	[tilespmem:$0x7B00] =	vst v1;
	v1 =	vand.u32 $0xFFFFFFFC, v2  }
0x14e: {  	v1 =	vbroadcast v1, $0x0;
	v3 =	vpop (erf)  }
0x14f: {  	[tilespmem:$0x7B10] =	vst v3;
	v2 =	vpop (erf)  }
0x150: {  	[tilespmem:$0x7B20] =	vst v2;
	v3 =	vpop (erf)  }
0x151: {  	[tilespmem:$0x7B30] =	vst v3;
	v2 =	vpop (erf)  }
0x152: {  	s14 =	simm.s32 $0x5400;
	[tilespmem:$0x7B40] =	vst v2  }
0x153: {  	v3 =	vld [tilespmem:s14+$0xFFFFFF70]  }
0x154: {  	v1 =	vld.idx.msk [tilespmem:v1+s17+$0x0], $0xffff  }
0x155: {  	v4 =	vld [tilespmem:s14+$0xFFFFFF00]  }
0x156: {  	v5 =	vld [tilespmem:s14+$0xFFFFFF20]  }
0x157: {  	v6 =	vld [tilespmem:s14+$0xFFFFFF30]  }
0x158: {  	v2 =	vld [tilespmem:s14+$0xFFFFFF50]  }
0x159: {  	v8 =	vld [tilespmem:s14+$0xFFFFFF10];
	v3 =	vmul.f32 v3, v1  }
0x15a: {  	s24 =	simm.s32 $0x1;
	v7 =	vld [tilespmem:s14+$0xFFFFFF60];
	v4 =	vmul.f32 v4, v1  }
0x15b: {  	v62 =	vld [tilespmem:s14+$0xFFFFFF40];
	v5 =	vmul.f32 v5, v1;
	[tilespmem:s14+$0xFFFFFF70] =	vst v3;
	v3 =	vmov s24  }
0x15c: {  	v6 =	vmul.f32 v6, v1;
	[tilespmem:s14+$0xFFFFFF00] =	vst v4;
	v3 =	vand.u32 $0xFFFFFFFD, v3  }
0x15d: {  	v2 =	vmul.f32 v2, v1;
	[tilespmem:s14+$0xFFFFFF20] =	vst v5;
	v3 =	vbroadcast v3, $0x0  }
0x15e: {  	v4 =	vmul.f32 v8, v1;
	[tilespmem:s14+$0xFFFFFF30] =	vst v6  }
0x15f: {  	v5 =	vmul.f32 v7, v1;
	[tilespmem:s14+$0xFFFFFF50] =	vst v2  }
0x160: {  	v1 =	vmul.f32 v62, v1;
	[tilespmem:s14+$0xFFFFFF10] =	vst v4  }
0x161: {  	[tilespmem:s14+$0xFFFFFF60] =	vst v5  }
0x162: {  	[tilespmem:s14+$0xFFFFFF40] =	vst v1;
	v1 =	vld [tilespmem:s14+$0xFFFFFF80]  }
0x163: {  	v3 =	vld.idx.msk [tilespmem:v3+s17+$0x0], $0xffff  }
0x164: {  	v2 =	vld [tilespmem:s14+$0xFFFFFFA0]  }
0x165: {  	v4 =	vld [tilespmem:s14+$0xFFFFFF90]  }
0x166: {  	v5 =	vld [tilespmem:s14+$0xFFFFFFD0]  }
0x167: {  	v6 =	vld [tilespmem:s14+$0xFFFFFFE0]  }
0x168: {  	v7 =	vld [tilespmem:s14+$0xFFFFFFF0];
	v1 =	vmul.f32 v1, v3  }
0x169: {  	s30 =	simm.s32 $0x2;
	v8 =	vld [tilespmem:s14+$0xFFFFFFB0];
	v2 =	vmul.f32 v2, v3  }
0x16a: {  	v63 =	vld [tilespmem:s14+$0xFFFFFFC0];
	v4 =	vmul.f32 v4, v3;
	[tilespmem:s14+$0xFFFFFF80] =	vst v1;
	v1 =	vmov s30  }
0x16b: {  	v5 =	vmul.f32 v5, v3;
	[tilespmem:s14+$0xFFFFFFA0] =	vst v2;
	v1 =	vand.u32 $0xFFFFFFFE, v1  }
0x16c: {  	v2 =	vmul.f32 v6, v3;
	[tilespmem:s14+$0xFFFFFF90] =	vst v4;
	v4 =	vbroadcast v1, $0x0  }
0x16d: {  	v6 =	vmul.f32 v7, v3;
	[tilespmem:s14+$0xFFFFFFD0] =	vst v5;
	v7 =	vld [tilespmem:s14+$0x30]  }
0x16e: {  	v5 =	vmul.f32 v8, v3;
	v1 =	vld [tilespmem:s14+$0x40];
	[tilespmem:s14+$0xFFFFFFE0] =	vst v2  }
0x16f: {  	v3 =	vmul.f32 v63, v3;
	v2 =	vld [tilespmem:s14+$0x70];
	[tilespmem:s14+$0xFFFFFFF0] =	vst v6  }
0x170: {  	[tilespmem:s14+$0xFFFFFFB0] =	vst v5;
	v5 =	vld [tilespmem:s14+$0x20]  }
0x171: {  	[tilespmem:s14+$0xFFFFFFC0] =	vst v3;
	v6 =	vld [tilespmem:s14+$0x0]  }
0x172: {  	v3 =	vld.idx.msk [tilespmem:v4+s17+$0x0], $0xffff  }
0x173: {  	s28 =	simm.s32 $0x5400;
	s22 =	simm.s32 $0x3;
	s24 =	simm.s32 $0x7;
	v4 =	vld [tilespmem:s14+$0x10]  }
.LBB2_11:
0x174: {  	p2 =	sne.s32 s24, $0x4F  }
0x175: {  	v8 =	vld [tilespmem:s14+$0x50];
	s28 =	sadd.s32 $0x200, s28;
	s0 =	smov.u32 s24;
	s24 =	sadd.s32 $0x4, s24  }
0x176: {  	v9 =	vld [tilespmem:s14+$0x60];
	_ =	sdelay $0x1  }
0x177: {  	v6 =	vmul.f32 v6, v3;
	v4 =	vmul.f32 v4, v3  }
0x178: {  	v5 =	vmul.f32 v5, v3;
	v7 =	vmul.f32 v7, v3  }
0x179: {  	v1 =	vmul.f32 v1, v3;
	v2 =	vmul.f32 v2, v3;
	[tilespmem:s14+$0x0] =	vst v6  }
0x17a: {  	[tilespmem:s14+$0x20] =	vst v5;
	v5 =	vmul.f32 v8, v3;
	v3 =	vmul.f32 v9, v3  }
0x17b: {  	[tilespmem:s14+$0x30] =	vst v7;
	v6 =	vld [tilespmem:s14+$0x80]  }
0x17c: {  	[tilespmem:s14+$0x60] =	vst v3;
	v3 =	vmov s22;
	v7 =	vld [tilespmem:s14+$0xD0];
	s22 =	smov.u32 s0  }
0x17d: {  	[tilespmem:s14+$0x50] =	vst v5;
	v5 =	vld [tilespmem:s14+$0xE0]  }
0x17e: {  	[tilespmem:s14+$0x40] =	vst v1;
	v8 =	vld [tilespmem:s14+$0xB0]  }
0x17f: {  	v1 =	vld [tilespmem:s28+$0x40];
	[tilespmem:s14+$0x70] =	vst v2  }
0x180: {  	v2 =	vld [tilespmem:s28+$0x70];
	[tilespmem:s14+$0x10] =	vst v4  }
0x181: {  	v3 =	vld.idx.msk [tilespmem:v3+s17+$0x0], $0xffff  }
0x182: {  	v4 =	vld [tilespmem:s14+$0x90]  }
0x183: {  	v9 =	vld [tilespmem:s14+$0xA0]  }
0x184: {  	v10 =	vld [tilespmem:s14+$0xC0]  }
0x185: {  	v11 =	vld [tilespmem:s14+$0xF0];
	_ =	sdelay $0x1  }
0x186: {  	v6 =	vmul.f32 v6, v3;
	v4 =	vmul.f32 v4, v3  }
0x187: {  	s0 =	sadd.s32 $0xFFFFFFFD, s22;
	v8 =	vmul.f32 v8, v3;
	v9 =	vmul.f32 v9, v3  }
0x188: {  	v12 =	vmov s0;
	v7 =	vmul.f32 v7, v3;
	[tilespmem:s14+$0x80] =	vst v6;
	v6 =	vmul.f32 v10, v3  }
0x189: {  	v10 =	vand.u32 $0xFFFFFFFC, v12;
	[tilespmem:s14+$0x90] =	vst v4;
	v4 =	vmul.f32 v5, v3;
	v3 =	vmul.f32 v11, v3  }
0x18a: {  	v5 =	vbroadcast v10, $0x0;
	[tilespmem:s14+$0xA0] =	vst v9  }
0x18b: {  	[tilespmem:s14+$0xD0] =	vst v7  }
0x18c: {  	v7 =	vld [tilespmem:s28+$0xFFFFFF50];
	[tilespmem:s14+$0xB0] =	vst v8  }
0x18d: {  	v8 =	vld [tilespmem:s28+$0xFFFFFF30];
	[tilespmem:s14+$0xC0] =	vst v6  }
0x18e: {  	v6 =	vld [tilespmem:s28+$0xFFFFFF60];
	[tilespmem:s14+$0xE0] =	vst v4  }
0x18f: {  	v4 =	vld [tilespmem:s28+$0xFFFFFF70];
	[tilespmem:s14+$0xF0] =	vst v3;
	s14 =	smov.u32 s28  }
0x190: {  	v3 =	vld.idx.msk [tilespmem:v5+s17+$0x0], $0xffff  }
0x191: {  	v5 =	vld [tilespmem:s28+$0xFFFFFF00]  }
0x192: {  	v9 =	vld [tilespmem:s28+$0xFFFFFF20]  }
0x193: {  	v10 =	vld [tilespmem:s28+$0xFFFFFF10]  }
0x194: {  	v11 =	vld [tilespmem:s28+$0xFFFFFF40];
	_ =	sdelay $0x1  }
0x195: {  	v4 =	vmul.f32 v4, v3;
	v5 =	vmul.f32 v5, v3  }
0x196: {  	s0 =	sadd.s32 $0xFFFFFFFE, s22;
	v6 =	vmul.f32 v6, v3;
	v9 =	vmul.f32 v9, v3  }
0x197: {  	v8 =	vmul.f32 v8, v3;
	v10 =	vmul.f32 v10, v3;
	[tilespmem:s28+$0xFFFFFF70] =	vst v4;
	v4 =	vmov s0  }
0x198: {  	[tilespmem:s28+$0xFFFFFF00] =	vst v5;
	v5 =	vmul.f32 v11, v3;
	v3 =	vmul.f32 v7, v3;
	v4 =	vand.u32 $0xFFFFFFFD, v4  }
0x199: {  	[tilespmem:s28+$0xFFFFFF20] =	vst v9;
	v4 =	vbroadcast v4, $0x0  }
0x19a: {  	[tilespmem:s28+$0xFFFFFF30] =	vst v8  }
0x19b: {  	[tilespmem:s28+$0xFFFFFF50] =	vst v3;
	v3 =	vld [tilespmem:s28+$0xFFFFFFF0]  }
0x19c: {  	[tilespmem:s28+$0xFFFFFF10] =	vst v10;
	v7 =	vld [tilespmem:s28+$0xFFFFFFD0]  }
0x19d: {  	[tilespmem:s28+$0xFFFFFF60] =	vst v6;
	v6 =	vld [tilespmem:s28+$0xFFFFFFB0]  }
0x19e: {  	[tilespmem:s28+$0xFFFFFF40] =	vst v5;
	v5 =	vld [tilespmem:s28+$0xFFFFFF90]  }
0x19f: {  	v4 =	vld.idx.msk [tilespmem:v4+s17+$0x0], $0xffff  }
0x1a0: {  	v8 =	vld [tilespmem:s28+$0xFFFFFF80]  }
0x1a1: {  	v9 =	vld [tilespmem:s28+$0xFFFFFFA0]  }
0x1a2: {  	v10 =	vld [tilespmem:s28+$0xFFFFFFC0]  }
0x1a3: {  	v11 =	vld [tilespmem:s28+$0xFFFFFFE0];
	_ =	sdelay $0x1  }
0x1a4: {  	v5 =	vmul.f32 v5, v4;
	v8 =	vmul.f32 v8, v4  }
0x1a5: {  	s0 =	sadd.s32 $0xFFFFFFFF, s22;
	v6 =	vmul.f32 v6, v4;
	v9 =	vmul.f32 v9, v4  }
0x1a6: {  	v7 =	vmul.f32 v7, v4;
	[tilespmem:s28+$0xFFFFFF80] =	vst v8;
	v8 =	vmul.f32 v10, v4;
	v10 =	vmov s0  }
0x1a7: {  	v3 =	vmul.f32 v3, v4;
	[tilespmem:s28+$0xFFFFFFA0] =	vst v9;
	v9 =	vmul.f32 v11, v4;
	v4 =	vand.u32 $0xFFFFFFFE, v10  }
0x1a8: {  	[tilespmem:s28+$0xFFFFFF90] =	vst v5;
	v4 =	vbroadcast v4, $0x0  }
0x1a9: {  	[tilespmem:s28+$0xFFFFFFD0] =	vst v7  }
0x1aa: {  	[tilespmem:s28+$0xFFFFFFE0] =	vst v9  }
0x1ab: {  	[tilespmem:s28+$0xFFFFFFB0] =	vst v6  }
.Ltmp5:
0x1ac: {  	[tilespmem:s28+$0xFFFFFFF0] =	vst v3;
	v5 =	vld [tilespmem:s28+$0x20];
	(pc) =	sbr.rel @p2 .LBB2_11-.Ltmp5, $4  }
0x1ad: {  	[tilespmem:s28+$0xFFFFFFC0] =	vst v8;
	v6 =	vld [tilespmem:s28+$0x0]  }
0x1ae: {  	v3 =	vld.idx.msk [tilespmem:v4+s17+$0x0], $0xffff  }
0x1af: {  	v4 =	vld [tilespmem:s28+$0x10]  }
0x1b0: {  	v7 =	vld [tilespmem:s28+$0x30]  }
0x1b1: {  	v8 =	vld [tilespmem:s14+$0x60];
	_ =	sdelay $0x1  }
0x1b2: {  	v6 =	vmul.f32 v6, v3  }
0x1b3: {  	v9 =	vld [tilespmem:s14+$0x50];
	v5 =	vmul.f32 v5, v3  }
0x1b4: {  	v1 =	vmul.f32 v1, v3;
	[tilespmem:s14+$0x0] =	vst v6  }
0x1b5: {  	[tilespmem:s14+$0x20] =	vst v5;
	v5 =	vmul.f32 v8, v3  }
0x1b6: {  	v2 =	vmul.f32 v2, v3;
	[tilespmem:s14+$0x40] =	vst v1  }
0x1b7: {  	v7 =	vmul.f32 v7, v3;
	[tilespmem:s14+$0x60] =	vst v5;
	v5 =	vmov s22  }
0x1b8: {  	[tilespmem:s14+$0x70] =	vst v2;
	v6 =	vmul.f32 v9, v3  }
0x1b9: {  	v3 =	vmul.f32 v4, v3;
	[tilespmem:s14+$0x30] =	vst v7  }
0x1ba: {  	[tilespmem:s14+$0x50] =	vst v6  }
0x1bb: {  	v7 =	vld [tilespmem:s14+$0x80];
	[tilespmem:s14+$0x10] =	vst v3  }
0x1bc: {  	v1 =	vld.idx.msk [tilespmem:v5+s17+$0x0], $0xffff  }
0x1bd: {  	v2 =	vld [tilespmem:s14+$0x90]  }
0x1be: {  	v3 =	vld [tilespmem:s14+$0xA0]  }
0x1bf: {  	v4 =	vld [tilespmem:s14+$0xD0]  }
0x1c0: {  	v5 =	vld [tilespmem:s14+$0xB0]  }
0x1c1: {  	v6 =	vld [tilespmem:s14+$0xC0];
	v7 =	vmul.f32 v7, v1  }
0x1c2: {  	v8 =	vld [tilespmem:s14+$0xE0];
	v2 =	vmul.f32 v2, v1  }
0x1c3: {  	v60 =	vld [tilespmem:s14+$0xF0];
	v3 =	vmul.f32 v3, v1;
	[tilespmem:s14+$0x80] =	vst v7  }
0x1c4: {  	v4 =	vmul.f32 v4, v1;
	[tilespmem:s14+$0x90] =	vst v2  }
0x1c5: {  	v2 =	vmul.f32 v5, v1;
	[tilespmem:s14+$0xA0] =	vst v3  }
0x1c6: {  	v3 =	vmul.f32 v6, v1;
	[tilespmem:s14+$0xD0] =	vst v4  }
0x1c7: {  	v4 =	vmul.f32 v8, v1;
	[tilespmem:s14+$0xB0] =	vst v2  }
0x1c8: {  	v1 =	vmul.f32 v60, v1;
	[tilespmem:s14+$0xC0] =	vst v3  }
0x1c9: {  	[tilespmem:s14+$0xE0] =	vst v4  }
0x1ca: {  	[tilespmem:s14+$0xF0] =	vst v1  }
0x1cb: {  	[spmem:s3] =	stream.indirect.scatter.add.f32 [tilespmem:s26], [sflag:$0x5], $0x80, s29, s20, $0xb8;
	[tilespmem:$0x1E9F8] =	vst v63  }
0x1cc: {  	_ = 	snop  }
0x1cd: {  	[spmem:s4] =	stream.indirect.scatter.add.f32 [tilespmem:s17], [sflag:$0x5], $0x1, s29, s20, $0xb8;
	[tilespmem:$0x1E9F8] =	vst v63  }
0x1ce: {  	_ =	swait.ge [sflag:s10], $0x2800  }
0x1cf: {  	[sflag:s10] =	ssyncset.done $0x0  }
0x1d0: {  	[sflag:s10] =	ssyncadd.s32 $0xFFFFD800  }
0x1d1: {  	_ =	swait.ge [sflag:s10], $0x50  }
0x1d2: {  	[sflag:s10] =	ssyncset.done $0x0  }
0x1d3: {  	[sflag:s10] =	ssyncadd.s32 $0xFFFFFFB0  }
0x1d4: {  	v1 =	vld [tilespmem:s12+$0xF0];
	_ =	sdelay $0x4  }
0x1d5: {  	v2 =	vand.u32 $0x3FFF, v1  }
0x1d6: {  	s22 =	sand.u32 $0x70, s12;
	s14 =	sand.u32 $0x3F80, s12;
	v1 =	vshra.s32 v1, $0xE;
	[tilespmem:$0x2780] =	vst v2  }
0x1d7: {  	s0 =	sor.u32 s22, s14;
	[tilespmem:$0x2800] =	vst v1  }
0x1d8: {  	v1 =	vld [tilespmem:s0+$0x100];
	_ =	sdelay $0x4  }
0x1d9: {  	v2 =	vand.u32 $0x3FFF, v1  }
0x1da: {  	v1 =	vshra.s32 v1, $0xE;
	[tilespmem:$0x2790] =	vst v2  }
0x1db: {  	[tilespmem:$0x2810] =	vst v1  }
0x1dc: {  	v1 =	vld [tilespmem:s12+$0x110];
	_ =	sdelay $0x4  }
0x1dd: {  	v2 =	vand.u32 $0x3FFF, v1  }
0x1de: {  	v1 =	vshra.s32 v1, $0xE;
	[tilespmem:$0x27A0] =	vst v2  }
0x1df: {  	[tilespmem:$0x2820] =	vst v1  }
0x1e0: {  	v1 =	vld [tilespmem:s12+$0x120];
	_ =	sdelay $0x4  }
0x1e1: {  	v2 =	vand.u32 $0x3FFF, v1  }
0x1e2: {  	v1 =	vshra.s32 v1, $0xE;
	[tilespmem:$0x27B0] =	vst v2  }
0x1e3: {  	[tilespmem:$0x2830] =	vst v1  }
0x1e4: {  	v1 =	vld [tilespmem:s12+$0x130];
	_ =	sdelay $0x4  }
0x1e5: {  	v2 =	vand.u32 $0x3FFF, v1  }
0x1e6: {  	v1 =	vshra.s32 v1, $0xE;
	[tilespmem:$0x27C0] =	vst v2  }
0x1e7: {  	[tilespmem:$0x2840] =	vst v1  }
0x1e8: {  	[tilespmem:s18], [sflag:$0x1] =	stream.indirect.gather [hbm4b:s1+s20], $0x80, s21, s20, $0xb8;
	[tilespmem:$0x1E9F8] =	vst v63  }
0x1e9: {  	s11 =	simm.s32 $0x5100  }
0x1ea: {  	[tilespmem:s11], [sflag:$0x1] =	stream.indirect.gather [hbm4b:s6+s20], $0x1, s21, s20, $0xb8;
	[tilespmem:$0x1E9F8] =	vst v63  }
0x1eb: {  	s24 =	simm.s32 $0x5180  }
0x1ec: {  	[tilespmem:s24], [sflag:$0x1] =	stream.indirect.gather [hbm4b:s7+s20], $0x1, s23, s20, $0xb8;
	[tilespmem:$0x1E9F8] =	vst v63  }
0x1ed: {  	s24 =	simm.s32 $0x3  }
0x1ee: {  	_ =	swait.ge [sflag:s24], $0x2800  }
0x1ef: {  	[sflag:s24] =	ssyncset.done $0x0  }
0x1f0: {  	[sflag:s24] =	ssyncadd.s32 $0xFFFFD800  }
0x1f1: {  	_ =	swait.ge [sflag:s24], $0x50  }
0x1f2: {  	[sflag:s24] =	ssyncset.done $0x0  }
0x1f3: {  	[sflag:s24] =	ssyncadd.s32 $0xFFFFFFB0  }
0x1f4: {  	_ =	swait.ge [sflag:s24], $0x50  }
0x1f5: {  	[sflag:s24] =	ssyncset.done $0x0  }
0x1f6: {  	[sflag:s24] =	ssyncadd.s32 $0xFFFFFFB0  }
0x1f7: {  	v1 =	vld [tilespmem:$0xA600]  }
0x1f8: {  	v2 =	vld [tilespmem:$0xA680]  }
0x1f9: {  	v3 =	vld [tilespmem:$0xA610]  }
0x1fa: {  	v4 =	vld [tilespmem:$0xA690]  }
0x1fb: {  	v5 =	vld [tilespmem:$0xA620]  }
0x1fc: {  	v6 =	vld [tilespmem:$0xA6A0]  }
0x1fd: {  	v7 =	vld [tilespmem:$0xA6B0];
	v1 =	vadd.f32 v2, v1  }
0x1fe: {  	v61 =	vld [tilespmem:$0xA640]  }
0x1ff: {  	v2 =	vld [tilespmem:$0xA630];
	v8 =	vmul.f32 $2.000000030e-01, v1  }
0x200: {  	v10 =	vld [tilespmem:$0xA6C0];
	vm0 =	vgt.f32 v1, $0.0e+00  }
0x201: {  	v3 =	vadd.f32 v4, v3;
	v1 =	vsel vm0, v1, v8  }
0x202: {  	v1 =	vmul.f32 $1.442695020e+00, v1  }
0x203: {  	v5 =	vadd.f32 v6, v5;
	v4 =	vmul.f32 $2.000000030e-01, v3  }
0x204: {  	vm12 =	vgt.f32 v3, $0.0e+00;
	(erf) = vpow2.f32 v1;
	v1 =	vadd.f32 v7, v2  }
0x205: {  	v2 =	vsel vm12, v3, v4;
	v3 =	vmul.f32 $2.000000030e-01, v5;
	v4 =	vadd.f32 v10, v61  }
0x206: {  	vm13 =	vgt.f32 v5, $0.0e+00;
	v2 =	vmul.f32 $1.442695020e+00, v2;
	v6 =	vmul.f32 $2.000000030e-01, v1  }
0x207: {  	v3 =	vsel vm13, v5, v3;
	vm14 =	vgt.f32 v1, $0.0e+00;
	v5 =	vmul.f32 $2.000000030e-01, v4  }
0x208: {  	vm15 =	vgt.f32 v4, $0.0e+00;
	v3 =	vmul.f32 $1.442695020e+00, v3;
	v1 =	vsel vm14, v1, v6  }
0x209: {  	(erf) = vpow2.f32 v2;
	v2 =	vsel vm15, v4, v5;
	v1 =	vmul.f32 $1.442695020e+00, v1  }
0x20a: {  	(erf) = vpow2.f32 v3;
	v2 =	vmul.f32 $1.442695020e+00, v2  }
0x20b: {  	(erf) = vpow2.f32 v1  }
0x20c: {  	(erf) = vpow2.f32 v2;
	_ =	sdelay $0x2  }
0x20d: {  	s11 =	simm.s32 $0x0  }
0x20e: {  	v2 =	vmov s11;
	v1 =	vpop (erf)  }
0x20f: {  	[tilespmem:$0xA580] =	vst v1;
	v1 =	vand.u32 $0xFFFFFFFC, v2  }
0x210: {  	v1 =	vbroadcast v1, $0x0;
	v3 =	vpop (erf)  }
0x211: {  	[tilespmem:$0xA590] =	vst v3;
	v2 =	vpop (erf)  }
0x212: {  	[tilespmem:$0xA5A0] =	vst v2;
	v3 =	vpop (erf)  }
0x213: {  	[tilespmem:$0xA5B0] =	vst v3;
	v2 =	vpop (erf)  }
0x214: {  	s28 =	simm.s32 $0x7E80;
	[tilespmem:$0xA5C0] =	vst v2  }
0x215: {  	v3 =	vld [tilespmem:s28+$0xFFFFFF70]  }
0x216: {  	v1 =	vld.idx.msk [tilespmem:v1+s16+$0x0], $0xffff  }
0x217: {  	v4 =	vld [tilespmem:s28+$0xFFFFFF00]  }
0x218: {  	v5 =	vld [tilespmem:s28+$0xFFFFFF20]  }
0x219: {  	v6 =	vld [tilespmem:s28+$0xFFFFFF30]  }
0x21a: {  	v2 =	vld [tilespmem:s28+$0xFFFFFF50]  }
0x21b: {  	v8 =	vld [tilespmem:s28+$0xFFFFFF10];
	v3 =	vmul.f32 v3, v1  }
0x21c: {  	s11 =	simm.s32 $0x1;
	v7 =	vld [tilespmem:s28+$0xFFFFFF60];
	v4 =	vmul.f32 v4, v1  }
0x21d: {  	v62 =	vld [tilespmem:s28+$0xFFFFFF40];
	v5 =	vmul.f32 v5, v1;
	[tilespmem:s28+$0xFFFFFF70] =	vst v3;
	v3 =	vmov s11  }
0x21e: {  	v6 =	vmul.f32 v6, v1;
	[tilespmem:s28+$0xFFFFFF00] =	vst v4;
	v3 =	vand.u32 $0xFFFFFFFD, v3  }
0x21f: {  	v2 =	vmul.f32 v2, v1;
	[tilespmem:s28+$0xFFFFFF20] =	vst v5;
	v3 =	vbroadcast v3, $0x0  }
0x220: {  	v4 =	vmul.f32 v8, v1;
	[tilespmem:s28+$0xFFFFFF30] =	vst v6  }
0x221: {  	v5 =	vmul.f32 v7, v1;
	[tilespmem:s28+$0xFFFFFF50] =	vst v2  }
0x222: {  	v1 =	vmul.f32 v62, v1;
	[tilespmem:s28+$0xFFFFFF10] =	vst v4  }
0x223: {  	[tilespmem:s28+$0xFFFFFF60] =	vst v5  }
0x224: {  	[tilespmem:s28+$0xFFFFFF40] =	vst v1;
	v1 =	vld [tilespmem:s28+$0xFFFFFF80]  }
0x225: {  	v3 =	vld.idx.msk [tilespmem:v3+s16+$0x0], $0xffff  }
0x226: {  	v2 =	vld [tilespmem:s28+$0xFFFFFFA0]  }
0x227: {  	v4 =	vld [tilespmem:s28+$0xFFFFFF90]  }
0x228: {  	v5 =	vld [tilespmem:s28+$0xFFFFFFD0]  }
0x229: {  	v6 =	vld [tilespmem:s28+$0xFFFFFFE0]  }
0x22a: {  	v7 =	vld [tilespmem:s28+$0xFFFFFFF0];
	v1 =	vmul.f32 v1, v3  }
0x22b: {  	v8 =	vld [tilespmem:s28+$0xFFFFFFB0];
	s11 =	simm.s32 $0x2;
	v2 =	vmul.f32 v2, v3  }
0x22c: {  	v63 =	vld [tilespmem:s28+$0xFFFFFFC0];
	v4 =	vmul.f32 v4, v3;
	[tilespmem:s28+$0xFFFFFF80] =	vst v1;
	v1 =	vmov s11  }
0x22d: {  	v5 =	vmul.f32 v5, v3;
	[tilespmem:s28+$0xFFFFFFA0] =	vst v2;
	v1 =	vand.u32 $0xFFFFFFFE, v1  }
0x22e: {  	v2 =	vmul.f32 v6, v3;
	[tilespmem:s28+$0xFFFFFF90] =	vst v4;
	v4 =	vbroadcast v1, $0x0  }
0x22f: {  	v6 =	vmul.f32 v7, v3;
	[tilespmem:s28+$0xFFFFFFD0] =	vst v5;
	v7 =	vld [tilespmem:s28+$0x30]  }
0x230: {  	v5 =	vmul.f32 v8, v3;
	v1 =	vld [tilespmem:s28+$0x40];
	[tilespmem:s28+$0xFFFFFFE0] =	vst v2  }
0x231: {  	v3 =	vmul.f32 v63, v3;
	v2 =	vld [tilespmem:s28+$0x70];
	[tilespmem:s28+$0xFFFFFFF0] =	vst v6  }
0x232: {  	[tilespmem:s28+$0xFFFFFFB0] =	vst v5;
	v5 =	vld [tilespmem:s28+$0x20]  }
0x233: {  	[tilespmem:s28+$0xFFFFFFC0] =	vst v3;
	v6 =	vld [tilespmem:s28+$0x0]  }
0x234: {  	v3 =	vld.idx.msk [tilespmem:v4+s16+$0x0], $0xffff  }
0x235: {  	s30 =	simm.s32 $0x7;
	s0 =	simm.s32 $0x7E80;
	v4 =	vld [tilespmem:s28+$0x10]  }
.LBB2_13:
0x236: {  	p2 =	sne.s32 s30, $0x4F  }
0x237: {  	v8 =	vld [tilespmem:s28+$0x50];
	s0 =	sadd.s32 $0x200, s0;
	s11 =	smov.u32 s30;
	s30 =	sadd.s32 $0x4, s30  }
0x238: {  	v9 =	vld [tilespmem:s28+$0x60];
	_ =	sdelay $0x1  }
0x239: {  	v6 =	vmul.f32 v6, v3;
	v4 =	vmul.f32 v4, v3  }
0x23a: {  	v5 =	vmul.f32 v5, v3;
	v7 =	vmul.f32 v7, v3  }
0x23b: {  	v1 =	vmul.f32 v1, v3;
	v2 =	vmul.f32 v2, v3;
	[tilespmem:s28+$0x0] =	vst v6  }
0x23c: {  	[tilespmem:s28+$0x20] =	vst v5;
	v5 =	vmul.f32 v8, v3;
	v3 =	vmul.f32 v9, v3  }
0x23d: {  	[tilespmem:s28+$0x30] =	vst v7;
	v6 =	vld [tilespmem:s28+$0x80]  }
0x23e: {  	[tilespmem:s28+$0x60] =	vst v3;
	v3 =	vmov s24;
	v7 =	vld [tilespmem:s28+$0xD0];
	s24 =	smov.u32 s11  }
0x23f: {  	[tilespmem:s28+$0x50] =	vst v5;
	v5 =	vld [tilespmem:s28+$0xE0]  }
0x240: {  	[tilespmem:s28+$0x40] =	vst v1;
	v8 =	vld [tilespmem:s28+$0xB0]  }
0x241: {  	v1 =	vld [tilespmem:s0+$0x40];
	[tilespmem:s28+$0x70] =	vst v2  }
0x242: {  	v2 =	vld [tilespmem:s0+$0x70];
	[tilespmem:s28+$0x10] =	vst v4  }
0x243: {  	v3 =	vld.idx.msk [tilespmem:v3+s16+$0x0], $0xffff  }
0x244: {  	v4 =	vld [tilespmem:s28+$0x90]  }
0x245: {  	v9 =	vld [tilespmem:s28+$0xA0]  }
0x246: {  	v10 =	vld [tilespmem:s28+$0xC0]  }
0x247: {  	v11 =	vld [tilespmem:s28+$0xF0];
	_ =	sdelay $0x1  }
0x248: {  	v6 =	vmul.f32 v6, v3;
	v4 =	vmul.f32 v4, v3  }
0x249: {  	s11 =	sadd.s32 $0xFFFFFFFD, s24;
	v8 =	vmul.f32 v8, v3;
	v9 =	vmul.f32 v9, v3  }
0x24a: {  	v12 =	vmov s11;
	v7 =	vmul.f32 v7, v3;
	[tilespmem:s28+$0x80] =	vst v6;
	v6 =	vmul.f32 v10, v3  }
0x24b: {  	v10 =	vand.u32 $0xFFFFFFFC, v12;
	[tilespmem:s28+$0x90] =	vst v4;
	v4 =	vmul.f32 v5, v3;
	v3 =	vmul.f32 v11, v3  }
0x24c: {  	v5 =	vbroadcast v10, $0x0;
	[tilespmem:s28+$0xA0] =	vst v9  }
0x24d: {  	[tilespmem:s28+$0xD0] =	vst v7  }
0x24e: {  	v7 =	vld [tilespmem:s0+$0xFFFFFF50];
	[tilespmem:s28+$0xB0] =	vst v8  }
0x24f: {  	v8 =	vld [tilespmem:s0+$0xFFFFFF30];
	[tilespmem:s28+$0xC0] =	vst v6  }
0x250: {  	v6 =	vld [tilespmem:s0+$0xFFFFFF60];
	[tilespmem:s28+$0xE0] =	vst v4  }
0x251: {  	v4 =	vld [tilespmem:s0+$0xFFFFFF70];
	[tilespmem:s28+$0xF0] =	vst v3;
	s28 =	smov.u32 s0  }
0x252: {  	v3 =	vld.idx.msk [tilespmem:v5+s16+$0x0], $0xffff  }
0x253: {  	v5 =	vld [tilespmem:s0+$0xFFFFFF00]  }
0x254: {  	v9 =	vld [tilespmem:s0+$0xFFFFFF20]  }
0x255: {  	v10 =	vld [tilespmem:s0+$0xFFFFFF10]  }
0x256: {  	v11 =	vld [tilespmem:s0+$0xFFFFFF40];
	_ =	sdelay $0x1  }
0x257: {  	v4 =	vmul.f32 v4, v3;
	v5 =	vmul.f32 v5, v3  }
0x258: {  	s11 =	sadd.s32 $0xFFFFFFFE, s24;
	v6 =	vmul.f32 v6, v3;
	v9 =	vmul.f32 v9, v3  }
0x259: {  	v8 =	vmul.f32 v8, v3;
	v10 =	vmul.f32 v10, v3;
	[tilespmem:s0+$0xFFFFFF70] =	vst v4;
	v4 =	vmov s11  }
0x25a: {  	[tilespmem:s0+$0xFFFFFF00] =	vst v5;
	v5 =	vmul.f32 v11, v3;
	v3 =	vmul.f32 v7, v3;
	v4 =	vand.u32 $0xFFFFFFFD, v4  }
0x25b: {  	[tilespmem:s0+$0xFFFFFF20] =	vst v9;
	v4 =	vbroadcast v4, $0x0  }
0x25c: {  	[tilespmem:s0+$0xFFFFFF30] =	vst v8  }
0x25d: {  	[tilespmem:s0+$0xFFFFFF50] =	vst v3;
	v3 =	vld [tilespmem:s0+$0xFFFFFFF0]  }
0x25e: {  	[tilespmem:s0+$0xFFFFFF10] =	vst v10;
	v7 =	vld [tilespmem:s0+$0xFFFFFFD0]  }
0x25f: {  	[tilespmem:s0+$0xFFFFFF60] =	vst v6;
	v6 =	vld [tilespmem:s0+$0xFFFFFFB0]  }
0x260: {  	[tilespmem:s0+$0xFFFFFF40] =	vst v5;
	v5 =	vld [tilespmem:s0+$0xFFFFFF90]  }
0x261: {  	v4 =	vld.idx.msk [tilespmem:v4+s16+$0x0], $0xffff  }
0x262: {  	v8 =	vld [tilespmem:s0+$0xFFFFFF80]  }
0x263: {  	v9 =	vld [tilespmem:s0+$0xFFFFFFA0]  }
0x264: {  	v10 =	vld [tilespmem:s0+$0xFFFFFFC0]  }
0x265: {  	v11 =	vld [tilespmem:s0+$0xFFFFFFE0];
	_ =	sdelay $0x1  }
0x266: {  	v5 =	vmul.f32 v5, v4;
	v8 =	vmul.f32 v8, v4  }
0x267: {  	s11 =	sadd.s32 $0xFFFFFFFF, s24;
	v6 =	vmul.f32 v6, v4;
	v9 =	vmul.f32 v9, v4  }
0x268: {  	v7 =	vmul.f32 v7, v4;
	[tilespmem:s0+$0xFFFFFF80] =	vst v8;
	v8 =	vmul.f32 v10, v4;
	v10 =	vmov s11  }
0x269: {  	v3 =	vmul.f32 v3, v4;
	[tilespmem:s0+$0xFFFFFFA0] =	vst v9;
	v9 =	vmul.f32 v11, v4;
	v4 =	vand.u32 $0xFFFFFFFE, v10  }
0x26a: {  	[tilespmem:s0+$0xFFFFFF90] =	vst v5;
	v4 =	vbroadcast v4, $0x0  }
0x26b: {  	[tilespmem:s0+$0xFFFFFFD0] =	vst v7  }
0x26c: {  	[tilespmem:s0+$0xFFFFFFE0] =	vst v9  }
0x26d: {  	[tilespmem:s0+$0xFFFFFFB0] =	vst v6  }
.Ltmp6:
0x26e: {  	[tilespmem:s0+$0xFFFFFFF0] =	vst v3;
	v5 =	vld [tilespmem:s0+$0x20];
	(pc) =	sbr.rel @p2 .LBB2_13-.Ltmp6, $4  }
0x26f: {  	[tilespmem:s0+$0xFFFFFFC0] =	vst v8;
	v6 =	vld [tilespmem:s0+$0x0]  }
0x270: {  	v3 =	vld.idx.msk [tilespmem:v4+s16+$0x0], $0xffff  }
0x271: {  	v4 =	vld [tilespmem:s0+$0x10]  }
0x272: {  	v7 =	vld [tilespmem:s0+$0x30]  }
0x273: {  	_ =	sdelay $0x1  }
0x274: {  	v8 =	vld [tilespmem:s28+$0x60];
	v6 =	vmul.f32 v6, v3  }
0x275: {  	v9 =	vld [tilespmem:s28+$0x50];
	v5 =	vmul.f32 v5, v3  }
0x276: {  	v1 =	vmul.f32 v1, v3;
	[tilespmem:s28+$0x0] =	vst v6  }
0x277: {  	v2 =	vmul.f32 v2, v3;
	[tilespmem:s28+$0x20] =	vst v5  }
0x278: {  	v7 =	vmul.f32 v7, v3;
	[tilespmem:s28+$0x40] =	vst v1  }
0x279: {  	v57 =	vmov s24;
	[tilespmem:s28+$0x70] =	vst v2;
	v54 =	vmul.f32 v8, v3  }
0x27a: {  	v55 =	vmul.f32 v9, v3;
	[tilespmem:s28+$0x30] =	vst v7  }
0x27b: {  	v3 =	vmul.f32 v4, v3;
	[tilespmem:s28+$0x60] =	vst v54  }
0x27c: {  	[tilespmem:s28+$0x50] =	vst v55  }
0x27d: {  	v56 =	vld [tilespmem:s28+$0x80];
	[tilespmem:s28+$0x10] =	vst v3  }
0x27e: {  	v1 =	vld.idx.msk [tilespmem:v57+s16+$0x0], $0xffff  }
0x27f: {  	v2 =	vld [tilespmem:s28+$0x90]  }
0x280: {  	v3 =	vld [tilespmem:s28+$0xA0]  }
0x281: {  	v58 =	vld [tilespmem:s28+$0xD0]  }
0x282: {  	v61 =	vld [tilespmem:s28+$0xE0]  }
0x283: {  	v59 =	vld [tilespmem:s28+$0xB0];
	v7 =	vmul.f32 v56, v1  }
0x284: {  	v60 =	vld [tilespmem:s28+$0xC0];
	v2 =	vmul.f32 v2, v1  }
0x285: {  	v62 =	vld [tilespmem:s28+$0xF0];
	v3 =	vmul.f32 v3, v1;
	[tilespmem:s28+$0x80] =	vst v7  }
0x286: {  	v4 =	vmul.f32 v58, v1;
	[tilespmem:s28+$0x90] =	vst v2  }
0x287: {  	v63 =	vmul.f32 v61, v1;
	[tilespmem:s28+$0xA0] =	vst v3  }
0x288: {  	v2 =	vmul.f32 v59, v1;
	[tilespmem:s28+$0xD0] =	vst v4  }
0x289: {  	v3 =	vmul.f32 v60, v1;
	[tilespmem:s28+$0xE0] =	vst v63  }
0x28a: {  	v1 =	vmul.f32 v62, v1;
	[tilespmem:s28+$0xB0] =	vst v2  }
0x28b: {  	[tilespmem:s28+$0xC0] =	vst v3  }
0x28c: {  	s30 =	simm.s32 $0x7D80;
	[tilespmem:s28+$0xF0] =	vst v1  }
0x28d: {  	[spmem:s3] =	stream.indirect.scatter.add.f32 [tilespmem:s30], [sflag:$0x6], $0x80, s13, s20, $0xb8;
	[tilespmem:$0x1E9F8] =	vst v63  }
0x28e: {  	_ = 	snop  }
0x28f: {  	[spmem:s4] =	stream.indirect.scatter.add.f32 [tilespmem:s16], [sflag:$0x6], $0x1, s13, s20, $0xb8;
	[tilespmem:$0x1E9F8] =	vst v63  }
0x290: {  	_ =	swait.ge [sflag:s9], $0x2800  }
0x291: {  	[sflag:s9] =	ssyncset.done $0x0  }
0x292: {  	[sflag:s9] =	ssyncadd.s32 $0xFFFFD800  }
0x293: {  	_ =	swait.ge [sflag:s9], $0x50  }
0x294: {  	[sflag:s9] =	ssyncset.done $0x0  }
0x295: {  	[sflag:s9] =	ssyncadd.s32 $0xFFFFFFB0  }
0x296: {  	v1 =	vld [tilespmem:s12+$0x140];
	_ =	sdelay $0x4  }
0x297: {  	v2 =	vand.u32 $0x3FFF, v1  }
0x298: {  	v1 =	vshra.s32 v1, $0xE;
	[tilespmem:$0x5200] =	vst v2  }
0x299: {  	[tilespmem:$0x5280] =	vst v1  }
0x29a: {  	v1 =	vld [tilespmem:s12+$0x150];
	_ =	sdelay $0x4  }
0x29b: {  	v2 =	vand.u32 $0x3FFF, v1  }
0x29c: {  	v1 =	vshra.s32 v1, $0xE;
	[tilespmem:$0x5210] =	vst v2  }
0x29d: {  	[tilespmem:$0x5290] =	vst v1  }
0x29e: {  	v1 =	vld [tilespmem:s12+$0x160];
	_ =	sdelay $0x4  }
0x29f: {  	v2 =	vand.u32 $0x3FFF, v1  }
0x2a0: {  	v1 =	vshra.s32 v1, $0xE;
	[tilespmem:$0x5220] =	vst v2  }
0x2a1: {  	[tilespmem:$0x52A0] =	vst v1  }
0x2a2: {  	v1 =	vld [tilespmem:s12+$0x170];
	_ =	sdelay $0x4  }
0x2a3: {  	v2 =	vand.u32 $0x3FFF, v1  }
0x2a4: {  	v1 =	vshra.s32 v1, $0xE;
	[tilespmem:$0x5230] =	vst v2  }
0x2a5: {  	s0 =	sadd.s32 s22, s14;
	[tilespmem:$0x52B0] =	vst v1  }
0x2a6: {  	v1 =	vld [tilespmem:s0+$0x180];
	_ =	sdelay $0x4  }
0x2a7: {  	v2 =	vand.u32 $0x3FFF, v1  }
0x2a8: {  	s5 =	sadd.s32 $0x1, s5;
	v1 =	vshra.s32 v1, $0xE;
	[tilespmem:$0x5240] =	vst v2  }
0x2a9: {  	p2 =	sne.s32 s5, $0x29;
	[tilespmem:$0x52C0] =	vst v1  }
0x2aa: {  	[tilespmem:s26], [sflag:$0x2] =	stream.indirect.gather [hbm4b:s1+s20], $0x80, s25, s20, $0xb8;
	[tilespmem:$0x1E9F8] =	vst v63  }
.Ltmp7:
0x2ab: {  	_ = 	snop;
	(pc) =	sbr.rel @p2 .LBB2_8-.Ltmp7, $4  }
0x2ac: {  	s24 =	simm.s32 $0x7B80  }
0x2ad: {  	[tilespmem:s24], [sflag:$0x2] =	stream.indirect.gather [hbm4b:s6+s20], $0x1, s25, s20, $0xb8;
	[tilespmem:$0x1E9F8] =	vst v63  }
0x2ae: {  	s28 =	simm.s32 $0x7C00  }
0x2af: {  	[tilespmem:s28], [sflag:$0x2] =	stream.indirect.gather [hbm4b:s7+s20], $0x1, s29, s20, $0xb8;
	[tilespmem:$0x1E9F8] =	vst v63  }
0x2b0: {  	_ =	swait.ge [sflag:s31], $0x2800  }
0x2b1: {  	[sflag:s31] =	ssyncset.done $0x0  }
0x2b2: {  	[sflag:s31] =	ssyncadd.s32 $0xFFFFD800  }
0x2b3: {  	_ =	swait.ge [sflag:s31], $0x50  }
0x2b4: {  	[sflag:s31] =	ssyncset.done $0x0  }
0x2b5: {  	[sflag:s31] =	ssyncadd.s32 $0xFFFFFFB0  }
0x2b6: {  	_ =	swait.ge [sflag:s31], $0x50  }
0x2b7: {  	[sflag:s31] =	ssyncset.done $0x0  }
0x2b8: {  	[sflag:s31] =	ssyncadd.s32 $0xFFFFFFB0  }
0x2b9: {  	v1 =	vld [tilespmem:$0x5100]  }
0x2ba: {  	v2 =	vld [tilespmem:$0x5180]  }
0x2bb: {  	v3 =	vld [tilespmem:$0x5110]  }
0x2bc: {  	v4 =	vld [tilespmem:$0x5190]  }
0x2bd: {  	v5 =	vld [tilespmem:$0x5120]  }
0x2be: {  	v6 =	vld [tilespmem:$0x51A0]  }
0x2bf: {  	v7 =	vld [tilespmem:$0x51B0];
	v1 =	vadd.f32 v2, v1  }
0x2c0: {  	v9 =	vld [tilespmem:$0x5140]  }
0x2c1: {  	v2 =	vld [tilespmem:$0x5130];
	v8 =	vmul.f32 $2.000000030e-01, v1  }
0x2c2: {  	v10 =	vld [tilespmem:$0x51C0];
	vm0 =	vgt.f32 v1, $0.0e+00  }
0x2c3: {  	v3 =	vadd.f32 v4, v3;
	v1 =	vsel vm0, v1, v8  }
0x2c4: {  	v1 =	vmul.f32 $1.442695020e+00, v1  }
0x2c5: {  	v5 =	vadd.f32 v6, v5;
	v4 =	vmul.f32 $2.000000030e-01, v3  }
0x2c6: {  	vm12 =	vgt.f32 v3, $0.0e+00;
	(erf) = vpow2.f32 v1;
	v1 =	vadd.f32 v7, v2  }
0x2c7: {  	v2 =	vsel vm12, v3, v4;
	v3 =	vmul.f32 $2.000000030e-01, v5;
	v4 =	vadd.f32 v10, v9  }
0x2c8: {  	vm13 =	vgt.f32 v5, $0.0e+00;
	v2 =	vmul.f32 $1.442695020e+00, v2;
	v6 =	vmul.f32 $2.000000030e-01, v1  }
0x2c9: {  	v3 =	vsel vm13, v5, v3;
	vm14 =	vgt.f32 v1, $0.0e+00;
	v5 =	vmul.f32 $2.000000030e-01, v4  }
0x2ca: {  	vm15 =	vgt.f32 v4, $0.0e+00;
	v3 =	vmul.f32 $1.442695020e+00, v3;
	v1 =	vsel vm14, v1, v6  }
0x2cb: {  	(erf) = vpow2.f32 v2;
	v2 =	vsel vm15, v4, v5;
	v1 =	vmul.f32 $1.442695020e+00, v1  }
0x2cc: {  	(erf) = vpow2.f32 v3;
	v2 =	vmul.f32 $1.442695020e+00, v2  }
0x2cd: {  	(erf) = vpow2.f32 v1  }
0x2ce: {  	(erf) = vpow2.f32 v2;
	_ =	sdelay $0x2  }
0x2cf: {  	s0 =	simm.s32 $0x0  }
0x2d0: {  	v2 =	vmov s0;
	v1 =	vpop (erf)  }
0x2d1: {  	[tilespmem:$0x5080] =	vst v1;
	v1 =	vand.u32 $0xFFFFFFFC, v2  }
0x2d2: {  	v1 =	vbroadcast v1, $0x0;
	v3 =	vpop (erf)  }
0x2d3: {  	[tilespmem:$0x5090] =	vst v3;
	v2 =	vpop (erf)  }
0x2d4: {  	[tilespmem:$0x50A0] =	vst v2;
	v3 =	vpop (erf)  }
0x2d5: {  	[tilespmem:$0x50B0] =	vst v3;
	v2 =	vpop (erf)  }
0x2d6: {  	s5 =	simm.s32 $0x2980;
	[tilespmem:$0x50C0] =	vst v2  }
0x2d7: {  	v3 =	vld [tilespmem:s5+$0xFFFFFF70]  }
0x2d8: {  	v1 =	vld.idx.msk [tilespmem:v1+s2+$0x0], $0xffff  }
0x2d9: {  	v4 =	vld [tilespmem:s5+$0xFFFFFF00]  }
0x2da: {  	v5 =	vld [tilespmem:s5+$0xFFFFFF20]  }
0x2db: {  	v6 =	vld [tilespmem:s5+$0xFFFFFF30]  }
0x2dc: {  	v2 =	vld [tilespmem:s5+$0xFFFFFF50]  }
0x2dd: {  	v8 =	vld [tilespmem:s5+$0xFFFFFF10];
	v3 =	vmul.f32 v3, v1  }
0x2de: {  	s24 =	simm.s32 $0x1;
	v7 =	vld [tilespmem:s5+$0xFFFFFF60];
	v4 =	vmul.f32 v4, v1  }
0x2df: {  	v62 =	vld [tilespmem:s5+$0xFFFFFF40];
	v5 =	vmul.f32 v5, v1;
	[tilespmem:s5+$0xFFFFFF70] =	vst v3;
	v3 =	vmov s24  }
0x2e0: {  	v6 =	vmul.f32 v6, v1;
	[tilespmem:s5+$0xFFFFFF00] =	vst v4;
	v3 =	vand.u32 $0xFFFFFFFD, v3  }
0x2e1: {  	v2 =	vmul.f32 v2, v1;
	[tilespmem:s5+$0xFFFFFF20] =	vst v5;
	v3 =	vbroadcast v3, $0x0  }
0x2e2: {  	v4 =	vmul.f32 v8, v1;
	[tilespmem:s5+$0xFFFFFF30] =	vst v6  }
0x2e3: {  	v5 =	vmul.f32 v7, v1;
	[tilespmem:s5+$0xFFFFFF50] =	vst v2  }
0x2e4: {  	v1 =	vmul.f32 v62, v1;
	[tilespmem:s5+$0xFFFFFF10] =	vst v4  }
0x2e5: {  	[tilespmem:s5+$0xFFFFFF60] =	vst v5  }
0x2e6: {  	[tilespmem:s5+$0xFFFFFF40] =	vst v1;
	v1 =	vld [tilespmem:s5+$0xFFFFFF80]  }
0x2e7: {  	v3 =	vld.idx.msk [tilespmem:v3+s2+$0x0], $0xffff  }
0x2e8: {  	v2 =	vld [tilespmem:s5+$0xFFFFFFA0]  }
0x2e9: {  	v4 =	vld [tilespmem:s5+$0xFFFFFF90]  }
0x2ea: {  	v5 =	vld [tilespmem:s5+$0xFFFFFFD0]  }
0x2eb: {  	v6 =	vld [tilespmem:s5+$0xFFFFFFE0]  }
0x2ec: {  	v7 =	vld [tilespmem:s5+$0xFFFFFFF0];
	v1 =	vmul.f32 v1, v3  }
0x2ed: {  	s28 =	simm.s32 $0x2;
	v8 =	vld [tilespmem:s5+$0xFFFFFFB0];
	v2 =	vmul.f32 v2, v3  }
0x2ee: {  	v63 =	vld [tilespmem:s5+$0xFFFFFFC0];
	v4 =	vmul.f32 v4, v3;
	[tilespmem:s5+$0xFFFFFF80] =	vst v1;
	v1 =	vmov s28  }
0x2ef: {  	v5 =	vmul.f32 v5, v3;
	[tilespmem:s5+$0xFFFFFFA0] =	vst v2;
	v1 =	vand.u32 $0xFFFFFFFE, v1  }
0x2f0: {  	v2 =	vmul.f32 v6, v3;
	[tilespmem:s5+$0xFFFFFF90] =	vst v4;
	v4 =	vbroadcast v1, $0x0  }
0x2f1: {  	v6 =	vmul.f32 v7, v3;
	[tilespmem:s5+$0xFFFFFFD0] =	vst v5;
	v7 =	vld [tilespmem:s5+$0x30]  }
0x2f2: {  	v5 =	vmul.f32 v8, v3;
	v1 =	vld [tilespmem:s5+$0x40];
	[tilespmem:s5+$0xFFFFFFE0] =	vst v2  }
0x2f3: {  	v3 =	vmul.f32 v63, v3;
	v2 =	vld [tilespmem:s5+$0x70];
	[tilespmem:s5+$0xFFFFFFF0] =	vst v6  }
0x2f4: {  	[tilespmem:s5+$0xFFFFFFB0] =	vst v5;
	v5 =	vld [tilespmem:s5+$0x20]  }
0x2f5: {  	[tilespmem:s5+$0xFFFFFFC0] =	vst v3;
	v6 =	vld [tilespmem:s5+$0x0]  }
0x2f6: {  	v3 =	vld.idx.msk [tilespmem:v4+s2+$0x0], $0xffff  }
0x2f7: {  	s12 =	simm.s32 $0x3;
	s14 =	simm.s32 $0x7;
	s0 =	simm.s32 $0x2980;
	v4 =	vld [tilespmem:s5+$0x10]  }
.LBB2_16:
0x2f8: {  	p2 =	sne.s32 s14, $0x4F  }
0x2f9: {  	v8 =	vld [tilespmem:s5+$0x50];
	s0 =	sadd.s32 $0x200, s0;
	s11 =	smov.u32 s14;
	s14 =	sadd.s32 $0x4, s14  }
0x2fa: {  	v9 =	vld [tilespmem:s5+$0x60];
	_ =	sdelay $0x1  }
0x2fb: {  	v6 =	vmul.f32 v6, v3;
	v4 =	vmul.f32 v4, v3  }
0x2fc: {  	v5 =	vmul.f32 v5, v3;
	v7 =	vmul.f32 v7, v3  }
0x2fd: {  	v1 =	vmul.f32 v1, v3;
	v2 =	vmul.f32 v2, v3;
	[tilespmem:s5+$0x0] =	vst v6  }
0x2fe: {  	[tilespmem:s5+$0x20] =	vst v5;
	v5 =	vmul.f32 v8, v3;
	v3 =	vmul.f32 v9, v3  }
0x2ff: {  	[tilespmem:s5+$0x30] =	vst v7;
	v6 =	vld [tilespmem:s5+$0x80]  }
0x300: {  	[tilespmem:s5+$0x60] =	vst v3;
	v3 =	vmov s12;
	v7 =	vld [tilespmem:s5+$0xD0];
	s12 =	smov.u32 s11  }
0x301: {  	[tilespmem:s5+$0x50] =	vst v5;
	v5 =	vld [tilespmem:s5+$0xE0]  }
0x302: {  	[tilespmem:s5+$0x40] =	vst v1;
	v8 =	vld [tilespmem:s5+$0xB0]  }
0x303: {  	v1 =	vld [tilespmem:s0+$0x40];
	[tilespmem:s5+$0x70] =	vst v2  }
0x304: {  	v2 =	vld [tilespmem:s0+$0x70];
	[tilespmem:s5+$0x10] =	vst v4  }
0x305: {  	v3 =	vld.idx.msk [tilespmem:v3+s2+$0x0], $0xffff  }
0x306: {  	v4 =	vld [tilespmem:s5+$0x90]  }
0x307: {  	v9 =	vld [tilespmem:s5+$0xA0]  }
0x308: {  	v10 =	vld [tilespmem:s5+$0xC0]  }
0x309: {  	v11 =	vld [tilespmem:s5+$0xF0];
	_ =	sdelay $0x1  }
0x30a: {  	v6 =	vmul.f32 v6, v3;
	v4 =	vmul.f32 v4, v3  }
0x30b: {  	s11 =	sadd.s32 $0xFFFFFFFD, s12;
	v8 =	vmul.f32 v8, v3;
	v9 =	vmul.f32 v9, v3  }
0x30c: {  	v12 =	vmov s11;
	v7 =	vmul.f32 v7, v3;
	[tilespmem:s5+$0x80] =	vst v6;
	v6 =	vmul.f32 v10, v3  }
0x30d: {  	v10 =	vand.u32 $0xFFFFFFFC, v12;
	[tilespmem:s5+$0x90] =	vst v4;
	v4 =	vmul.f32 v5, v3;
	v3 =	vmul.f32 v11, v3  }
0x30e: {  	v5 =	vbroadcast v10, $0x0;
	[tilespmem:s5+$0xA0] =	vst v9  }
0x30f: {  	[tilespmem:s5+$0xD0] =	vst v7  }
0x310: {  	v7 =	vld [tilespmem:s0+$0xFFFFFF50];
	[tilespmem:s5+$0xB0] =	vst v8  }
0x311: {  	v8 =	vld [tilespmem:s0+$0xFFFFFF30];
	[tilespmem:s5+$0xC0] =	vst v6  }
0x312: {  	v6 =	vld [tilespmem:s0+$0xFFFFFF60];
	[tilespmem:s5+$0xE0] =	vst v4  }
0x313: {  	v4 =	vld [tilespmem:s0+$0xFFFFFF70];
	[tilespmem:s5+$0xF0] =	vst v3;
	s5 =	smov.u32 s0  }
0x314: {  	v3 =	vld.idx.msk [tilespmem:v5+s2+$0x0], $0xffff  }
0x315: {  	v5 =	vld [tilespmem:s0+$0xFFFFFF00]  }
0x316: {  	v9 =	vld [tilespmem:s0+$0xFFFFFF20]  }
0x317: {  	v10 =	vld [tilespmem:s0+$0xFFFFFF10]  }
0x318: {  	v11 =	vld [tilespmem:s0+$0xFFFFFF40];
	_ =	sdelay $0x1  }
0x319: {  	v4 =	vmul.f32 v4, v3;
	v5 =	vmul.f32 v5, v3  }
0x31a: {  	s11 =	sadd.s32 $0xFFFFFFFE, s12;
	v6 =	vmul.f32 v6, v3;
	v9 =	vmul.f32 v9, v3  }
0x31b: {  	v8 =	vmul.f32 v8, v3;
	v10 =	vmul.f32 v10, v3;
	[tilespmem:s0+$0xFFFFFF70] =	vst v4;
	v4 =	vmov s11  }
0x31c: {  	[tilespmem:s0+$0xFFFFFF00] =	vst v5;
	v5 =	vmul.f32 v11, v3;
	v3 =	vmul.f32 v7, v3;
	v4 =	vand.u32 $0xFFFFFFFD, v4  }
0x31d: {  	[tilespmem:s0+$0xFFFFFF20] =	vst v9;
	v4 =	vbroadcast v4, $0x0  }
0x31e: {  	[tilespmem:s0+$0xFFFFFF30] =	vst v8  }
0x31f: {  	[tilespmem:s0+$0xFFFFFF50] =	vst v3;
	v3 =	vld [tilespmem:s0+$0xFFFFFFF0]  }
0x320: {  	[tilespmem:s0+$0xFFFFFF10] =	vst v10;
	v7 =	vld [tilespmem:s0+$0xFFFFFFD0]  }
0x321: {  	[tilespmem:s0+$0xFFFFFF60] =	vst v6;
	v6 =	vld [tilespmem:s0+$0xFFFFFFB0]  }
0x322: {  	[tilespmem:s0+$0xFFFFFF40] =	vst v5;
	v5 =	vld [tilespmem:s0+$0xFFFFFF90]  }
0x323: {  	v4 =	vld.idx.msk [tilespmem:v4+s2+$0x0], $0xffff  }
0x324: {  	v8 =	vld [tilespmem:s0+$0xFFFFFF80]  }
0x325: {  	v9 =	vld [tilespmem:s0+$0xFFFFFFA0]  }
0x326: {  	v10 =	vld [tilespmem:s0+$0xFFFFFFC0]  }
0x327: {  	v11 =	vld [tilespmem:s0+$0xFFFFFFE0];
	_ =	sdelay $0x1  }
0x328: {  	v5 =	vmul.f32 v5, v4;
	v8 =	vmul.f32 v8, v4  }
0x329: {  	s11 =	sadd.s32 $0xFFFFFFFF, s12;
	v6 =	vmul.f32 v6, v4;
	v9 =	vmul.f32 v9, v4  }
0x32a: {  	v7 =	vmul.f32 v7, v4;
	[tilespmem:s0+$0xFFFFFF80] =	vst v8;
	v8 =	vmul.f32 v10, v4;
	v10 =	vmov s11  }
0x32b: {  	v3 =	vmul.f32 v3, v4;
	[tilespmem:s0+$0xFFFFFFA0] =	vst v9;
	v9 =	vmul.f32 v11, v4;
	v4 =	vand.u32 $0xFFFFFFFE, v10  }
0x32c: {  	[tilespmem:s0+$0xFFFFFF90] =	vst v5;
	v4 =	vbroadcast v4, $0x0  }
0x32d: {  	[tilespmem:s0+$0xFFFFFFD0] =	vst v7  }
0x32e: {  	[tilespmem:s0+$0xFFFFFFE0] =	vst v9  }
0x32f: {  	[tilespmem:s0+$0xFFFFFFB0] =	vst v6  }
.Ltmp8:
0x330: {  	[tilespmem:s0+$0xFFFFFFF0] =	vst v3;
	v5 =	vld [tilespmem:s0+$0x20];
	(pc) =	sbr.rel @p2 .LBB2_16-.Ltmp8, $4  }
0x331: {  	[tilespmem:s0+$0xFFFFFFC0] =	vst v8;
	v6 =	vld [tilespmem:s0+$0x0]  }
0x332: {  	v3 =	vld.idx.msk [tilespmem:v4+s2+$0x0], $0xffff  }
0x333: {  	v4 =	vld [tilespmem:s0+$0x10]  }
0x334: {  	v7 =	vld [tilespmem:s0+$0x30]  }
0x335: {  	v8 =	vld [tilespmem:s5+$0x60];
	_ =	sdelay $0x1  }
0x336: {  	v6 =	vmul.f32 v6, v3  }
0x337: {  	v9 =	vld [tilespmem:s5+$0x50];
	v5 =	vmul.f32 v5, v3  }
0x338: {  	v1 =	vmul.f32 v1, v3;
	[tilespmem:s5+$0x0] =	vst v6  }
0x339: {  	[tilespmem:s5+$0x20] =	vst v5;
	v5 =	vmul.f32 v8, v3  }
0x33a: {  	v2 =	vmul.f32 v2, v3;
	[tilespmem:s5+$0x40] =	vst v1  }
0x33b: {  	v7 =	vmul.f32 v7, v3;
	[tilespmem:s5+$0x60] =	vst v5;
	v5 =	vmov s12  }
0x33c: {  	[tilespmem:s5+$0x70] =	vst v2;
	v6 =	vmul.f32 v9, v3  }
0x33d: {  	v3 =	vmul.f32 v4, v3;
	[tilespmem:s5+$0x30] =	vst v7  }
0x33e: {  	[tilespmem:s5+$0x50] =	vst v6  }
0x33f: {  	v7 =	vld [tilespmem:s5+$0x80];
	[tilespmem:s5+$0x10] =	vst v3  }
0x340: {  	v1 =	vld.idx.msk [tilespmem:v5+s2+$0x0], $0xffff  }
0x341: {  	v2 =	vld [tilespmem:s5+$0x90]  }
0x342: {  	v3 =	vld [tilespmem:s5+$0xA0]  }
0x343: {  	v4 =	vld [tilespmem:s5+$0xD0]  }
0x344: {  	v5 =	vld [tilespmem:s5+$0xB0]  }
0x345: {  	v6 =	vld [tilespmem:s5+$0xC0];
	v7 =	vmul.f32 v7, v1  }
0x346: {  	v8 =	vld [tilespmem:s5+$0xE0];
	v2 =	vmul.f32 v2, v1  }
0x347: {  	v60 =	vld [tilespmem:s5+$0xF0];
	v3 =	vmul.f32 v3, v1;
	[tilespmem:s5+$0x80] =	vst v7  }
0x348: {  	v4 =	vmul.f32 v4, v1;
	[tilespmem:s5+$0x90] =	vst v2  }
0x349: {  	v2 =	vmul.f32 v5, v1;
	[tilespmem:s5+$0xA0] =	vst v3  }
0x34a: {  	v3 =	vmul.f32 v6, v1;
	[tilespmem:s5+$0xD0] =	vst v4  }
0x34b: {  	v4 =	vmul.f32 v8, v1;
	[tilespmem:s5+$0xB0] =	vst v2  }
0x34c: {  	v1 =	vmul.f32 v60, v1;
	[tilespmem:s5+$0xC0] =	vst v3  }
0x34d: {  	[tilespmem:s5+$0xE0] =	vst v4  }
0x34e: {  	[tilespmem:s5+$0xF0] =	vst v1  }
0x34f: {  	[spmem:s3] =	stream.indirect.scatter.add.f32 [tilespmem:s18], [sflag:$0x4], $0x80, s23, s20, $0xb8;
	[tilespmem:$0x1E9F8] =	vst v63  }
0x350: {  	s0 =	simm.s32 $0x6  }
0x351: {  	[spmem:s4] =	stream.indirect.scatter.add.f32 [tilespmem:s2], [sflag:$0x4], $0x1, s23, s20, $0xb8;
	[tilespmem:$0x1E9F8] =	vst v63  }
0x352: {  	_ =	swait.ge [sflag:s0], $0x2800  }
0x353: {  	[sflag:s0] =	ssyncset.done $0x0  }
0x354: {  	[sflag:s0] =	ssyncadd.s32 $0xFFFFD800  }
0x355: {  	_ =	swait.ge [sflag:s0], $0x50  }
0x356: {  	[sflag:s0] =	ssyncset.done $0x0  }
0x357: {  	[sflag:s0] =	ssyncadd.s32 $0xFFFFFFB0  }
0x358: {  	_ =	swait.ge [sflag:s15], $0x2800  }
0x359: {  	[sflag:s15] =	ssyncset.done $0x0  }
0x35a: {  	[sflag:s15] =	ssyncadd.s32 $0xFFFFD800  }
0x35b: {  	_ =	swait.ge [sflag:s15], $0x50  }
0x35c: {  	[sflag:s15] =	ssyncset.done $0x0  }
0x35d: {  	[sflag:s15] =	ssyncadd.s32 $0xFFFFFFB0  }
0x35e: {  	_ =	swait.ge [sflag:s15], $0x50  }
0x35f: {  	[sflag:s15] =	ssyncset.done $0x0  }
0x360: {  	[sflag:s15] =	ssyncadd.s32 $0xFFFFFFB0  }
0x361: {  	v1 =	vld [tilespmem:$0x7B80]  }
0x362: {  	v2 =	vld [tilespmem:$0x7C00]  }
0x363: {  	v3 =	vld [tilespmem:$0x7B90]  }
0x364: {  	v4 =	vld [tilespmem:$0x7C10]  }
0x365: {  	v5 =	vld [tilespmem:$0x7BA0]  }
0x366: {  	v6 =	vld [tilespmem:$0x7C20]  }
0x367: {  	v7 =	vld [tilespmem:$0x7C30];
	v1 =	vadd.f32 v2, v1  }
0x368: {  	v61 =	vld [tilespmem:$0x7BC0]  }
0x369: {  	v2 =	vld [tilespmem:$0x7BB0];
	v8 =	vmul.f32 $2.000000030e-01, v1  }
0x36a: {  	v10 =	vld [tilespmem:$0x7C40];
	vm0 =	vgt.f32 v1, $0.0e+00  }
0x36b: {  	v3 =	vadd.f32 v4, v3;
	v1 =	vsel vm0, v1, v8  }
0x36c: {  	v1 =	vmul.f32 $1.442695020e+00, v1  }
0x36d: {  	v5 =	vadd.f32 v6, v5;
	v4 =	vmul.f32 $2.000000030e-01, v3  }
0x36e: {  	vm12 =	vgt.f32 v3, $0.0e+00;
	(erf) = vpow2.f32 v1;
	v1 =	vadd.f32 v7, v2  }
0x36f: {  	v2 =	vsel vm12, v3, v4;
	v3 =	vmul.f32 $2.000000030e-01, v5;
	v4 =	vadd.f32 v10, v61  }
0x370: {  	vm13 =	vgt.f32 v5, $0.0e+00;
	v2 =	vmul.f32 $1.442695020e+00, v2;
	v6 =	vmul.f32 $2.000000030e-01, v1  }
0x371: {  	v3 =	vsel vm13, v5, v3;
	vm14 =	vgt.f32 v1, $0.0e+00;
	v5 =	vmul.f32 $2.000000030e-01, v4  }
0x372: {  	vm15 =	vgt.f32 v4, $0.0e+00;
	v3 =	vmul.f32 $1.442695020e+00, v3;
	v1 =	vsel vm14, v1, v6  }
0x373: {  	(erf) = vpow2.f32 v2;
	v2 =	vsel vm15, v4, v5;
	v1 =	vmul.f32 $1.442695020e+00, v1  }
0x374: {  	(erf) = vpow2.f32 v3;
	v2 =	vmul.f32 $1.442695020e+00, v2  }
0x375: {  	(erf) = vpow2.f32 v1  }
0x376: {  	(erf) = vpow2.f32 v2;
	_ =	sdelay $0x2  }
0x377: {  	s14 =	simm.s32 $0x0  }
0x378: {  	v2 =	vmov s14;
	v1 =	vpop (erf)  }
0x379: {  	[tilespmem:$0x7B00] =	vst v1;
	v1 =	vand.u32 $0xFFFFFFFC, v2  }
0x37a: {  	v1 =	vbroadcast v1, $0x0;
	v3 =	vpop (erf)  }
0x37b: {  	[tilespmem:$0x7B10] =	vst v3;
	v2 =	vpop (erf)  }
0x37c: {  	[tilespmem:$0x7B20] =	vst v2;
	v3 =	vpop (erf)  }
0x37d: {  	[tilespmem:$0x7B30] =	vst v3;
	v2 =	vpop (erf)  }
0x37e: {  	s5 =	simm.s32 $0x5400;
	[tilespmem:$0x7B40] =	vst v2  }
0x37f: {  	v3 =	vld [tilespmem:s5+$0xFFFFFF70]  }
0x380: {  	v1 =	vld.idx.msk [tilespmem:v1+s17+$0x0], $0xffff  }
0x381: {  	v4 =	vld [tilespmem:s5+$0xFFFFFF00]  }
0x382: {  	v5 =	vld [tilespmem:s5+$0xFFFFFF20]  }
0x383: {  	v6 =	vld [tilespmem:s5+$0xFFFFFF30]  }
0x384: {  	v2 =	vld [tilespmem:s5+$0xFFFFFF50]  }
0x385: {  	v8 =	vld [tilespmem:s5+$0xFFFFFF10];
	v3 =	vmul.f32 v3, v1  }
0x386: {  	s22 =	simm.s32 $0x1;
	v7 =	vld [tilespmem:s5+$0xFFFFFF60];
	v4 =	vmul.f32 v4, v1  }
0x387: {  	v62 =	vld [tilespmem:s5+$0xFFFFFF40];
	v5 =	vmul.f32 v5, v1;
	[tilespmem:s5+$0xFFFFFF70] =	vst v3;
	v3 =	vmov s22  }
0x388: {  	v6 =	vmul.f32 v6, v1;
	[tilespmem:s5+$0xFFFFFF00] =	vst v4;
	v3 =	vand.u32 $0xFFFFFFFD, v3  }
0x389: {  	v2 =	vmul.f32 v2, v1;
	[tilespmem:s5+$0xFFFFFF20] =	vst v5;
	v3 =	vbroadcast v3, $0x0  }
0x38a: {  	v4 =	vmul.f32 v8, v1;
	[tilespmem:s5+$0xFFFFFF30] =	vst v6  }
0x38b: {  	v5 =	vmul.f32 v7, v1;
	[tilespmem:s5+$0xFFFFFF50] =	vst v2  }
0x38c: {  	v1 =	vmul.f32 v62, v1;
	[tilespmem:s5+$0xFFFFFF10] =	vst v4  }
0x38d: {  	[tilespmem:s5+$0xFFFFFF60] =	vst v5  }
0x38e: {  	[tilespmem:s5+$0xFFFFFF40] =	vst v1;
	v1 =	vld [tilespmem:s5+$0xFFFFFF80]  }
0x38f: {  	v3 =	vld.idx.msk [tilespmem:v3+s17+$0x0], $0xffff  }
0x390: {  	v2 =	vld [tilespmem:s5+$0xFFFFFFA0]  }
0x391: {  	v4 =	vld [tilespmem:s5+$0xFFFFFF90]  }
0x392: {  	v5 =	vld [tilespmem:s5+$0xFFFFFFD0]  }
0x393: {  	v6 =	vld [tilespmem:s5+$0xFFFFFFE0]  }
0x394: {  	v7 =	vld [tilespmem:s5+$0xFFFFFFF0];
	v1 =	vmul.f32 v1, v3  }
0x395: {  	s24 =	simm.s32 $0x2;
	v8 =	vld [tilespmem:s5+$0xFFFFFFB0];
	v2 =	vmul.f32 v2, v3  }
0x396: {  	v63 =	vld [tilespmem:s5+$0xFFFFFFC0];
	v4 =	vmul.f32 v4, v3;
	[tilespmem:s5+$0xFFFFFF80] =	vst v1;
	v1 =	vmov s24  }
0x397: {  	v5 =	vmul.f32 v5, v3;
	[tilespmem:s5+$0xFFFFFFA0] =	vst v2;
	v1 =	vand.u32 $0xFFFFFFFE, v1  }
0x398: {  	v2 =	vmul.f32 v6, v3;
	[tilespmem:s5+$0xFFFFFF90] =	vst v4;
	v4 =	vbroadcast v1, $0x0  }
0x399: {  	v6 =	vmul.f32 v7, v3;
	[tilespmem:s5+$0xFFFFFFD0] =	vst v5;
	v7 =	vld [tilespmem:s5+$0x30]  }
0x39a: {  	v5 =	vmul.f32 v8, v3;
	v1 =	vld [tilespmem:s5+$0x40];
	[tilespmem:s5+$0xFFFFFFE0] =	vst v2  }
0x39b: {  	v3 =	vmul.f32 v63, v3;
	v2 =	vld [tilespmem:s5+$0x70];
	[tilespmem:s5+$0xFFFFFFF0] =	vst v6  }
0x39c: {  	[tilespmem:s5+$0xFFFFFFB0] =	vst v5;
	v5 =	vld [tilespmem:s5+$0x20]  }
0x39d: {  	[tilespmem:s5+$0xFFFFFFC0] =	vst v3;
	v6 =	vld [tilespmem:s5+$0x0]  }
0x39e: {  	s12 =	simm.s32 $0x3;
	s28 =	rddreg [dreg:$0xc];
	v3 =	vld.idx.msk [tilespmem:v4+s17+$0x0], $0xffff  }
0x39f: {  	s0 =	simm.s32 $0x5400;
	s14 =	simm.s32 $0x7;
	s24 =	rddreg [dreg:$0x6];
	v4 =	vld [tilespmem:s5+$0x10]  }
.LBB2_18:
0x3a0: {  	p2 =	sne.s32 s14, $0x4F  }
0x3a1: {  	v8 =	vld [tilespmem:s5+$0x50];
	s0 =	sadd.s32 $0x200, s0;
	s11 =	smov.u32 s14;
	s14 =	sadd.s32 $0x4, s14  }
0x3a2: {  	v9 =	vld [tilespmem:s5+$0x60];
	_ =	sdelay $0x1  }
0x3a3: {  	v6 =	vmul.f32 v6, v3;
	v4 =	vmul.f32 v4, v3  }
0x3a4: {  	v5 =	vmul.f32 v5, v3;
	v7 =	vmul.f32 v7, v3  }
0x3a5: {  	v1 =	vmul.f32 v1, v3;
	v2 =	vmul.f32 v2, v3;
	[tilespmem:s5+$0x0] =	vst v6  }
0x3a6: {  	[tilespmem:s5+$0x20] =	vst v5;
	v5 =	vmul.f32 v8, v3;
	v3 =	vmul.f32 v9, v3  }
0x3a7: {  	[tilespmem:s5+$0x30] =	vst v7;
	v6 =	vld [tilespmem:s5+$0x80]  }
0x3a8: {  	[tilespmem:s5+$0x60] =	vst v3;
	v3 =	vmov s12;
	v7 =	vld [tilespmem:s5+$0xD0];
	s12 =	smov.u32 s11  }
0x3a9: {  	[tilespmem:s5+$0x50] =	vst v5;
	v5 =	vld [tilespmem:s5+$0xE0]  }
0x3aa: {  	[tilespmem:s5+$0x40] =	vst v1;
	v8 =	vld [tilespmem:s5+$0xB0]  }
0x3ab: {  	v1 =	vld [tilespmem:s0+$0x40];
	[tilespmem:s5+$0x70] =	vst v2  }
0x3ac: {  	v2 =	vld [tilespmem:s0+$0x70];
	[tilespmem:s5+$0x10] =	vst v4  }
0x3ad: {  	v3 =	vld.idx.msk [tilespmem:v3+s17+$0x0], $0xffff  }
0x3ae: {  	v4 =	vld [tilespmem:s5+$0x90]  }
0x3af: {  	v9 =	vld [tilespmem:s5+$0xA0]  }
0x3b0: {  	v10 =	vld [tilespmem:s5+$0xC0]  }
0x3b1: {  	v11 =	vld [tilespmem:s5+$0xF0];
	_ =	sdelay $0x1  }
0x3b2: {  	v6 =	vmul.f32 v6, v3;
	v4 =	vmul.f32 v4, v3  }
0x3b3: {  	s11 =	sadd.s32 $0xFFFFFFFD, s12;
	v8 =	vmul.f32 v8, v3;
	v9 =	vmul.f32 v9, v3  }
0x3b4: {  	v12 =	vmov s11;
	v7 =	vmul.f32 v7, v3;
	[tilespmem:s5+$0x80] =	vst v6;
	v6 =	vmul.f32 v10, v3  }
0x3b5: {  	v10 =	vand.u32 $0xFFFFFFFC, v12;
	[tilespmem:s5+$0x90] =	vst v4;
	v4 =	vmul.f32 v5, v3;
	v3 =	vmul.f32 v11, v3  }
0x3b6: {  	v5 =	vbroadcast v10, $0x0;
	[tilespmem:s5+$0xA0] =	vst v9  }
0x3b7: {  	[tilespmem:s5+$0xD0] =	vst v7  }
0x3b8: {  	v7 =	vld [tilespmem:s0+$0xFFFFFF50];
	[tilespmem:s5+$0xB0] =	vst v8  }
0x3b9: {  	v8 =	vld [tilespmem:s0+$0xFFFFFF30];
	[tilespmem:s5+$0xC0] =	vst v6  }
0x3ba: {  	v6 =	vld [tilespmem:s0+$0xFFFFFF60];
	[tilespmem:s5+$0xE0] =	vst v4  }
0x3bb: {  	v4 =	vld [tilespmem:s0+$0xFFFFFF70];
	[tilespmem:s5+$0xF0] =	vst v3;
	s5 =	smov.u32 s0  }
0x3bc: {  	v3 =	vld.idx.msk [tilespmem:v5+s17+$0x0], $0xffff  }
0x3bd: {  	v5 =	vld [tilespmem:s0+$0xFFFFFF00]  }
0x3be: {  	v9 =	vld [tilespmem:s0+$0xFFFFFF20]  }
0x3bf: {  	v10 =	vld [tilespmem:s0+$0xFFFFFF10]  }
0x3c0: {  	v11 =	vld [tilespmem:s0+$0xFFFFFF40];
	_ =	sdelay $0x1  }
0x3c1: {  	v4 =	vmul.f32 v4, v3;
	v5 =	vmul.f32 v5, v3  }
0x3c2: {  	s11 =	sadd.s32 $0xFFFFFFFE, s12;
	v6 =	vmul.f32 v6, v3;
	v9 =	vmul.f32 v9, v3  }
0x3c3: {  	v8 =	vmul.f32 v8, v3;
	v10 =	vmul.f32 v10, v3;
	[tilespmem:s0+$0xFFFFFF70] =	vst v4;
	v4 =	vmov s11  }
0x3c4: {  	[tilespmem:s0+$0xFFFFFF00] =	vst v5;
	v5 =	vmul.f32 v11, v3;
	v3 =	vmul.f32 v7, v3;
	v4 =	vand.u32 $0xFFFFFFFD, v4  }
0x3c5: {  	[tilespmem:s0+$0xFFFFFF20] =	vst v9;
	v4 =	vbroadcast v4, $0x0  }
0x3c6: {  	[tilespmem:s0+$0xFFFFFF30] =	vst v8  }
0x3c7: {  	[tilespmem:s0+$0xFFFFFF50] =	vst v3;
	v3 =	vld [tilespmem:s0+$0xFFFFFFF0]  }
0x3c8: {  	[tilespmem:s0+$0xFFFFFF10] =	vst v10;
	v7 =	vld [tilespmem:s0+$0xFFFFFFD0]  }
0x3c9: {  	[tilespmem:s0+$0xFFFFFF60] =	vst v6;
	v6 =	vld [tilespmem:s0+$0xFFFFFFB0]  }
0x3ca: {  	[tilespmem:s0+$0xFFFFFF40] =	vst v5;
	v5 =	vld [tilespmem:s0+$0xFFFFFF90]  }
0x3cb: {  	v4 =	vld.idx.msk [tilespmem:v4+s17+$0x0], $0xffff  }
0x3cc: {  	v8 =	vld [tilespmem:s0+$0xFFFFFF80]  }
0x3cd: {  	v9 =	vld [tilespmem:s0+$0xFFFFFFA0]  }
0x3ce: {  	v10 =	vld [tilespmem:s0+$0xFFFFFFC0]  }
0x3cf: {  	v11 =	vld [tilespmem:s0+$0xFFFFFFE0];
	_ =	sdelay $0x1  }
0x3d0: {  	v5 =	vmul.f32 v5, v4;
	v8 =	vmul.f32 v8, v4  }
0x3d1: {  	s11 =	sadd.s32 $0xFFFFFFFF, s12;
	v6 =	vmul.f32 v6, v4;
	v9 =	vmul.f32 v9, v4  }
0x3d2: {  	v7 =	vmul.f32 v7, v4;
	[tilespmem:s0+$0xFFFFFF80] =	vst v8;
	v8 =	vmul.f32 v10, v4;
	v10 =	vmov s11  }
0x3d3: {  	v3 =	vmul.f32 v3, v4;
	[tilespmem:s0+$0xFFFFFFA0] =	vst v9;
	v9 =	vmul.f32 v11, v4;
	v4 =	vand.u32 $0xFFFFFFFE, v10  }
0x3d4: {  	[tilespmem:s0+$0xFFFFFF90] =	vst v5;
	v4 =	vbroadcast v4, $0x0  }
0x3d5: {  	[tilespmem:s0+$0xFFFFFFD0] =	vst v7  }
0x3d6: {  	[tilespmem:s0+$0xFFFFFFE0] =	vst v9  }
0x3d7: {  	[tilespmem:s0+$0xFFFFFFB0] =	vst v6  }
.Ltmp9:
0x3d8: {  	[tilespmem:s0+$0xFFFFFFF0] =	vst v3;
	v5 =	vld [tilespmem:s0+$0x20];
	(pc) =	sbr.rel @p2 .LBB2_18-.Ltmp9, $4  }
0x3d9: {  	[tilespmem:s0+$0xFFFFFFC0] =	vst v8;
	v6 =	vld [tilespmem:s0+$0x0]  }
0x3da: {  	v3 =	vld.idx.msk [tilespmem:v4+s17+$0x0], $0xffff  }
0x3db: {  	v4 =	vld [tilespmem:s0+$0x10]  }
0x3dc: {  	v7 =	vld [tilespmem:s0+$0x30]  }
0x3dd: {  	_ =	sdelay $0x1  }
0x3de: {  	v8 =	vld [tilespmem:s5+$0x60];
	v6 =	vmul.f32 v6, v3  }
0x3df: {  	v9 =	vld [tilespmem:s5+$0x50];
	v5 =	vmul.f32 v5, v3  }
0x3e0: {  	v1 =	vmul.f32 v1, v3;
	[tilespmem:s5+$0x0] =	vst v6  }
0x3e1: {  	v2 =	vmul.f32 v2, v3;
	[tilespmem:s5+$0x20] =	vst v5  }
0x3e2: {  	v7 =	vmul.f32 v7, v3;
	[tilespmem:s5+$0x40] =	vst v1  }
0x3e3: {  	v57 =	vmov s12;
	[tilespmem:s5+$0x70] =	vst v2;
	v54 =	vmul.f32 v8, v3  }
0x3e4: {  	v55 =	vmul.f32 v9, v3;
	[tilespmem:s5+$0x30] =	vst v7  }
0x3e5: {  	v3 =	vmul.f32 v4, v3;
	[tilespmem:s5+$0x60] =	vst v54  }
0x3e6: {  	[tilespmem:s5+$0x50] =	vst v55  }
0x3e7: {  	v56 =	vld [tilespmem:s5+$0x80];
	[tilespmem:s5+$0x10] =	vst v3  }
0x3e8: {  	v1 =	vld.idx.msk [tilespmem:v57+s17+$0x0], $0xffff  }
0x3e9: {  	v2 =	vld [tilespmem:s5+$0x90]  }
0x3ea: {  	v3 =	vld [tilespmem:s5+$0xA0]  }
0x3eb: {  	v58 =	vld [tilespmem:s5+$0xD0]  }
0x3ec: {  	v61 =	vld [tilespmem:s5+$0xE0]  }
0x3ed: {  	v59 =	vld [tilespmem:s5+$0xB0];
	v7 =	vmul.f32 v56, v1  }
0x3ee: {  	v60 =	vld [tilespmem:s5+$0xC0];
	v2 =	vmul.f32 v2, v1  }
0x3ef: {  	v62 =	vld [tilespmem:s5+$0xF0];
	v3 =	vmul.f32 v3, v1;
	[tilespmem:s5+$0x80] =	vst v7  }
0x3f0: {  	v4 =	vmul.f32 v58, v1;
	[tilespmem:s5+$0x90] =	vst v2  }
0x3f1: {  	v63 =	vmul.f32 v61, v1;
	[tilespmem:s5+$0xA0] =	vst v3  }
0x3f2: {  	v2 =	vmul.f32 v59, v1;
	[tilespmem:s5+$0xD0] =	vst v4  }
0x3f3: {  	v3 =	vmul.f32 v60, v1;
	[tilespmem:s5+$0xE0] =	vst v63  }
0x3f4: {  	v1 =	vmul.f32 v62, v1;
	[tilespmem:s5+$0xB0] =	vst v2  }
0x3f5: {  	[tilespmem:s5+$0xC0] =	vst v3  }
0x3f6: {  	[tilespmem:s5+$0xF0] =	vst v1  }
0x3f7: {  	[spmem:s3] =	stream.indirect.scatter.add.f32 [tilespmem:s26], [sflag:$0x5], $0x80, s29, s20, $0xb8;
	[tilespmem:$0x1E9F8] =	vst v63  }
0x3f8: {  	_ = 	snop  }
0x3f9: {  	[spmem:s4] =	stream.indirect.scatter.add.f32 [tilespmem:s17], [sflag:$0x5], $0x1, s29, s20, $0xb8;
	[tilespmem:$0x1E9F8] =	vst v63  }
0x3fa: {  	_ =	swait.ge [sflag:s10], $0x2800  }
0x3fb: {  	[sflag:s10] =	ssyncset.done $0x0  }
0x3fc: {  	[sflag:s10] =	ssyncadd.s32 $0xFFFFD800  }
0x3fd: {  	_ =	swait.ge [sflag:s10], $0x50  }
0x3fe: {  	[sflag:s10] =	ssyncset.done $0x0  }
0x3ff: {  	[sflag:s10] =	ssyncadd.s32 $0xFFFFFFB0  }
0x400: {  	_ =	swait.ge [sflag:s9], $0x2800  }
0x401: {  	[sflag:s9] =	ssyncset.done $0x0  }
0x402: {  	[sflag:s9] =	ssyncadd.s32 $0xFFFFD800  }
0x403: {  	_ =	swait.ge [sflag:s9], $0x50  }
0x404: {  	[sflag:s9] =	ssyncset.done $0x0  }
0x405: {  	[sflag:s9] =	ssyncadd.s32 $0xFFFFFFB0  }
0x406: {  	s0 =	stileid.u32;
	[bflag:$0x0] =	sbarrier.arrive $0xFFFF  }
.Ltmp10:
0x407: {  	s14 =	rddreg [dreg:$0xd];
	(pc) =	sbr.rel @!p1 .LBB2_21-.Ltmp10, $4  }
0x408: {  	s0 =	sshll.u32 s0, $0x6;
	s22 =	sshrl.u32 s14, $0x3  }
0x409: {  	s11 =	sshrl.u32 s28, $0x3;
	s0 =	sor.u32 $0x1C07, s0;
	s5 =	sadd.s32 s8, s22  }
0x40a: {  	[hbm:s5], [sflag:s0] =	dma.local [spmem:s11], $0x500  }
0x40b: {  	s12 =	sadd.s32 $0x2800, s14;
	s14 =	smov.u32 s28;
	s5 =	sadd.s32 $0xFFFFFFFF, s24  }
.LBB2_20:
0x40c: {  	_ =	swait.ge [sflag:s19], $0x500  }
0x40d: {  	s14 =	sadd.s32 $0x2800, s14;
	s11 =	sshrl.u32 s12, $0x3;
	p1 =	sne.s32 s5, $0x1  }
.Ltmp11:
0x40e: {  	s22 =	sshrl.u32 s14, $0x3;
	[sflag:s19] =	ssyncset.done $0x0;
	(pc) =	sbr.rel @p1 .LBB2_20-.Ltmp11, $4  }
0x40f: {  	s11 =	sadd.s32 s8, s11;
	[sflag:s19] =	ssyncadd.s32 $0xFFFFFB00  }
0x410: {  	[hbm:s11], [sflag:s0] =	dma.local [spmem:s22], $0x500  }
0x411: {  	s5 =	sadd.s32 $0xFFFFFFFF, s5  }
0x412: {  	s12 =	sadd.s32 $0x2800, s12  }
.LBB2_21:
0x413: {  	_ =	swait.ge [sflag:s19], $0x500  }
0x414: {  	[sflag:s19] =	ssyncset.done $0x0  }
0x415: {  	s0 =	simm.s32 @!p0 $0xA700;
	s5 =	rddreg [dreg:$0x9];
	[sflag:s19] =	ssyncadd.s32 $0xFFFFFB00  }
0x416: {  	[tilespmem:s0], [sflag:$0x7] =	stream.linear.gather @!p0 [spmem:s5], $0x7D0, $0x38;
	[tilespmem:$0x1E9F8] =	vst v63  }
0x417: {  	s5 =	simm.s32 @!p0 $0x7  }
0x418: {  	_ =	swait.ge @!p0 [sflag:s5], $0x7D0  }
0x419: {  	[sflag:s5] =	ssyncset.done @!p0 $0x0  }
0x41a: {  	s11 =	simm.s32 @!p0 $0x0;
	s12 =	rddreg [dreg:$0xa];
	[sflag:s5] =	ssyncadd.s32 @!p0 $0xFFFFF830  }
0x41b: {  	[hbm4b:s12+s11] =	stream.linear.scatter @!p0 [tilespmem:s0], [sflag:$0x7], $0x7D0, $0x38;
	[tilespmem:$0x1E9F8] =	vst v63  }
0x41c: {  	_ =	swait.ge @!p0 [sflag:s5], $0x7D0  }
0x41d: {  	s14 =	rddreg [dreg:$0x5]  }
0x41e: {  	s22 =	rddreg [dreg:$0xb];
	s14 =	sadd.s32 $0x1, s14  }
0x41f: {  	p1 =	sne.s32 s14, s22  }
.Ltmp12:
0x420: {  	_ = 	snop;
	(pc) =	sbr.rel @p1 .LBB2_1-.Ltmp12, $3  }
0x421: {  	_ =	sdelay $0x1  }
0x422: {  	[sflag:s5] =	ssyncset.done @!p0 $0x0  }
0x423: {  	[sflag:s5] =	ssyncadd.s32 @!p0 $0xFFFFF830  }
0x424: {  	_ =	sfence.sel $0x180000  }
0x425: {  	[bflag:$0x0] =	sbarrier.arrive $0xFFFF  }
0x426: {  	_ =	strace $0x90000047  }
0x427: {  	s0 =	stileid.u32;
	[bflag:$0x2] =	sbarrier.arrive $0xFFFF  }
0x428: {  	p0 =	sne.s32 s0, $0x0;
	s0 =	rddreg [dreg:$0x4]  }
0x429: {  	s0 =	sadd.s32 @!p0 $0x100000, s0  }
0x42a: {  	[sflag:s0] =	ssyncadd.tile.s32 @!p0 $0x1;
	_ =	shalt  }
.Lfunc_end2:
_tile_overlayer_lowered:
.L_overlay_start_2:
0x42b: {  	(tag) =	ssettag $0x2  }
0x42c: {  	s0 =	rddreg [dreg:$0x0];
	s2 =	stileid.u32  }
0x42d: {  	s1 =	rddreg [dreg:$0x1];
	p0 =	sne.s32 s2, $0x0  }
0x42e: {  	s3 =	rddreg [dreg:$0x2];
	[bflag:$0x3] =	sbarrier.arrive $0xFFFF;
	s2 =	simm.s32 @!p0 $0x1C07  }
0x42f: {  	[timem:s3], [sflag:s2] =	dma.local @!p0 [hbm:s0], s1  }
0x430: {  	s0 =	simm.s32 @!p0 $0x7  }
0x431: {  	_ =	swait.ge @!p0 [sflag:s0], s1  }
0x432: {  	s1 =	ssub.s32 @!p0 $0x0, s1;
	[sflag:s0] =	ssyncset.done @!p0 $0x0  }
0x433: {  	[sflag:s0] =	ssyncadd.s32 @!p0 s1  }
0x434: {  	[bflag:$0x3] =	sbarrier.arrive $0xFFFF  }
0x435: {  	_ =	shalt  }

</sc_bundles>
